<compile_context>
chip_gen: v7x
topology: tpu7x:2x2x1
jax: 0.10.2.dev20260603
libtpu: 0.0.44.dev20260713+nightly
codegen_flags: <defaults>
</compile_context>

<pallas_src>
import functools

import jax
import jax.numpy as jnp
from jax import lax
from jax.experimental import pallas as pl
from jax.experimental.pallas import tpu as pltpu
from jax.experimental.pallas import tpu_sc as plsc

NC = 2
NS = 16
NW = NC * NS
L = 16

D = 64
N_NEG = 20
C = 32
NROWS = C * N_NEG
NIDX_R = NROWS // 128
IDX_ROWS = 1 + NIDX_R


def _sc_dots(B):
  BPW = B // NW
  G = BPW // C

  mesh = plsc.VectorSubcoreMesh(
      core_axis_name="c", subcore_axis_name="s",
      num_cores=NC, num_subcores=NS)

  buf_types = [
      pltpu.VMEM((IDX_ROWS, 128), jnp.int32),
      pltpu.VMEM((C, D), jnp.float32),
      pltpu.VMEM((C, D), jnp.float32),
      pltpu.VMEM((NROWS, D), jnp.float32),
      pltpu.SemaphoreType.DMA,
      pltpu.SemaphoreType.DMA,
  ]

  @functools.partial(
      pl.kernel,
      out_type=[
          jax.ShapeDtypeStruct((B,), jnp.float32),
          jax.ShapeDtypeStruct((N_NEG * B,), jnp.float32),
      ],
      mesh=mesh,
      compiler_params=pltpu.CompilerParams(needs_layout_passes=False,
                                           use_tc_tiling_on_sc=False),
      scratch_types=buf_types + buf_types + [
          pltpu.VMEM((BPW,), jnp.float32),
          pltpu.VMEM((N_NEG * BPW,), jnp.float32),
      ],
  )
  def sc_kernel(idxpack_hbm, ctab_hbm, xtab_hbm, out1_hbm, out2_hbm,
                idx0, crow0, xrow0, nrow0, sem0, isem0,
                idx1, crow1, xrow1, nrow1, sem1, isem1,
                o1_v, o2_v):
    bufs = ((idx0, crow0, xrow0, nrow0, sem0, isem0),
            (idx1, crow1, xrow1, nrow1, sem1, isem1))
    wid = lax.axis_index("s") * NC + lax.axis_index("c")
    lanes = lax.iota(jnp.int32, L)

    def issue_idx(g, buf):
      idx, crow, xrow, nrow, sem, isem = bufs[buf]
      pltpu.async_copy(idxpack_hbm.at[wid * G + g], idx, isem)

    def wait_idx(buf):
      idx, crow, xrow, nrow, sem, isem = bufs[buf]
      pltpu.make_async_copy(idxpack_hbm.at[0], idx, isem).wait()

    def issue_rows(buf):
      idx, crow, xrow, nrow, sem, isem = bufs[buf]
      pltpu.async_copy(ctab_hbm.at[idx.at[0, pl.ds(0, C)]], crow, sem)
      pltpu.async_copy(xtab_hbm.at[idx.at[0, pl.ds(C, C)]], xrow, sem)
      for i in range(NIDX_R):
        pltpu.async_copy(xtab_hbm.at[idx.at[1 + i]],
                         nrow.at[pl.ds(i * 128, 128)], sem)

    def wait_rows(buf):
      idx, crow, xrow, nrow, sem, isem = bufs[buf]
      pltpu.make_async_copy(ctab_hbm.at[pl.ds(0, C)], crow, sem).wait()
      pltpu.make_async_copy(ctab_hbm.at[pl.ds(0, C)], xrow, sem).wait()
      pltpu.make_async_copy(ctab_hbm.at[pl.ds(0, NROWS)], nrow, sem).wait()

    def compute(g, buf):
      idx, crow, xrow, nrow, sem, isem = bufs[buf]
      for t in range(C // L):
        rows = lanes + t * L
        nr0 = rows * N_NEG

        def dbody(d, accs):
          dvec = jnp.zeros((L,), jnp.int32) + d
          cen = plsc.load_gather(crow, [rows, dvec])
          ctx = plsc.load_gather(xrow, [rows, dvec])
          new = [accs[0] + cen * ctx]
          for j in range(N_NEG):
            neg = plsc.load_gather(nrow, [nr0 + j, dvec])
            new.append(accs[j + 1] + cen * neg)
          return tuple(new)

        accs = lax.fori_loop(
            0, D, dbody,
            tuple(jnp.zeros((L,), jnp.float32) for _ in range(N_NEG + 1)))
        o1_v[pl.ds(g * C + t * L, L)] = accs[0]
        for j in range(N_NEG):
          o2_v[pl.ds(j * BPW + g * C + t * L, L)] = accs[j + 1]

    issue_idx(0, 0)
    wait_idx(0)
    issue_rows(0)
    issue_idx(1, 1)

    def pair(k, _):
      g0 = k * 2
      wait_rows(0)
      wait_idx(1)
      issue_rows(1)

      @pl.when(g0 + 2 < G)
      def _():
        issue_idx(g0 + 2, 0)

      compute(g0, 0)
      wait_rows(1)

      @pl.when(g0 + 2 < G)
      def _():
        wait_idx(0)
        issue_rows(0)

      @pl.when(g0 + 3 < G)
      def _():
        issue_idx(g0 + 3, 1)

      compute(g0 + 1, 1)
      return 0

    lax.fori_loop(0, G // 2, pair, 0)

    wbase = wid * BPW
    pltpu.sync_copy(o1_v, out1_hbm.at[pl.ds(wbase, BPW)])
    for j in range(N_NEG):
      pltpu.sync_copy(o2_v.at[pl.ds(j * BPW, BPW)],
                      out2_hbm.at[pl.ds(j * B + wbase, BPW)])

  return sc_kernel


def _tc_loss(d1, d2, total):
  def body(d1_ref, d2_ref, out_ref):
    x1 = d1_ref[...]
    x2 = -d2_ref[...]
    ls1 = jnp.minimum(x1, 0.0) - jnp.log(1.0 + jnp.exp(-jnp.abs(x1)))
    ls2 = jnp.minimum(x2, 0.0) - jnp.log(1.0 + jnp.exp(-jnp.abs(x2)))
    out_ref[0, 0] = -(jnp.sum(ls1) + jnp.sum(ls2)) / total

  out = pl.pallas_call(
      body,
      out_shape=jax.ShapeDtypeStruct((1, 1), jnp.float32),
      out_specs=pl.BlockSpec(memory_space=pltpu.SMEM),
  )(d1, d2)
  return out[0, 0]


def kernel(center, context, negative, center_table, context_table):
  B = center.shape[0]
  nchunks = B // C
  cen = center.reshape(nchunks, 1, C)
  ctx = context.reshape(nchunks, 1, C)
  pad = jnp.zeros((nchunks, 1, 128 - 2 * C), jnp.int32)
  row0 = jnp.concatenate([cen, ctx, pad], axis=2)
  negr = negative.reshape(nchunks, NIDX_R, 128)
  idxpack = jnp.concatenate([row0, negr], axis=1)
  dots1, dots2 = _sc_dots(B)(idxpack, center_table, context_table)
  return _tc_loss(dots1.reshape(B // 128, 128),
                  dots2.reshape(N_NEG * B // 128, 128),
                  float(B * (N_NEG + 1)))

# --- scband reference (transcript-rebuilt; emitter-appended) ---
"""Pipeline reference for scband-word2-vec-5970004541853 (READ-ONLY COPY).

The authoritative reference and input builder live on the scoring server;
editing this copy changes nothing except your own understanding.
"""

import jax, jax.numpy as jnp
import numpy as np

VOCAB = 1000000
EMB = 64
B = 16384
N_NEG = 20

def setup_inputs(seed: int = 0) -> dict:
    key = jax.random.key(seed)
    k1, k2, k3, k4, k5 = jax.random.split(key, 5)
    a = 0.5 / EMB
    center = jax.random.randint(k1, (B,), 0, VOCAB, dtype=jnp.int64 if jax.config.jax_enable_x64 else jnp.int32).astype(jnp.int32)
    context = jax.random.randint(k2, (B,), 0, VOCAB).astype(jnp.int32)
    negative = jax.random.randint(k3, (B, N_NEG), 0, VOCAB).astype(jnp.int32)
    center_table = jax.random.uniform(k4, (VOCAB, EMB), dtype=jnp.float32, minval=-a, maxval=a)
    context_table = jax.random.uniform(k5, (VOCAB, EMB), dtype=jnp.float32, minval=-a, maxval=a)
    return {"center": center, "context": context, "negative": negative,
            "center_table": center_table, "context_table": context_table}

def reference(center, context, negative, center_table, context_table):
    # embedding lookups (gathers)
    center_emb = jnp.take(center_table, center, axis=0)[:, None, :]   # (B, 1, D)
    context_emb = jnp.take(context_table, context, axis=0)[:, None, :] # (B, 1, D)
    negative_emb = jnp.take(context_table, negative, axis=0)          # (B, N, D)
    center_context_dot = jax.nn.log_sigmoid(jnp.sum(context_emb * center_emb, axis=-1))   # (B, 1)
    center_negative_dot = jax.nn.log_sigmoid(-jnp.sum(negative_emb * center_emb, axis=-1)) # (B, N)
    loss = -jnp.mean(jnp.concatenate((center_context_dot, center_negative_dot), axis=-1))
    return loss

if __name__ == "__main__":
    import jax
    _d = setup_inputs()
    print(jax.jit(kernel)(*tuple(_d.values())))

</pallas_src>

<mosaic_0001>
#map = affine_map<(d0, d1) -> (0, 0, 0)>
#map1 = affine_map<(d0, d1) -> (0, 0)>
#map2 = affine_map<(d0, d1) -> (0)>
module attributes {stable_mosaic.version = 14 : i64} {
  func.func @sc_kernel(%arg0: i32, %arg1: i32, %arg2: memref<512x6x128xi32, #tpu.memory_space<hbm>>, %arg3: memref<1000000x64xf32, #tpu.memory_space<hbm>>, %arg4: memref<1000000x64xf32, #tpu.memory_space<hbm>>, %arg5: memref<16384xf32, #tpu.memory_space<hbm>>, %arg6: memref<327680xf32, #tpu.memory_space<hbm>>, %arg7: memref<6x128xi32, #tpu.memory_space<vmem>>, %arg8: memref<32x64xf32, #tpu.memory_space<vmem>>, %arg9: memref<32x64xf32, #tpu.memory_space<vmem>>, %arg10: memref<640x64xf32, #tpu.memory_space<vmem>>, %arg11: memref<!tpu.dma_semaphore, #tpu.memory_space<semaphore_mem>>, %arg12: memref<!tpu.dma_semaphore, #tpu.memory_space<semaphore_mem>>, %arg13: memref<6x128xi32, #tpu.memory_space<vmem>>, %arg14: memref<32x64xf32, #tpu.memory_space<vmem>>, %arg15: memref<32x64xf32, #tpu.memory_space<vmem>>, %arg16: memref<640x64xf32, #tpu.memory_space<vmem>>, %arg17: memref<!tpu.dma_semaphore, #tpu.memory_space<semaphore_mem>>, %arg18: memref<!tpu.dma_semaphore, #tpu.memory_space<semaphore_mem>>, %arg19: memref<512xf32, #tpu.memory_space<vmem>>, %arg20: memref<10240xf32, #tpu.memory_space<vmem>>) attributes {dimension_semantics = [#tpu.dimension_semantics<core_parallel>, #tpu.dimension_semantics<subcore_parallel>], iteration_bounds = array<i64: 2, 16>, scalar_prefetch = 0 : i64, scratch_operands = 14 : i64, tpu.core_type = #tpu.core_type<sc_vector_subcore>, window_params = [{transform_indices = #map}, {transform_indices = #map1}, {transform_indices = #map1}, {transform_indices = #map2}, {transform_indices = #map2}]} {
    %mul3A = arith.constant 2 : i32
    %mul3A_0 = arith.muli %arg1, %mul3A : i32
    %add3A = arith.addi %mul3A_0, %arg0 : i32
    %iota3A = tpu.iota {dimensions = array<i32: 0>} : vector<16xi32>
    %mul3A_1 = arith.constant 16 : i32
    %mul3A_2 = arith.muli %add3A, %mul3A_1 : i32
    %add3A_3 = arith.constant 0 : i32
    %add3A_4 = arith.addi %mul3A_2, %add3A_3 : i32
    %dma_start3A = arith.constant 0 : i32
    %dma_start3A_5 = arith.constant 0 : i32
    %dma_start3A_6 = tpu.memref_slice %arg2[%add3A_4, %dma_start3A, %dma_start3A_5] : memref<512x6x128xi32, #tpu.memory_space<hbm>> -> memref<1x6x128xi32, #tpu.memory_space<hbm>>
    %dma_start3A_7 = tpu.memref_squeeze %dma_start3A_6 : memref<1x6x128xi32, #tpu.memory_space<hbm>> -> memref<6x128xi32, #tpu.memory_space<hbm>>
    %dma_start3A_8 = arith.constant 0 : i32
    %dma_start3A_9 = arith.constant 0 : i32
    %dma_start3A_10 = tpu.memref_slice %arg2[%add3A_4, %dma_start3A_8, %dma_start3A_9] : memref<512x6x128xi32, #tpu.memory_space<hbm>> -> memref<1x6x128xi32, #tpu.memory_space<hbm>>
    %dma_start3A_11 = tpu.memref_squeeze %dma_start3A_10 : memref<1x6x128xi32, #tpu.memory_space<hbm>> -> memref<6x128xi32, #tpu.memory_space<hbm>>
    tpu.enqueue_dma source(%dma_start3A_11 : memref<6x128xi32, #tpu.memory_space<hbm>>) target(%arg7 : memref<6x128xi32, #tpu.memory_space<vmem>>) target_semaphore(%arg12 : memref<!tpu.dma_semaphore, #tpu.memory_space<semaphore_mem>>)
    %dma_wait3A = arith.constant 0 : i32
    %dma_wait3A_12 = arith.constant 0 : i32
    %dma_wait3A_13 = arith.constant 0 : i32
    %dma_wait3A_14 = tpu.memref_slice %arg2[%dma_wait3A, %dma_wait3A_12, %dma_wait3A_13] : memref<512x6x128xi32, #tpu.memory_space<hbm>> -> memref<1x6x128xi32, #tpu.memory_space<hbm>>
    %dma_wait3A_15 = tpu.memref_squeeze %dma_wait3A_14 : memref<1x6x128xi32, #tpu.memory_space<hbm>> -> memref<6x128xi32, #tpu.memory_space<hbm>>
    %dma_wait3A_16 = arith.constant 0 : i32
    %dma_wait3A_17 = arith.constant 0 : i32
    %dma_wait3A_18 = tpu.memref_slice %arg2[%dma_wait3A, %dma_wait3A_16, %dma_wait3A_17] : memref<512x6x128xi32, #tpu.memory_space<hbm>> -> memref<1x6x128xi32, #tpu.memory_space<hbm>>
    %dma_wait3A_19 = tpu.memref_squeeze %dma_wait3A_18 : memref<1x6x128xi32, #tpu.memory_space<hbm>> -> memref<6x128xi32, #tpu.memory_space<hbm>>
    tpu.wait_dma2 semaphore(%arg12 : memref<!tpu.dma_semaphore, #tpu.memory_space<semaphore_mem>>) src(%dma_wait3A_19 : memref<6x128xi32, #tpu.memory_space<hbm>>) dst(%arg7 : memref<6x128xi32, #tpu.memory_space<vmem>>)
    %dma_start3A_20 = arith.constant 0 : i32
    %dma_start3A_21 = arith.constant 0 : i32
    %dma_start3A_22 = tpu.memref_slice %arg7[%dma_start3A_20, %dma_start3A_21] : memref<6x128xi32, #tpu.memory_space<vmem>> -> memref<1x32xi32, #tpu.memory_space<vmem>>
    %dma_start3A_23 = tpu.memref_squeeze %dma_start3A_22 : memref<1x32xi32, #tpu.memory_space<vmem>> -> memref<32xi32, #tpu.memory_space<vmem>>
    %dma_start3A_24 = arith.constant 0 : i32
    %dma_start3A_25 = arith.constant 0 : i32
    %dma_start3A_26 = tpu.memref_slice %arg3[%dma_start3A_24, %dma_start3A_25] : memref<1000000x64xf32, #tpu.memory_space<hbm>> -> memref<1000000x64xf32, #tpu.memory_space<hbm>>
    tpu.enqueue_indirect_dma source(%dma_start3A_26 : memref<1000000x64xf32, #tpu.memory_space<hbm>>) target(%arg8 : memref<32x64xf32, #tpu.memory_space<vmem>>) offsets(%dma_start3A_23 : memref<32xi32, #tpu.memory_space<vmem>>) semaphore(%arg11 : memref<!tpu.dma_semaphore, #tpu.memory_space<semaphore_mem>>)
    %dma_start3A_27 = arith.constant 0 : i32
    %dma_start3A_28 = arith.constant 32 : i32
    %dma_start3A_29 = tpu.memref_slice %arg7[%dma_start3A_27, %dma_start3A_28] : memref<6x128xi32, #tpu.memory_space<vmem>> -> memref<1x32xi32, #tpu.memory_space<vmem>>
    %dma_start3A_30 = tpu.memref_squeeze %dma_start3A_29 : memref<1x32xi32, #tpu.memory_space<vmem>> -> memref<32xi32, #tpu.memory_space<vmem>>
    %dma_start3A_31 = arith.constant 0 : i32
    %dma_start3A_32 = arith.constant 0 : i32
    %dma_start3A_33 = tpu.memref_slice %arg4[%dma_start3A_31, %dma_start3A_32] : memref<1000000x64xf32, #tpu.memory_space<hbm>> -> memref<1000000x64xf32, #tpu.memory_space<hbm>>
    tpu.enqueue_indirect_dma source(%dma_start3A_33 : memref<1000000x64xf32, #tpu.memory_space<hbm>>) target(%arg9 : memref<32x64xf32, #tpu.memory_space<vmem>>) offsets(%dma_start3A_30 : memref<32xi32, #tpu.memory_space<vmem>>) semaphore(%arg11 : memref<!tpu.dma_semaphore, #tpu.memory_space<semaphore_mem>>)
    %dma_start3A_34 = arith.constant 1 : i32
    %dma_start3A_35 = arith.constant 0 : i32
    %dma_start3A_36 = arith.constant 0 : i32
    %dma_start3A_37 = tpu.memref_slice %arg10[%dma_start3A_35, %dma_start3A_36] : memref<640x64xf32, #tpu.memory_space<vmem>> -> memref<128x64xf32, #tpu.memory_space<vmem>>
    %dma_start3A_38 = arith.constant 0 : i32
    %dma_start3A_39 = tpu.memref_slice %arg7[%dma_start3A_34, %dma_start3A_38] : memref<6x128xi32, #tpu.memory_space<vmem>> -> memref<1x128xi32, #tpu.memory_space<vmem>>
    %dma_start3A_40 = tpu.memref_squeeze %dma_start3A_39 : memref<1x128xi32, #tpu.memory_space<vmem>> -> memref<128xi32, #tpu.memory_space<vmem>>
    %dma_start3A_41 = arith.constant 0 : i32
    %dma_start3A_42 = arith.constant 0 : i32
    %dma_start3A_43 = tpu.memref_slice %arg4[%dma_start3A_41, %dma_start3A_42] : memref<1000000x64xf32, #tpu.memory_space<hbm>> -> memref<1000000x64xf32, #tpu.memory_space<hbm>>
    tpu.enqueue_indirect_dma source(%dma_start3A_43 : memref<1000000x64xf32, #tpu.memory_space<hbm>>) target(%dma_start3A_37 : memref<128x64xf32, #tpu.memory_space<vmem>>) offsets(%dma_start3A_40 : memref<128xi32, #tpu.memory_space<vmem>>) semaphore(%arg11 : memref<!tpu.dma_semaphore, #tpu.memory_space<semaphore_mem>>)
    %dma_start3A_44 = arith.constant 2 : i32
    %dma_start3A_45 = arith.constant 128 : i32
    %dma_start3A_46 = arith.constant 0 : i32
    %dma_start3A_47 = tpu.memref_slice %arg10[%dma_start3A_45, %dma_start3A_46] : memref<640x64xf32, #tpu.memory_space<vmem>> -> memref<128x64xf32, #tpu.memory_space<vmem>>
    %dma_start3A_48 = arith.constant 0 : i32
    %dma_start3A_49 = tpu.memref_slice %arg7[%dma_start3A_44, %dma_start3A_48] : memref<6x128xi32, #tpu.memory_space<vmem>> -> memref<1x128xi32, #tpu.memory_space<vmem>>
    %dma_start3A_50 = tpu.memref_squeeze %dma_start3A_49 : memref<1x128xi32, #tpu.memory_space<vmem>> -> memref<128xi32, #tpu.memory_space<vmem>>
    %dma_start3A_51 = arith.constant 0 : i32
    %dma_start3A_52 = arith.constant 0 : i32
    %dma_start3A_53 = tpu.memref_slice %arg4[%dma_start3A_51, %dma_start3A_52] : memref<1000000x64xf32, #tpu.memory_space<hbm>> -> memref<1000000x64xf32, #tpu.memory_space<hbm>>
    tpu.enqueue_indirect_dma source(%dma_start3A_53 : memref<1000000x64xf32, #tpu.memory_space<hbm>>) target(%dma_start3A_47 : memref<128x64xf32, #tpu.memory_space<vmem>>) offsets(%dma_start3A_50 : memref<128xi32, #tpu.memory_space<vmem>>) semaphore(%arg11 : memref<!tpu.dma_semaphore, #tpu.memory_space<semaphore_mem>>)
    %dma_start3A_54 = arith.constant 3 : i32
    %dma_start3A_55 = arith.constant 256 : i32
    %dma_start3A_56 = arith.constant 0 : i32
    %dma_start3A_57 = tpu.memref_slice %arg10[%dma_start3A_55, %dma_start3A_56] : memref<640x64xf32, #tpu.memory_space<vmem>> -> memref<128x64xf32, #tpu.memory_space<vmem>>
    %dma_start3A_58 = arith.constant 0 : i32
    %dma_start3A_59 = tpu.memref_slice %arg7[%dma_start3A_54, %dma_start3A_58] : memref<6x128xi32, #tpu.memory_space<vmem>> -> memref<1x128xi32, #tpu.memory_space<vmem>>
    %dma_start3A_60 = tpu.memref_squeeze %dma_start3A_59 : memref<1x128xi32, #tpu.memory_space<vmem>> -> memref<128xi32, #tpu.memory_space<vmem>>
    %dma_start3A_61 = arith.constant 0 : i32
    %dma_start3A_62 = arith.constant 0 : i32
    %dma_start3A_63 = tpu.memref_slice %arg4[%dma_start3A_61, %dma_start3A_62] : memref<1000000x64xf32, #tpu.memory_space<hbm>> -> memref<1000000x64xf32, #tpu.memory_space<hbm>>
    tpu.enqueue_indirect_dma source(%dma_start3A_63 : memref<1000000x64xf32, #tpu.memory_space<hbm>>) target(%dma_start3A_57 : memref<128x64xf32, #tpu.memory_space<vmem>>) offsets(%dma_start3A_60 : memref<128xi32, #tpu.memory_space<vmem>>) semaphore(%arg11 : memref<!tpu.dma_semaphore, #tpu.memory_space<semaphore_mem>>)
    %dma_start3A_64 = arith.constant 4 : i32
    %dma_start3A_65 = arith.constant 384 : i32
    %dma_start3A_66 = arith.constant 0 : i32
    %dma_start3A_67 = tpu.memref_slice %arg10[%dma_start3A_65, %dma_start3A_66] : memref<640x64xf32, #tpu.memory_space<vmem>> -> memref<128x64xf32, #tpu.memory_space<vmem>>
    %dma_start3A_68 = arith.constant 0 : i32
    %dma_start3A_69 = tpu.memref_slice %arg7[%dma_start3A_64, %dma_start3A_68] : memref<6x128xi32, #tpu.memory_space<vmem>> -> memref<1x128xi32, #tpu.memory_space<vmem>>
    %dma_start3A_70 = tpu.memref_squeeze %dma_start3A_69 : memref<1x128xi32, #tpu.memory_space<vmem>> -> memref<128xi32, #tpu.memory_space<vmem>>
    %dma_start3A_71 = arith.constant 0 : i32
    %dma_start3A_72 = arith.constant 0 : i32
    %dma_start3A_73 = tpu.memref_slice %arg4[%dma_start3A_71, %dma_start3A_72] : memref<1000000x64xf32, #tpu.memory_space<hbm>> -> memref<1000000x64xf32, #tpu.memory_space<hbm>>
    tpu.enqueue_indirect_dma source(%dma_start3A_73 : memref<1000000x64xf32, #tpu.memory_space<hbm>>) target(%dma_start3A_67 : memref<128x64xf32, #tpu.memory_space<vmem>>) offsets(%dma_start3A_70 : memref<128xi32, #tpu.memory_space<vmem>>) semaphore(%arg11 : memref<!tpu.dma_semaphore, #tpu.memory_space<semaphore_mem>>)
    %dma_start3A_74 = arith.constant 5 : i32
    %dma_start3A_75 = arith.constant 512 : i32
    %dma_start3A_76 = arith.constant 0 : i32
    %dma_start3A_77 = tpu.memref_slice %arg10[%dma_start3A_75, %dma_start3A_76] : memref<640x64xf32, #tpu.memory_space<vmem>> -> memref<128x64xf32, #tpu.memory_space<vmem>>
    %dma_start3A_78 = arith.constant 0 : i32
    %dma_start3A_79 = tpu.memref_slice %arg7[%dma_start3A_74, %dma_start3A_78] : memref<6x128xi32, #tpu.memory_space<vmem>> -> memref<1x128xi32, #tpu.memory_space<vmem>>
    %dma_start3A_80 = tpu.memref_squeeze %dma_start3A_79 : memref<1x128xi32, #tpu.memory_space<vmem>> -> memref<128xi32, #tpu.memory_space<vmem>>
    %dma_start3A_81 = arith.constant 0 : i32
    %dma_start3A_82 = arith.constant 0 : i32
    %dma_start3A_83 = tpu.memref_slice %arg4[%dma_start3A_81, %dma_start3A_82] : memref<1000000x64xf32, #tpu.memory_space<hbm>> -> memref<1000000x64xf32, #tpu.memory_space<hbm>>
    tpu.enqueue_indirect_dma source(%dma_start3A_83 : memref<1000000x64xf32, #tpu.memory_space<hbm>>) target(%dma_start3A_77 : memref<128x64xf32, #tpu.memory_space<vmem>>) offsets(%dma_start3A_80 : memref<128xi32, #tpu.memory_space<vmem>>) semaphore(%arg11 : memref<!tpu.dma_semaphore, #tpu.memory_space<semaphore_mem>>)
    %mul3A_84 = arith.constant 16 : i32
    %mul3A_85 = arith.muli %add3A, %mul3A_84 : i32
    %add3A_86 = arith.constant 1 : i32
    %add3A_87 = arith.addi %mul3A_85, %add3A_86 : i32
    %dma_start3A_88 = arith.constant 0 : i32
    %dma_start3A_89 = arith.constant 0 : i32
    %dma_start3A_90 = tpu.memref_slice %arg2[%add3A_87, %dma_start3A_88, %dma_start3A_89] : memref<512x6x128xi32, #tpu.memory_space<hbm>> -> memref<1x6x128xi32, #tpu.memory_space<hbm>>
    %dma_start3A_91 = tpu.memref_squeeze %dma_start3A_90 : memref<1x6x128xi32, #tpu.memory_space<hbm>> -> memref<6x128xi32, #tpu.memory_space<hbm>>
    %dma_start3A_92 = arith.constant 0 : i32
    %dma_start3A_93 = arith.constant 0 : i32
    %dma_start3A_94 = tpu.memref_slice %arg2[%add3A_87, %dma_start3A_92, %dma_start3A_93] : memref<512x6x128xi32, #tpu.memory_space<hbm>> -> memref<1x6x128xi32, #tpu.memory_space<hbm>>
    %dma_start3A_95 = tpu.memref_squeeze %dma_start3A_94 : memref<1x6x128xi32, #tpu.memory_space<hbm>> -> memref<6x128xi32, #tpu.memory_space<hbm>>
    tpu.enqueue_dma source(%dma_start3A_95 : memref<6x128xi32, #tpu.memory_space<hbm>>) target(%arg13 : memref<6x128xi32, #tpu.memory_space<vmem>>) target_semaphore(%arg18 : memref<!tpu.dma_semaphore, #tpu.memory_space<semaphore_mem>>)
    %scan3A = arith.constant 0 : i32
    %scan3A_96 = arith.constant 0 : i32
    %scan3A_97 = arith.constant 8 : i32
    %scan3A_98 = arith.addi %scan3A_96, %scan3A_97 : i32
    %scan3A_99 = arith.constant 1 : i32
    %scan3A_100 = scf.for %scan3A_144 = %scan3A_96 to %scan3A_98 step %scan3A_99 iter_args(%scan3A_145 = %scan3A) -> (i32)  : i32 {
      %mul3A_146 = arith.constant 2 : i32
      %mul3A_147 = arith.muli %scan3A_144, %mul3A_146 : i32
      %dma_wait3A_148 = arith.constant 0 : i32
      %dma_wait3A_149 = arith.constant 0 : i32
      %dma_wait3A_150 = tpu.memref_slice %arg3[%dma_wait3A_148, %dma_wait3A_149] : memref<1000000x64xf32, #tpu.memory_space<hbm>> -> memref<32x64xf32, #tpu.memory_space<hbm>>
      %dma_wait3A_151 = arith.constant 0 : i32
      %dma_wait3A_152 = arith.constant 0 : i32
      %dma_wait3A_153 = tpu.memref_slice %arg3[%dma_wait3A_151, %dma_wait3A_152] : memref<1000000x64xf32, #tpu.memory_space<hbm>> -> memref<32x64xf32, #tpu.memory_space<hbm>>
      tpu.wait_dma2 semaphore(%arg11 : memref<!tpu.dma_semaphore, #tpu.memory_space<semaphore_mem>>) src(%dma_wait3A_153 : memref<32x64xf32, #tpu.memory_space<hbm>>) dst(%arg8 : memref<32x64xf32, #tpu.memory_space<vmem>>)
      %dma_wait3A_154 = arith.constant 0 : i32
      %dma_wait3A_155 = arith.constant 0 : i32
      %dma_wait3A_156 = tpu.memref_slice %arg3[%dma_wait3A_154, %dma_wait3A_155] : memref<1000000x64xf32, #tpu.memory_space<hbm>> -> memref<32x64xf32, #tpu.memory_space<hbm>>
      %dma_wait3A_157 = arith.constant 0 : i32
      %dma_wait3A_158 = arith.constant 0 : i32
      %dma_wait3A_159 = tpu.memref_slice %arg3[%dma_wait3A_157, %dma_wait3A_158] : memref<1000000x64xf32, #tpu.memory_space<hbm>> -> memref<32x64xf32, #tpu.memory_space<hbm>>
      tpu.wait_dma2 semaphore(%arg11 : memref<!tpu.dma_semaphore, #tpu.memory_space<semaphore_mem>>) src(%dma_wait3A_159 : memref<32x64xf32, #tpu.memory_space<hbm>>) dst(%arg9 : memref<32x64xf32, #tpu.memory_space<vmem>>)
      %dma_wait3A_160 = arith.constant 0 : i32
      %dma_wait3A_161 = arith.constant 0 : i32
      %dma_wait3A_162 = tpu.memref_slice %arg3[%dma_wait3A_160, %dma_wait3A_161] : memref<1000000x64xf32, #tpu.memory_space<hbm>> -> memref<640x64xf32, #tpu.memory_space<hbm>>
      %dma_wait3A_163 = arith.constant 0 : i32
      %dma_wait3A_164 = arith.constant 0 : i32
      %dma_wait3A_165 = tpu.memref_slice %arg3[%dma_wait3A_163, %dma_wait3A_164] : memref<1000000x64xf32, #tpu.memory_space<hbm>> -> memref<640x64xf32, #tpu.memory_space<hbm>>
      tpu.wait_dma2 semaphore(%arg11 : memref<!tpu.dma_semaphore, #tpu.memory_space<semaphore_mem>>) src(%dma_wait3A_165 : memref<640x64xf32, #tpu.memory_space<hbm>>) dst(%arg10 : memref<640x64xf32, #tpu.memory_space<vmem>>)
      %dma_wait3A_166 = arith.constant 0 : i32
      %dma_wait3A_167 = arith.constant 0 : i32
      %dma_wait3A_168 = arith.constant 0 : i32
      %dma_wait3A_169 = tpu.memref_slice %arg2[%dma_wait3A_166, %dma_wait3A_167, %dma_wait3A_168] : memref<512x6x128xi32, #tpu.memory_space<hbm>> -> memref<1x6x128xi32, #tpu.memory_space<hbm>>
      %dma_wait3A_170 = tpu.memref_squeeze %dma_wait3A_169 : memref<1x6x128xi32, #tpu.memory_space<hbm>> -> memref<6x128xi32, #tpu.memory_space<hbm>>
      %dma_wait3A_171 = arith.constant 0 : i32
      %dma_wait3A_172 = arith.constant 0 : i32
      %dma_wait3A_173 = tpu.memref_slice %arg2[%dma_wait3A_166, %dma_wait3A_171, %dma_wait3A_172] : memref<512x6x128xi32, #tpu.memory_space<hbm>> -> memref<1x6x128xi32, #tpu.memory_space<hbm>>
      %dma_wait3A_174 = tpu.memref_squeeze %dma_wait3A_173 : memref<1x6x128xi32, #tpu.memory_space<hbm>> -> memref<6x128xi32, #tpu.memory_space<hbm>>
      tpu.wait_dma2 semaphore(%arg18 : memref<!tpu.dma_semaphore, #tpu.memory_space<semaphore_mem>>) src(%dma_wait3A_174 : memref<6x128xi32, #tpu.memory_space<hbm>>) dst(%arg13 : memref<6x128xi32, #tpu.memory_space<vmem>>)
      %dma_start3A_175 = arith.constant 0 : i32
      %dma_start3A_176 = arith.constant 0 : i32
      %dma_start3A_177 = tpu.memref_slice %arg13[%dma_start3A_175, %dma_start3A_176] : memref<6x128xi32, #tpu.memory_space<vmem>> -> memref<1x32xi32, #tpu.memory_space<vmem>>
      %dma_start3A_178 = tpu.memref_squeeze %dma_start3A_177 : memref<1x32xi32, #tpu.memory_space<vmem>> -> memref<32xi32, #tpu.memory_space<vmem>>
      %dma_start3A_179 = arith.constant 0 : i32
      %dma_start3A_180 = arith.constant 0 : i32
      %dma_start3A_181 = tpu.memref_slice %arg3[%dma_start3A_179, %dma_start3A_180] : memref<1000000x64xf32, #tpu.memory_space<hbm>> -> memref<1000000x64xf32, #tpu.memory_space<hbm>>
      tpu.enqueue_indirect_dma source(%dma_start3A_181 : memref<1000000x64xf32, #tpu.memory_space<hbm>>) target(%arg14 : memref<32x64xf32, #tpu.memory_space<vmem>>) offsets(%dma_start3A_178 : memref<32xi32, #tpu.memory_space<vmem>>) semaphore(%arg17 : memref<!tpu.dma_semaphore, #tpu.memory_space<semaphore_mem>>)
      %dma_start3A_182 = arith.constant 0 : i32
      %dma_start3A_183 = arith.constant 32 : i32
      %dma_start3A_184 = tpu.memref_slice %arg13[%dma_start3A_182, %dma_start3A_183] : memref<6x128xi32, #tpu.memory_space<vmem>> -> memref<1x32xi32, #tpu.memory_space<vmem>>
      %dma_start3A_185 = tpu.memref_squeeze %dma_start3A_184 : memref<1x32xi32, #tpu.memory_space<vmem>> -> memref<32xi32, #tpu.memory_space<vmem>>
      %dma_start3A_186 = arith.constant 0 : i32
      %dma_start3A_187 = arith.constant 0 : i32
      %dma_start3A_188 = tpu.memref_slice %arg4[%dma_start3A_186, %dma_start3A_187] : memref<1000000x64xf32, #tpu.memory_space<hbm>> -> memref<1000000x64xf32, #tpu.memory_space<hbm>>
      tpu.enqueue_indirect_dma source(%dma_start3A_188 : memref<1000000x64xf32, #tpu.memory_space<hbm>>) target(%arg15 : memref<32x64xf32, #tpu.memory_space<vmem>>) offsets(%dma_start3A_185 : memref<32xi32, #tpu.memory_space<vmem>>) semaphore(%arg17 : memref<!tpu.dma_semaphore, #tpu.memory_space<semaphore_mem>>)
      %dma_start3A_189 = arith.constant 1 : i32
      %dma_start3A_190 = arith.constant 0 : i32
      %dma_start3A_191 = arith.constant 0 : i32
      %dma_start3A_192 = tpu.memref_slice %arg16[%dma_start3A_190, %dma_start3A_191] : memref<640x64xf32, #tpu.memory_space<vmem>> -> memref<128x64xf32, #tpu.memory_space<vmem>>
      %dma_start3A_193 = arith.constant 0 : i32
      %dma_start3A_194 = tpu.memref_slice %arg13[%dma_start3A_189, %dma_start3A_193] : memref<6x128xi32, #tpu.memory_space<vmem>> -> memref<1x128xi32, #tpu.memory_space<vmem>>
      %dma_start3A_195 = tpu.memref_squeeze %dma_start3A_194 : memref<1x128xi32, #tpu.memory_space<vmem>> -> memref<128xi32, #tpu.memory_space<vmem>>
      %dma_start3A_196 = arith.constant 0 : i32
      %dma_start3A_197 = arith.constant 0 : i32
      %dma_start3A_198 = tpu.memref_slice %arg4[%dma_start3A_196, %dma_start3A_197] : memref<1000000x64xf32, #tpu.memory_space<hbm>> -> memref<1000000x64xf32, #tpu.memory_space<hbm>>
      tpu.enqueue_indirect_dma source(%dma_start3A_198 : memref<1000000x64xf32, #tpu.memory_space<hbm>>) target(%dma_start3A_192 : memref<128x64xf32, #tpu.memory_space<vmem>>) offsets(%dma_start3A_195 : memref<128xi32, #tpu.memory_space<vmem>>) semaphore(%arg17 : memref<!tpu.dma_semaphore, #tpu.memory_space<semaphore_mem>>)
      %dma_start3A_199 = arith.constant 2 : i32
      %dma_start3A_200 = arith.constant 128 : i32
      %dma_start3A_201 = arith.constant 0 : i32
      %dma_start3A_202 = tpu.memref_slice %arg16[%dma_start3A_200, %dma_start3A_201] : memref<640x64xf32, #tpu.memory_space<vmem>> -> memref<128x64xf32, #tpu.memory_space<vmem>>
      %dma_start3A_203 = arith.constant 0 : i32
      %dma_start3A_204 = tpu.memref_slice %arg13[%dma_start3A_199, %dma_start3A_203] : memref<6x128xi32, #tpu.memory_space<vmem>> -> memref<1x128xi32, #tpu.memory_space<vmem>>
      %dma_start3A_205 = tpu.memref_squeeze %dma_start3A_204 : memref<1x128xi32, #tpu.memory_space<vmem>> -> memref<128xi32, #tpu.memory_space<vmem>>
      %dma_start3A_206 = arith.constant 0 : i32
      %dma_start3A_207 = arith.constant 0 : i32
      %dma_start3A_208 = tpu.memref_slice %arg4[%dma_start3A_206, %dma_start3A_207] : memref<1000000x64xf32, #tpu.memory_space<hbm>> -> memref<1000000x64xf32, #tpu.memory_space<hbm>>
      tpu.enqueue_indirect_dma source(%dma_start3A_208 : memref<1000000x64xf32, #tpu.memory_space<hbm>>) target(%dma_start3A_202 : memref<128x64xf32, #tpu.memory_space<vmem>>) offsets(%dma_start3A_205 : memref<128xi32, #tpu.memory_space<vmem>>) semaphore(%arg17 : memref<!tpu.dma_semaphore, #tpu.memory_space<semaphore_mem>>)
      %dma_start3A_209 = arith.constant 3 : i32
      %dma_start3A_210 = arith.constant 256 : i32
      %dma_start3A_211 = arith.constant 0 : i32
      %dma_start3A_212 = tpu.memref_slice %arg16[%dma_start3A_210, %dma_start3A_211] : memref<640x64xf32, #tpu.memory_space<vmem>> -> memref<128x64xf32, #tpu.memory_space<vmem>>
      %dma_start3A_213 = arith.constant 0 : i32
      %dma_start3A_214 = tpu.memref_slice %arg13[%dma_start3A_209, %dma_start3A_213] : memref<6x128xi32, #tpu.memory_space<vmem>> -> memref<1x128xi32, #tpu.memory_space<vmem>>
      %dma_start3A_215 = tpu.memref_squeeze %dma_start3A_214 : memref<1x128xi32, #tpu.memory_space<vmem>> -> memref<128xi32, #tpu.memory_space<vmem>>
      %dma_start3A_216 = arith.constant 0 : i32
      %dma_start3A_217 = arith.constant 0 : i32
      %dma_start3A_218 = tpu.memref_slice %arg4[%dma_start3A_216, %dma_start3A_217] : memref<1000000x64xf32, #tpu.memory_space<hbm>> -> memref<1000000x64xf32, #tpu.memory_space<hbm>>
      tpu.enqueue_indirect_dma source(%dma_start3A_218 : memref<1000000x64xf32, #tpu.memory_space<hbm>>) target(%dma_start3A_212 : memref<128x64xf32, #tpu.memory_space<vmem>>) offsets(%dma_start3A_215 : memref<128xi32, #tpu.memory_space<vmem>>) semaphore(%arg17 : memref<!tpu.dma_semaphore, #tpu.memory_space<semaphore_mem>>)
      %dma_start3A_219 = arith.constant 4 : i32
      %dma_start3A_220 = arith.constant 384 : i32
      %dma_start3A_221 = arith.constant 0 : i32
      %dma_start3A_222 = tpu.memref_slice %arg16[%dma_start3A_220, %dma_start3A_221] : memref<640x64xf32, #tpu.memory_space<vmem>> -> memref<128x64xf32, #tpu.memory_space<vmem>>
      %dma_start3A_223 = arith.constant 0 : i32
      %dma_start3A_224 = tpu.memref_slice %arg13[%dma_start3A_219, %dma_start3A_223] : memref<6x128xi32, #tpu.memory_space<vmem>> -> memref<1x128xi32, #tpu.memory_space<vmem>>
      %dma_start3A_225 = tpu.memref_squeeze %dma_start3A_224 : memref<1x128xi32, #tpu.memory_space<vmem>> -> memref<128xi32, #tpu.memory_space<vmem>>
      %dma_start3A_226 = arith.constant 0 : i32
      %dma_start3A_227 = arith.constant 0 : i32
      %dma_start3A_228 = tpu.memref_slice %arg4[%dma_start3A_226, %dma_start3A_227] : memref<1000000x64xf32, #tpu.memory_space<hbm>> -> memref<1000000x64xf32, #tpu.memory_space<hbm>>
      tpu.enqueue_indirect_dma source(%dma_start3A_228 : memref<1000000x64xf32, #tpu.memory_space<hbm>>) target(%dma_start3A_222 : memref<128x64xf32, #tpu.memory_space<vmem>>) offsets(%dma_start3A_225 : memref<128xi32, #tpu.memory_space<vmem>>) semaphore(%arg17 : memref<!tpu.dma_semaphore, #tpu.memory_space<semaphore_mem>>)
      %dma_start3A_229 = arith.constant 5 : i32
      %dma_start3A_230 = arith.constant 512 : i32
      %dma_start3A_231 = arith.constant 0 : i32
      %dma_start3A_232 = tpu.memref_slice %arg16[%dma_start3A_230, %dma_start3A_231] : memref<640x64xf32, #tpu.memory_space<vmem>> -> memref<128x64xf32, #tpu.memory_space<vmem>>
      %dma_start3A_233 = arith.constant 0 : i32
      %dma_start3A_234 = tpu.memref_slice %arg13[%dma_start3A_229, %dma_start3A_233] : memref<6x128xi32, #tpu.memory_space<vmem>> -> memref<1x128xi32, #tpu.memory_space<vmem>>
      %dma_start3A_235 = tpu.memref_squeeze %dma_start3A_234 : memref<1x128xi32, #tpu.memory_space<vmem>> -> memref<128xi32, #tpu.memory_space<vmem>>
      %dma_start3A_236 = arith.constant 0 : i32
      %dma_start3A_237 = arith.constant 0 : i32
      %dma_start3A_238 = tpu.memref_slice %arg4[%dma_start3A_236, %dma_start3A_237] : memref<1000000x64xf32, #tpu.memory_space<hbm>> -> memref<1000000x64xf32, #tpu.memory_space<hbm>>
      tpu.enqueue_indirect_dma source(%dma_start3A_238 : memref<1000000x64xf32, #tpu.memory_space<hbm>>) target(%dma_start3A_232 : memref<128x64xf32, #tpu.memory_space<vmem>>) offsets(%dma_start3A_235 : memref<128xi32, #tpu.memory_space<vmem>>) semaphore(%arg17 : memref<!tpu.dma_semaphore, #tpu.memory_space<semaphore_mem>>)
      %add3A_239 = arith.constant 2 : i32
      %add3A_240 = arith.addi %mul3A_147, %add3A_239 : i32
      %lt3A = arith.constant 16 : i32
      %lt3A_241 = arith.cmpi slt, %add3A_240, %lt3A : i32
      %convert_element_type3A = arith.extui %lt3A_241 : i1 to i32
      %cond3A = arith.constant 0 : i32
      %cond3A_242 = arith.cmpi ne, %convert_element_type3A, %cond3A : i32
      scf.if %cond3A_242 {
        %add3A_1156 = arith.constant 2 : i32
        %add3A_1157 = arith.addi %mul3A_147, %add3A_1156 : i32
        %mul3A_1158 = arith.constant 16 : i32
        %mul3A_1159 = arith.muli %add3A, %mul3A_1158 : i32
        %add3A_1160 = arith.addi %mul3A_1159, %add3A_1157 : i32
        %dma_start3A_1161 = arith.constant 0 : i32
        %dma_start3A_1162 = arith.constant 0 : i32
        %dma_start3A_1163 = tpu.memref_slice %arg2[%add3A_1160, %dma_start3A_1161, %dma_start3A_1162] : memref<512x6x128xi32, #tpu.memory_space<hbm>> -> memref<1x6x128xi32, #tpu.memory_space<hbm>>
        %dma_start3A_1164 = tpu.memref_squeeze %dma_start3A_1163 : memref<1x6x128xi32, #tpu.memory_space<hbm>> -> memref<6x128xi32, #tpu.memory_space<hbm>>
        %dma_start3A_1165 = arith.constant 0 : i32
        %dma_start3A_1166 = arith.constant 0 : i32
        %dma_start3A_1167 = tpu.memref_slice %arg2[%add3A_1160, %dma_start3A_1165, %dma_start3A_1166] : memref<512x6x128xi32, #tpu.memory_space<hbm>> -> memref<1x6x128xi32, #tpu.memory_space<hbm>>
        %dma_start3A_1168 = tpu.memref_squeeze %dma_start3A_1167 : memref<1x6x128xi32, #tpu.memory_space<hbm>> -> memref<6x128xi32, #tpu.memory_space<hbm>>
        tpu.enqueue_dma source(%dma_start3A_1168 : memref<6x128xi32, #tpu.memory_space<hbm>>) target(%arg7 : memref<6x128xi32, #tpu.memory_space<vmem>>) target_semaphore(%arg12 : memref<!tpu.dma_semaphore, #tpu.memory_space<semaphore_mem>>)
      } else {
      }
      %add3A_243 = arith.constant 0 : i32
      %add3A_244 = vector.broadcast %add3A_243 : i32 to vector<16xi32>
      %add3A_245 = arith.addi %iota3A, %add3A_244 : vector<16xi32>
      %mul3A_246 = arith.constant 20 : i32
      %mul3A_247 = vector.broadcast %mul3A_246 : i32 to vector<16xi32>
      %mul3A_248 = arith.muli %add3A_245, %mul3A_247 : vector<16xi32>
      %broadcast_in_dim3A = arith.constant 0.000000e+00 : f32
      %broadcast_in_dim3A_249 = vector.broadcast %broadcast_in_dim3A : f32 to vector<16xf32>
      %broadcast_in_dim3A_250 = arith.constant 0.000000e+00 : f32
      %broadcast_in_dim3A_251 = vector.broadcast %broadcast_in_dim3A_250 : f32 to vector<16xf32>
      %broadcast_in_dim3A_252 = arith.constant 0.000000e+00 : f32
      %broadcast_in_dim3A_253 = vector.broadcast %broadcast_in_dim3A_252 : f32 to vector<16xf32>
      %broadcast_in_dim3A_254 = arith.constant 0.000000e+00 : f32
      %broadcast_in_dim3A_255 = vector.broadcast %broadcast_in_dim3A_254 : f32 to vector<16xf32>
      %broadcast_in_dim3A_256 = arith.constant 0.000000e+00 : f32
      %broadcast_in_dim3A_257 = vector.broadcast %broadcast_in_dim3A_256 : f32 to vector<16xf32>
      %broadcast_in_dim3A_258 = arith.constant 0.000000e+00 : f32
      %broadcast_in_dim3A_259 = vector.broadcast %broadcast_in_dim3A_258 : f32 to vector<16xf32>
      %broadcast_in_dim3A_260 = arith.constant 0.000000e+00 : f32
      %broadcast_in_dim3A_261 = vector.broadcast %broadcast_in_dim3A_260 : f32 to vector<16xf32>
      %broadcast_in_dim3A_262 = arith.constant 0.000000e+00 : f32
      %broadcast_in_dim3A_263 = vector.broadcast %broadcast_in_dim3A_262 : f32 to vector<16xf32>
      %broadcast_in_dim3A_264 = arith.constant 0.000000e+00 : f32
      %broadcast_in_dim3A_265 = vector.broadcast %broadcast_in_dim3A_264 : f32 to vector<16xf32>
      %broadcast_in_dim3A_266 = arith.constant 0.000000e+00 : f32
      %broadcast_in_dim3A_267 = vector.broadcast %broadcast_in_dim3A_266 : f32 to vector<16xf32>
      %broadcast_in_dim3A_268 = arith.constant 0.000000e+00 : f32
      %broadcast_in_dim3A_269 = vector.broadcast %broadcast_in_dim3A_268 : f32 to vector<16xf32>
      %broadcast_in_dim3A_270 = arith.constant 0.000000e+00 : f32
      %broadcast_in_dim3A_271 = vector.broadcast %broadcast_in_dim3A_270 : f32 to vector<16xf32>
      %broadcast_in_dim3A_272 = arith.constant 0.000000e+00 : f32
      %broadcast_in_dim3A_273 = vector.broadcast %broadcast_in_dim3A_272 : f32 to vector<16xf32>
      %broadcast_in_dim3A_274 = arith.constant 0.000000e+00 : f32
      %broadcast_in_dim3A_275 = vector.broadcast %broadcast_in_dim3A_274 : f32 to vector<16xf32>
      %broadcast_in_dim3A_276 = arith.constant 0.000000e+00 : f32
      %broadcast_in_dim3A_277 = vector.broadcast %broadcast_in_dim3A_276 : f32 to vector<16xf32>
      %broadcast_in_dim3A_278 = arith.constant 0.000000e+00 : f32
      %broadcast_in_dim3A_279 = vector.broadcast %broadcast_in_dim3A_278 : f32 to vector<16xf32>
      %broadcast_in_dim3A_280 = arith.constant 0.000000e+00 : f32
      %broadcast_in_dim3A_281 = vector.broadcast %broadcast_in_dim3A_280 : f32 to vector<16xf32>
      %broadcast_in_dim3A_282 = arith.constant 0.000000e+00 : f32
      %broadcast_in_dim3A_283 = vector.broadcast %broadcast_in_dim3A_282 : f32 to vector<16xf32>
      %broadcast_in_dim3A_284 = arith.constant 0.000000e+00 : f32
      %broadcast_in_dim3A_285 = vector.broadcast %broadcast_in_dim3A_284 : f32 to vector<16xf32>
      %broadcast_in_dim3A_286 = arith.constant 0.000000e+00 : f32
      %broadcast_in_dim3A_287 = vector.broadcast %broadcast_in_dim3A_286 : f32 to vector<16xf32>
      %broadcast_in_dim3A_288 = arith.constant 0.000000e+00 : f32
      %broadcast_in_dim3A_289 = vector.broadcast %broadcast_in_dim3A_288 : f32 to vector<16xf32>
      %scan3A_290 = arith.constant 0 : i32
      %scan3A_291 = arith.constant 64 : i32
      %scan3A_292 = arith.addi %scan3A_290, %scan3A_291 : i32
      %scan3A_293 = arith.constant 1 : i32
      %scan3A_294:21 = scf.for %scan3A_1156 = %scan3A_290 to %scan3A_292 step %scan3A_293 iter_args(%scan3A_1157 = %broadcast_in_dim3A_249, %scan3A_1158 = %broadcast_in_dim3A_251, %scan3A_1159 = %broadcast_in_dim3A_253, %scan3A_1160 = %broadcast_in_dim3A_255, %scan3A_1161 = %broadcast_in_dim3A_257, %scan3A_1162 = %broadcast_in_dim3A_259, %scan3A_1163 = %broadcast_in_dim3A_261, %scan3A_1164 = %broadcast_in_dim3A_263, %scan3A_1165 = %broadcast_in_dim3A_265, %scan3A_1166 = %broadcast_in_dim3A_267, %scan3A_1167 = %broadcast_in_dim3A_269, %scan3A_1168 = %broadcast_in_dim3A_271, %scan3A_1169 = %broadcast_in_dim3A_273, %scan3A_1170 = %broadcast_in_dim3A_275, %scan3A_1171 = %broadcast_in_dim3A_277, %scan3A_1172 = %broadcast_in_dim3A_279, %scan3A_1173 = %broadcast_in_dim3A_281, %scan3A_1174 = %broadcast_in_dim3A_283, %scan3A_1175 = %broadcast_in_dim3A_285, %scan3A_1176 = %broadcast_in_dim3A_287, %scan3A_1177 = %broadcast_in_dim3A_289) -> (vector<16xf32>, vector<16xf32>, vector<16xf32>, vector<16xf32>, vector<16xf32>, vector<16xf32>, vector<16xf32>, vector<16xf32>, vector<16xf32>, vector<16xf32>, vector<16xf32>, vector<16xf32>, vector<16xf32>, vector<16xf32>, vector<16xf32>, vector<16xf32>, vector<16xf32>, vector<16xf32>, vector<16xf32>, vector<16xf32>, vector<16xf32>)  : i32 {
        %broadcast_in_dim3A_1178 = arith.constant 0 : i32
        %broadcast_in_dim3A_1179 = vector.broadcast %broadcast_in_dim3A_1178 : i32 to vector<16xi32>
        %add3A_1180 = vector.broadcast %scan3A_1156 : i32 to vector<16xi32>
        %add3A_1181 = arith.addi %broadcast_in_dim3A_1179, %add3A_1180 : vector<16xi32>
        %gather3A = tpu.vector_load_idx %arg8[%add3A_245, %add3A_1181] : memref<32x64xf32, #tpu.memory_space<vmem>>[vector<16xi32>, vector<16xi32>], vector<16xf32>,
        %gather3A_1182 = tpu.vector_load_idx %arg9[%add3A_245, %add3A_1181] : memref<32x64xf32, #tpu.memory_space<vmem>>[vector<16xi32>, vector<16xi32>], vector<16xf32>,
        %mul3A_1183 = arith.mulf %gather3A, %gather3A_1182 : vector<16xf32>
        %add3A_1184 = arith.addf %scan3A_1157, %mul3A_1183 : vector<16xf32>
        %add3A_1185 = arith.constant 0 : i32
        %add3A_1186 = vector.broadcast %add3A_1185 : i32 to vector<16xi32>
        %add3A_1187 = arith.addi %mul3A_248, %add3A_1186 : vector<16xi32>
        %gather3A_1188 = tpu.vector_load_idx %arg10[%add3A_1187, %add3A_1181] : memref<640x64xf32, #tpu.memory_space<vmem>>[vector<16xi32>, vector<16xi32>], vector<16xf32>,
        %mul3A_1189 = arith.mulf %gather3A, %gather3A_1188 : vector<16xf32>
        %add3A_1190 = arith.addf %scan3A_1158, %mul3A_1189 : vector<16xf32>
        %add3A_1191 = arith.constant 1 : i32
        %add3A_1192 = vector.broadcast %add3A_1191 : i32 to vector<16xi32>
        %add3A_1193 = arith.addi %mul3A_248, %add3A_1192 : vector<16xi32>
        %gather3A_1194 = tpu.vector_load_idx %arg10[%add3A_1193, %add3A_1181] : memref<640x64xf32, #tpu.memory_space<vmem>>[vector<16xi32>, vector<16xi32>], vector<16xf32>,
        %mul3A_1195 = arith.mulf %gather3A, %gather3A_1194 : vector<16xf32>
        %add3A_1196 = arith.addf %scan3A_1159, %mul3A_1195 : vector<16xf32>
        %add3A_1197 = arith.constant 2 : i32
        %add3A_1198 = vector.broadcast %add3A_1197 : i32 to vector<16xi32>
        %add3A_1199 = arith.addi %mul3A_248, %add3A_1198 : vector<16xi32>
        %gather3A_1200 = tpu.vector_load_idx %arg10[%add3A_1199, %add3A_1181] : memref<640x64xf32, #tpu.memory_space<vmem>>[vector<16xi32>, vector<16xi32>], vector<16xf32>,
        %mul3A_1201 = arith.mulf %gather3A, %gather3A_1200 : vector<16xf32>
        %add3A_1202 = arith.addf %scan3A_1160, %mul3A_1201 : vector<16xf32>
        %add3A_1203 = arith.constant 3 : i32
        %add3A_1204 = vector.broadcast %add3A_1203 : i32 to vector<16xi32>
        %add3A_1205 = arith.addi %mul3A_248, %add3A_1204 : vector<16xi32>
        %gather3A_1206 = tpu.vector_load_idx %arg10[%add3A_1205, %add3A_1181] : memref<640x64xf32, #tpu.memory_space<vmem>>[vector<16xi32>, vector<16xi32>], vector<16xf32>,
        %mul3A_1207 = arith.mulf %gather3A, %gather3A_1206 : vector<16xf32>
        %add3A_1208 = arith.addf %scan3A_1161, %mul3A_1207 : vector<16xf32>
        %add3A_1209 = arith.constant 4 : i32
        %add3A_1210 = vector.broadcast %add3A_1209 : i32 to vector<16xi32>
        %add3A_1211 = arith.addi %mul3A_248, %add3A_1210 : vector<16xi32>
        %gather3A_1212 = tpu.vector_load_idx %arg10[%add3A_1211, %add3A_1181] : memref<640x64xf32, #tpu.memory_space<vmem>>[vector<16xi32>, vector<16xi32>], vector<16xf32>,
        %mul3A_1213 = arith.mulf %gather3A, %gather3A_1212 : vector<16xf32>
        %add3A_1214 = arith.addf %scan3A_1162, %mul3A_1213 : vector<16xf32>
        %add3A_1215 = arith.constant 5 : i32
        %add3A_1216 = vector.broadcast %add3A_1215 : i32 to vector<16xi32>
        %add3A_1217 = arith.addi %mul3A_248, %add3A_1216 : vector<16xi32>
        %gather3A_1218 = tpu.vector_load_idx %arg10[%add3A_1217, %add3A_1181] : memref<640x64xf32, #tpu.memory_space<vmem>>[vector<16xi32>, vector<16xi32>], vector<16xf32>,
        %mul3A_1219 = arith.mulf %gather3A, %gather3A_1218 : vector<16xf32>
        %add3A_1220 = arith.addf %scan3A_1163, %mul3A_1219 : vector<16xf32>
        %add3A_1221 = arith.constant 6 : i32
        %add3A_1222 = vector.broadcast %add3A_1221 : i32 to vector<16xi32>
        %add3A_1223 = arith.addi %mul3A_248, %add3A_1222 : vector<16xi32>
        %gather3A_1224 = tpu.vector_load_idx %arg10[%add3A_1223, %add3A_1181] : memref<640x64xf32, #tpu.memory_space<vmem>>[vector<16xi32>, vector<16xi32>], vector<16xf32>,
        %mul3A_1225 = arith.mulf %gather3A, %gather3A_1224 : vector<16xf32>
        %add3A_1226 = arith.addf %scan3A_1164, %mul3A_1225 : vector<16xf32>
        %add3A_1227 = arith.constant 7 : i32
        %add3A_1228 = vector.broadcast %add3A_1227 : i32 to vector<16xi32>
        %add3A_1229 = arith.addi %mul3A_248, %add3A_1228 : vector<16xi32>
        %gather3A_1230 = tpu.vector_load_idx %arg10[%add3A_1229, %add3A_1181] : memref<640x64xf32, #tpu.memory_space<vmem>>[vector<16xi32>, vector<16xi32>], vector<16xf32>,
        %mul3A_1231 = arith.mulf %gather3A, %gather3A_1230 : vector<16xf32>
        %add3A_1232 = arith.addf %scan3A_1165, %mul3A_1231 : vector<16xf32>
        %add3A_1233 = arith.constant 8 : i32
        %add3A_1234 = vector.broadcast %add3A_1233 : i32 to vector<16xi32>
        %add3A_1235 = arith.addi %mul3A_248, %add3A_1234 : vector<16xi32>
        %gather3A_1236 = tpu.vector_load_idx %arg10[%add3A_1235, %add3A_1181] : memref<640x64xf32, #tpu.memory_space<vmem>>[vector<16xi32>, vector<16xi32>], vector<16xf32>,
        %mul3A_1237 = arith.mulf %gather3A, %gather3A_1236 : vector<16xf32>
        %add3A_1238 = arith.addf %scan3A_1166, %mul3A_1237 : vector<16xf32>
        %add3A_1239 = arith.constant 9 : i32
        %add3A_1240 = vector.broadcast %add3A_1239 : i32 to vector<16xi32>
        %add3A_1241 = arith.addi %mul3A_248, %add3A_1240 : vector<16xi32>
        %gather3A_1242 = tpu.vector_load_idx %arg10[%add3A_1241, %add3A_1181] : memref<640x64xf32, #tpu.memory_space<vmem>>[vector<16xi32>, vector<16xi32>], vector<16xf32>,
        %mul3A_1243 = arith.mulf %gather3A, %gather3A_1242 : vector<16xf32>
        %add3A_1244 = arith.addf %scan3A_1167, %mul3A_1243 : vector<16xf32>
        %add3A_1245 = arith.constant 10 : i32
        %add3A_1246 = vector.broadcast %add3A_1245 : i32 to vector<16xi32>
        %add3A_1247 = arith.addi %mul3A_248, %add3A_1246 : vector<16xi32>
        %gather3A_1248 = tpu.vector_load_idx %arg10[%add3A_1247, %add3A_1181] : memref<640x64xf32, #tpu.memory_space<vmem>>[vector<16xi32>, vector<16xi32>], vector<16xf32>,
        %mul3A_1249 = arith.mulf %gather3A, %gather3A_1248 : vector<16xf32>
        %add3A_1250 = arith.addf %scan3A_1168, %mul3A_1249 : vector<16xf32>
        %add3A_1251 = arith.constant 11 : i32
        %add3A_1252 = vector.broadcast %add3A_1251 : i32 to vector<16xi32>
        %add3A_1253 = arith.addi %mul3A_248, %add3A_1252 : vector<16xi32>
        %gather3A_1254 = tpu.vector_load_idx %arg10[%add3A_1253, %add3A_1181] : memref<640x64xf32, #tpu.memory_space<vmem>>[vector<16xi32>, vector<16xi32>], vector<16xf32>,
        %mul3A_1255 = arith.mulf %gather3A, %gather3A_1254 : vector<16xf32>
        %add3A_1256 = arith.addf %scan3A_1169, %mul3A_1255 : vector<16xf32>
        %add3A_1257 = arith.constant 12 : i32
        %add3A_1258 = vector.broadcast %add3A_1257 : i32 to vector<16xi32>
        %add3A_1259 = arith.addi %mul3A_248, %add3A_1258 : vector<16xi32>
        %gather3A_1260 = tpu.vector_load_idx %arg10[%add3A_1259, %add3A_1181] : memref<640x64xf32, #tpu.memory_space<vmem>>[vector<16xi32>, vector<16xi32>], vector<16xf32>,
        %mul3A_1261 = arith.mulf %gather3A, %gather3A_1260 : vector<16xf32>
        %add3A_1262 = arith.addf %scan3A_1170, %mul3A_1261 : vector<16xf32>
        %add3A_1263 = arith.constant 13 : i32
        %add3A_1264 = vector.broadcast %add3A_1263 : i32 to vector<16xi32>
        %add3A_1265 = arith.addi %mul3A_248, %add3A_1264 : vector<16xi32>
        %gather3A_1266 = tpu.vector_load_idx %arg10[%add3A_1265, %add3A_1181] : memref<640x64xf32, #tpu.memory_space<vmem>>[vector<16xi32>, vector<16xi32>], vector<16xf32>,
        %mul3A_1267 = arith.mulf %gather3A, %gather3A_1266 : vector<16xf32>
        %add3A_1268 = arith.addf %scan3A_1171, %mul3A_1267 : vector<16xf32>
        %add3A_1269 = arith.constant 14 : i32
        %add3A_1270 = vector.broadcast %add3A_1269 : i32 to vector<16xi32>
        %add3A_1271 = arith.addi %mul3A_248, %add3A_1270 : vector<16xi32>
        %gather3A_1272 = tpu.vector_load_idx %arg10[%add3A_1271, %add3A_1181] : memref<640x64xf32, #tpu.memory_space<vmem>>[vector<16xi32>, vector<16xi32>], vector<16xf32>,
        %mul3A_1273 = arith.mulf %gather3A, %gather3A_1272 : vector<16xf32>
        %add3A_1274 = arith.addf %scan3A_1172, %mul3A_1273 : vector<16xf32>
        %add3A_1275 = arith.constant 15 : i32
        %add3A_1276 = vector.broadcast %add3A_1275 : i32 to vector<16xi32>
        %add3A_1277 = arith.addi %mul3A_248, %add3A_1276 : vector<16xi32>
        %gather3A_1278 = tpu.vector_load_idx %arg10[%add3A_1277, %add3A_1181] : memref<640x64xf32, #tpu.memory_space<vmem>>[vector<16xi32>, vector<16xi32>], vector<16xf32>,
        %mul3A_1279 = arith.mulf %gather3A, %gather3A_1278 : vector<16xf32>
        %add3A_1280 = arith.addf %scan3A_1173, %mul3A_1279 : vector<16xf32>
        %add3A_1281 = arith.constant 16 : i32
        %add3A_1282 = vector.broadcast %add3A_1281 : i32 to vector<16xi32>
        %add3A_1283 = arith.addi %mul3A_248, %add3A_1282 : vector<16xi32>
        %gather3A_1284 = tpu.vector_load_idx %arg10[%add3A_1283, %add3A_1181] : memref<640x64xf32, #tpu.memory_space<vmem>>[vector<16xi32>, vector<16xi32>], vector<16xf32>,
        %mul3A_1285 = arith.mulf %gather3A, %gather3A_1284 : vector<16xf32>
        %add3A_1286 = arith.addf %scan3A_1174, %mul3A_1285 : vector<16xf32>
        %add3A_1287 = arith.constant 17 : i32
        %add3A_1288 = vector.broadcast %add3A_1287 : i32 to vector<16xi32>
        %add3A_1289 = arith.addi %mul3A_248, %add3A_1288 : vector<16xi32>
        %gather3A_1290 = tpu.vector_load_idx %arg10[%add3A_1289, %add3A_1181] : memref<640x64xf32, #tpu.memory_space<vmem>>[vector<16xi32>, vector<16xi32>], vector<16xf32>,
        %mul3A_1291 = arith.mulf %gather3A, %gather3A_1290 : vector<16xf32>
        %add3A_1292 = arith.addf %scan3A_1175, %mul3A_1291 : vector<16xf32>
        %add3A_1293 = arith.constant 18 : i32
        %add3A_1294 = vector.broadcast %add3A_1293 : i32 to vector<16xi32>
        %add3A_1295 = arith.addi %mul3A_248, %add3A_1294 : vector<16xi32>
        %gather3A_1296 = tpu.vector_load_idx %arg10[%add3A_1295, %add3A_1181] : memref<640x64xf32, #tpu.memory_space<vmem>>[vector<16xi32>, vector<16xi32>], vector<16xf32>,
        %mul3A_1297 = arith.mulf %gather3A, %gather3A_1296 : vector<16xf32>
        %add3A_1298 = arith.addf %scan3A_1176, %mul3A_1297 : vector<16xf32>
        %add3A_1299 = arith.constant 19 : i32
        %add3A_1300 = vector.broadcast %add3A_1299 : i32 to vector<16xi32>
        %add3A_1301 = arith.addi %mul3A_248, %add3A_1300 : vector<16xi32>
        %gather3A_1302 = tpu.vector_load_idx %arg10[%add3A_1301, %add3A_1181] : memref<640x64xf32, #tpu.memory_space<vmem>>[vector<16xi32>, vector<16xi32>], vector<16xf32>,
        %mul3A_1303 = arith.mulf %gather3A, %gather3A_1302 : vector<16xf32>
        %add3A_1304 = arith.addf %scan3A_1177, %mul3A_1303 : vector<16xf32>
        scf.yield %add3A_1184, %add3A_1190, %add3A_1196, %add3A_1202, %add3A_1208, %add3A_1214, %add3A_1220, %add3A_1226, %add3A_1232, %add3A_1238, %add3A_1244, %add3A_1250, %add3A_1256, %add3A_1262, %add3A_1268, %add3A_1274, %add3A_1280, %add3A_1286, %add3A_1292, %add3A_1298, %add3A_1304 : vector<16xf32>, vector<16xf32>, vector<16xf32>, vector<16xf32>, vector<16xf32>, vector<16xf32>, vector<16xf32>, vector<16xf32>, vector<16xf32>, vector<16xf32>, vector<16xf32>, vector<16xf32>, vector<16xf32>, vector<16xf32>, vector<16xf32>, vector<16xf32>, vector<16xf32>, vector<16xf32>, vector<16xf32>, vector<16xf32>, vector<16xf32>
      }
      %scan3A_295 = arith.constant 64 : i32
      %mul3A_296 = arith.constant 32 : i32
      %mul3A_297 = arith.muli %mul3A_147, %mul3A_296 : i32
      %add3A_298 = arith.constant 0 : i32
      %add3A_299 = arith.addi %mul3A_297, %add3A_298 : i32
      %swap3A = arith.index_cast %add3A_299 : i32 to index
      %swap3A_300 = tpu.vector_load %arg19[%swap3A] {strides = array<i32>} : memref<512xf32, #tpu.memory_space<vmem>>, vector<16xf32>,
      tpu.vector_store %arg19[%swap3A], %scan3A_294#0 {strides = array<i32>} : memref<512xf32, #tpu.memory_space<vmem>>, vector<16xf32>,
      %mul3A_301 = arith.constant 32 : i32
      %mul3A_302 = arith.muli %mul3A_147, %mul3A_301 : i32
      %add3A_303 = arith.constant 0 : i32
      %add3A_304 = arith.addi %add3A_303, %mul3A_302 : i32
      %add3A_305 = arith.constant 0 : i32
      %add3A_306 = arith.addi %add3A_304, %add3A_305 : i32
      %swap3A_307 = arith.index_cast %add3A_306 : i32 to index
      %swap3A_308 = tpu.vector_load %arg20[%swap3A_307] {strides = array<i32>} : memref<10240xf32, #tpu.memory_space<vmem>>, vector<16xf32>,
      tpu.vector_store %arg20[%swap3A_307], %scan3A_294#1 {strides = array<i32>} : memref<10240xf32, #tpu.memory_space<vmem>>, vector<16xf32>,
      %mul3A_309 = arith.constant 32 : i32
      %mul3A_310 = arith.muli %mul3A_147, %mul3A_309 : i32
      %add3A_311 = arith.constant 512 : i32
      %add3A_312 = arith.addi %add3A_311, %mul3A_310 : i32
      %add3A_313 = arith.constant 0 : i32
      %add3A_314 = arith.addi %add3A_312, %add3A_313 : i32
      %swap3A_315 = arith.index_cast %add3A_314 : i32 to index
      %swap3A_316 = tpu.vector_load %arg20[%swap3A_315] {strides = array<i32>} : memref<10240xf32, #tpu.memory_space<vmem>>, vector<16xf32>,
      tpu.vector_store %arg20[%swap3A_315], %scan3A_294#2 {strides = array<i32>} : memref<10240xf32, #tpu.memory_space<vmem>>, vector<16xf32>,
      %mul3A_317 = arith.constant 32 : i32
      %mul3A_318 = arith.muli %mul3A_147, %mul3A_317 : i32
      %add3A_319 = arith.constant 1024 : i32
      %add3A_320 = arith.addi %add3A_319, %mul3A_318 : i32
      %add3A_321 = arith.constant 0 : i32
      %add3A_322 = arith.addi %add3A_320, %add3A_321 : i32
      %swap3A_323 = arith.index_cast %add3A_322 : i32 to index
      %swap3A_324 = tpu.vector_load %arg20[%swap3A_323] {strides = array<i32>} : memref<10240xf32, #tpu.memory_space<vmem>>, vector<16xf32>,
      tpu.vector_store %arg20[%swap3A_323], %scan3A_294#3 {strides = array<i32>} : memref<10240xf32, #tpu.memory_space<vmem>>, vector<16xf32>,
      %mul3A_325 = arith.constant 32 : i32
      %mul3A_326 = arith.muli %mul3A_147, %mul3A_325 : i32
      %add3A_327 = arith.constant 1536 : i32
      %add3A_328 = arith.addi %add3A_327, %mul3A_326 : i32
      %add3A_329 = arith.constant 0 : i32
      %add3A_330 = arith.addi %add3A_328, %add3A_329 : i32
      %swap3A_331 = arith.index_cast %add3A_330 : i32 to index
      %swap3A_332 = tpu.vector_load %arg20[%swap3A_331] {strides = array<i32>} : memref<10240xf32, #tpu.memory_space<vmem>>, vector<16xf32>,
      tpu.vector_store %arg20[%swap3A_331], %scan3A_294#4 {strides = array<i32>} : memref<10240xf32, #tpu.memory_space<vmem>>, vector<16xf32>,
      %mul3A_333 = arith.constant 32 : i32
      %mul3A_334 = arith.muli %mul3A_147, %mul3A_333 : i32
      %add3A_335 = arith.constant 2048 : i32
      %add3A_336 = arith.addi %add3A_335, %mul3A_334 : i32
      %add3A_337 = arith.constant 0 : i32
      %add3A_338 = arith.addi %add3A_336, %add3A_337 : i32
      %swap3A_339 = arith.index_cast %add3A_338 : i32 to index
      %swap3A_340 = tpu.vector_load %arg20[%swap3A_339] {strides = array<i32>} : memref<10240xf32, #tpu.memory_space<vmem>>, vector<16xf32>,
      tpu.vector_store %arg20[%swap3A_339], %scan3A_294#5 {strides = array<i32>} : memref<10240xf32, #tpu.memory_space<vmem>>, vector<16xf32>,
      %mul3A_341 = arith.constant 32 : i32
      %mul3A_342 = arith.muli %mul3A_147, %mul3A_341 : i32
      %add3A_343 = arith.constant 2560 : i32
      %add3A_344 = arith.addi %add3A_343, %mul3A_342 : i32
      %add3A_345 = arith.constant 0 : i32
      %add3A_346 = arith.addi %add3A_344, %add3A_345 : i32
      %swap3A_347 = arith.index_cast %add3A_346 : i32 to index
      %swap3A_348 = tpu.vector_load %arg20[%swap3A_347] {strides = array<i32>} : memref<10240xf32, #tpu.memory_space<vmem>>, vector<16xf32>,
      tpu.vector_store %arg20[%swap3A_347], %scan3A_294#6 {strides = array<i32>} : memref<10240xf32, #tpu.memory_space<vmem>>, vector<16xf32>,
      %mul3A_349 = arith.constant 32 : i32
      %mul3A_350 = arith.muli %mul3A_147, %mul3A_349 : i32
      %add3A_351 = arith.constant 3072 : i32
      %add3A_352 = arith.addi %add3A_351, %mul3A_350 : i32
      %add3A_353 = arith.constant 0 : i32
      %add3A_354 = arith.addi %add3A_352, %add3A_353 : i32
      %swap3A_355 = arith.index_cast %add3A_354 : i32 to index
      %swap3A_356 = tpu.vector_load %arg20[%swap3A_355] {strides = array<i32>} : memref<10240xf32, #tpu.memory_space<vmem>>, vector<16xf32>,
      tpu.vector_store %arg20[%swap3A_355], %scan3A_294#7 {strides = array<i32>} : memref<10240xf32, #tpu.memory_space<vmem>>, vector<16xf32>,
      %mul3A_357 = arith.constant 32 : i32
      %mul3A_358 = arith.muli %mul3A_147, %mul3A_357 : i32
      %add3A_359 = arith.constant 3584 : i32
      %add3A_360 = arith.addi %add3A_359, %mul3A_358 : i32
      %add3A_361 = arith.constant 0 : i32
      %add3A_362 = arith.addi %add3A_360, %add3A_361 : i32
      %swap3A_363 = arith.index_cast %add3A_362 : i32 to index
      %swap3A_364 = tpu.vector_load %arg20[%swap3A_363] {strides = array<i32>} : memref<10240xf32, #tpu.memory_space<vmem>>, vector<16xf32>,
      tpu.vector_store %arg20[%swap3A_363], %scan3A_294#8 {strides = array<i32>} : memref<10240xf32, #tpu.memory_space<vmem>>, vector<16xf32>,
      %mul3A_365 = arith.constant 32 : i32
      %mul3A_366 = arith.muli %mul3A_147, %mul3A_365 : i32
      %add3A_367 = arith.constant 4096 : i32
      %add3A_368 = arith.addi %add3A_367, %mul3A_366 : i32
      %add3A_369 = arith.constant 0 : i32
      %add3A_370 = arith.addi %add3A_368, %add3A_369 : i32
      %swap3A_371 = arith.index_cast %add3A_370 : i32 to index
      %swap3A_372 = tpu.vector_load %arg20[%swap3A_371] {strides = array<i32>} : memref<10240xf32, #tpu.memory_space<vmem>>, vector<16xf32>,
      tpu.vector_store %arg20[%swap3A_371], %scan3A_294#9 {strides = array<i32>} : memref<10240xf32, #tpu.memory_space<vmem>>, vector<16xf32>,
      %mul3A_373 = arith.constant 32 : i32
      %mul3A_374 = arith.muli %mul3A_147, %mul3A_373 : i32
      %add3A_375 = arith.constant 4608 : i32
      %add3A_376 = arith.addi %add3A_375, %mul3A_374 : i32
      %add3A_377 = arith.constant 0 : i32
      %add3A_378 = arith.addi %add3A_376, %add3A_377 : i32
      %swap3A_379 = arith.index_cast %add3A_378 : i32 to index
      %swap3A_380 = tpu.vector_load %arg20[%swap3A_379] {strides = array<i32>} : memref<10240xf32, #tpu.memory_space<vmem>>, vector<16xf32>,
      tpu.vector_store %arg20[%swap3A_379], %scan3A_294#10 {strides = array<i32>} : memref<10240xf32, #tpu.memory_space<vmem>>, vector<16xf32>,
      %mul3A_381 = arith.constant 32 : i32
      %mul3A_382 = arith.muli %mul3A_147, %mul3A_381 : i32
      %add3A_383 = arith.constant 5120 : i32
      %add3A_384 = arith.addi %add3A_383, %mul3A_382 : i32
      %add3A_385 = arith.constant 0 : i32
      %add3A_386 = arith.addi %add3A_384, %add3A_385 : i32
      %swap3A_387 = arith.index_cast %add3A_386 : i32 to index
      %swap3A_388 = tpu.vector_load %arg20[%swap3A_387] {strides = array<i32>} : memref<10240xf32, #tpu.memory_space<vmem>>, vector<16xf32>,
      tpu.vector_store %arg20[%swap3A_387], %scan3A_294#11 {strides = array<i32>} : memref<10240xf32, #tpu.memory_space<vmem>>, vector<16xf32>,
      %mul3A_389 = arith.constant 32 : i32
      %mul3A_390 = arith.muli %mul3A_147, %mul3A_389 : i32
      %add3A_391 = arith.constant 5632 : i32
      %add3A_392 = arith.addi %add3A_391, %mul3A_390 : i32
      %add3A_393 = arith.constant 0 : i32
      %add3A_394 = arith.addi %add3A_392, %add3A_393 : i32
      %swap3A_395 = arith.index_cast %add3A_394 : i32 to index
      %swap3A_396 = tpu.vector_load %arg20[%swap3A_395] {strides = array<i32>} : memref<10240xf32, #tpu.memory_space<vmem>>, vector<16xf32>,
      tpu.vector_store %arg20[%swap3A_395], %scan3A_294#12 {strides = array<i32>} : memref<10240xf32, #tpu.memory_space<vmem>>, vector<16xf32>,
      %mul3A_397 = arith.constant 32 : i32
      %mul3A_398 = arith.muli %mul3A_147, %mul3A_397 : i32
      %add3A_399 = arith.constant 6144 : i32
      %add3A_400 = arith.addi %add3A_399, %mul3A_398 : i32
      %add3A_401 = arith.constant 0 : i32
      %add3A_402 = arith.addi %add3A_400, %add3A_401 : i32
      %swap3A_403 = arith.index_cast %add3A_402 : i32 to index
      %swap3A_404 = tpu.vector_load %arg20[%swap3A_403] {strides = array<i32>} : memref<10240xf32, #tpu.memory_space<vmem>>, vector<16xf32>,
      tpu.vector_store %arg20[%swap3A_403], %scan3A_294#13 {strides = array<i32>} : memref<10240xf32, #tpu.memory_space<vmem>>, vector<16xf32>,
      %mul3A_405 = arith.constant 32 : i32
      %mul3A_406 = arith.muli %mul3A_147, %mul3A_405 : i32
      %add3A_407 = arith.constant 6656 : i32
      %add3A_408 = arith.addi %add3A_407, %mul3A_406 : i32
      %add3A_409 = arith.constant 0 : i32
      %add3A_410 = arith.addi %add3A_408, %add3A_409 : i32
      %swap3A_411 = arith.index_cast %add3A_410 : i32 to index
      %swap3A_412 = tpu.vector_load %arg20[%swap3A_411] {strides = array<i32>} : memref<10240xf32, #tpu.memory_space<vmem>>, vector<16xf32>,
      tpu.vector_store %arg20[%swap3A_411], %scan3A_294#14 {strides = array<i32>} : memref<10240xf32, #tpu.memory_space<vmem>>, vector<16xf32>,
      %mul3A_413 = arith.constant 32 : i32
      %mul3A_414 = arith.muli %mul3A_147, %mul3A_413 : i32
      %add3A_415 = arith.constant 7168 : i32
      %add3A_416 = arith.addi %add3A_415, %mul3A_414 : i32
      %add3A_417 = arith.constant 0 : i32
      %add3A_418 = arith.addi %add3A_416, %add3A_417 : i32
      %swap3A_419 = arith.index_cast %add3A_418 : i32 to index
      %swap3A_420 = tpu.vector_load %arg20[%swap3A_419] {strides = array<i32>} : memref<10240xf32, #tpu.memory_space<vmem>>, vector<16xf32>,
      tpu.vector_store %arg20[%swap3A_419], %scan3A_294#15 {strides = array<i32>} : memref<10240xf32, #tpu.memory_space<vmem>>, vector<16xf32>,
      %mul3A_421 = arith.constant 32 : i32
      %mul3A_422 = arith.muli %mul3A_147, %mul3A_421 : i32
      %add3A_423 = arith.constant 7680 : i32
      %add3A_424 = arith.addi %add3A_423, %mul3A_422 : i32
      %add3A_425 = arith.constant 0 : i32
      %add3A_426 = arith.addi %add3A_424, %add3A_425 : i32
      %swap3A_427 = arith.index_cast %add3A_426 : i32 to index
      %swap3A_428 = tpu.vector_load %arg20[%swap3A_427] {strides = array<i32>} : memref<10240xf32, #tpu.memory_space<vmem>>, vector<16xf32>,
      tpu.vector_store %arg20[%swap3A_427], %scan3A_294#16 {strides = array<i32>} : memref<10240xf32, #tpu.memory_space<vmem>>, vector<16xf32>,
      %mul3A_429 = arith.constant 32 : i32
      %mul3A_430 = arith.muli %mul3A_147, %mul3A_429 : i32
      %add3A_431 = arith.constant 8192 : i32
      %add3A_432 = arith.addi %add3A_431, %mul3A_430 : i32
      %add3A_433 = arith.constant 0 : i32
      %add3A_434 = arith.addi %add3A_432, %add3A_433 : i32
      %swap3A_435 = arith.index_cast %add3A_434 : i32 to index
      %swap3A_436 = tpu.vector_load %arg20[%swap3A_435] {strides = array<i32>} : memref<10240xf32, #tpu.memory_space<vmem>>, vector<16xf32>,
      tpu.vector_store %arg20[%swap3A_435], %scan3A_294#17 {strides = array<i32>} : memref<10240xf32, #tpu.memory_space<vmem>>, vector<16xf32>,
      %mul3A_437 = arith.constant 32 : i32
      %mul3A_438 = arith.muli %mul3A_147, %mul3A_437 : i32
      %add3A_439 = arith.constant 8704 : i32
      %add3A_440 = arith.addi %add3A_439, %mul3A_438 : i32
      %add3A_441 = arith.constant 0 : i32
      %add3A_442 = arith.addi %add3A_440, %add3A_441 : i32
      %swap3A_443 = arith.index_cast %add3A_442 : i32 to index
      %swap3A_444 = tpu.vector_load %arg20[%swap3A_443] {strides = array<i32>} : memref<10240xf32, #tpu.memory_space<vmem>>, vector<16xf32>,
      tpu.vector_store %arg20[%swap3A_443], %scan3A_294#18 {strides = array<i32>} : memref<10240xf32, #tpu.memory_space<vmem>>, vector<16xf32>,
      %mul3A_445 = arith.constant 32 : i32
      %mul3A_446 = arith.muli %mul3A_147, %mul3A_445 : i32
      %add3A_447 = arith.constant 9216 : i32
      %add3A_448 = arith.addi %add3A_447, %mul3A_446 : i32
      %add3A_449 = arith.constant 0 : i32
      %add3A_450 = arith.addi %add3A_448, %add3A_449 : i32
      %swap3A_451 = arith.index_cast %add3A_450 : i32 to index
      %swap3A_452 = tpu.vector_load %arg20[%swap3A_451] {strides = array<i32>} : memref<10240xf32, #tpu.memory_space<vmem>>, vector<16xf32>,
      tpu.vector_store %arg20[%swap3A_451], %scan3A_294#19 {strides = array<i32>} : memref<10240xf32, #tpu.memory_space<vmem>>, vector<16xf32>,
      %mul3A_453 = arith.constant 32 : i32
      %mul3A_454 = arith.muli %mul3A_147, %mul3A_453 : i32
      %add3A_455 = arith.constant 9728 : i32
      %add3A_456 = arith.addi %add3A_455, %mul3A_454 : i32
      %add3A_457 = arith.constant 0 : i32
      %add3A_458 = arith.addi %add3A_456, %add3A_457 : i32
      %swap3A_459 = arith.index_cast %add3A_458 : i32 to index
      %swap3A_460 = tpu.vector_load %arg20[%swap3A_459] {strides = array<i32>} : memref<10240xf32, #tpu.memory_space<vmem>>, vector<16xf32>,
      tpu.vector_store %arg20[%swap3A_459], %scan3A_294#20 {strides = array<i32>} : memref<10240xf32, #tpu.memory_space<vmem>>, vector<16xf32>,
      %add3A_461 = arith.constant 16 : i32
      %add3A_462 = vector.broadcast %add3A_461 : i32 to vector<16xi32>
      %add3A_463 = arith.addi %iota3A, %add3A_462 : vector<16xi32>
      %mul3A_464 = arith.constant 20 : i32
      %mul3A_465 = vector.broadcast %mul3A_464 : i32 to vector<16xi32>
      %mul3A_466 = arith.muli %add3A_463, %mul3A_465 : vector<16xi32>
      %broadcast_in_dim3A_467 = arith.constant 0.000000e+00 : f32
      %broadcast_in_dim3A_468 = vector.broadcast %broadcast_in_dim3A_467 : f32 to vector<16xf32>
      %broadcast_in_dim3A_469 = arith.constant 0.000000e+00 : f32
      %broadcast_in_dim3A_470 = vector.broadcast %broadcast_in_dim3A_469 : f32 to vector<16xf32>
      %broadcast_in_dim3A_471 = arith.constant 0.000000e+00 : f32
      %broadcast_in_dim3A_472 = vector.broadcast %broadcast_in_dim3A_471 : f32 to vector<16xf32>
      %broadcast_in_dim3A_473 = arith.constant 0.000000e+00 : f32
      %broadcast_in_dim3A_474 = vector.broadcast %broadcast_in_dim3A_473 : f32 to vector<16xf32>
      %broadcast_in_dim3A_475 = arith.constant 0.000000e+00 : f32
      %broadcast_in_dim3A_476 = vector.broadcast %broadcast_in_dim3A_475 : f32 to vector<16xf32>
      %broadcast_in_dim3A_477 = arith.constant 0.000000e+00 : f32
      %broadcast_in_dim3A_478 = vector.broadcast %broadcast_in_dim3A_477 : f32 to vector<16xf32>
      %broadcast_in_dim3A_479 = arith.constant 0.000000e+00 : f32
      %broadcast_in_dim3A_480 = vector.broadcast %broadcast_in_dim3A_479 : f32 to vector<16xf32>
      %broadcast_in_dim3A_481 = arith.constant 0.000000e+00 : f32
      %broadcast_in_dim3A_482 = vector.broadcast %broadcast_in_dim3A_481 : f32 to vector<16xf32>
      %broadcast_in_dim3A_483 = arith.constant 0.000000e+00 : f32
      %broadcast_in_dim3A_484 = vector.broadcast %broadcast_in_dim3A_483 : f32 to vector<16xf32>
      %broadcast_in_dim3A_485 = arith.constant 0.000000e+00 : f32
      %broadcast_in_dim3A_486 = vector.broadcast %broadcast_in_dim3A_485 : f32 to vector<16xf32>
      %broadcast_in_dim3A_487 = arith.constant 0.000000e+00 : f32
      %broadcast_in_dim3A_488 = vector.broadcast %broadcast_in_dim3A_487 : f32 to vector<16xf32>
      %broadcast_in_dim3A_489 = arith.constant 0.000000e+00 : f32
      %broadcast_in_dim3A_490 = vector.broadcast %broadcast_in_dim3A_489 : f32 to vector<16xf32>
      %broadcast_in_dim3A_491 = arith.constant 0.000000e+00 : f32
      %broadcast_in_dim3A_492 = vector.broadcast %broadcast_in_dim3A_491 : f32 to vector<16xf32>
      %broadcast_in_dim3A_493 = arith.constant 0.000000e+00 : f32
      %broadcast_in_dim3A_494 = vector.broadcast %broadcast_in_dim3A_493 : f32 to vector<16xf32>
      %broadcast_in_dim3A_495 = arith.constant 0.000000e+00 : f32
      %broadcast_in_dim3A_496 = vector.broadcast %broadcast_in_dim3A_495 : f32 to vector<16xf32>
      %broadcast_in_dim3A_497 = arith.constant 0.000000e+00 : f32
      %broadcast_in_dim3A_498 = vector.broadcast %broadcast_in_dim3A_497 : f32 to vector<16xf32>
      %broadcast_in_dim3A_499 = arith.constant 0.000000e+00 : f32
      %broadcast_in_dim3A_500 = vector.broadcast %broadcast_in_dim3A_499 : f32 to vector<16xf32>
      %broadcast_in_dim3A_501 = arith.constant 0.000000e+00 : f32
      %broadcast_in_dim3A_502 = vector.broadcast %broadcast_in_dim3A_501 : f32 to vector<16xf32>
      %broadcast_in_dim3A_503 = arith.constant 0.000000e+00 : f32
      %broadcast_in_dim3A_504 = vector.broadcast %broadcast_in_dim3A_503 : f32 to vector<16xf32>
      %broadcast_in_dim3A_505 = arith.constant 0.000000e+00 : f32
      %broadcast_in_dim3A_506 = vector.broadcast %broadcast_in_dim3A_505 : f32 to vector<16xf32>
      %broadcast_in_dim3A_507 = arith.constant 0.000000e+00 : f32
      %broadcast_in_dim3A_508 = vector.broadcast %broadcast_in_dim3A_507 : f32 to vector<16xf32>
      %scan3A_509 = arith.constant 0 : i32
      %scan3A_510 = arith.constant 64 : i32
      %scan3A_511 = arith.addi %scan3A_509, %scan3A_510 : i32
      %scan3A_512 = arith.constant 1 : i32
      %scan3A_513:21 = scf.for %scan3A_1156 = %scan3A_509 to %scan3A_511 step %scan3A_512 iter_args(%scan3A_1157 = %broadcast_in_dim3A_468, %scan3A_1158 = %broadcast_in_dim3A_470, %scan3A_1159 = %broadcast_in_dim3A_472, %scan3A_1160 = %broadcast_in_dim3A_474, %scan3A_1161 = %broadcast_in_dim3A_476, %scan3A_1162 = %broadcast_in_dim3A_478, %scan3A_1163 = %broadcast_in_dim3A_480, %scan3A_1164 = %broadcast_in_dim3A_482, %scan3A_1165 = %broadcast_in_dim3A_484, %scan3A_1166 = %broadcast_in_dim3A_486, %scan3A_1167 = %broadcast_in_dim3A_488, %scan3A_1168 = %broadcast_in_dim3A_490, %scan3A_1169 = %broadcast_in_dim3A_492, %scan3A_1170 = %broadcast_in_dim3A_494, %scan3A_1171 = %broadcast_in_dim3A_496, %scan3A_1172 = %broadcast_in_dim3A_498, %scan3A_1173 = %broadcast_in_dim3A_500, %scan3A_1174 = %broadcast_in_dim3A_502, %scan3A_1175 = %broadcast_in_dim3A_504, %scan3A_1176 = %broadcast_in_dim3A_506, %scan3A_1177 = %broadcast_in_dim3A_508) -> (vector<16xf32>, vector<16xf32>, vector<16xf32>, vector<16xf32>, vector<16xf32>, vector<16xf32>, vector<16xf32>, vector<16xf32>, vector<16xf32>, vector<16xf32>, vector<16xf32>, vector<16xf32>, vector<16xf32>, vector<16xf32>, vector<16xf32>, vector<16xf32>, vector<16xf32>, vector<16xf32>, vector<16xf32>, vector<16xf32>, vector<16xf32>)  : i32 {
        %broadcast_in_dim3A_1178 = arith.constant 0 : i32
        %broadcast_in_dim3A_1179 = vector.broadcast %broadcast_in_dim3A_1178 : i32 to vector<16xi32>
        %add3A_1180 = vector.broadcast %scan3A_1156 : i32 to vector<16xi32>
        %add3A_1181 = arith.addi %broadcast_in_dim3A_1179, %add3A_1180 : vector<16xi32>
        %gather3A = tpu.vector_load_idx %arg8[%add3A_463, %add3A_1181] : memref<32x64xf32, #tpu.memory_space<vmem>>[vector<16xi32>, vector<16xi32>], vector<16xf32>,
        %gather3A_1182 = tpu.vector_load_idx %arg9[%add3A_463, %add3A_1181] : memref<32x64xf32, #tpu.memory_space<vmem>>[vector<16xi32>, vector<16xi32>], vector<16xf32>,
        %mul3A_1183 = arith.mulf %gather3A, %gather3A_1182 : vector<16xf32>
        %add3A_1184 = arith.addf %scan3A_1157, %mul3A_1183 : vector<16xf32>
        %add3A_1185 = arith.constant 0 : i32
        %add3A_1186 = vector.broadcast %add3A_1185 : i32 to vector<16xi32>
        %add3A_1187 = arith.addi %mul3A_466, %add3A_1186 : vector<16xi32>
        %gather3A_1188 = tpu.vector_load_idx %arg10[%add3A_1187, %add3A_1181] : memref<640x64xf32, #tpu.memory_space<vmem>>[vector<16xi32>, vector<16xi32>], vector<16xf32>,
        %mul3A_1189 = arith.mulf %gather3A, %gather3A_1188 : vector<16xf32>
        %add3A_1190 = arith.addf %scan3A_1158, %mul3A_1189 : vector<16xf32>
        %add3A_1191 = arith.constant 1 : i32
        %add3A_1192 = vector.broadcast %add3A_1191 : i32 to vector<16xi32>
        %add3A_1193 = arith.addi %mul3A_466, %add3A_1192 : vector<16xi32>
        %gather3A_1194 = tpu.vector_load_idx %arg10[%add3A_1193, %add3A_1181] : memref<640x64xf32, #tpu.memory_space<vmem>>[vector<16xi32>, vector<16xi32>], vector<16xf32>,
        %mul3A_1195 = arith.mulf %gather3A, %gather3A_1194 : vector<16xf32>
        %add3A_1196 = arith.addf %scan3A_1159, %mul3A_1195 : vector<16xf32>
        %add3A_1197 = arith.constant 2 : i32
        %add3A_1198 = vector.broadcast %add3A_1197 : i32 to vector<16xi32>
        %add3A_1199 = arith.addi %mul3A_466, %add3A_1198 : vector<16xi32>
        %gather3A_1200 = tpu.vector_load_idx %arg10[%add3A_1199, %add3A_1181] : memref<640x64xf32, #tpu.memory_space<vmem>>[vector<16xi32>, vector<16xi32>], vector<16xf32>,
        %mul3A_1201 = arith.mulf %gather3A, %gather3A_1200 : vector<16xf32>
        %add3A_1202 = arith.addf %scan3A_1160, %mul3A_1201 : vector<16xf32>
        %add3A_1203 = arith.constant 3 : i32
        %add3A_1204 = vector.broadcast %add3A_1203 : i32 to vector<16xi32>
        %add3A_1205 = arith.addi %mul3A_466, %add3A_1204 : vector<16xi32>
        %gather3A_1206 = tpu.vector_load_idx %arg10[%add3A_1205, %add3A_1181] : memref<640x64xf32, #tpu.memory_space<vmem>>[vector<16xi32>, vector<16xi32>], vector<16xf32>,
        %mul3A_1207 = arith.mulf %gather3A, %gather3A_1206 : vector<16xf32>
        %add3A_1208 = arith.addf %scan3A_1161, %mul3A_1207 : vector<16xf32>
        %add3A_1209 = arith.constant 4 : i32
        %add3A_1210 = vector.broadcast %add3A_1209 : i32 to vector<16xi32>
        %add3A_1211 = arith.addi %mul3A_466, %add3A_1210 : vector<16xi32>
        %gather3A_1212 = tpu.vector_load_idx %arg10[%add3A_1211, %add3A_1181] : memref<640x64xf32, #tpu.memory_space<vmem>>[vector<16xi32>, vector<16xi32>], vector<16xf32>,
        %mul3A_1213 = arith.mulf %gather3A, %gather3A_1212 : vector<16xf32>
        %add3A_1214 = arith.addf %scan3A_1162, %mul3A_1213 : vector<16xf32>
        %add3A_1215 = arith.constant 5 : i32
        %add3A_1216 = vector.broadcast %add3A_1215 : i32 to vector<16xi32>
        %add3A_1217 = arith.addi %mul3A_466, %add3A_1216 : vector<16xi32>
        %gather3A_1218 = tpu.vector_load_idx %arg10[%add3A_1217, %add3A_1181] : memref<640x64xf32, #tpu.memory_space<vmem>>[vector<16xi32>, vector<16xi32>], vector<16xf32>,
        %mul3A_1219 = arith.mulf %gather3A, %gather3A_1218 : vector<16xf32>
        %add3A_1220 = arith.addf %scan3A_1163, %mul3A_1219 : vector<16xf32>
        %add3A_1221 = arith.constant 6 : i32
        %add3A_1222 = vector.broadcast %add3A_1221 : i32 to vector<16xi32>
        %add3A_1223 = arith.addi %mul3A_466, %add3A_1222 : vector<16xi32>
        %gather3A_1224 = tpu.vector_load_idx %arg10[%add3A_1223, %add3A_1181] : memref<640x64xf32, #tpu.memory_space<vmem>>[vector<16xi32>, vector<16xi32>], vector<16xf32>,
        %mul3A_1225 = arith.mulf %gather3A, %gather3A_1224 : vector<16xf32>
        %add3A_1226 = arith.addf %scan3A_1164, %mul3A_1225 : vector<16xf32>
        %add3A_1227 = arith.constant 7 : i32
        %add3A_1228 = vector.broadcast %add3A_1227 : i32 to vector<16xi32>
        %add3A_1229 = arith.addi %mul3A_466, %add3A_1228 : vector<16xi32>
        %gather3A_1230 = tpu.vector_load_idx %arg10[%add3A_1229, %add3A_1181] : memref<640x64xf32, #tpu.memory_space<vmem>>[vector<16xi32>, vector<16xi32>], vector<16xf32>,
        %mul3A_1231 = arith.mulf %gather3A, %gather3A_1230 : vector<16xf32>
        %add3A_1232 = arith.addf %scan3A_1165, %mul3A_1231 : vector<16xf32>
        %add3A_1233 = arith.constant 8 : i32
        %add3A_1234 = vector.broadcast %add3A_1233 : i32 to vector<16xi32>
        %add3A_1235 = arith.addi %mul3A_466, %add3A_1234 : vector<16xi32>
        %gather3A_1236 = tpu.vector_load_idx %arg10[%add3A_1235, %add3A_1181] : memref<640x64xf32, #tpu.memory_space<vmem>>[vector<16xi32>, vector<16xi32>], vector<16xf32>,
        %mul3A_1237 = arith.mulf %gather3A, %gather3A_1236 : vector<16xf32>
        %add3A_1238 = arith.addf %scan3A_1166, %mul3A_1237 : vector<16xf32>
        %add3A_1239 = arith.constant 9 : i32
        %add3A_1240 = vector.broadcast %add3A_1239 : i32 to vector<16xi32>
        %add3A_1241 = arith.addi %mul3A_466, %add3A_1240 : vector<16xi32>
        %gather3A_1242 = tpu.vector_load_idx %arg10[%add3A_1241, %add3A_1181] : memref<640x64xf32, #tpu.memory_space<vmem>>[vector<16xi32>, vector<16xi32>], vector<16xf32>,
        %mul3A_1243 = arith.mulf %gather3A, %gather3A_1242 : vector<16xf32>
        %add3A_1244 = arith.addf %scan3A_1167, %mul3A_1243 : vector<16xf32>
        %add3A_1245 = arith.constant 10 : i32
        %add3A_1246 = vector.broadcast %add3A_1245 : i32 to vector<16xi32>
        %add3A_1247 = arith.addi %mul3A_466, %add3A_1246 : vector<16xi32>
        %gather3A_1248 = tpu.vector_load_idx %arg10[%add3A_1247, %add3A_1181] : memref<640x64xf32, #tpu.memory_space<vmem>>[vector<16xi32>, vector<16xi32>], vector<16xf32>,
        %mul3A_1249 = arith.mulf %gather3A, %gather3A_1248 : vector<16xf32>
        %add3A_1250 = arith.addf %scan3A_1168, %mul3A_1249 : vector<16xf32>
        %add3A_1251 = arith.constant 11 : i32
        %add3A_1252 = vector.broadcast %add3A_1251 : i32 to vector<16xi32>
        %add3A_1253 = arith.addi %mul3A_466, %add3A_1252 : vector<16xi32>
        %gather3A_1254 = tpu.vector_load_idx %arg10[%add3A_1253, %add3A_1181] : memref<640x64xf32, #tpu.memory_space<vmem>>[vector<16xi32>, vector<16xi32>], vector<16xf32>,
        %mul3A_1255 = arith.mulf %gather3A, %gather3A_1254 : vector<16xf32>
        %add3A_1256 = arith.addf %scan3A_1169, %mul3A_1255 : vector<16xf32>
        %add3A_1257 = arith.constant 12 : i32
        %add3A_1258 = vector.broadcast %add3A_1257 : i32 to vector<16xi32>
        %add3A_1259 = arith.addi %mul3A_466, %add3A_1258 : vector<16xi32>
        %gather3A_1260 = tpu.vector_load_idx %arg10[%add3A_1259, %add3A_1181] : memref<640x64xf32, #tpu.memory_space<vmem>>[vector<16xi32>, vector<16xi32>], vector<16xf32>,
        %mul3A_1261 = arith.mulf %gather3A, %gather3A_1260 : vector<16xf32>
        %add3A_1262 = arith.addf %scan3A_1170, %mul3A_1261 : vector<16xf32>
        %add3A_1263 = arith.constant 13 : i32
        %add3A_1264 = vector.broadcast %add3A_1263 : i32 to vector<16xi32>
        %add3A_1265 = arith.addi %mul3A_466, %add3A_1264 : vector<16xi32>
        %gather3A_1266 = tpu.vector_load_idx %arg10[%add3A_1265, %add3A_1181] : memref<640x64xf32, #tpu.memory_space<vmem>>[vector<16xi32>, vector<16xi32>], vector<16xf32>,
        %mul3A_1267 = arith.mulf %gather3A, %gather3A_1266 : vector<16xf32>
        %add3A_1268 = arith.addf %scan3A_1171, %mul3A_1267 : vector<16xf32>
        %add3A_1269 = arith.constant 14 : i32
        %add3A_1270 = vector.broadcast %add3A_1269 : i32 to vector<16xi32>
        %add3A_1271 = arith.addi %mul3A_466, %add3A_1270 : vector<16xi32>
        %gather3A_1272 = tpu.vector_load_idx %arg10[%add3A_1271, %add3A_1181] : memref<640x64xf32, #tpu.memory_space<vmem>>[vector<16xi32>, vector<16xi32>], vector<16xf32>,
        %mul3A_1273 = arith.mulf %gather3A, %gather3A_1272 : vector<16xf32>
        %add3A_1274 = arith.addf %scan3A_1172, %mul3A_1273 : vector<16xf32>
        %add3A_1275 = arith.constant 15 : i32
        %add3A_1276 = vector.broadcast %add3A_1275 : i32 to vector<16xi32>
        %add3A_1277 = arith.addi %mul3A_466, %add3A_1276 : vector<16xi32>
        %gather3A_1278 = tpu.vector_load_idx %arg10[%add3A_1277, %add3A_1181] : memref<640x64xf32, #tpu.memory_space<vmem>>[vector<16xi32>, vector<16xi32>], vector<16xf32>,
        %mul3A_1279 = arith.mulf %gather3A, %gather3A_1278 : vector<16xf32>
        %add3A_1280 = arith.addf %scan3A_1173, %mul3A_1279 : vector<16xf32>
        %add3A_1281 = arith.constant 16 : i32
        %add3A_1282 = vector.broadcast %add3A_1281 : i32 to vector<16xi32>
        %add3A_1283 = arith.addi %mul3A_466, %add3A_1282 : vector<16xi32>
        %gather3A_1284 = tpu.vector_load_idx %arg10[%add3A_1283, %add3A_1181] : memref<640x64xf32, #tpu.memory_space<vmem>>[vector<16xi32>, vector<16xi32>], vector<16xf32>,
        %mul3A_1285 = arith.mulf %gather3A, %gather3A_1284 : vector<16xf32>
        %add3A_1286 = arith.addf %scan3A_1174, %mul3A_1285 : vector<16xf32>
        %add3A_1287 = arith.constant 17 : i32
        %add3A_1288 = vector.broadcast %add3A_1287 : i32 to vector<16xi32>
        %add3A_1289 = arith.addi %mul3A_466, %add3A_1288 : vector<16xi32>
        %gather3A_1290 = tpu.vector_load_idx %arg10[%add3A_1289, %add3A_1181] : memref<640x64xf32, #tpu.memory_space<vmem>>[vector<16xi32>, vector<16xi32>], vector<16xf32>,
        %mul3A_1291 = arith.mulf %gather3A, %gather3A_1290 : vector<16xf32>
        %add3A_1292 = arith.addf %scan3A_1175, %mul3A_1291 : vector<16xf32>
        %add3A_1293 = arith.constant 18 : i32
        %add3A_1294 = vector.broadcast %add3A_1293 : i32 to vector<16xi32>
        %add3A_1295 = arith.addi %mul3A_466, %add3A_1294 : vector<16xi32>
        %gather3A_1296 = tpu.vector_load_idx %arg10[%add3A_1295, %add3A_1181] : memref<640x64xf32, #tpu.memory_space<vmem>>[vector<16xi32>, vector<16xi32>], vector<16xf32>,
        %mul3A_1297 = arith.mulf %gather3A, %gather3A_1296 : vector<16xf32>
        %add3A_1298 = arith.addf %scan3A_1176, %mul3A_1297 : vector<16xf32>
        %add3A_1299 = arith.constant 19 : i32
        %add3A_1300 = vector.broadcast %add3A_1299 : i32 to vector<16xi32>
        %add3A_1301 = arith.addi %mul3A_466, %add3A_1300 : vector<16xi32>
        %gather3A_1302 = tpu.vector_load_idx %arg10[%add3A_1301, %add3A_1181] : memref<640x64xf32, #tpu.memory_space<vmem>>[vector<16xi32>, vector<16xi32>], vector<16xf32>,
        %mul3A_1303 = arith.mulf %gather3A, %gather3A_1302 : vector<16xf32>
        %add3A_1304 = arith.addf %scan3A_1177, %mul3A_1303 : vector<16xf32>
        scf.yield %add3A_1184, %add3A_1190, %add3A_1196, %add3A_1202, %add3A_1208, %add3A_1214, %add3A_1220, %add3A_1226, %add3A_1232, %add3A_1238, %add3A_1244, %add3A_1250, %add3A_1256, %add3A_1262, %add3A_1268, %add3A_1274, %add3A_1280, %add3A_1286, %add3A_1292, %add3A_1298, %add3A_1304 : vector<16xf32>, vector<16xf32>, vector<16xf32>, vector<16xf32>, vector<16xf32>, vector<16xf32>, vector<16xf32>, vector<16xf32>, vector<16xf32>, vector<16xf32>, vector<16xf32>, vector<16xf32>, vector<16xf32>, vector<16xf32>, vector<16xf32>, vector<16xf32>, vector<16xf32>, vector<16xf32>, vector<16xf32>, vector<16xf32>, vector<16xf32>
      }
      %scan3A_514 = arith.constant 64 : i32
      %mul3A_515 = arith.constant 32 : i32
      %mul3A_516 = arith.muli %mul3A_147, %mul3A_515 : i32
      %add3A_517 = arith.constant 16 : i32
      %add3A_518 = arith.addi %mul3A_516, %add3A_517 : i32
      %swap3A_519 = arith.index_cast %add3A_518 : i32 to index
      %swap3A_520 = tpu.vector_load %arg19[%swap3A_519] {strides = array<i32>} : memref<512xf32, #tpu.memory_space<vmem>>, vector<16xf32>,
      tpu.vector_store %arg19[%swap3A_519], %scan3A_513#0 {strides = array<i32>} : memref<512xf32, #tpu.memory_space<vmem>>, vector<16xf32>,
      %mul3A_521 = arith.constant 32 : i32
      %mul3A_522 = arith.muli %mul3A_147, %mul3A_521 : i32
      %add3A_523 = arith.constant 0 : i32
      %add3A_524 = arith.addi %add3A_523, %mul3A_522 : i32
      %add3A_525 = arith.constant 16 : i32
      %add3A_526 = arith.addi %add3A_524, %add3A_525 : i32
      %swap3A_527 = arith.index_cast %add3A_526 : i32 to index
      %swap3A_528 = tpu.vector_load %arg20[%swap3A_527] {strides = array<i32>} : memref<10240xf32, #tpu.memory_space<vmem>>, vector<16xf32>,
      tpu.vector_store %arg20[%swap3A_527], %scan3A_513#1 {strides = array<i32>} : memref<10240xf32, #tpu.memory_space<vmem>>, vector<16xf32>,
      %mul3A_529 = arith.constant 32 : i32
      %mul3A_530 = arith.muli %mul3A_147, %mul3A_529 : i32
      %add3A_531 = arith.constant 512 : i32
      %add3A_532 = arith.addi %add3A_531, %mul3A_530 : i32
      %add3A_533 = arith.constant 16 : i32
      %add3A_534 = arith.addi %add3A_532, %add3A_533 : i32
      %swap3A_535 = arith.index_cast %add3A_534 : i32 to index
      %swap3A_536 = tpu.vector_load %arg20[%swap3A_535] {strides = array<i32>} : memref<10240xf32, #tpu.memory_space<vmem>>, vector<16xf32>,
      tpu.vector_store %arg20[%swap3A_535], %scan3A_513#2 {strides = array<i32>} : memref<10240xf32, #tpu.memory_space<vmem>>, vector<16xf32>,
      %mul3A_537 = arith.constant 32 : i32
      %mul3A_538 = arith.muli %mul3A_147, %mul3A_537 : i32
      %add3A_539 = arith.constant 1024 : i32
      %add3A_540 = arith.addi %add3A_539, %mul3A_538 : i32
      %add3A_541 = arith.constant 16 : i32
      %add3A_542 = arith.addi %add3A_540, %add3A_541 : i32
      %swap3A_543 = arith.index_cast %add3A_542 : i32 to index
      %swap3A_544 = tpu.vector_load %arg20[%swap3A_543] {strides = array<i32>} : memref<10240xf32, #tpu.memory_space<vmem>>, vector<16xf32>,
      tpu.vector_store %arg20[%swap3A_543], %scan3A_513#3 {strides = array<i32>} : memref<10240xf32, #tpu.memory_space<vmem>>, vector<16xf32>,
      %mul3A_545 = arith.constant 32 : i32
      %mul3A_546 = arith.muli %mul3A_147, %mul3A_545 : i32
      %add3A_547 = arith.constant 1536 : i32
      %add3A_548 = arith.addi %add3A_547, %mul3A_546 : i32
      %add3A_549 = arith.constant 16 : i32
      %add3A_550 = arith.addi %add3A_548, %add3A_549 : i32
      %swap3A_551 = arith.index_cast %add3A_550 : i32 to index
      %swap3A_552 = tpu.vector_load %arg20[%swap3A_551] {strides = array<i32>} : memref<10240xf32, #tpu.memory_space<vmem>>, vector<16xf32>,
      tpu.vector_store %arg20[%swap3A_551], %scan3A_513#4 {strides = array<i32>} : memref<10240xf32, #tpu.memory_space<vmem>>, vector<16xf32>,
      %mul3A_553 = arith.constant 32 : i32
      %mul3A_554 = arith.muli %mul3A_147, %mul3A_553 : i32
      %add3A_555 = arith.constant 2048 : i32
      %add3A_556 = arith.addi %add3A_555, %mul3A_554 : i32
      %add3A_557 = arith.constant 16 : i32
      %add3A_558 = arith.addi %add3A_556, %add3A_557 : i32
      %swap3A_559 = arith.index_cast %add3A_558 : i32 to index
      %swap3A_560 = tpu.vector_load %arg20[%swap3A_559] {strides = array<i32>} : memref<10240xf32, #tpu.memory_space<vmem>>, vector<16xf32>,
      tpu.vector_store %arg20[%swap3A_559], %scan3A_513#5 {strides = array<i32>} : memref<10240xf32, #tpu.memory_space<vmem>>, vector<16xf32>,
      %mul3A_561 = arith.constant 32 : i32
      %mul3A_562 = arith.muli %mul3A_147, %mul3A_561 : i32
      %add3A_563 = arith.constant 2560 : i32
      %add3A_564 = arith.addi %add3A_563, %mul3A_562 : i32
      %add3A_565 = arith.constant 16 : i32
      %add3A_566 = arith.addi %add3A_564, %add3A_565 : i32
      %swap3A_567 = arith.index_cast %add3A_566 : i32 to index
      %swap3A_568 = tpu.vector_load %arg20[%swap3A_567] {strides = array<i32>} : memref<10240xf32, #tpu.memory_space<vmem>>, vector<16xf32>,
      tpu.vector_store %arg20[%swap3A_567], %scan3A_513#6 {strides = array<i32>} : memref<10240xf32, #tpu.memory_space<vmem>>, vector<16xf32>,
      %mul3A_569 = arith.constant 32 : i32
      %mul3A_570 = arith.muli %mul3A_147, %mul3A_569 : i32
      %add3A_571 = arith.constant 3072 : i32
      %add3A_572 = arith.addi %add3A_571, %mul3A_570 : i32
      %add3A_573 = arith.constant 16 : i32
      %add3A_574 = arith.addi %add3A_572, %add3A_573 : i32
      %swap3A_575 = arith.index_cast %add3A_574 : i32 to index
      %swap3A_576 = tpu.vector_load %arg20[%swap3A_575] {strides = array<i32>} : memref<10240xf32, #tpu.memory_space<vmem>>, vector<16xf32>,
      tpu.vector_store %arg20[%swap3A_575], %scan3A_513#7 {strides = array<i32>} : memref<10240xf32, #tpu.memory_space<vmem>>, vector<16xf32>,
      %mul3A_577 = arith.constant 32 : i32
      %mul3A_578 = arith.muli %mul3A_147, %mul3A_577 : i32
      %add3A_579 = arith.constant 3584 : i32
      %add3A_580 = arith.addi %add3A_579, %mul3A_578 : i32
      %add3A_581 = arith.constant 16 : i32
      %add3A_582 = arith.addi %add3A_580, %add3A_581 : i32
      %swap3A_583 = arith.index_cast %add3A_582 : i32 to index
      %swap3A_584 = tpu.vector_load %arg20[%swap3A_583] {strides = array<i32>} : memref<10240xf32, #tpu.memory_space<vmem>>, vector<16xf32>,
      tpu.vector_store %arg20[%swap3A_583], %scan3A_513#8 {strides = array<i32>} : memref<10240xf32, #tpu.memory_space<vmem>>, vector<16xf32>,
      %mul3A_585 = arith.constant 32 : i32
      %mul3A_586 = arith.muli %mul3A_147, %mul3A_585 : i32
      %add3A_587 = arith.constant 4096 : i32
      %add3A_588 = arith.addi %add3A_587, %mul3A_586 : i32
      %add3A_589 = arith.constant 16 : i32
      %add3A_590 = arith.addi %add3A_588, %add3A_589 : i32
      %swap3A_591 = arith.index_cast %add3A_590 : i32 to index
      %swap3A_592 = tpu.vector_load %arg20[%swap3A_591] {strides = array<i32>} : memref<10240xf32, #tpu.memory_space<vmem>>, vector<16xf32>,
      tpu.vector_store %arg20[%swap3A_591], %scan3A_513#9 {strides = array<i32>} : memref<10240xf32, #tpu.memory_space<vmem>>, vector<16xf32>,
      %mul3A_593 = arith.constant 32 : i32
      %mul3A_594 = arith.muli %mul3A_147, %mul3A_593 : i32
      %add3A_595 = arith.constant 4608 : i32
      %add3A_596 = arith.addi %add3A_595, %mul3A_594 : i32
      %add3A_597 = arith.constant 16 : i32
      %add3A_598 = arith.addi %add3A_596, %add3A_597 : i32
      %swap3A_599 = arith.index_cast %add3A_598 : i32 to index
      %swap3A_600 = tpu.vector_load %arg20[%swap3A_599] {strides = array<i32>} : memref<10240xf32, #tpu.memory_space<vmem>>, vector<16xf32>,
      tpu.vector_store %arg20[%swap3A_599], %scan3A_513#10 {strides = array<i32>} : memref<10240xf32, #tpu.memory_space<vmem>>, vector<16xf32>,
      %mul3A_601 = arith.constant 32 : i32
      %mul3A_602 = arith.muli %mul3A_147, %mul3A_601 : i32
      %add3A_603 = arith.constant 5120 : i32
      %add3A_604 = arith.addi %add3A_603, %mul3A_602 : i32
      %add3A_605 = arith.constant 16 : i32
      %add3A_606 = arith.addi %add3A_604, %add3A_605 : i32
      %swap3A_607 = arith.index_cast %add3A_606 : i32 to index
      %swap3A_608 = tpu.vector_load %arg20[%swap3A_607] {strides = array<i32>} : memref<10240xf32, #tpu.memory_space<vmem>>, vector<16xf32>,
      tpu.vector_store %arg20[%swap3A_607], %scan3A_513#11 {strides = array<i32>} : memref<10240xf32, #tpu.memory_space<vmem>>, vector<16xf32>,
      %mul3A_609 = arith.constant 32 : i32
      %mul3A_610 = arith.muli %mul3A_147, %mul3A_609 : i32
      %add3A_611 = arith.constant 5632 : i32
      %add3A_612 = arith.addi %add3A_611, %mul3A_610 : i32
      %add3A_613 = arith.constant 16 : i32
      %add3A_614 = arith.addi %add3A_612, %add3A_613 : i32
      %swap3A_615 = arith.index_cast %add3A_614 : i32 to index
      %swap3A_616 = tpu.vector_load %arg20[%swap3A_615] {strides = array<i32>} : memref<10240xf32, #tpu.memory_space<vmem>>, vector<16xf32>,
      tpu.vector_store %arg20[%swap3A_615], %scan3A_513#12 {strides = array<i32>} : memref<10240xf32, #tpu.memory_space<vmem>>, vector<16xf32>,
      %mul3A_617 = arith.constant 32 : i32
      %mul3A_618 = arith.muli %mul3A_147, %mul3A_617 : i32
      %add3A_619 = arith.constant 6144 : i32
      %add3A_620 = arith.addi %add3A_619, %mul3A_618 : i32
      %add3A_621 = arith.constant 16 : i32
      %add3A_622 = arith.addi %add3A_620, %add3A_621 : i32
      %swap3A_623 = arith.index_cast %add3A_622 : i32 to index
      %swap3A_624 = tpu.vector_load %arg20[%swap3A_623] {strides = array<i32>} : memref<10240xf32, #tpu.memory_space<vmem>>, vector<16xf32>,
      tpu.vector_store %arg20[%swap3A_623], %scan3A_513#13 {strides = array<i32>} : memref<10240xf32, #tpu.memory_space<vmem>>, vector<16xf32>,
      %mul3A_625 = arith.constant 32 : i32
      %mul3A_626 = arith.muli %mul3A_147, %mul3A_625 : i32
      %add3A_627 = arith.constant 6656 : i32
      %add3A_628 = arith.addi %add3A_627, %mul3A_626 : i32
      %add3A_629 = arith.constant 16 : i32
      %add3A_630 = arith.addi %add3A_628, %add3A_629 : i32
      %swap3A_631 = arith.index_cast %add3A_630 : i32 to index
      %swap3A_632 = tpu.vector_load %arg20[%swap3A_631] {strides = array<i32>} : memref<10240xf32, #tpu.memory_space<vmem>>, vector<16xf32>,
      tpu.vector_store %arg20[%swap3A_631], %scan3A_513#14 {strides = array<i32>} : memref<10240xf32, #tpu.memory_space<vmem>>, vector<16xf32>,
      %mul3A_633 = arith.constant 32 : i32
      %mul3A_634 = arith.muli %mul3A_147, %mul3A_633 : i32
      %add3A_635 = arith.constant 7168 : i32
      %add3A_636 = arith.addi %add3A_635, %mul3A_634 : i32
      %add3A_637 = arith.constant 16 : i32
      %add3A_638 = arith.addi %add3A_636, %add3A_637 : i32
      %swap3A_639 = arith.index_cast %add3A_638 : i32 to index
      %swap3A_640 = tpu.vector_load %arg20[%swap3A_639] {strides = array<i32>} : memref<10240xf32, #tpu.memory_space<vmem>>, vector<16xf32>,
      tpu.vector_store %arg20[%swap3A_639], %scan3A_513#15 {strides = array<i32>} : memref<10240xf32, #tpu.memory_space<vmem>>, vector<16xf32>,
      %mul3A_641 = arith.constant 32 : i32
      %mul3A_642 = arith.muli %mul3A_147, %mul3A_641 : i32
      %add3A_643 = arith.constant 7680 : i32
      %add3A_644 = arith.addi %add3A_643, %mul3A_642 : i32
      %add3A_645 = arith.constant 16 : i32
      %add3A_646 = arith.addi %add3A_644, %add3A_645 : i32
      %swap3A_647 = arith.index_cast %add3A_646 : i32 to index
      %swap3A_648 = tpu.vector_load %arg20[%swap3A_647] {strides = array<i32>} : memref<10240xf32, #tpu.memory_space<vmem>>, vector<16xf32>,
      tpu.vector_store %arg20[%swap3A_647], %scan3A_513#16 {strides = array<i32>} : memref<10240xf32, #tpu.memory_space<vmem>>, vector<16xf32>,
      %mul3A_649 = arith.constant 32 : i32
      %mul3A_650 = arith.muli %mul3A_147, %mul3A_649 : i32
      %add3A_651 = arith.constant 8192 : i32
      %add3A_652 = arith.addi %add3A_651, %mul3A_650 : i32
      %add3A_653 = arith.constant 16 : i32
      %add3A_654 = arith.addi %add3A_652, %add3A_653 : i32
      %swap3A_655 = arith.index_cast %add3A_654 : i32 to index
      %swap3A_656 = tpu.vector_load %arg20[%swap3A_655] {strides = array<i32>} : memref<10240xf32, #tpu.memory_space<vmem>>, vector<16xf32>,
      tpu.vector_store %arg20[%swap3A_655], %scan3A_513#17 {strides = array<i32>} : memref<10240xf32, #tpu.memory_space<vmem>>, vector<16xf32>,
      %mul3A_657 = arith.constant 32 : i32
      %mul3A_658 = arith.muli %mul3A_147, %mul3A_657 : i32
      %add3A_659 = arith.constant 8704 : i32
      %add3A_660 = arith.addi %add3A_659, %mul3A_658 : i32
      %add3A_661 = arith.constant 16 : i32
      %add3A_662 = arith.addi %add3A_660, %add3A_661 : i32
      %swap3A_663 = arith.index_cast %add3A_662 : i32 to index
      %swap3A_664 = tpu.vector_load %arg20[%swap3A_663] {strides = array<i32>} : memref<10240xf32, #tpu.memory_space<vmem>>, vector<16xf32>,
      tpu.vector_store %arg20[%swap3A_663], %scan3A_513#18 {strides = array<i32>} : memref<10240xf32, #tpu.memory_space<vmem>>, vector<16xf32>,
      %mul3A_665 = arith.constant 32 : i32
      %mul3A_666 = arith.muli %mul3A_147, %mul3A_665 : i32
      %add3A_667 = arith.constant 9216 : i32
      %add3A_668 = arith.addi %add3A_667, %mul3A_666 : i32
      %add3A_669 = arith.constant 16 : i32
      %add3A_670 = arith.addi %add3A_668, %add3A_669 : i32
      %swap3A_671 = arith.index_cast %add3A_670 : i32 to index
      %swap3A_672 = tpu.vector_load %arg20[%swap3A_671] {strides = array<i32>} : memref<10240xf32, #tpu.memory_space<vmem>>, vector<16xf32>,
      tpu.vector_store %arg20[%swap3A_671], %scan3A_513#19 {strides = array<i32>} : memref<10240xf32, #tpu.memory_space<vmem>>, vector<16xf32>,
      %mul3A_673 = arith.constant 32 : i32
      %mul3A_674 = arith.muli %mul3A_147, %mul3A_673 : i32
      %add3A_675 = arith.constant 9728 : i32
      %add3A_676 = arith.addi %add3A_675, %mul3A_674 : i32
      %add3A_677 = arith.constant 16 : i32
      %add3A_678 = arith.addi %add3A_676, %add3A_677 : i32
      %swap3A_679 = arith.index_cast %add3A_678 : i32 to index
      %swap3A_680 = tpu.vector_load %arg20[%swap3A_679] {strides = array<i32>} : memref<10240xf32, #tpu.memory_space<vmem>>, vector<16xf32>,
      tpu.vector_store %arg20[%swap3A_679], %scan3A_513#20 {strides = array<i32>} : memref<10240xf32, #tpu.memory_space<vmem>>, vector<16xf32>,
      %dma_wait3A_681 = arith.constant 0 : i32
      %dma_wait3A_682 = arith.constant 0 : i32
      %dma_wait3A_683 = tpu.memref_slice %arg3[%dma_wait3A_681, %dma_wait3A_682] : memref<1000000x64xf32, #tpu.memory_space<hbm>> -> memref<32x64xf32, #tpu.memory_space<hbm>>
      %dma_wait3A_684 = arith.constant 0 : i32
      %dma_wait3A_685 = arith.constant 0 : i32
      %dma_wait3A_686 = tpu.memref_slice %arg3[%dma_wait3A_684, %dma_wait3A_685] : memref<1000000x64xf32, #tpu.memory_space<hbm>> -> memref<32x64xf32, #tpu.memory_space<hbm>>
      tpu.wait_dma2 semaphore(%arg17 : memref<!tpu.dma_semaphore, #tpu.memory_space<semaphore_mem>>) src(%dma_wait3A_686 : memref<32x64xf32, #tpu.memory_space<hbm>>) dst(%arg14 : memref<32x64xf32, #tpu.memory_space<vmem>>)
      %dma_wait3A_687 = arith.constant 0 : i32
      %dma_wait3A_688 = arith.constant 0 : i32
      %dma_wait3A_689 = tpu.memref_slice %arg3[%dma_wait3A_687, %dma_wait3A_688] : memref<1000000x64xf32, #tpu.memory_space<hbm>> -> memref<32x64xf32, #tpu.memory_space<hbm>>
      %dma_wait3A_690 = arith.constant 0 : i32
      %dma_wait3A_691 = arith.constant 0 : i32
      %dma_wait3A_692 = tpu.memref_slice %arg3[%dma_wait3A_690, %dma_wait3A_691] : memref<1000000x64xf32, #tpu.memory_space<hbm>> -> memref<32x64xf32, #tpu.memory_space<hbm>>
      tpu.wait_dma2 semaphore(%arg17 : memref<!tpu.dma_semaphore, #tpu.memory_space<semaphore_mem>>) src(%dma_wait3A_692 : memref<32x64xf32, #tpu.memory_space<hbm>>) dst(%arg15 : memref<32x64xf32, #tpu.memory_space<vmem>>)
      %dma_wait3A_693 = arith.constant 0 : i32
      %dma_wait3A_694 = arith.constant 0 : i32
      %dma_wait3A_695 = tpu.memref_slice %arg3[%dma_wait3A_693, %dma_wait3A_694] : memref<1000000x64xf32, #tpu.memory_space<hbm>> -> memref<640x64xf32, #tpu.memory_space<hbm>>
      %dma_wait3A_696 = arith.constant 0 : i32
      %dma_wait3A_697 = arith.constant 0 : i32
      %dma_wait3A_698 = tpu.memref_slice %arg3[%dma_wait3A_696, %dma_wait3A_697] : memref<1000000x64xf32, #tpu.memory_space<hbm>> -> memref<640x64xf32, #tpu.memory_space<hbm>>
      tpu.wait_dma2 semaphore(%arg17 : memref<!tpu.dma_semaphore, #tpu.memory_space<semaphore_mem>>) src(%dma_wait3A_698 : memref<640x64xf32, #tpu.memory_space<hbm>>) dst(%arg16 : memref<640x64xf32, #tpu.memory_space<vmem>>)
      %add3A_699 = arith.constant 2 : i32
      %add3A_700 = arith.addi %mul3A_147, %add3A_699 : i32
      %lt3A_701 = arith.constant 16 : i32
      %lt3A_702 = arith.cmpi slt, %add3A_700, %lt3A_701 : i32
      %convert_element_type3A_703 = arith.extui %lt3A_702 : i1 to i32
      %cond3A_704 = arith.constant 0 : i32
      %cond3A_705 = arith.cmpi ne, %convert_element_type3A_703, %cond3A_704 : i32
      scf.if %cond3A_705 {
        %dma_wait3A_1156 = arith.constant 0 : i32
        %dma_wait3A_1157 = arith.constant 0 : i32
        %dma_wait3A_1158 = arith.constant 0 : i32
        %dma_wait3A_1159 = tpu.memref_slice %arg2[%dma_wait3A_1156, %dma_wait3A_1157, %dma_wait3A_1158] : memref<512x6x128xi32, #tpu.memory_space<hbm>> -> memref<1x6x128xi32, #tpu.memory_space<hbm>>
        %dma_wait3A_1160 = tpu.memref_squeeze %dma_wait3A_1159 : memref<1x6x128xi32, #tpu.memory_space<hbm>> -> memref<6x128xi32, #tpu.memory_space<hbm>>
        %dma_wait3A_1161 = arith.constant 0 : i32
        %dma_wait3A_1162 = arith.constant 0 : i32
        %dma_wait3A_1163 = tpu.memref_slice %arg2[%dma_wait3A_1156, %dma_wait3A_1161, %dma_wait3A_1162] : memref<512x6x128xi32, #tpu.memory_space<hbm>> -> memref<1x6x128xi32, #tpu.memory_space<hbm>>
        %dma_wait3A_1164 = tpu.memref_squeeze %dma_wait3A_1163 : memref<1x6x128xi32, #tpu.memory_space<hbm>> -> memref<6x128xi32, #tpu.memory_space<hbm>>
        tpu.wait_dma2 semaphore(%arg12 : memref<!tpu.dma_semaphore, #tpu.memory_space<semaphore_mem>>) src(%dma_wait3A_1164 : memref<6x128xi32, #tpu.memory_space<hbm>>) dst(%arg7 : memref<6x128xi32, #tpu.memory_space<vmem>>)
        %dma_start3A_1165 = arith.constant 0 : i32
        %dma_start3A_1166 = arith.constant 0 : i32
        %dma_start3A_1167 = tpu.memref_slice %arg7[%dma_start3A_1165, %dma_start3A_1166] : memref<6x128xi32, #tpu.memory_space<vmem>> -> memref<1x32xi32, #tpu.memory_space<vmem>>
        %dma_start3A_1168 = tpu.memref_squeeze %dma_start3A_1167 : memref<1x32xi32, #tpu.memory_space<vmem>> -> memref<32xi32, #tpu.memory_space<vmem>>
        %dma_start3A_1169 = arith.constant 0 : i32
        %dma_start3A_1170 = arith.constant 0 : i32
        %dma_start3A_1171 = tpu.memref_slice %arg3[%dma_start3A_1169, %dma_start3A_1170] : memref<1000000x64xf32, #tpu.memory_space<hbm>> -> memref<1000000x64xf32, #tpu.memory_space<hbm>>
        tpu.enqueue_indirect_dma source(%dma_start3A_1171 : memref<1000000x64xf32, #tpu.memory_space<hbm>>) target(%arg8 : memref<32x64xf32, #tpu.memory_space<vmem>>) offsets(%dma_start3A_1168 : memref<32xi32, #tpu.memory_space<vmem>>) semaphore(%arg11 : memref<!tpu.dma_semaphore, #tpu.memory_space<semaphore_mem>>)
        %dma_start3A_1172 = arith.constant 0 : i32
        %dma_start3A_1173 = arith.constant 32 : i32
        %dma_start3A_1174 = tpu.memref_slice %arg7[%dma_start3A_1172, %dma_start3A_1173] : memref<6x128xi32, #tpu.memory_space<vmem>> -> memref<1x32xi32, #tpu.memory_space<vmem>>
        %dma_start3A_1175 = tpu.memref_squeeze %dma_start3A_1174 : memref<1x32xi32, #tpu.memory_space<vmem>> -> memref<32xi32, #tpu.memory_space<vmem>>
        %dma_start3A_1176 = arith.constant 0 : i32
        %dma_start3A_1177 = arith.constant 0 : i32
        %dma_start3A_1178 = tpu.memref_slice %arg4[%dma_start3A_1176, %dma_start3A_1177] : memref<1000000x64xf32, #tpu.memory_space<hbm>> -> memref<1000000x64xf32, #tpu.memory_space<hbm>>
        tpu.enqueue_indirect_dma source(%dma_start3A_1178 : memref<1000000x64xf32, #tpu.memory_space<hbm>>) target(%arg9 : memref<32x64xf32, #tpu.memory_space<vmem>>) offsets(%dma_start3A_1175 : memref<32xi32, #tpu.memory_space<vmem>>) semaphore(%arg11 : memref<!tpu.dma_semaphore, #tpu.memory_space<semaphore_mem>>)
        %dma_start3A_1179 = arith.constant 1 : i32
        %dma_start3A_1180 = arith.constant 0 : i32
        %dma_start3A_1181 = arith.constant 0 : i32
        %dma_start3A_1182 = tpu.memref_slice %arg10[%dma_start3A_1180, %dma_start3A_1181] : memref<640x64xf32, #tpu.memory_space<vmem>> -> memref<128x64xf32, #tpu.memory_space<vmem>>
        %dma_start3A_1183 = arith.constant 0 : i32
        %dma_start3A_1184 = tpu.memref_slice %arg7[%dma_start3A_1179, %dma_start3A_1183] : memref<6x128xi32, #tpu.memory_space<vmem>> -> memref<1x128xi32, #tpu.memory_space<vmem>>
        %dma_start3A_1185 = tpu.memref_squeeze %dma_start3A_1184 : memref<1x128xi32, #tpu.memory_space<vmem>> -> memref<128xi32, #tpu.memory_space<vmem>>
        %dma_start3A_1186 = arith.constant 0 : i32
        %dma_start3A_1187 = arith.constant 0 : i32
        %dma_start3A_1188 = tpu.memref_slice %arg4[%dma_start3A_1186, %dma_start3A_1187] : memref<1000000x64xf32, #tpu.memory_space<hbm>> -> memref<1000000x64xf32, #tpu.memory_space<hbm>>
        tpu.enqueue_indirect_dma source(%dma_start3A_1188 : memref<1000000x64xf32, #tpu.memory_space<hbm>>) target(%dma_start3A_1182 : memref<128x64xf32, #tpu.memory_space<vmem>>) offsets(%dma_start3A_1185 : memref<128xi32, #tpu.memory_space<vmem>>) semaphore(%arg11 : memref<!tpu.dma_semaphore, #tpu.memory_space<semaphore_mem>>)
        %dma_start3A_1189 = arith.constant 2 : i32
        %dma_start3A_1190 = arith.constant 128 : i32
        %dma_start3A_1191 = arith.constant 0 : i32
        %dma_start3A_1192 = tpu.memref_slice %arg10[%dma_start3A_1190, %dma_start3A_1191] : memref<640x64xf32, #tpu.memory_space<vmem>> -> memref<128x64xf32, #tpu.memory_space<vmem>>
        %dma_start3A_1193 = arith.constant 0 : i32
        %dma_start3A_1194 = tpu.memref_slice %arg7[%dma_start3A_1189, %dma_start3A_1193] : memref<6x128xi32, #tpu.memory_space<vmem>> -> memref<1x128xi32, #tpu.memory_space<vmem>>
        %dma_start3A_1195 = tpu.memref_squeeze %dma_start3A_1194 : memref<1x128xi32, #tpu.memory_space<vmem>> -> memref<128xi32, #tpu.memory_space<vmem>>
        %dma_start3A_1196 = arith.constant 0 : i32
        %dma_start3A_1197 = arith.constant 0 : i32
        %dma_start3A_1198 = tpu.memref_slice %arg4[%dma_start3A_1196, %dma_start3A_1197] : memref<1000000x64xf32, #tpu.memory_space<hbm>> -> memref<1000000x64xf32, #tpu.memory_space<hbm>>
        tpu.enqueue_indirect_dma source(%dma_start3A_1198 : memref<1000000x64xf32, #tpu.memory_space<hbm>>) target(%dma_start3A_1192 : memref<128x64xf32, #tpu.memory_space<vmem>>) offsets(%dma_start3A_1195 : memref<128xi32, #tpu.memory_space<vmem>>) semaphore(%arg11 : memref<!tpu.dma_semaphore, #tpu.memory_space<semaphore_mem>>)
        %dma_start3A_1199 = arith.constant 3 : i32
        %dma_start3A_1200 = arith.constant 256 : i32
        %dma_start3A_1201 = arith.constant 0 : i32
        %dma_start3A_1202 = tpu.memref_slice %arg10[%dma_start3A_1200, %dma_start3A_1201] : memref<640x64xf32, #tpu.memory_space<vmem>> -> memref<128x64xf32, #tpu.memory_space<vmem>>
        %dma_start3A_1203 = arith.constant 0 : i32
        %dma_start3A_1204 = tpu.memref_slice %arg7[%dma_start3A_1199, %dma_start3A_1203] : memref<6x128xi32, #tpu.memory_space<vmem>> -> memref<1x128xi32, #tpu.memory_space<vmem>>
        %dma_start3A_1205 = tpu.memref_squeeze %dma_start3A_1204 : memref<1x128xi32, #tpu.memory_space<vmem>> -> memref<128xi32, #tpu.memory_space<vmem>>
        %dma_start3A_1206 = arith.constant 0 : i32
        %dma_start3A_1207 = arith.constant 0 : i32
        %dma_start3A_1208 = tpu.memref_slice %arg4[%dma_start3A_1206, %dma_start3A_1207] : memref<1000000x64xf32, #tpu.memory_space<hbm>> -> memref<1000000x64xf32, #tpu.memory_space<hbm>>
        tpu.enqueue_indirect_dma source(%dma_start3A_1208 : memref<1000000x64xf32, #tpu.memory_space<hbm>>) target(%dma_start3A_1202 : memref<128x64xf32, #tpu.memory_space<vmem>>) offsets(%dma_start3A_1205 : memref<128xi32, #tpu.memory_space<vmem>>) semaphore(%arg11 : memref<!tpu.dma_semaphore, #tpu.memory_space<semaphore_mem>>)
        %dma_start3A_1209 = arith.constant 4 : i32
        %dma_start3A_1210 = arith.constant 384 : i32
        %dma_start3A_1211 = arith.constant 0 : i32
        %dma_start3A_1212 = tpu.memref_slice %arg10[%dma_start3A_1210, %dma_start3A_1211] : memref<640x64xf32, #tpu.memory_space<vmem>> -> memref<128x64xf32, #tpu.memory_space<vmem>>
        %dma_start3A_1213 = arith.constant 0 : i32
        %dma_start3A_1214 = tpu.memref_slice %arg7[%dma_start3A_1209, %dma_start3A_1213] : memref<6x128xi32, #tpu.memory_space<vmem>> -> memref<1x128xi32, #tpu.memory_space<vmem>>
        %dma_start3A_1215 = tpu.memref_squeeze %dma_start3A_1214 : memref<1x128xi32, #tpu.memory_space<vmem>> -> memref<128xi32, #tpu.memory_space<vmem>>
        %dma_start3A_1216 = arith.constant 0 : i32
        %dma_start3A_1217 = arith.constant 0 : i32
        %dma_start3A_1218 = tpu.memref_slice %arg4[%dma_start3A_1216, %dma_start3A_1217] : memref<1000000x64xf32, #tpu.memory_space<hbm>> -> memref<1000000x64xf32, #tpu.memory_space<hbm>>
        tpu.enqueue_indirect_dma source(%dma_start3A_1218 : memref<1000000x64xf32, #tpu.memory_space<hbm>>) target(%dma_start3A_1212 : memref<128x64xf32, #tpu.memory_space<vmem>>) offsets(%dma_start3A_1215 : memref<128xi32, #tpu.memory_space<vmem>>) semaphore(%arg11 : memref<!tpu.dma_semaphore, #tpu.memory_space<semaphore_mem>>)
        %dma_start3A_1219 = arith.constant 5 : i32
        %dma_start3A_1220 = arith.constant 512 : i32
        %dma_start3A_1221 = arith.constant 0 : i32
        %dma_start3A_1222 = tpu.memref_slice %arg10[%dma_start3A_1220, %dma_start3A_1221] : memref<640x64xf32, #tpu.memory_space<vmem>> -> memref<128x64xf32, #tpu.memory_space<vmem>>
        %dma_start3A_1223 = arith.constant 0 : i32
        %dma_start3A_1224 = tpu.memref_slice %arg7[%dma_start3A_1219, %dma_start3A_1223] : memref<6x128xi32, #tpu.memory_space<vmem>> -> memref<1x128xi32, #tpu.memory_space<vmem>>
        %dma_start3A_1225 = tpu.memref_squeeze %dma_start3A_1224 : memref<1x128xi32, #tpu.memory_space<vmem>> -> memref<128xi32, #tpu.memory_space<vmem>>
        %dma_start3A_1226 = arith.constant 0 : i32
        %dma_start3A_1227 = arith.constant 0 : i32
        %dma_start3A_1228 = tpu.memref_slice %arg4[%dma_start3A_1226, %dma_start3A_1227] : memref<1000000x64xf32, #tpu.memory_space<hbm>> -> memref<1000000x64xf32, #tpu.memory_space<hbm>>
        tpu.enqueue_indirect_dma source(%dma_start3A_1228 : memref<1000000x64xf32, #tpu.memory_space<hbm>>) target(%dma_start3A_1222 : memref<128x64xf32, #tpu.memory_space<vmem>>) offsets(%dma_start3A_1225 : memref<128xi32, #tpu.memory_space<vmem>>) semaphore(%arg11 : memref<!tpu.dma_semaphore, #tpu.memory_space<semaphore_mem>>)
      } else {
      }
      %add3A_706 = arith.constant 3 : i32
      %add3A_707 = arith.addi %mul3A_147, %add3A_706 : i32
      %lt3A_708 = arith.constant 16 : i32
      %lt3A_709 = arith.cmpi slt, %add3A_707, %lt3A_708 : i32
      %convert_element_type3A_710 = arith.extui %lt3A_709 : i1 to i32
      %cond3A_711 = arith.constant 0 : i32
      %cond3A_712 = arith.cmpi ne, %convert_element_type3A_710, %cond3A_711 : i32
      scf.if %cond3A_712 {
        %add3A_1156 = arith.constant 3 : i32
        %add3A_1157 = arith.addi %mul3A_147, %add3A_1156 : i32
        %mul3A_1158 = arith.constant 16 : i32
        %mul3A_1159 = arith.muli %add3A, %mul3A_1158 : i32
        %add3A_1160 = arith.addi %mul3A_1159, %add3A_1157 : i32
        %dma_start3A_1161 = arith.constant 0 : i32
        %dma_start3A_1162 = arith.constant 0 : i32
        %dma_start3A_1163 = tpu.memref_slice %arg2[%add3A_1160, %dma_start3A_1161, %dma_start3A_1162] : memref<512x6x128xi32, #tpu.memory_space<hbm>> -> memref<1x6x128xi32, #tpu.memory_space<hbm>>
        %dma_start3A_1164 = tpu.memref_squeeze %dma_start3A_1163 : memref<1x6x128xi32, #tpu.memory_space<hbm>> -> memref<6x128xi32, #tpu.memory_space<hbm>>
        %dma_start3A_1165 = arith.constant 0 : i32
        %dma_start3A_1166 = arith.constant 0 : i32
        %dma_start3A_1167 = tpu.memref_slice %arg2[%add3A_1160, %dma_start3A_1165, %dma_start3A_1166] : memref<512x6x128xi32, #tpu.memory_space<hbm>> -> memref<1x6x128xi32, #tpu.memory_space<hbm>>
        %dma_start3A_1168 = tpu.memref_squeeze %dma_start3A_1167 : memref<1x6x128xi32, #tpu.memory_space<hbm>> -> memref<6x128xi32, #tpu.memory_space<hbm>>
        tpu.enqueue_dma source(%dma_start3A_1168 : memref<6x128xi32, #tpu.memory_space<hbm>>) target(%arg13 : memref<6x128xi32, #tpu.memory_space<vmem>>) target_semaphore(%arg18 : memref<!tpu.dma_semaphore, #tpu.memory_space<semaphore_mem>>)
      } else {
      }
      %add3A_713 = arith.constant 1 : i32
      %add3A_714 = arith.addi %mul3A_147, %add3A_713 : i32
      %add3A_715 = arith.constant 0 : i32
      %add3A_716 = vector.broadcast %add3A_715 : i32 to vector<16xi32>
      %add3A_717 = arith.addi %iota3A, %add3A_716 : vector<16xi32>
      %mul3A_718 = arith.constant 20 : i32
      %mul3A_719 = vector.broadcast %mul3A_718 : i32 to vector<16xi32>
      %mul3A_720 = arith.muli %add3A_717, %mul3A_719 : vector<16xi32>
      %broadcast_in_dim3A_721 = arith.constant 0.000000e+00 : f32
      %broadcast_in_dim3A_722 = vector.broadcast %broadcast_in_dim3A_721 : f32 to vector<16xf32>
      %broadcast_in_dim3A_723 = arith.constant 0.000000e+00 : f32
      %broadcast_in_dim3A_724 = vector.broadcast %broadcast_in_dim3A_723 : f32 to vector<16xf32>
      %broadcast_in_dim3A_725 = arith.constant 0.000000e+00 : f32
      %broadcast_in_dim3A_726 = vector.broadcast %broadcast_in_dim3A_725 : f32 to vector<16xf32>
      %broadcast_in_dim3A_727 = arith.constant 0.000000e+00 : f32
      %broadcast_in_dim3A_728 = vector.broadcast %broadcast_in_dim3A_727 : f32 to vector<16xf32>
      %broadcast_in_dim3A_729 = arith.constant 0.000000e+00 : f32
      %broadcast_in_dim3A_730 = vector.broadcast %broadcast_in_dim3A_729 : f32 to vector<16xf32>
      %broadcast_in_dim3A_731 = arith.constant 0.000000e+00 : f32
      %broadcast_in_dim3A_732 = vector.broadcast %broadcast_in_dim3A_731 : f32 to vector<16xf32>
      %broadcast_in_dim3A_733 = arith.constant 0.000000e+00 : f32
      %broadcast_in_dim3A_734 = vector.broadcast %broadcast_in_dim3A_733 : f32 to vector<16xf32>
      %broadcast_in_dim3A_735 = arith.constant 0.000000e+00 : f32
      %broadcast_in_dim3A_736 = vector.broadcast %broadcast_in_dim3A_735 : f32 to vector<16xf32>
      %broadcast_in_dim3A_737 = arith.constant 0.000000e+00 : f32
      %broadcast_in_dim3A_738 = vector.broadcast %broadcast_in_dim3A_737 : f32 to vector<16xf32>
      %broadcast_in_dim3A_739 = arith.constant 0.000000e+00 : f32
      %broadcast_in_dim3A_740 = vector.broadcast %broadcast_in_dim3A_739 : f32 to vector<16xf32>
      %broadcast_in_dim3A_741 = arith.constant 0.000000e+00 : f32
      %broadcast_in_dim3A_742 = vector.broadcast %broadcast_in_dim3A_741 : f32 to vector<16xf32>
      %broadcast_in_dim3A_743 = arith.constant 0.000000e+00 : f32
      %broadcast_in_dim3A_744 = vector.broadcast %broadcast_in_dim3A_743 : f32 to vector<16xf32>
      %broadcast_in_dim3A_745 = arith.constant 0.000000e+00 : f32
      %broadcast_in_dim3A_746 = vector.broadcast %broadcast_in_dim3A_745 : f32 to vector<16xf32>
      %broadcast_in_dim3A_747 = arith.constant 0.000000e+00 : f32
      %broadcast_in_dim3A_748 = vector.broadcast %broadcast_in_dim3A_747 : f32 to vector<16xf32>
      %broadcast_in_dim3A_749 = arith.constant 0.000000e+00 : f32
      %broadcast_in_dim3A_750 = vector.broadcast %broadcast_in_dim3A_749 : f32 to vector<16xf32>
      %broadcast_in_dim3A_751 = arith.constant 0.000000e+00 : f32
      %broadcast_in_dim3A_752 = vector.broadcast %broadcast_in_dim3A_751 : f32 to vector<16xf32>
      %broadcast_in_dim3A_753 = arith.constant 0.000000e+00 : f32
      %broadcast_in_dim3A_754 = vector.broadcast %broadcast_in_dim3A_753 : f32 to vector<16xf32>
      %broadcast_in_dim3A_755 = arith.constant 0.000000e+00 : f32
      %broadcast_in_dim3A_756 = vector.broadcast %broadcast_in_dim3A_755 : f32 to vector<16xf32>
      %broadcast_in_dim3A_757 = arith.constant 0.000000e+00 : f32
      %broadcast_in_dim3A_758 = vector.broadcast %broadcast_in_dim3A_757 : f32 to vector<16xf32>
      %broadcast_in_dim3A_759 = arith.constant 0.000000e+00 : f32
      %broadcast_in_dim3A_760 = vector.broadcast %broadcast_in_dim3A_759 : f32 to vector<16xf32>
      %broadcast_in_dim3A_761 = arith.constant 0.000000e+00 : f32
      %broadcast_in_dim3A_762 = vector.broadcast %broadcast_in_dim3A_761 : f32 to vector<16xf32>
      %scan3A_763 = arith.constant 0 : i32
      %scan3A_764 = arith.constant 64 : i32
      %scan3A_765 = arith.addi %scan3A_763, %scan3A_764 : i32
      %scan3A_766 = arith.constant 1 : i32
      %scan3A_767:21 = scf.for %scan3A_1156 = %scan3A_763 to %scan3A_765 step %scan3A_766 iter_args(%scan3A_1157 = %broadcast_in_dim3A_722, %scan3A_1158 = %broadcast_in_dim3A_724, %scan3A_1159 = %broadcast_in_dim3A_726, %scan3A_1160 = %broadcast_in_dim3A_728, %scan3A_1161 = %broadcast_in_dim3A_730, %scan3A_1162 = %broadcast_in_dim3A_732, %scan3A_1163 = %broadcast_in_dim3A_734, %scan3A_1164 = %broadcast_in_dim3A_736, %scan3A_1165 = %broadcast_in_dim3A_738, %scan3A_1166 = %broadcast_in_dim3A_740, %scan3A_1167 = %broadcast_in_dim3A_742, %scan3A_1168 = %broadcast_in_dim3A_744, %scan3A_1169 = %broadcast_in_dim3A_746, %scan3A_1170 = %broadcast_in_dim3A_748, %scan3A_1171 = %broadcast_in_dim3A_750, %scan3A_1172 = %broadcast_in_dim3A_752, %scan3A_1173 = %broadcast_in_dim3A_754, %scan3A_1174 = %broadcast_in_dim3A_756, %scan3A_1175 = %broadcast_in_dim3A_758, %scan3A_1176 = %broadcast_in_dim3A_760, %scan3A_1177 = %broadcast_in_dim3A_762) -> (vector<16xf32>, vector<16xf32>, vector<16xf32>, vector<16xf32>, vector<16xf32>, vector<16xf32>, vector<16xf32>, vector<16xf32>, vector<16xf32>, vector<16xf32>, vector<16xf32>, vector<16xf32>, vector<16xf32>, vector<16xf32>, vector<16xf32>, vector<16xf32>, vector<16xf32>, vector<16xf32>, vector<16xf32>, vector<16xf32>, vector<16xf32>)  : i32 {
        %broadcast_in_dim3A_1178 = arith.constant 0 : i32
        %broadcast_in_dim3A_1179 = vector.broadcast %broadcast_in_dim3A_1178 : i32 to vector<16xi32>
        %add3A_1180 = vector.broadcast %scan3A_1156 : i32 to vector<16xi32>
        %add3A_1181 = arith.addi %broadcast_in_dim3A_1179, %add3A_1180 : vector<16xi32>
        %gather3A = tpu.vector_load_idx %arg14[%add3A_717, %add3A_1181] : memref<32x64xf32, #tpu.memory_space<vmem>>[vector<16xi32>, vector<16xi32>], vector<16xf32>,
        %gather3A_1182 = tpu.vector_load_idx %arg15[%add3A_717, %add3A_1181] : memref<32x64xf32, #tpu.memory_space<vmem>>[vector<16xi32>, vector<16xi32>], vector<16xf32>,
        %mul3A_1183 = arith.mulf %gather3A, %gather3A_1182 : vector<16xf32>
        %add3A_1184 = arith.addf %scan3A_1157, %mul3A_1183 : vector<16xf32>
        %add3A_1185 = arith.constant 0 : i32
        %add3A_1186 = vector.broadcast %add3A_1185 : i32 to vector<16xi32>
        %add3A_1187 = arith.addi %mul3A_720, %add3A_1186 : vector<16xi32>
        %gather3A_1188 = tpu.vector_load_idx %arg16[%add3A_1187, %add3A_1181] : memref<640x64xf32, #tpu.memory_space<vmem>>[vector<16xi32>, vector<16xi32>], vector<16xf32>,
        %mul3A_1189 = arith.mulf %gather3A, %gather3A_1188 : vector<16xf32>
        %add3A_1190 = arith.addf %scan3A_1158, %mul3A_1189 : vector<16xf32>
        %add3A_1191 = arith.constant 1 : i32
        %add3A_1192 = vector.broadcast %add3A_1191 : i32 to vector<16xi32>
        %add3A_1193 = arith.addi %mul3A_720, %add3A_1192 : vector<16xi32>
        %gather3A_1194 = tpu.vector_load_idx %arg16[%add3A_1193, %add3A_1181] : memref<640x64xf32, #tpu.memory_space<vmem>>[vector<16xi32>, vector<16xi32>], vector<16xf32>,
        %mul3A_1195 = arith.mulf %gather3A, %gather3A_1194 : vector<16xf32>
        %add3A_1196 = arith.addf %scan3A_1159, %mul3A_1195 : vector<16xf32>
        %add3A_1197 = arith.constant 2 : i32
        %add3A_1198 = vector.broadcast %add3A_1197 : i32 to vector<16xi32>
        %add3A_1199 = arith.addi %mul3A_720, %add3A_1198 : vector<16xi32>
        %gather3A_1200 = tpu.vector_load_idx %arg16[%add3A_1199, %add3A_1181] : memref<640x64xf32, #tpu.memory_space<vmem>>[vector<16xi32>, vector<16xi32>], vector<16xf32>,
        %mul3A_1201 = arith.mulf %gather3A, %gather3A_1200 : vector<16xf32>
        %add3A_1202 = arith.addf %scan3A_1160, %mul3A_1201 : vector<16xf32>
        %add3A_1203 = arith.constant 3 : i32
        %add3A_1204 = vector.broadcast %add3A_1203 : i32 to vector<16xi32>
        %add3A_1205 = arith.addi %mul3A_720, %add3A_1204 : vector<16xi32>
        %gather3A_1206 = tpu.vector_load_idx %arg16[%add3A_1205, %add3A_1181] : memref<640x64xf32, #tpu.memory_space<vmem>>[vector<16xi32>, vector<16xi32>], vector<16xf32>,
        %mul3A_1207 = arith.mulf %gather3A, %gather3A_1206 : vector<16xf32>
        %add3A_1208 = arith.addf %scan3A_1161, %mul3A_1207 : vector<16xf32>
        %add3A_1209 = arith.constant 4 : i32
        %add3A_1210 = vector.broadcast %add3A_1209 : i32 to vector<16xi32>
        %add3A_1211 = arith.addi %mul3A_720, %add3A_1210 : vector<16xi32>
        %gather3A_1212 = tpu.vector_load_idx %arg16[%add3A_1211, %add3A_1181] : memref<640x64xf32, #tpu.memory_space<vmem>>[vector<16xi32>, vector<16xi32>], vector<16xf32>,
        %mul3A_1213 = arith.mulf %gather3A, %gather3A_1212 : vector<16xf32>
        %add3A_1214 = arith.addf %scan3A_1162, %mul3A_1213 : vector<16xf32>
        %add3A_1215 = arith.constant 5 : i32
        %add3A_1216 = vector.broadcast %add3A_1215 : i32 to vector<16xi32>
        %add3A_1217 = arith.addi %mul3A_720, %add3A_1216 : vector<16xi32>
        %gather3A_1218 = tpu.vector_load_idx %arg16[%add3A_1217, %add3A_1181] : memref<640x64xf32, #tpu.memory_space<vmem>>[vector<16xi32>, vector<16xi32>], vector<16xf32>,
        %mul3A_1219 = arith.mulf %gather3A, %gather3A_1218 : vector<16xf32>
        %add3A_1220 = arith.addf %scan3A_1163, %mul3A_1219 : vector<16xf32>
        %add3A_1221 = arith.constant 6 : i32
        %add3A_1222 = vector.broadcast %add3A_1221 : i32 to vector<16xi32>
        %add3A_1223 = arith.addi %mul3A_720, %add3A_1222 : vector<16xi32>
        %gather3A_1224 = tpu.vector_load_idx %arg16[%add3A_1223, %add3A_1181] : memref<640x64xf32, #tpu.memory_space<vmem>>[vector<16xi32>, vector<16xi32>], vector<16xf32>,
        %mul3A_1225 = arith.mulf %gather3A, %gather3A_1224 : vector<16xf32>
        %add3A_1226 = arith.addf %scan3A_1164, %mul3A_1225 : vector<16xf32>
        %add3A_1227 = arith.constant 7 : i32
        %add3A_1228 = vector.broadcast %add3A_1227 : i32 to vector<16xi32>
        %add3A_1229 = arith.addi %mul3A_720, %add3A_1228 : vector<16xi32>
        %gather3A_1230 = tpu.vector_load_idx %arg16[%add3A_1229, %add3A_1181] : memref<640x64xf32, #tpu.memory_space<vmem>>[vector<16xi32>, vector<16xi32>], vector<16xf32>,
        %mul3A_1231 = arith.mulf %gather3A, %gather3A_1230 : vector<16xf32>
        %add3A_1232 = arith.addf %scan3A_1165, %mul3A_1231 : vector<16xf32>
        %add3A_1233 = arith.constant 8 : i32
        %add3A_1234 = vector.broadcast %add3A_1233 : i32 to vector<16xi32>
        %add3A_1235 = arith.addi %mul3A_720, %add3A_1234 : vector<16xi32>
        %gather3A_1236 = tpu.vector_load_idx %arg16[%add3A_1235, %add3A_1181] : memref<640x64xf32, #tpu.memory_space<vmem>>[vector<16xi32>, vector<16xi32>], vector<16xf32>,
        %mul3A_1237 = arith.mulf %gather3A, %gather3A_1236 : vector<16xf32>
        %add3A_1238 = arith.addf %scan3A_1166, %mul3A_1237 : vector<16xf32>
        %add3A_1239 = arith.constant 9 : i32
        %add3A_1240 = vector.broadcast %add3A_1239 : i32 to vector<16xi32>
        %add3A_1241 = arith.addi %mul3A_720, %add3A_1240 : vector<16xi32>
        %gather3A_1242 = tpu.vector_load_idx %arg16[%add3A_1241, %add3A_1181] : memref<640x64xf32, #tpu.memory_space<vmem>>[vector<16xi32>, vector<16xi32>], vector<16xf32>,
        %mul3A_1243 = arith.mulf %gather3A, %gather3A_1242 : vector<16xf32>
        %add3A_1244 = arith.addf %scan3A_1167, %mul3A_1243 : vector<16xf32>
        %add3A_1245 = arith.constant 10 : i32
        %add3A_1246 = vector.broadcast %add3A_1245 : i32 to vector<16xi32>
        %add3A_1247 = arith.addi %mul3A_720, %add3A_1246 : vector<16xi32>
        %gather3A_1248 = tpu.vector_load_idx %arg16[%add3A_1247, %add3A_1181] : memref<640x64xf32, #tpu.memory_space<vmem>>[vector<16xi32>, vector<16xi32>], vector<16xf32>,
        %mul3A_1249 = arith.mulf %gather3A, %gather3A_1248 : vector<16xf32>
        %add3A_1250 = arith.addf %scan3A_1168, %mul3A_1249 : vector<16xf32>
        %add3A_1251 = arith.constant 11 : i32
        %add3A_1252 = vector.broadcast %add3A_1251 : i32 to vector<16xi32>
        %add3A_1253 = arith.addi %mul3A_720, %add3A_1252 : vector<16xi32>
        %gather3A_1254 = tpu.vector_load_idx %arg16[%add3A_1253, %add3A_1181] : memref<640x64xf32, #tpu.memory_space<vmem>>[vector<16xi32>, vector<16xi32>], vector<16xf32>,
        %mul3A_1255 = arith.mulf %gather3A, %gather3A_1254 : vector<16xf32>
        %add3A_1256 = arith.addf %scan3A_1169, %mul3A_1255 : vector<16xf32>
        %add3A_1257 = arith.constant 12 : i32
        %add3A_1258 = vector.broadcast %add3A_1257 : i32 to vector<16xi32>
        %add3A_1259 = arith.addi %mul3A_720, %add3A_1258 : vector<16xi32>
        %gather3A_1260 = tpu.vector_load_idx %arg16[%add3A_1259, %add3A_1181] : memref<640x64xf32, #tpu.memory_space<vmem>>[vector<16xi32>, vector<16xi32>], vector<16xf32>,
        %mul3A_1261 = arith.mulf %gather3A, %gather3A_1260 : vector<16xf32>
        %add3A_1262 = arith.addf %scan3A_1170, %mul3A_1261 : vector<16xf32>
        %add3A_1263 = arith.constant 13 : i32
        %add3A_1264 = vector.broadcast %add3A_1263 : i32 to vector<16xi32>
        %add3A_1265 = arith.addi %mul3A_720, %add3A_1264 : vector<16xi32>
        %gather3A_1266 = tpu.vector_load_idx %arg16[%add3A_1265, %add3A_1181] : memref<640x64xf32, #tpu.memory_space<vmem>>[vector<16xi32>, vector<16xi32>], vector<16xf32>,
        %mul3A_1267 = arith.mulf %gather3A, %gather3A_1266 : vector<16xf32>
        %add3A_1268 = arith.addf %scan3A_1171, %mul3A_1267 : vector<16xf32>
        %add3A_1269 = arith.constant 14 : i32
        %add3A_1270 = vector.broadcast %add3A_1269 : i32 to vector<16xi32>
        %add3A_1271 = arith.addi %mul3A_720, %add3A_1270 : vector<16xi32>
        %gather3A_1272 = tpu.vector_load_idx %arg16[%add3A_1271, %add3A_1181] : memref<640x64xf32, #tpu.memory_space<vmem>>[vector<16xi32>, vector<16xi32>], vector<16xf32>,
        %mul3A_1273 = arith.mulf %gather3A, %gather3A_1272 : vector<16xf32>
        %add3A_1274 = arith.addf %scan3A_1172, %mul3A_1273 : vector<16xf32>
        %add3A_1275 = arith.constant 15 : i32
        %add3A_1276 = vector.broadcast %add3A_1275 : i32 to vector<16xi32>
        %add3A_1277 = arith.addi %mul3A_720, %add3A_1276 : vector<16xi32>
        %gather3A_1278 = tpu.vector_load_idx %arg16[%add3A_1277, %add3A_1181] : memref<640x64xf32, #tpu.memory_space<vmem>>[vector<16xi32>, vector<16xi32>], vector<16xf32>,
        %mul3A_1279 = arith.mulf %gather3A, %gather3A_1278 : vector<16xf32>
        %add3A_1280 = arith.addf %scan3A_1173, %mul3A_1279 : vector<16xf32>
        %add3A_1281 = arith.constant 16 : i32
        %add3A_1282 = vector.broadcast %add3A_1281 : i32 to vector<16xi32>
        %add3A_1283 = arith.addi %mul3A_720, %add3A_1282 : vector<16xi32>
        %gather3A_1284 = tpu.vector_load_idx %arg16[%add3A_1283, %add3A_1181] : memref<640x64xf32, #tpu.memory_space<vmem>>[vector<16xi32>, vector<16xi32>], vector<16xf32>,
        %mul3A_1285 = arith.mulf %gather3A, %gather3A_1284 : vector<16xf32>
        %add3A_1286 = arith.addf %scan3A_1174, %mul3A_1285 : vector<16xf32>
        %add3A_1287 = arith.constant 17 : i32
        %add3A_1288 = vector.broadcast %add3A_1287 : i32 to vector<16xi32>
        %add3A_1289 = arith.addi %mul3A_720, %add3A_1288 : vector<16xi32>
        %gather3A_1290 = tpu.vector_load_idx %arg16[%add3A_1289, %add3A_1181] : memref<640x64xf32, #tpu.memory_space<vmem>>[vector<16xi32>, vector<16xi32>], vector<16xf32>,
        %mul3A_1291 = arith.mulf %gather3A, %gather3A_1290 : vector<16xf32>
        %add3A_1292 = arith.addf %scan3A_1175, %mul3A_1291 : vector<16xf32>
        %add3A_1293 = arith.constant 18 : i32
        %add3A_1294 = vector.broadcast %add3A_1293 : i32 to vector<16xi32>
        %add3A_1295 = arith.addi %mul3A_720, %add3A_1294 : vector<16xi32>
        %gather3A_1296 = tpu.vector_load_idx %arg16[%add3A_1295, %add3A_1181] : memref<640x64xf32, #tpu.memory_space<vmem>>[vector<16xi32>, vector<16xi32>], vector<16xf32>,
        %mul3A_1297 = arith.mulf %gather3A, %gather3A_1296 : vector<16xf32>
        %add3A_1298 = arith.addf %scan3A_1176, %mul3A_1297 : vector<16xf32>
        %add3A_1299 = arith.constant 19 : i32
        %add3A_1300 = vector.broadcast %add3A_1299 : i32 to vector<16xi32>
        %add3A_1301 = arith.addi %mul3A_720, %add3A_1300 : vector<16xi32>
        %gather3A_1302 = tpu.vector_load_idx %arg16[%add3A_1301, %add3A_1181] : memref<640x64xf32, #tpu.memory_space<vmem>>[vector<16xi32>, vector<16xi32>], vector<16xf32>,
        %mul3A_1303 = arith.mulf %gather3A, %gather3A_1302 : vector<16xf32>
        %add3A_1304 = arith.addf %scan3A_1177, %mul3A_1303 : vector<16xf32>
        scf.yield %add3A_1184, %add3A_1190, %add3A_1196, %add3A_1202, %add3A_1208, %add3A_1214, %add3A_1220, %add3A_1226, %add3A_1232, %add3A_1238, %add3A_1244, %add3A_1250, %add3A_1256, %add3A_1262, %add3A_1268, %add3A_1274, %add3A_1280, %add3A_1286, %add3A_1292, %add3A_1298, %add3A_1304 : vector<16xf32>, vector<16xf32>, vector<16xf32>, vector<16xf32>, vector<16xf32>, vector<16xf32>, vector<16xf32>, vector<16xf32>, vector<16xf32>, vector<16xf32>, vector<16xf32>, vector<16xf32>, vector<16xf32>, vector<16xf32>, vector<16xf32>, vector<16xf32>, vector<16xf32>, vector<16xf32>, vector<16xf32>, vector<16xf32>, vector<16xf32>
      }
      %scan3A_768 = arith.constant 64 : i32
      %mul3A_769 = arith.constant 32 : i32
      %mul3A_770 = arith.muli %add3A_714, %mul3A_769 : i32
      %add3A_771 = arith.constant 0 : i32
      %add3A_772 = arith.addi %mul3A_770, %add3A_771 : i32
      %swap3A_773 = arith.index_cast %add3A_772 : i32 to index
      %swap3A_774 = tpu.vector_load %arg19[%swap3A_773] {strides = array<i32>} : memref<512xf32, #tpu.memory_space<vmem>>, vector<16xf32>,
      tpu.vector_store %arg19[%swap3A_773], %scan3A_767#0 {strides = array<i32>} : memref<512xf32, #tpu.memory_space<vmem>>, vector<16xf32>,
      %mul3A_775 = arith.constant 32 : i32
      %mul3A_776 = arith.muli %add3A_714, %mul3A_775 : i32
      %add3A_777 = arith.constant 0 : i32
      %add3A_778 = arith.addi %add3A_777, %mul3A_776 : i32
      %add3A_779 = arith.constant 0 : i32
      %add3A_780 = arith.addi %add3A_778, %add3A_779 : i32
      %swap3A_781 = arith.index_cast %add3A_780 : i32 to index
      %swap3A_782 = tpu.vector_load %arg20[%swap3A_781] {strides = array<i32>} : memref<10240xf32, #tpu.memory_space<vmem>>, vector<16xf32>,
      tpu.vector_store %arg20[%swap3A_781], %scan3A_767#1 {strides = array<i32>} : memref<10240xf32, #tpu.memory_space<vmem>>, vector<16xf32>,
      %mul3A_783 = arith.constant 32 : i32
      %mul3A_784 = arith.muli %add3A_714, %mul3A_783 : i32
      %add3A_785 = arith.constant 512 : i32
      %add3A_786 = arith.addi %add3A_785, %mul3A_784 : i32
      %add3A_787 = arith.constant 0 : i32
      %add3A_788 = arith.addi %add3A_786, %add3A_787 : i32
      %swap3A_789 = arith.index_cast %add3A_788 : i32 to index
      %swap3A_790 = tpu.vector_load %arg20[%swap3A_789] {strides = array<i32>} : memref<10240xf32, #tpu.memory_space<vmem>>, vector<16xf32>,
      tpu.vector_store %arg20[%swap3A_789], %scan3A_767#2 {strides = array<i32>} : memref<10240xf32, #tpu.memory_space<vmem>>, vector<16xf32>,
      %mul3A_791 = arith.constant 32 : i32
      %mul3A_792 = arith.muli %add3A_714, %mul3A_791 : i32
      %add3A_793 = arith.constant 1024 : i32
      %add3A_794 = arith.addi %add3A_793, %mul3A_792 : i32
      %add3A_795 = arith.constant 0 : i32
      %add3A_796 = arith.addi %add3A_794, %add3A_795 : i32
      %swap3A_797 = arith.index_cast %add3A_796 : i32 to index
      %swap3A_798 = tpu.vector_load %arg20[%swap3A_797] {strides = array<i32>} : memref<10240xf32, #tpu.memory_space<vmem>>, vector<16xf32>,
      tpu.vector_store %arg20[%swap3A_797], %scan3A_767#3 {strides = array<i32>} : memref<10240xf32, #tpu.memory_space<vmem>>, vector<16xf32>,
      %mul3A_799 = arith.constant 32 : i32
      %mul3A_800 = arith.muli %add3A_714, %mul3A_799 : i32
      %add3A_801 = arith.constant 1536 : i32
      %add3A_802 = arith.addi %add3A_801, %mul3A_800 : i32
      %add3A_803 = arith.constant 0 : i32
      %add3A_804 = arith.addi %add3A_802, %add3A_803 : i32
      %swap3A_805 = arith.index_cast %add3A_804 : i32 to index
      %swap3A_806 = tpu.vector_load %arg20[%swap3A_805] {strides = array<i32>} : memref<10240xf32, #tpu.memory_space<vmem>>, vector<16xf32>,
      tpu.vector_store %arg20[%swap3A_805], %scan3A_767#4 {strides = array<i32>} : memref<10240xf32, #tpu.memory_space<vmem>>, vector<16xf32>,
      %mul3A_807 = arith.constant 32 : i32
      %mul3A_808 = arith.muli %add3A_714, %mul3A_807 : i32
      %add3A_809 = arith.constant 2048 : i32
      %add3A_810 = arith.addi %add3A_809, %mul3A_808 : i32
      %add3A_811 = arith.constant 0 : i32
      %add3A_812 = arith.addi %add3A_810, %add3A_811 : i32
      %swap3A_813 = arith.index_cast %add3A_812 : i32 to index
      %swap3A_814 = tpu.vector_load %arg20[%swap3A_813] {strides = array<i32>} : memref<10240xf32, #tpu.memory_space<vmem>>, vector<16xf32>,
      tpu.vector_store %arg20[%swap3A_813], %scan3A_767#5 {strides = array<i32>} : memref<10240xf32, #tpu.memory_space<vmem>>, vector<16xf32>,
      %mul3A_815 = arith.constant 32 : i32
      %mul3A_816 = arith.muli %add3A_714, %mul3A_815 : i32
      %add3A_817 = arith.constant 2560 : i32
      %add3A_818 = arith.addi %add3A_817, %mul3A_816 : i32
      %add3A_819 = arith.constant 0 : i32
      %add3A_820 = arith.addi %add3A_818, %add3A_819 : i32
      %swap3A_821 = arith.index_cast %add3A_820 : i32 to index
      %swap3A_822 = tpu.vector_load %arg20[%swap3A_821] {strides = array<i32>} : memref<10240xf32, #tpu.memory_space<vmem>>, vector<16xf32>,
      tpu.vector_store %arg20[%swap3A_821], %scan3A_767#6 {strides = array<i32>} : memref<10240xf32, #tpu.memory_space<vmem>>, vector<16xf32>,
      %mul3A_823 = arith.constant 32 : i32
      %mul3A_824 = arith.muli %add3A_714, %mul3A_823 : i32
      %add3A_825 = arith.constant 3072 : i32
      %add3A_826 = arith.addi %add3A_825, %mul3A_824 : i32
      %add3A_827 = arith.constant 0 : i32
      %add3A_828 = arith.addi %add3A_826, %add3A_827 : i32
      %swap3A_829 = arith.index_cast %add3A_828 : i32 to index
      %swap3A_830 = tpu.vector_load %arg20[%swap3A_829] {strides = array<i32>} : memref<10240xf32, #tpu.memory_space<vmem>>, vector<16xf32>,
      tpu.vector_store %arg20[%swap3A_829], %scan3A_767#7 {strides = array<i32>} : memref<10240xf32, #tpu.memory_space<vmem>>, vector<16xf32>,
      %mul3A_831 = arith.constant 32 : i32
      %mul3A_832 = arith.muli %add3A_714, %mul3A_831 : i32
      %add3A_833 = arith.constant 3584 : i32
      %add3A_834 = arith.addi %add3A_833, %mul3A_832 : i32
      %add3A_835 = arith.constant 0 : i32
      %add3A_836 = arith.addi %add3A_834, %add3A_835 : i32
      %swap3A_837 = arith.index_cast %add3A_836 : i32 to index
      %swap3A_838 = tpu.vector_load %arg20[%swap3A_837] {strides = array<i32>} : memref<10240xf32, #tpu.memory_space<vmem>>, vector<16xf32>,
      tpu.vector_store %arg20[%swap3A_837], %scan3A_767#8 {strides = array<i32>} : memref<10240xf32, #tpu.memory_space<vmem>>, vector<16xf32>,
      %mul3A_839 = arith.constant 32 : i32
      %mul3A_840 = arith.muli %add3A_714, %mul3A_839 : i32
      %add3A_841 = arith.constant 4096 : i32
      %add3A_842 = arith.addi %add3A_841, %mul3A_840 : i32
      %add3A_843 = arith.constant 0 : i32
      %add3A_844 = arith.addi %add3A_842, %add3A_843 : i32
      %swap3A_845 = arith.index_cast %add3A_844 : i32 to index
      %swap3A_846 = tpu.vector_load %arg20[%swap3A_845] {strides = array<i32>} : memref<10240xf32, #tpu.memory_space<vmem>>, vector<16xf32>,
      tpu.vector_store %arg20[%swap3A_845], %scan3A_767#9 {strides = array<i32>} : memref<10240xf32, #tpu.memory_space<vmem>>, vector<16xf32>,
      %mul3A_847 = arith.constant 32 : i32
      %mul3A_848 = arith.muli %add3A_714, %mul3A_847 : i32
      %add3A_849 = arith.constant 4608 : i32
      %add3A_850 = arith.addi %add3A_849, %mul3A_848 : i32
      %add3A_851 = arith.constant 0 : i32
      %add3A_852 = arith.addi %add3A_850, %add3A_851 : i32
      %swap3A_853 = arith.index_cast %add3A_852 : i32 to index
      %swap3A_854 = tpu.vector_load %arg20[%swap3A_853] {strides = array<i32>} : memref<10240xf32, #tpu.memory_space<vmem>>, vector<16xf32>,
      tpu.vector_store %arg20[%swap3A_853], %scan3A_767#10 {strides = array<i32>} : memref<10240xf32, #tpu.memory_space<vmem>>, vector<16xf32>,
      %mul3A_855 = arith.constant 32 : i32
      %mul3A_856 = arith.muli %add3A_714, %mul3A_855 : i32
      %add3A_857 = arith.constant 5120 : i32
      %add3A_858 = arith.addi %add3A_857, %mul3A_856 : i32
      %add3A_859 = arith.constant 0 : i32
      %add3A_860 = arith.addi %add3A_858, %add3A_859 : i32
      %swap3A_861 = arith.index_cast %add3A_860 : i32 to index
      %swap3A_862 = tpu.vector_load %arg20[%swap3A_861] {strides = array<i32>} : memref<10240xf32, #tpu.memory_space<vmem>>, vector<16xf32>,
      tpu.vector_store %arg20[%swap3A_861], %scan3A_767#11 {strides = array<i32>} : memref<10240xf32, #tpu.memory_space<vmem>>, vector<16xf32>,
      %mul3A_863 = arith.constant 32 : i32
      %mul3A_864 = arith.muli %add3A_714, %mul3A_863 : i32
      %add3A_865 = arith.constant 5632 : i32
      %add3A_866 = arith.addi %add3A_865, %mul3A_864 : i32
      %add3A_867 = arith.constant 0 : i32
      %add3A_868 = arith.addi %add3A_866, %add3A_867 : i32
      %swap3A_869 = arith.index_cast %add3A_868 : i32 to index
      %swap3A_870 = tpu.vector_load %arg20[%swap3A_869] {strides = array<i32>} : memref<10240xf32, #tpu.memory_space<vmem>>, vector<16xf32>,
      tpu.vector_store %arg20[%swap3A_869], %scan3A_767#12 {strides = array<i32>} : memref<10240xf32, #tpu.memory_space<vmem>>, vector<16xf32>,
      %mul3A_871 = arith.constant 32 : i32
      %mul3A_872 = arith.muli %add3A_714, %mul3A_871 : i32
      %add3A_873 = arith.constant 6144 : i32
      %add3A_874 = arith.addi %add3A_873, %mul3A_872 : i32
      %add3A_875 = arith.constant 0 : i32
      %add3A_876 = arith.addi %add3A_874, %add3A_875 : i32
      %swap3A_877 = arith.index_cast %add3A_876 : i32 to index
      %swap3A_878 = tpu.vector_load %arg20[%swap3A_877] {strides = array<i32>} : memref<10240xf32, #tpu.memory_space<vmem>>, vector<16xf32>,
      tpu.vector_store %arg20[%swap3A_877], %scan3A_767#13 {strides = array<i32>} : memref<10240xf32, #tpu.memory_space<vmem>>, vector<16xf32>,
      %mul3A_879 = arith.constant 32 : i32
      %mul3A_880 = arith.muli %add3A_714, %mul3A_879 : i32
      %add3A_881 = arith.constant 6656 : i32
      %add3A_882 = arith.addi %add3A_881, %mul3A_880 : i32
      %add3A_883 = arith.constant 0 : i32
      %add3A_884 = arith.addi %add3A_882, %add3A_883 : i32
      %swap3A_885 = arith.index_cast %add3A_884 : i32 to index
      %swap3A_886 = tpu.vector_load %arg20[%swap3A_885] {strides = array<i32>} : memref<10240xf32, #tpu.memory_space<vmem>>, vector<16xf32>,
      tpu.vector_store %arg20[%swap3A_885], %scan3A_767#14 {strides = array<i32>} : memref<10240xf32, #tpu.memory_space<vmem>>, vector<16xf32>,
      %mul3A_887 = arith.constant 32 : i32
      %mul3A_888 = arith.muli %add3A_714, %mul3A_887 : i32
      %add3A_889 = arith.constant 7168 : i32
      %add3A_890 = arith.addi %add3A_889, %mul3A_888 : i32
      %add3A_891 = arith.constant 0 : i32
      %add3A_892 = arith.addi %add3A_890, %add3A_891 : i32
      %swap3A_893 = arith.index_cast %add3A_892 : i32 to index
      %swap3A_894 = tpu.vector_load %arg20[%swap3A_893] {strides = array<i32>} : memref<10240xf32, #tpu.memory_space<vmem>>, vector<16xf32>,
      tpu.vector_store %arg20[%swap3A_893], %scan3A_767#15 {strides = array<i32>} : memref<10240xf32, #tpu.memory_space<vmem>>, vector<16xf32>,
      %mul3A_895 = arith.constant 32 : i32
      %mul3A_896 = arith.muli %add3A_714, %mul3A_895 : i32
      %add3A_897 = arith.constant 7680 : i32
      %add3A_898 = arith.addi %add3A_897, %mul3A_896 : i32
      %add3A_899 = arith.constant 0 : i32
      %add3A_900 = arith.addi %add3A_898, %add3A_899 : i32
      %swap3A_901 = arith.index_cast %add3A_900 : i32 to index
      %swap3A_902 = tpu.vector_load %arg20[%swap3A_901] {strides = array<i32>} : memref<10240xf32, #tpu.memory_space<vmem>>, vector<16xf32>,
      tpu.vector_store %arg20[%swap3A_901], %scan3A_767#16 {strides = array<i32>} : memref<10240xf32, #tpu.memory_space<vmem>>, vector<16xf32>,
      %mul3A_903 = arith.constant 32 : i32
      %mul3A_904 = arith.muli %add3A_714, %mul3A_903 : i32
      %add3A_905 = arith.constant 8192 : i32
      %add3A_906 = arith.addi %add3A_905, %mul3A_904 : i32
      %add3A_907 = arith.constant 0 : i32
      %add3A_908 = arith.addi %add3A_906, %add3A_907 : i32
      %swap3A_909 = arith.index_cast %add3A_908 : i32 to index
      %swap3A_910 = tpu.vector_load %arg20[%swap3A_909] {strides = array<i32>} : memref<10240xf32, #tpu.memory_space<vmem>>, vector<16xf32>,
      tpu.vector_store %arg20[%swap3A_909], %scan3A_767#17 {strides = array<i32>} : memref<10240xf32, #tpu.memory_space<vmem>>, vector<16xf32>,
      %mul3A_911 = arith.constant 32 : i32
      %mul3A_912 = arith.muli %add3A_714, %mul3A_911 : i32
      %add3A_913 = arith.constant 8704 : i32
      %add3A_914 = arith.addi %add3A_913, %mul3A_912 : i32
      %add3A_915 = arith.constant 0 : i32
      %add3A_916 = arith.addi %add3A_914, %add3A_915 : i32
      %swap3A_917 = arith.index_cast %add3A_916 : i32 to index
      %swap3A_918 = tpu.vector_load %arg20[%swap3A_917] {strides = array<i32>} : memref<10240xf32, #tpu.memory_space<vmem>>, vector<16xf32>,
      tpu.vector_store %arg20[%swap3A_917], %scan3A_767#18 {strides = array<i32>} : memref<10240xf32, #tpu.memory_space<vmem>>, vector<16xf32>,
      %mul3A_919 = arith.constant 32 : i32
      %mul3A_920 = arith.muli %add3A_714, %mul3A_919 : i32
      %add3A_921 = arith.constant 9216 : i32
      %add3A_922 = arith.addi %add3A_921, %mul3A_920 : i32
      %add3A_923 = arith.constant 0 : i32
      %add3A_924 = arith.addi %add3A_922, %add3A_923 : i32
      %swap3A_925 = arith.index_cast %add3A_924 : i32 to index
      %swap3A_926 = tpu.vector_load %arg20[%swap3A_925] {strides = array<i32>} : memref<10240xf32, #tpu.memory_space<vmem>>, vector<16xf32>,
      tpu.vector_store %arg20[%swap3A_925], %scan3A_767#19 {strides = array<i32>} : memref<10240xf32, #tpu.memory_space<vmem>>, vector<16xf32>,
      %mul3A_927 = arith.constant 32 : i32
      %mul3A_928 = arith.muli %add3A_714, %mul3A_927 : i32
      %add3A_929 = arith.constant 9728 : i32
      %add3A_930 = arith.addi %add3A_929, %mul3A_928 : i32
      %add3A_931 = arith.constant 0 : i32
      %add3A_932 = arith.addi %add3A_930, %add3A_931 : i32
      %swap3A_933 = arith.index_cast %add3A_932 : i32 to index
      %swap3A_934 = tpu.vector_load %arg20[%swap3A_933] {strides = array<i32>} : memref<10240xf32, #tpu.memory_space<vmem>>, vector<16xf32>,
      tpu.vector_store %arg20[%swap3A_933], %scan3A_767#20 {strides = array<i32>} : memref<10240xf32, #tpu.memory_space<vmem>>, vector<16xf32>,
      %add3A_935 = arith.constant 16 : i32
      %add3A_936 = vector.broadcast %add3A_935 : i32 to vector<16xi32>
      %add3A_937 = arith.addi %iota3A, %add3A_936 : vector<16xi32>
      %mul3A_938 = arith.constant 20 : i32
      %mul3A_939 = vector.broadcast %mul3A_938 : i32 to vector<16xi32>
      %mul3A_940 = arith.muli %add3A_937, %mul3A_939 : vector<16xi32>
      %broadcast_in_dim3A_941 = arith.constant 0.000000e+00 : f32
      %broadcast_in_dim3A_942 = vector.broadcast %broadcast_in_dim3A_941 : f32 to vector<16xf32>
      %broadcast_in_dim3A_943 = arith.constant 0.000000e+00 : f32
      %broadcast_in_dim3A_944 = vector.broadcast %broadcast_in_dim3A_943 : f32 to vector<16xf32>
      %broadcast_in_dim3A_945 = arith.constant 0.000000e+00 : f32
      %broadcast_in_dim3A_946 = vector.broadcast %broadcast_in_dim3A_945 : f32 to vector<16xf32>
      %broadcast_in_dim3A_947 = arith.constant 0.000000e+00 : f32
      %broadcast_in_dim3A_948 = vector.broadcast %broadcast_in_dim3A_947 : f32 to vector<16xf32>
      %broadcast_in_dim3A_949 = arith.constant 0.000000e+00 : f32
      %broadcast_in_dim3A_950 = vector.broadcast %broadcast_in_dim3A_949 : f32 to vector<16xf32>
      %broadcast_in_dim3A_951 = arith.constant 0.000000e+00 : f32
      %broadcast_in_dim3A_952 = vector.broadcast %broadcast_in_dim3A_951 : f32 to vector<16xf32>
      %broadcast_in_dim3A_953 = arith.constant 0.000000e+00 : f32
      %broadcast_in_dim3A_954 = vector.broadcast %broadcast_in_dim3A_953 : f32 to vector<16xf32>
      %broadcast_in_dim3A_955 = arith.constant 0.000000e+00 : f32
      %broadcast_in_dim3A_956 = vector.broadcast %broadcast_in_dim3A_955 : f32 to vector<16xf32>
      %broadcast_in_dim3A_957 = arith.constant 0.000000e+00 : f32
      %broadcast_in_dim3A_958 = vector.broadcast %broadcast_in_dim3A_957 : f32 to vector<16xf32>
      %broadcast_in_dim3A_959 = arith.constant 0.000000e+00 : f32
      %broadcast_in_dim3A_960 = vector.broadcast %broadcast_in_dim3A_959 : f32 to vector<16xf32>
      %broadcast_in_dim3A_961 = arith.constant 0.000000e+00 : f32
      %broadcast_in_dim3A_962 = vector.broadcast %broadcast_in_dim3A_961 : f32 to vector<16xf32>
      %broadcast_in_dim3A_963 = arith.constant 0.000000e+00 : f32
      %broadcast_in_dim3A_964 = vector.broadcast %broadcast_in_dim3A_963 : f32 to vector<16xf32>
      %broadcast_in_dim3A_965 = arith.constant 0.000000e+00 : f32
      %broadcast_in_dim3A_966 = vector.broadcast %broadcast_in_dim3A_965 : f32 to vector<16xf32>
      %broadcast_in_dim3A_967 = arith.constant 0.000000e+00 : f32
      %broadcast_in_dim3A_968 = vector.broadcast %broadcast_in_dim3A_967 : f32 to vector<16xf32>
      %broadcast_in_dim3A_969 = arith.constant 0.000000e+00 : f32
      %broadcast_in_dim3A_970 = vector.broadcast %broadcast_in_dim3A_969 : f32 to vector<16xf32>
      %broadcast_in_dim3A_971 = arith.constant 0.000000e+00 : f32
      %broadcast_in_dim3A_972 = vector.broadcast %broadcast_in_dim3A_971 : f32 to vector<16xf32>
      %broadcast_in_dim3A_973 = arith.constant 0.000000e+00 : f32
      %broadcast_in_dim3A_974 = vector.broadcast %broadcast_in_dim3A_973 : f32 to vector<16xf32>
      %broadcast_in_dim3A_975 = arith.constant 0.000000e+00 : f32
      %broadcast_in_dim3A_976 = vector.broadcast %broadcast_in_dim3A_975 : f32 to vector<16xf32>
      %broadcast_in_dim3A_977 = arith.constant 0.000000e+00 : f32
      %broadcast_in_dim3A_978 = vector.broadcast %broadcast_in_dim3A_977 : f32 to vector<16xf32>
      %broadcast_in_dim3A_979 = arith.constant 0.000000e+00 : f32
      %broadcast_in_dim3A_980 = vector.broadcast %broadcast_in_dim3A_979 : f32 to vector<16xf32>
      %broadcast_in_dim3A_981 = arith.constant 0.000000e+00 : f32
      %broadcast_in_dim3A_982 = vector.broadcast %broadcast_in_dim3A_981 : f32 to vector<16xf32>
      %scan3A_983 = arith.constant 0 : i32
      %scan3A_984 = arith.constant 64 : i32
      %scan3A_985 = arith.addi %scan3A_983, %scan3A_984 : i32
      %scan3A_986 = arith.constant 1 : i32
      %scan3A_987:21 = scf.for %scan3A_1156 = %scan3A_983 to %scan3A_985 step %scan3A_986 iter_args(%scan3A_1157 = %broadcast_in_dim3A_942, %scan3A_1158 = %broadcast_in_dim3A_944, %scan3A_1159 = %broadcast_in_dim3A_946, %scan3A_1160 = %broadcast_in_dim3A_948, %scan3A_1161 = %broadcast_in_dim3A_950, %scan3A_1162 = %broadcast_in_dim3A_952, %scan3A_1163 = %broadcast_in_dim3A_954, %scan3A_1164 = %broadcast_in_dim3A_956, %scan3A_1165 = %broadcast_in_dim3A_958, %scan3A_1166 = %broadcast_in_dim3A_960, %scan3A_1167 = %broadcast_in_dim3A_962, %scan3A_1168 = %broadcast_in_dim3A_964, %scan3A_1169 = %broadcast_in_dim3A_966, %scan3A_1170 = %broadcast_in_dim3A_968, %scan3A_1171 = %broadcast_in_dim3A_970, %scan3A_1172 = %broadcast_in_dim3A_972, %scan3A_1173 = %broadcast_in_dim3A_974, %scan3A_1174 = %broadcast_in_dim3A_976, %scan3A_1175 = %broadcast_in_dim3A_978, %scan3A_1176 = %broadcast_in_dim3A_980, %scan3A_1177 = %broadcast_in_dim3A_982) -> (vector<16xf32>, vector<16xf32>, vector<16xf32>, vector<16xf32>, vector<16xf32>, vector<16xf32>, vector<16xf32>, vector<16xf32>, vector<16xf32>, vector<16xf32>, vector<16xf32>, vector<16xf32>, vector<16xf32>, vector<16xf32>, vector<16xf32>, vector<16xf32>, vector<16xf32>, vector<16xf32>, vector<16xf32>, vector<16xf32>, vector<16xf32>)  : i32 {
        %broadcast_in_dim3A_1178 = arith.constant 0 : i32
        %broadcast_in_dim3A_1179 = vector.broadcast %broadcast_in_dim3A_1178 : i32 to vector<16xi32>
        %add3A_1180 = vector.broadcast %scan3A_1156 : i32 to vector<16xi32>
        %add3A_1181 = arith.addi %broadcast_in_dim3A_1179, %add3A_1180 : vector<16xi32>
        %gather3A = tpu.vector_load_idx %arg14[%add3A_937, %add3A_1181] : memref<32x64xf32, #tpu.memory_space<vmem>>[vector<16xi32>, vector<16xi32>], vector<16xf32>,
        %gather3A_1182 = tpu.vector_load_idx %arg15[%add3A_937, %add3A_1181] : memref<32x64xf32, #tpu.memory_space<vmem>>[vector<16xi32>, vector<16xi32>], vector<16xf32>,
        %mul3A_1183 = arith.mulf %gather3A, %gather3A_1182 : vector<16xf32>
        %add3A_1184 = arith.addf %scan3A_1157, %mul3A_1183 : vector<16xf32>
        %add3A_1185 = arith.constant 0 : i32
        %add3A_1186 = vector.broadcast %add3A_1185 : i32 to vector<16xi32>
        %add3A_1187 = arith.addi %mul3A_940, %add3A_1186 : vector<16xi32>
        %gather3A_1188 = tpu.vector_load_idx %arg16[%add3A_1187, %add3A_1181] : memref<640x64xf32, #tpu.memory_space<vmem>>[vector<16xi32>, vector<16xi32>], vector<16xf32>,
        %mul3A_1189 = arith.mulf %gather3A, %gather3A_1188 : vector<16xf32>
        %add3A_1190 = arith.addf %scan3A_1158, %mul3A_1189 : vector<16xf32>
        %add3A_1191 = arith.constant 1 : i32
        %add3A_1192 = vector.broadcast %add3A_1191 : i32 to vector<16xi32>
        %add3A_1193 = arith.addi %mul3A_940, %add3A_1192 : vector<16xi32>
        %gather3A_1194 = tpu.vector_load_idx %arg16[%add3A_1193, %add3A_1181] : memref<640x64xf32, #tpu.memory_space<vmem>>[vector<16xi32>, vector<16xi32>], vector<16xf32>,
        %mul3A_1195 = arith.mulf %gather3A, %gather3A_1194 : vector<16xf32>
        %add3A_1196 = arith.addf %scan3A_1159, %mul3A_1195 : vector<16xf32>
        %add3A_1197 = arith.constant 2 : i32
        %add3A_1198 = vector.broadcast %add3A_1197 : i32 to vector<16xi32>
        %add3A_1199 = arith.addi %mul3A_940, %add3A_1198 : vector<16xi32>
        %gather3A_1200 = tpu.vector_load_idx %arg16[%add3A_1199, %add3A_1181] : memref<640x64xf32, #tpu.memory_space<vmem>>[vector<16xi32>, vector<16xi32>], vector<16xf32>,
        %mul3A_1201 = arith.mulf %gather3A, %gather3A_1200 : vector<16xf32>
        %add3A_1202 = arith.addf %scan3A_1160, %mul3A_1201 : vector<16xf32>
        %add3A_1203 = arith.constant 3 : i32
        %add3A_1204 = vector.broadcast %add3A_1203 : i32 to vector<16xi32>
        %add3A_1205 = arith.addi %mul3A_940, %add3A_1204 : vector<16xi32>
        %gather3A_1206 = tpu.vector_load_idx %arg16[%add3A_1205, %add3A_1181] : memref<640x64xf32, #tpu.memory_space<vmem>>[vector<16xi32>, vector<16xi32>], vector<16xf32>,
        %mul3A_1207 = arith.mulf %gather3A, %gather3A_1206 : vector<16xf32>
        %add3A_1208 = arith.addf %scan3A_1161, %mul3A_1207 : vector<16xf32>
        %add3A_1209 = arith.constant 4 : i32
        %add3A_1210 = vector.broadcast %add3A_1209 : i32 to vector<16xi32>
        %add3A_1211 = arith.addi %mul3A_940, %add3A_1210 : vector<16xi32>
        %gather3A_1212 = tpu.vector_load_idx %arg16[%add3A_1211, %add3A_1181] : memref<640x64xf32, #tpu.memory_space<vmem>>[vector<16xi32>, vector<16xi32>], vector<16xf32>,
        %mul3A_1213 = arith.mulf %gather3A, %gather3A_1212 : vector<16xf32>
        %add3A_1214 = arith.addf %scan3A_1162, %mul3A_1213 : vector<16xf32>
        %add3A_1215 = arith.constant 5 : i32
        %add3A_1216 = vector.broadcast %add3A_1215 : i32 to vector<16xi32>
        %add3A_1217 = arith.addi %mul3A_940, %add3A_1216 : vector<16xi32>
        %gather3A_1218 = tpu.vector_load_idx %arg16[%add3A_1217, %add3A_1181] : memref<640x64xf32, #tpu.memory_space<vmem>>[vector<16xi32>, vector<16xi32>], vector<16xf32>,
        %mul3A_1219 = arith.mulf %gather3A, %gather3A_1218 : vector<16xf32>
        %add3A_1220 = arith.addf %scan3A_1163, %mul3A_1219 : vector<16xf32>
        %add3A_1221 = arith.constant 6 : i32
        %add3A_1222 = vector.broadcast %add3A_1221 : i32 to vector<16xi32>
        %add3A_1223 = arith.addi %mul3A_940, %add3A_1222 : vector<16xi32>
        %gather3A_1224 = tpu.vector_load_idx %arg16[%add3A_1223, %add3A_1181] : memref<640x64xf32, #tpu.memory_space<vmem>>[vector<16xi32>, vector<16xi32>], vector<16xf32>,
        %mul3A_1225 = arith.mulf %gather3A, %gather3A_1224 : vector<16xf32>
        %add3A_1226 = arith.addf %scan3A_1164, %mul3A_1225 : vector<16xf32>
        %add3A_1227 = arith.constant 7 : i32
        %add3A_1228 = vector.broadcast %add3A_1227 : i32 to vector<16xi32>
        %add3A_1229 = arith.addi %mul3A_940, %add3A_1228 : vector<16xi32>
        %gather3A_1230 = tpu.vector_load_idx %arg16[%add3A_1229, %add3A_1181] : memref<640x64xf32, #tpu.memory_space<vmem>>[vector<16xi32>, vector<16xi32>], vector<16xf32>,
        %mul3A_1231 = arith.mulf %gather3A, %gather3A_1230 : vector<16xf32>
        %add3A_1232 = arith.addf %scan3A_1165, %mul3A_1231 : vector<16xf32>
        %add3A_1233 = arith.constant 8 : i32
        %add3A_1234 = vector.broadcast %add3A_1233 : i32 to vector<16xi32>
        %add3A_1235 = arith.addi %mul3A_940, %add3A_1234 : vector<16xi32>
        %gather3A_1236 = tpu.vector_load_idx %arg16[%add3A_1235, %add3A_1181] : memref<640x64xf32, #tpu.memory_space<vmem>>[vector<16xi32>, vector<16xi32>], vector<16xf32>,
        %mul3A_1237 = arith.mulf %gather3A, %gather3A_1236 : vector<16xf32>
        %add3A_1238 = arith.addf %scan3A_1166, %mul3A_1237 : vector<16xf32>
        %add3A_1239 = arith.constant 9 : i32
        %add3A_1240 = vector.broadcast %add3A_1239 : i32 to vector<16xi32>
        %add3A_1241 = arith.addi %mul3A_940, %add3A_1240 : vector<16xi32>
        %gather3A_1242 = tpu.vector_load_idx %arg16[%add3A_1241, %add3A_1181] : memref<640x64xf32, #tpu.memory_space<vmem>>[vector<16xi32>, vector<16xi32>], vector<16xf32>,
        %mul3A_1243 = arith.mulf %gather3A, %gather3A_1242 : vector<16xf32>
        %add3A_1244 = arith.addf %scan3A_1167, %mul3A_1243 : vector<16xf32>
        %add3A_1245 = arith.constant 10 : i32
        %add3A_1246 = vector.broadcast %add3A_1245 : i32 to vector<16xi32>
        %add3A_1247 = arith.addi %mul3A_940, %add3A_1246 : vector<16xi32>
        %gather3A_1248 = tpu.vector_load_idx %arg16[%add3A_1247, %add3A_1181] : memref<640x64xf32, #tpu.memory_space<vmem>>[vector<16xi32>, vector<16xi32>], vector<16xf32>,
        %mul3A_1249 = arith.mulf %gather3A, %gather3A_1248 : vector<16xf32>
        %add3A_1250 = arith.addf %scan3A_1168, %mul3A_1249 : vector<16xf32>
        %add3A_1251 = arith.constant 11 : i32
        %add3A_1252 = vector.broadcast %add3A_1251 : i32 to vector<16xi32>
        %add3A_1253 = arith.addi %mul3A_940, %add3A_1252 : vector<16xi32>
        %gather3A_1254 = tpu.vector_load_idx %arg16[%add3A_1253, %add3A_1181] : memref<640x64xf32, #tpu.memory_space<vmem>>[vector<16xi32>, vector<16xi32>], vector<16xf32>,
        %mul3A_1255 = arith.mulf %gather3A, %gather3A_1254 : vector<16xf32>
        %add3A_1256 = arith.addf %scan3A_1169, %mul3A_1255 : vector<16xf32>
        %add3A_1257 = arith.constant 12 : i32
        %add3A_1258 = vector.broadcast %add3A_1257 : i32 to vector<16xi32>
        %add3A_1259 = arith.addi %mul3A_940, %add3A_1258 : vector<16xi32>
        %gather3A_1260 = tpu.vector_load_idx %arg16[%add3A_1259, %add3A_1181] : memref<640x64xf32, #tpu.memory_space<vmem>>[vector<16xi32>, vector<16xi32>], vector<16xf32>,
        %mul3A_1261 = arith.mulf %gather3A, %gather3A_1260 : vector<16xf32>
        %add3A_1262 = arith.addf %scan3A_1170, %mul3A_1261 : vector<16xf32>
        %add3A_1263 = arith.constant 13 : i32
        %add3A_1264 = vector.broadcast %add3A_1263 : i32 to vector<16xi32>
        %add3A_1265 = arith.addi %mul3A_940, %add3A_1264 : vector<16xi32>
        %gather3A_1266 = tpu.vector_load_idx %arg16[%add3A_1265, %add3A_1181] : memref<640x64xf32, #tpu.memory_space<vmem>>[vector<16xi32>, vector<16xi32>], vector<16xf32>,
        %mul3A_1267 = arith.mulf %gather3A, %gather3A_1266 : vector<16xf32>
        %add3A_1268 = arith.addf %scan3A_1171, %mul3A_1267 : vector<16xf32>
        %add3A_1269 = arith.constant 14 : i32
        %add3A_1270 = vector.broadcast %add3A_1269 : i32 to vector<16xi32>
        %add3A_1271 = arith.addi %mul3A_940, %add3A_1270 : vector<16xi32>
        %gather3A_1272 = tpu.vector_load_idx %arg16[%add3A_1271, %add3A_1181] : memref<640x64xf32, #tpu.memory_space<vmem>>[vector<16xi32>, vector<16xi32>], vector<16xf32>,
        %mul3A_1273 = arith.mulf %gather3A, %gather3A_1272 : vector<16xf32>
        %add3A_1274 = arith.addf %scan3A_1172, %mul3A_1273 : vector<16xf32>
        %add3A_1275 = arith.constant 15 : i32
        %add3A_1276 = vector.broadcast %add3A_1275 : i32 to vector<16xi32>
        %add3A_1277 = arith.addi %mul3A_940, %add3A_1276 : vector<16xi32>
        %gather3A_1278 = tpu.vector_load_idx %arg16[%add3A_1277, %add3A_1181] : memref<640x64xf32, #tpu.memory_space<vmem>>[vector<16xi32>, vector<16xi32>], vector<16xf32>,
        %mul3A_1279 = arith.mulf %gather3A, %gather3A_1278 : vector<16xf32>
        %add3A_1280 = arith.addf %scan3A_1173, %mul3A_1279 : vector<16xf32>
        %add3A_1281 = arith.constant 16 : i32
        %add3A_1282 = vector.broadcast %add3A_1281 : i32 to vector<16xi32>
        %add3A_1283 = arith.addi %mul3A_940, %add3A_1282 : vector<16xi32>
        %gather3A_1284 = tpu.vector_load_idx %arg16[%add3A_1283, %add3A_1181] : memref<640x64xf32, #tpu.memory_space<vmem>>[vector<16xi32>, vector<16xi32>], vector<16xf32>,
        %mul3A_1285 = arith.mulf %gather3A, %gather3A_1284 : vector<16xf32>
        %add3A_1286 = arith.addf %scan3A_1174, %mul3A_1285 : vector<16xf32>
        %add3A_1287 = arith.constant 17 : i32
        %add3A_1288 = vector.broadcast %add3A_1287 : i32 to vector<16xi32>
        %add3A_1289 = arith.addi %mul3A_940, %add3A_1288 : vector<16xi32>
        %gather3A_1290 = tpu.vector_load_idx %arg16[%add3A_1289, %add3A_1181] : memref<640x64xf32, #tpu.memory_space<vmem>>[vector<16xi32>, vector<16xi32>], vector<16xf32>,
        %mul3A_1291 = arith.mulf %gather3A, %gather3A_1290 : vector<16xf32>
        %add3A_1292 = arith.addf %scan3A_1175, %mul3A_1291 : vector<16xf32>
        %add3A_1293 = arith.constant 18 : i32
        %add3A_1294 = vector.broadcast %add3A_1293 : i32 to vector<16xi32>
        %add3A_1295 = arith.addi %mul3A_940, %add3A_1294 : vector<16xi32>
        %gather3A_1296 = tpu.vector_load_idx %arg16[%add3A_1295, %add3A_1181] : memref<640x64xf32, #tpu.memory_space<vmem>>[vector<16xi32>, vector<16xi32>], vector<16xf32>,
        %mul3A_1297 = arith.mulf %gather3A, %gather3A_1296 : vector<16xf32>
        %add3A_1298 = arith.addf %scan3A_1176, %mul3A_1297 : vector<16xf32>
        %add3A_1299 = arith.constant 19 : i32
        %add3A_1300 = vector.broadcast %add3A_1299 : i32 to vector<16xi32>
        %add3A_1301 = arith.addi %mul3A_940, %add3A_1300 : vector<16xi32>
        %gather3A_1302 = tpu.vector_load_idx %arg16[%add3A_1301, %add3A_1181] : memref<640x64xf32, #tpu.memory_space<vmem>>[vector<16xi32>, vector<16xi32>], vector<16xf32>,
        %mul3A_1303 = arith.mulf %gather3A, %gather3A_1302 : vector<16xf32>
        %add3A_1304 = arith.addf %scan3A_1177, %mul3A_1303 : vector<16xf32>
        scf.yield %add3A_1184, %add3A_1190, %add3A_1196, %add3A_1202, %add3A_1208, %add3A_1214, %add3A_1220, %add3A_1226, %add3A_1232, %add3A_1238, %add3A_1244, %add3A_1250, %add3A_1256, %add3A_1262, %add3A_1268, %add3A_1274, %add3A_1280, %add3A_1286, %add3A_1292, %add3A_1298, %add3A_1304 : vector<16xf32>, vector<16xf32>, vector<16xf32>, vector<16xf32>, vector<16xf32>, vector<16xf32>, vector<16xf32>, vector<16xf32>, vector<16xf32>, vector<16xf32>, vector<16xf32>, vector<16xf32>, vector<16xf32>, vector<16xf32>, vector<16xf32>, vector<16xf32>, vector<16xf32>, vector<16xf32>, vector<16xf32>, vector<16xf32>, vector<16xf32>
      }
      %scan3A_988 = arith.constant 64 : i32
      %mul3A_989 = arith.constant 32 : i32
      %mul3A_990 = arith.muli %add3A_714, %mul3A_989 : i32
      %add3A_991 = arith.constant 16 : i32
      %add3A_992 = arith.addi %mul3A_990, %add3A_991 : i32
      %swap3A_993 = arith.index_cast %add3A_992 : i32 to index
      %swap3A_994 = tpu.vector_load %arg19[%swap3A_993] {strides = array<i32>} : memref<512xf32, #tpu.memory_space<vmem>>, vector<16xf32>,
      tpu.vector_store %arg19[%swap3A_993], %scan3A_987#0 {strides = array<i32>} : memref<512xf32, #tpu.memory_space<vmem>>, vector<16xf32>,
      %mul3A_995 = arith.constant 32 : i32
      %mul3A_996 = arith.muli %add3A_714, %mul3A_995 : i32
      %add3A_997 = arith.constant 0 : i32
      %add3A_998 = arith.addi %add3A_997, %mul3A_996 : i32
      %add3A_999 = arith.constant 16 : i32
      %add3A_1000 = arith.addi %add3A_998, %add3A_999 : i32
      %swap3A_1001 = arith.index_cast %add3A_1000 : i32 to index
      %swap3A_1002 = tpu.vector_load %arg20[%swap3A_1001] {strides = array<i32>} : memref<10240xf32, #tpu.memory_space<vmem>>, vector<16xf32>,
      tpu.vector_store %arg20[%swap3A_1001], %scan3A_987#1 {strides = array<i32>} : memref<10240xf32, #tpu.memory_space<vmem>>, vector<16xf32>,
      %mul3A_1003 = arith.constant 32 : i32
      %mul3A_1004 = arith.muli %add3A_714, %mul3A_1003 : i32
      %add3A_1005 = arith.constant 512 : i32
      %add3A_1006 = arith.addi %add3A_1005, %mul3A_1004 : i32
      %add3A_1007 = arith.constant 16 : i32
      %add3A_1008 = arith.addi %add3A_1006, %add3A_1007 : i32
      %swap3A_1009 = arith.index_cast %add3A_1008 : i32 to index
      %swap3A_1010 = tpu.vector_load %arg20[%swap3A_1009] {strides = array<i32>} : memref<10240xf32, #tpu.memory_space<vmem>>, vector<16xf32>,
      tpu.vector_store %arg20[%swap3A_1009], %scan3A_987#2 {strides = array<i32>} : memref<10240xf32, #tpu.memory_space<vmem>>, vector<16xf32>,
      %mul3A_1011 = arith.constant 32 : i32
      %mul3A_1012 = arith.muli %add3A_714, %mul3A_1011 : i32
      %add3A_1013 = arith.constant 1024 : i32
      %add3A_1014 = arith.addi %add3A_1013, %mul3A_1012 : i32
      %add3A_1015 = arith.constant 16 : i32
      %add3A_1016 = arith.addi %add3A_1014, %add3A_1015 : i32
      %swap3A_1017 = arith.index_cast %add3A_1016 : i32 to index
      %swap3A_1018 = tpu.vector_load %arg20[%swap3A_1017] {strides = array<i32>} : memref<10240xf32, #tpu.memory_space<vmem>>, vector<16xf32>,
      tpu.vector_store %arg20[%swap3A_1017], %scan3A_987#3 {strides = array<i32>} : memref<10240xf32, #tpu.memory_space<vmem>>, vector<16xf32>,
      %mul3A_1019 = arith.constant 32 : i32
      %mul3A_1020 = arith.muli %add3A_714, %mul3A_1019 : i32
      %add3A_1021 = arith.constant 1536 : i32
      %add3A_1022 = arith.addi %add3A_1021, %mul3A_1020 : i32
      %add3A_1023 = arith.constant 16 : i32
      %add3A_1024 = arith.addi %add3A_1022, %add3A_1023 : i32
      %swap3A_1025 = arith.index_cast %add3A_1024 : i32 to index
      %swap3A_1026 = tpu.vector_load %arg20[%swap3A_1025] {strides = array<i32>} : memref<10240xf32, #tpu.memory_space<vmem>>, vector<16xf32>,
      tpu.vector_store %arg20[%swap3A_1025], %scan3A_987#4 {strides = array<i32>} : memref<10240xf32, #tpu.memory_space<vmem>>, vector<16xf32>,
      %mul3A_1027 = arith.constant 32 : i32
      %mul3A_1028 = arith.muli %add3A_714, %mul3A_1027 : i32
      %add3A_1029 = arith.constant 2048 : i32
      %add3A_1030 = arith.addi %add3A_1029, %mul3A_1028 : i32
      %add3A_1031 = arith.constant 16 : i32
      %add3A_1032 = arith.addi %add3A_1030, %add3A_1031 : i32
      %swap3A_1033 = arith.index_cast %add3A_1032 : i32 to index
      %swap3A_1034 = tpu.vector_load %arg20[%swap3A_1033] {strides = array<i32>} : memref<10240xf32, #tpu.memory_space<vmem>>, vector<16xf32>,
      tpu.vector_store %arg20[%swap3A_1033], %scan3A_987#5 {strides = array<i32>} : memref<10240xf32, #tpu.memory_space<vmem>>, vector<16xf32>,
      %mul3A_1035 = arith.constant 32 : i32
      %mul3A_1036 = arith.muli %add3A_714, %mul3A_1035 : i32
      %add3A_1037 = arith.constant 2560 : i32
      %add3A_1038 = arith.addi %add3A_1037, %mul3A_1036 : i32
      %add3A_1039 = arith.constant 16 : i32
      %add3A_1040 = arith.addi %add3A_1038, %add3A_1039 : i32
      %swap3A_1041 = arith.index_cast %add3A_1040 : i32 to index
      %swap3A_1042 = tpu.vector_load %arg20[%swap3A_1041] {strides = array<i32>} : memref<10240xf32, #tpu.memory_space<vmem>>, vector<16xf32>,
      tpu.vector_store %arg20[%swap3A_1041], %scan3A_987#6 {strides = array<i32>} : memref<10240xf32, #tpu.memory_space<vmem>>, vector<16xf32>,
      %mul3A_1043 = arith.constant 32 : i32
      %mul3A_1044 = arith.muli %add3A_714, %mul3A_1043 : i32
      %add3A_1045 = arith.constant 3072 : i32
      %add3A_1046 = arith.addi %add3A_1045, %mul3A_1044 : i32
      %add3A_1047 = arith.constant 16 : i32
      %add3A_1048 = arith.addi %add3A_1046, %add3A_1047 : i32
      %swap3A_1049 = arith.index_cast %add3A_1048 : i32 to index
      %swap3A_1050 = tpu.vector_load %arg20[%swap3A_1049] {strides = array<i32>} : memref<10240xf32, #tpu.memory_space<vmem>>, vector<16xf32>,
      tpu.vector_store %arg20[%swap3A_1049], %scan3A_987#7 {strides = array<i32>} : memref<10240xf32, #tpu.memory_space<vmem>>, vector<16xf32>,
      %mul3A_1051 = arith.constant 32 : i32
      %mul3A_1052 = arith.muli %add3A_714, %mul3A_1051 : i32
      %add3A_1053 = arith.constant 3584 : i32
      %add3A_1054 = arith.addi %add3A_1053, %mul3A_1052 : i32
      %add3A_1055 = arith.constant 16 : i32
      %add3A_1056 = arith.addi %add3A_1054, %add3A_1055 : i32
      %swap3A_1057 = arith.index_cast %add3A_1056 : i32 to index
      %swap3A_1058 = tpu.vector_load %arg20[%swap3A_1057] {strides = array<i32>} : memref<10240xf32, #tpu.memory_space<vmem>>, vector<16xf32>,
      tpu.vector_store %arg20[%swap3A_1057], %scan3A_987#8 {strides = array<i32>} : memref<10240xf32, #tpu.memory_space<vmem>>, vector<16xf32>,
      %mul3A_1059 = arith.constant 32 : i32
      %mul3A_1060 = arith.muli %add3A_714, %mul3A_1059 : i32
      %add3A_1061 = arith.constant 4096 : i32
      %add3A_1062 = arith.addi %add3A_1061, %mul3A_1060 : i32
      %add3A_1063 = arith.constant 16 : i32
      %add3A_1064 = arith.addi %add3A_1062, %add3A_1063 : i32
      %swap3A_1065 = arith.index_cast %add3A_1064 : i32 to index
      %swap3A_1066 = tpu.vector_load %arg20[%swap3A_1065] {strides = array<i32>} : memref<10240xf32, #tpu.memory_space<vmem>>, vector<16xf32>,
      tpu.vector_store %arg20[%swap3A_1065], %scan3A_987#9 {strides = array<i32>} : memref<10240xf32, #tpu.memory_space<vmem>>, vector<16xf32>,
      %mul3A_1067 = arith.constant 32 : i32
      %mul3A_1068 = arith.muli %add3A_714, %mul3A_1067 : i32
      %add3A_1069 = arith.constant 4608 : i32
      %add3A_1070 = arith.addi %add3A_1069, %mul3A_1068 : i32
      %add3A_1071 = arith.constant 16 : i32
      %add3A_1072 = arith.addi %add3A_1070, %add3A_1071 : i32
      %swap3A_1073 = arith.index_cast %add3A_1072 : i32 to index
      %swap3A_1074 = tpu.vector_load %arg20[%swap3A_1073] {strides = array<i32>} : memref<10240xf32, #tpu.memory_space<vmem>>, vector<16xf32>,
      tpu.vector_store %arg20[%swap3A_1073], %scan3A_987#10 {strides = array<i32>} : memref<10240xf32, #tpu.memory_space<vmem>>, vector<16xf32>,
      %mul3A_1075 = arith.constant 32 : i32
      %mul3A_1076 = arith.muli %add3A_714, %mul3A_1075 : i32
      %add3A_1077 = arith.constant 5120 : i32
      %add3A_1078 = arith.addi %add3A_1077, %mul3A_1076 : i32
      %add3A_1079 = arith.constant 16 : i32
      %add3A_1080 = arith.addi %add3A_1078, %add3A_1079 : i32
      %swap3A_1081 = arith.index_cast %add3A_1080 : i32 to index
      %swap3A_1082 = tpu.vector_load %arg20[%swap3A_1081] {strides = array<i32>} : memref<10240xf32, #tpu.memory_space<vmem>>, vector<16xf32>,
      tpu.vector_store %arg20[%swap3A_1081], %scan3A_987#11 {strides = array<i32>} : memref<10240xf32, #tpu.memory_space<vmem>>, vector<16xf32>,
      %mul3A_1083 = arith.constant 32 : i32
      %mul3A_1084 = arith.muli %add3A_714, %mul3A_1083 : i32
      %add3A_1085 = arith.constant 5632 : i32
      %add3A_1086 = arith.addi %add3A_1085, %mul3A_1084 : i32
      %add3A_1087 = arith.constant 16 : i32
      %add3A_1088 = arith.addi %add3A_1086, %add3A_1087 : i32
      %swap3A_1089 = arith.index_cast %add3A_1088 : i32 to index
      %swap3A_1090 = tpu.vector_load %arg20[%swap3A_1089] {strides = array<i32>} : memref<10240xf32, #tpu.memory_space<vmem>>, vector<16xf32>,
      tpu.vector_store %arg20[%swap3A_1089], %scan3A_987#12 {strides = array<i32>} : memref<10240xf32, #tpu.memory_space<vmem>>, vector<16xf32>,
      %mul3A_1091 = arith.constant 32 : i32
      %mul3A_1092 = arith.muli %add3A_714, %mul3A_1091 : i32
      %add3A_1093 = arith.constant 6144 : i32
      %add3A_1094 = arith.addi %add3A_1093, %mul3A_1092 : i32
      %add3A_1095 = arith.constant 16 : i32
      %add3A_1096 = arith.addi %add3A_1094, %add3A_1095 : i32
      %swap3A_1097 = arith.index_cast %add3A_1096 : i32 to index
      %swap3A_1098 = tpu.vector_load %arg20[%swap3A_1097] {strides = array<i32>} : memref<10240xf32, #tpu.memory_space<vmem>>, vector<16xf32>,
      tpu.vector_store %arg20[%swap3A_1097], %scan3A_987#13 {strides = array<i32>} : memref<10240xf32, #tpu.memory_space<vmem>>, vector<16xf32>,
      %mul3A_1099 = arith.constant 32 : i32
      %mul3A_1100 = arith.muli %add3A_714, %mul3A_1099 : i32
      %add3A_1101 = arith.constant 6656 : i32
      %add3A_1102 = arith.addi %add3A_1101, %mul3A_1100 : i32
      %add3A_1103 = arith.constant 16 : i32
      %add3A_1104 = arith.addi %add3A_1102, %add3A_1103 : i32
      %swap3A_1105 = arith.index_cast %add3A_1104 : i32 to index
      %swap3A_1106 = tpu.vector_load %arg20[%swap3A_1105] {strides = array<i32>} : memref<10240xf32, #tpu.memory_space<vmem>>, vector<16xf32>,
      tpu.vector_store %arg20[%swap3A_1105], %scan3A_987#14 {strides = array<i32>} : memref<10240xf32, #tpu.memory_space<vmem>>, vector<16xf32>,
      %mul3A_1107 = arith.constant 32 : i32
      %mul3A_1108 = arith.muli %add3A_714, %mul3A_1107 : i32
      %add3A_1109 = arith.constant 7168 : i32
      %add3A_1110 = arith.addi %add3A_1109, %mul3A_1108 : i32
      %add3A_1111 = arith.constant 16 : i32
      %add3A_1112 = arith.addi %add3A_1110, %add3A_1111 : i32
      %swap3A_1113 = arith.index_cast %add3A_1112 : i32 to index
      %swap3A_1114 = tpu.vector_load %arg20[%swap3A_1113] {strides = array<i32>} : memref<10240xf32, #tpu.memory_space<vmem>>, vector<16xf32>,
      tpu.vector_store %arg20[%swap3A_1113], %scan3A_987#15 {strides = array<i32>} : memref<10240xf32, #tpu.memory_space<vmem>>, vector<16xf32>,
      %mul3A_1115 = arith.constant 32 : i32
      %mul3A_1116 = arith.muli %add3A_714, %mul3A_1115 : i32
      %add3A_1117 = arith.constant 7680 : i32
      %add3A_1118 = arith.addi %add3A_1117, %mul3A_1116 : i32
      %add3A_1119 = arith.constant 16 : i32
      %add3A_1120 = arith.addi %add3A_1118, %add3A_1119 : i32
      %swap3A_1121 = arith.index_cast %add3A_1120 : i32 to index
      %swap3A_1122 = tpu.vector_load %arg20[%swap3A_1121] {strides = array<i32>} : memref<10240xf32, #tpu.memory_space<vmem>>, vector<16xf32>,
      tpu.vector_store %arg20[%swap3A_1121], %scan3A_987#16 {strides = array<i32>} : memref<10240xf32, #tpu.memory_space<vmem>>, vector<16xf32>,
      %mul3A_1123 = arith.constant 32 : i32
      %mul3A_1124 = arith.muli %add3A_714, %mul3A_1123 : i32
      %add3A_1125 = arith.constant 8192 : i32
      %add3A_1126 = arith.addi %add3A_1125, %mul3A_1124 : i32
      %add3A_1127 = arith.constant 16 : i32
      %add3A_1128 = arith.addi %add3A_1126, %add3A_1127 : i32
      %swap3A_1129 = arith.index_cast %add3A_1128 : i32 to index
      %swap3A_1130 = tpu.vector_load %arg20[%swap3A_1129] {strides = array<i32>} : memref<10240xf32, #tpu.memory_space<vmem>>, vector<16xf32>,
      tpu.vector_store %arg20[%swap3A_1129], %scan3A_987#17 {strides = array<i32>} : memref<10240xf32, #tpu.memory_space<vmem>>, vector<16xf32>,
      %mul3A_1131 = arith.constant 32 : i32
      %mul3A_1132 = arith.muli %add3A_714, %mul3A_1131 : i32
      %add3A_1133 = arith.constant 8704 : i32
      %add3A_1134 = arith.addi %add3A_1133, %mul3A_1132 : i32
      %add3A_1135 = arith.constant 16 : i32
      %add3A_1136 = arith.addi %add3A_1134, %add3A_1135 : i32
      %swap3A_1137 = arith.index_cast %add3A_1136 : i32 to index
      %swap3A_1138 = tpu.vector_load %arg20[%swap3A_1137] {strides = array<i32>} : memref<10240xf32, #tpu.memory_space<vmem>>, vector<16xf32>,
      tpu.vector_store %arg20[%swap3A_1137], %scan3A_987#18 {strides = array<i32>} : memref<10240xf32, #tpu.memory_space<vmem>>, vector<16xf32>,
      %mul3A_1139 = arith.constant 32 : i32
      %mul3A_1140 = arith.muli %add3A_714, %mul3A_1139 : i32
      %add3A_1141 = arith.constant 9216 : i32
      %add3A_1142 = arith.addi %add3A_1141, %mul3A_1140 : i32
      %add3A_1143 = arith.constant 16 : i32
      %add3A_1144 = arith.addi %add3A_1142, %add3A_1143 : i32
      %swap3A_1145 = arith.index_cast %add3A_1144 : i32 to index
      %swap3A_1146 = tpu.vector_load %arg20[%swap3A_1145] {strides = array<i32>} : memref<10240xf32, #tpu.memory_space<vmem>>, vector<16xf32>,
      tpu.vector_store %arg20[%swap3A_1145], %scan3A_987#19 {strides = array<i32>} : memref<10240xf32, #tpu.memory_space<vmem>>, vector<16xf32>,
      %mul3A_1147 = arith.constant 32 : i32
      %mul3A_1148 = arith.muli %add3A_714, %mul3A_1147 : i32
      %add3A_1149 = arith.constant 9728 : i32
      %add3A_1150 = arith.addi %add3A_1149, %mul3A_1148 : i32
      %add3A_1151 = arith.constant 16 : i32
      %add3A_1152 = arith.addi %add3A_1150, %add3A_1151 : i32
      %swap3A_1153 = arith.index_cast %add3A_1152 : i32 to index
      %swap3A_1154 = tpu.vector_load %arg20[%swap3A_1153] {strides = array<i32>} : memref<10240xf32, #tpu.memory_space<vmem>>, vector<16xf32>,
      tpu.vector_store %arg20[%swap3A_1153], %scan3A_987#20 {strides = array<i32>} : memref<10240xf32, #tpu.memory_space<vmem>>, vector<16xf32>,
      %scan3A_1155 = arith.constant 0 : i32
      scf.yield %scan3A_1155 : i32
    }
    %scan3A_101 = arith.constant 8 : i32
    %mul3A_102 = arith.constant 512 : i32
    %mul3A_103 = arith.muli %add3A, %mul3A_102 : i32
    "tpu.region"() ({
      %run_scoped3A = tpu.sem_alloc : memref<!tpu.dma_semaphore, #tpu.memory_space<semaphore_mem>>
      %dma_start3A_144 = tpu.memref_slice %arg5[%mul3A_103] : memref<16384xf32, #tpu.memory_space<hbm>> -> memref<512xf32, #tpu.memory_space<hbm>>
      %dma_start3A_145 = tpu.memref_slice %arg5[%mul3A_103] : memref<16384xf32, #tpu.memory_space<hbm>> -> memref<512xf32, #tpu.memory_space<hbm>>
      tpu.enqueue_dma source(%arg19 : memref<512xf32, #tpu.memory_space<vmem>>) target(%dma_start3A_145 : memref<512xf32, #tpu.memory_space<hbm>>) target_semaphore(%run_scoped3A : memref<!tpu.dma_semaphore, #tpu.memory_space<semaphore_mem>>)
      %dma_wait3A_146 = tpu.memref_slice %arg5[%mul3A_103] : memref<16384xf32, #tpu.memory_space<hbm>> -> memref<512xf32, #tpu.memory_space<hbm>>
      %dma_wait3A_147 = tpu.memref_slice %arg5[%mul3A_103] : memref<16384xf32, #tpu.memory_space<hbm>> -> memref<512xf32, #tpu.memory_space<hbm>>
      tpu.wait_dma2 semaphore(%run_scoped3A : memref<!tpu.dma_semaphore, #tpu.memory_space<semaphore_mem>>) src(%arg19 : memref<512xf32, #tpu.memory_space<vmem>>) dst(%dma_wait3A_147 : memref<512xf32, #tpu.memory_space<hbm>>)
      tpu.yield
    }) : () -> ()
    %add3A_104 = arith.constant 0 : i32
    %add3A_105 = arith.addi %add3A_104, %mul3A_103 : i32
    "tpu.region"() ({
      %run_scoped3A = tpu.sem_alloc : memref<!tpu.dma_semaphore, #tpu.memory_space<semaphore_mem>>
      %dma_start3A_144 = arith.constant 0 : i32
      %dma_start3A_145 = tpu.memref_slice %arg20[%dma_start3A_144] : memref<10240xf32, #tpu.memory_space<vmem>> -> memref<512xf32, #tpu.memory_space<vmem>>
      %dma_start3A_146 = tpu.memref_slice %arg6[%add3A_105] : memref<327680xf32, #tpu.memory_space<hbm>> -> memref<512xf32, #tpu.memory_space<hbm>>
      %dma_start3A_147 = tpu.memref_slice %arg6[%add3A_105] : memref<327680xf32, #tpu.memory_space<hbm>> -> memref<512xf32, #tpu.memory_space<hbm>>
      %dma_start3A_148 = arith.constant 0 : i32
      %dma_start3A_149 = tpu.memref_slice %arg20[%dma_start3A_148] : memref<10240xf32, #tpu.memory_space<vmem>> -> memref<512xf32, #tpu.memory_space<vmem>>
      tpu.enqueue_dma source(%dma_start3A_149 : memref<512xf32, #tpu.memory_space<vmem>>) target(%dma_start3A_147 : memref<512xf32, #tpu.memory_space<hbm>>) target_semaphore(%run_scoped3A : memref<!tpu.dma_semaphore, #tpu.memory_space<semaphore_mem>>)
      %dma_wait3A_150 = arith.constant 0 : i32
      %dma_wait3A_151 = tpu.memref_slice %arg20[%dma_wait3A_150] : memref<10240xf32, #tpu.memory_space<vmem>> -> memref<512xf32, #tpu.memory_space<vmem>>
      %dma_wait3A_152 = tpu.memref_slice %arg6[%add3A_105] : memref<327680xf32, #tpu.memory_space<hbm>> -> memref<512xf32, #tpu.memory_space<hbm>>
      %dma_wait3A_153 = tpu.memref_slice %arg6[%add3A_105] : memref<327680xf32, #tpu.memory_space<hbm>> -> memref<512xf32, #tpu.memory_space<hbm>>
      %dma_wait3A_154 = arith.constant 0 : i32
      %dma_wait3A_155 = tpu.memref_slice %arg20[%dma_wait3A_154] : memref<10240xf32, #tpu.memory_space<vmem>> -> memref<512xf32, #tpu.memory_space<vmem>>
      tpu.wait_dma2 semaphore(%run_scoped3A : memref<!tpu.dma_semaphore, #tpu.memory_space<semaphore_mem>>) src(%dma_wait3A_155 : memref<512xf32, #tpu.memory_space<vmem>>) dst(%dma_wait3A_153 : memref<512xf32, #tpu.memory_space<hbm>>)
      tpu.yield
    }) : () -> ()
    %add3A_106 = arith.constant 16384 : i32
    %add3A_107 = arith.addi %add3A_106, %mul3A_103 : i32
    "tpu.region"() ({
      %run_scoped3A = tpu.sem_alloc : memref<!tpu.dma_semaphore, #tpu.memory_space<semaphore_mem>>
      %dma_start3A_144 = arith.constant 512 : i32
      %dma_start3A_145 = tpu.memref_slice %arg20[%dma_start3A_144] : memref<10240xf32, #tpu.memory_space<vmem>> -> memref<512xf32, #tpu.memory_space<vmem>>
      %dma_start3A_146 = tpu.memref_slice %arg6[%add3A_107] : memref<327680xf32, #tpu.memory_space<hbm>> -> memref<512xf32, #tpu.memory_space<hbm>>
      %dma_start3A_147 = tpu.memref_slice %arg6[%add3A_107] : memref<327680xf32, #tpu.memory_space<hbm>> -> memref<512xf32, #tpu.memory_space<hbm>>
      %dma_start3A_148 = arith.constant 512 : i32
      %dma_start3A_149 = tpu.memref_slice %arg20[%dma_start3A_148] : memref<10240xf32, #tpu.memory_space<vmem>> -> memref<512xf32, #tpu.memory_space<vmem>>
      tpu.enqueue_dma source(%dma_start3A_149 : memref<512xf32, #tpu.memory_space<vmem>>) target(%dma_start3A_147 : memref<512xf32, #tpu.memory_space<hbm>>) target_semaphore(%run_scoped3A : memref<!tpu.dma_semaphore, #tpu.memory_space<semaphore_mem>>)
      %dma_wait3A_150 = arith.constant 512 : i32
      %dma_wait3A_151 = tpu.memref_slice %arg20[%dma_wait3A_150] : memref<10240xf32, #tpu.memory_space<vmem>> -> memref<512xf32, #tpu.memory_space<vmem>>
      %dma_wait3A_152 = tpu.memref_slice %arg6[%add3A_107] : memref<327680xf32, #tpu.memory_space<hbm>> -> memref<512xf32, #tpu.memory_space<hbm>>
      %dma_wait3A_153 = tpu.memref_slice %arg6[%add3A_107] : memref<327680xf32, #tpu.memory_space<hbm>> -> memref<512xf32, #tpu.memory_space<hbm>>
      %dma_wait3A_154 = arith.constant 512 : i32
      %dma_wait3A_155 = tpu.memref_slice %arg20[%dma_wait3A_154] : memref<10240xf32, #tpu.memory_space<vmem>> -> memref<512xf32, #tpu.memory_space<vmem>>
      tpu.wait_dma2 semaphore(%run_scoped3A : memref<!tpu.dma_semaphore, #tpu.memory_space<semaphore_mem>>) src(%dma_wait3A_155 : memref<512xf32, #tpu.memory_space<vmem>>) dst(%dma_wait3A_153 : memref<512xf32, #tpu.memory_space<hbm>>)
      tpu.yield
    }) : () -> ()
    %add3A_108 = arith.constant 32768 : i32
    %add3A_109 = arith.addi %add3A_108, %mul3A_103 : i32
    "tpu.region"() ({
      %run_scoped3A = tpu.sem_alloc : memref<!tpu.dma_semaphore, #tpu.memory_space<semaphore_mem>>
      %dma_start3A_144 = arith.constant 1024 : i32
      %dma_start3A_145 = tpu.memref_slice %arg20[%dma_start3A_144] : memref<10240xf32, #tpu.memory_space<vmem>> -> memref<512xf32, #tpu.memory_space<vmem>>
      %dma_start3A_146 = tpu.memref_slice %arg6[%add3A_109] : memref<327680xf32, #tpu.memory_space<hbm>> -> memref<512xf32, #tpu.memory_space<hbm>>
      %dma_start3A_147 = tpu.memref_slice %arg6[%add3A_109] : memref<327680xf32, #tpu.memory_space<hbm>> -> memref<512xf32, #tpu.memory_space<hbm>>
      %dma_start3A_148 = arith.constant 1024 : i32
      %dma_start3A_149 = tpu.memref_slice %arg20[%dma_start3A_148] : memref<10240xf32, #tpu.memory_space<vmem>> -> memref<512xf32, #tpu.memory_space<vmem>>
      tpu.enqueue_dma source(%dma_start3A_149 : memref<512xf32, #tpu.memory_space<vmem>>) target(%dma_start3A_147 : memref<512xf32, #tpu.memory_space<hbm>>) target_semaphore(%run_scoped3A : memref<!tpu.dma_semaphore, #tpu.memory_space<semaphore_mem>>)
      %dma_wait3A_150 = arith.constant 1024 : i32
      %dma_wait3A_151 = tpu.memref_slice %arg20[%dma_wait3A_150] : memref<10240xf32, #tpu.memory_space<vmem>> -> memref<512xf32, #tpu.memory_space<vmem>>
      %dma_wait3A_152 = tpu.memref_slice %arg6[%add3A_109] : memref<327680xf32, #tpu.memory_space<hbm>> -> memref<512xf32, #tpu.memory_space<hbm>>
      %dma_wait3A_153 = tpu.memref_slice %arg6[%add3A_109] : memref<327680xf32, #tpu.memory_space<hbm>> -> memref<512xf32, #tpu.memory_space<hbm>>
      %dma_wait3A_154 = arith.constant 1024 : i32
      %dma_wait3A_155 = tpu.memref_slice %arg20[%dma_wait3A_154] : memref<10240xf32, #tpu.memory_space<vmem>> -> memref<512xf32, #tpu.memory_space<vmem>>
      tpu.wait_dma2 semaphore(%run_scoped3A : memref<!tpu.dma_semaphore, #tpu.memory_space<semaphore_mem>>) src(%dma_wait3A_155 : memref<512xf32, #tpu.memory_space<vmem>>) dst(%dma_wait3A_153 : memref<512xf32, #tpu.memory_space<hbm>>)
      tpu.yield
    }) : () -> ()
    %add3A_110 = arith.constant 49152 : i32
    %add3A_111 = arith.addi %add3A_110, %mul3A_103 : i32
    "tpu.region"() ({
      %run_scoped3A = tpu.sem_alloc : memref<!tpu.dma_semaphore, #tpu.memory_space<semaphore_mem>>
      %dma_start3A_144 = arith.constant 1536 : i32
      %dma_start3A_145 = tpu.memref_slice %arg20[%dma_start3A_144] : memref<10240xf32, #tpu.memory_space<vmem>> -> memref<512xf32, #tpu.memory_space<vmem>>
      %dma_start3A_146 = tpu.memref_slice %arg6[%add3A_111] : memref<327680xf32, #tpu.memory_space<hbm>> -> memref<512xf32, #tpu.memory_space<hbm>>
      %dma_start3A_147 = tpu.memref_slice %arg6[%add3A_111] : memref<327680xf32, #tpu.memory_space<hbm>> -> memref<512xf32, #tpu.memory_space<hbm>>
      %dma_start3A_148 = arith.constant 1536 : i32
      %dma_start3A_149 = tpu.memref_slice %arg20[%dma_start3A_148] : memref<10240xf32, #tpu.memory_space<vmem>> -> memref<512xf32, #tpu.memory_space<vmem>>
      tpu.enqueue_dma source(%dma_start3A_149 : memref<512xf32, #tpu.memory_space<vmem>>) target(%dma_start3A_147 : memref<512xf32, #tpu.memory_space<hbm>>) target_semaphore(%run_scoped3A : memref<!tpu.dma_semaphore, #tpu.memory_space<semaphore_mem>>)
      %dma_wait3A_150 = arith.constant 1536 : i32
      %dma_wait3A_151 = tpu.memref_slice %arg20[%dma_wait3A_150] : memref<10240xf32, #tpu.memory_space<vmem>> -> memref<512xf32, #tpu.memory_space<vmem>>
      %dma_wait3A_152 = tpu.memref_slice %arg6[%add3A_111] : memref<327680xf32, #tpu.memory_space<hbm>> -> memref<512xf32, #tpu.memory_space<hbm>>
      %dma_wait3A_153 = tpu.memref_slice %arg6[%add3A_111] : memref<327680xf32, #tpu.memory_space<hbm>> -> memref<512xf32, #tpu.memory_space<hbm>>
      %dma_wait3A_154 = arith.constant 1536 : i32
      %dma_wait3A_155 = tpu.memref_slice %arg20[%dma_wait3A_154] : memref<10240xf32, #tpu.memory_space<vmem>> -> memref<512xf32, #tpu.memory_space<vmem>>
      tpu.wait_dma2 semaphore(%run_scoped3A : memref<!tpu.dma_semaphore, #tpu.memory_space<semaphore_mem>>) src(%dma_wait3A_155 : memref<512xf32, #tpu.memory_space<vmem>>) dst(%dma_wait3A_153 : memref<512xf32, #tpu.memory_space<hbm>>)
      tpu.yield
    }) : () -> ()
    %add3A_112 = arith.constant 65536 : i32
    %add3A_113 = arith.addi %add3A_112, %mul3A_103 : i32
    "tpu.region"() ({
      %run_scoped3A = tpu.sem_alloc : memref<!tpu.dma_semaphore, #tpu.memory_space<semaphore_mem>>
      %dma_start3A_144 = arith.constant 2048 : i32
      %dma_start3A_145 = tpu.memref_slice %arg20[%dma_start3A_144] : memref<10240xf32, #tpu.memory_space<vmem>> -> memref<512xf32, #tpu.memory_space<vmem>>
      %dma_start3A_146 = tpu.memref_slice %arg6[%add3A_113] : memref<327680xf32, #tpu.memory_space<hbm>> -> memref<512xf32, #tpu.memory_space<hbm>>
      %dma_start3A_147 = tpu.memref_slice %arg6[%add3A_113] : memref<327680xf32, #tpu.memory_space<hbm>> -> memref<512xf32, #tpu.memory_space<hbm>>
      %dma_start3A_148 = arith.constant 2048 : i32
      %dma_start3A_149 = tpu.memref_slice %arg20[%dma_start3A_148] : memref<10240xf32, #tpu.memory_space<vmem>> -> memref<512xf32, #tpu.memory_space<vmem>>
      tpu.enqueue_dma source(%dma_start3A_149 : memref<512xf32, #tpu.memory_space<vmem>>) target(%dma_start3A_147 : memref<512xf32, #tpu.memory_space<hbm>>) target_semaphore(%run_scoped3A : memref<!tpu.dma_semaphore, #tpu.memory_space<semaphore_mem>>)
      %dma_wait3A_150 = arith.constant 2048 : i32
      %dma_wait3A_151 = tpu.memref_slice %arg20[%dma_wait3A_150] : memref<10240xf32, #tpu.memory_space<vmem>> -> memref<512xf32, #tpu.memory_space<vmem>>
      %dma_wait3A_152 = tpu.memref_slice %arg6[%add3A_113] : memref<327680xf32, #tpu.memory_space<hbm>> -> memref<512xf32, #tpu.memory_space<hbm>>
      %dma_wait3A_153 = tpu.memref_slice %arg6[%add3A_113] : memref<327680xf32, #tpu.memory_space<hbm>> -> memref<512xf32, #tpu.memory_space<hbm>>
      %dma_wait3A_154 = arith.constant 2048 : i32
      %dma_wait3A_155 = tpu.memref_slice %arg20[%dma_wait3A_154] : memref<10240xf32, #tpu.memory_space<vmem>> -> memref<512xf32, #tpu.memory_space<vmem>>
      tpu.wait_dma2 semaphore(%run_scoped3A : memref<!tpu.dma_semaphore, #tpu.memory_space<semaphore_mem>>) src(%dma_wait3A_155 : memref<512xf32, #tpu.memory_space<vmem>>) dst(%dma_wait3A_153 : memref<512xf32, #tpu.memory_space<hbm>>)
      tpu.yield
    }) : () -> ()
    %add3A_114 = arith.constant 81920 : i32
    %add3A_115 = arith.addi %add3A_114, %mul3A_103 : i32
    "tpu.region"() ({
      %run_scoped3A = tpu.sem_alloc : memref<!tpu.dma_semaphore, #tpu.memory_space<semaphore_mem>>
      %dma_start3A_144 = arith.constant 2560 : i32
      %dma_start3A_145 = tpu.memref_slice %arg20[%dma_start3A_144] : memref<10240xf32, #tpu.memory_space<vmem>> -> memref<512xf32, #tpu.memory_space<vmem>>
      %dma_start3A_146 = tpu.memref_slice %arg6[%add3A_115] : memref<327680xf32, #tpu.memory_space<hbm>> -> memref<512xf32, #tpu.memory_space<hbm>>
      %dma_start3A_147 = tpu.memref_slice %arg6[%add3A_115] : memref<327680xf32, #tpu.memory_space<hbm>> -> memref<512xf32, #tpu.memory_space<hbm>>
      %dma_start3A_148 = arith.constant 2560 : i32
      %dma_start3A_149 = tpu.memref_slice %arg20[%dma_start3A_148] : memref<10240xf32, #tpu.memory_space<vmem>> -> memref<512xf32, #tpu.memory_space<vmem>>
      tpu.enqueue_dma source(%dma_start3A_149 : memref<512xf32, #tpu.memory_space<vmem>>) target(%dma_start3A_147 : memref<512xf32, #tpu.memory_space<hbm>>) target_semaphore(%run_scoped3A : memref<!tpu.dma_semaphore, #tpu.memory_space<semaphore_mem>>)
      %dma_wait3A_150 = arith.constant 2560 : i32
      %dma_wait3A_151 = tpu.memref_slice %arg20[%dma_wait3A_150] : memref<10240xf32, #tpu.memory_space<vmem>> -> memref<512xf32, #tpu.memory_space<vmem>>
      %dma_wait3A_152 = tpu.memref_slice %arg6[%add3A_115] : memref<327680xf32, #tpu.memory_space<hbm>> -> memref<512xf32, #tpu.memory_space<hbm>>
      %dma_wait3A_153 = tpu.memref_slice %arg6[%add3A_115] : memref<327680xf32, #tpu.memory_space<hbm>> -> memref<512xf32, #tpu.memory_space<hbm>>
      %dma_wait3A_154 = arith.constant 2560 : i32
      %dma_wait3A_155 = tpu.memref_slice %arg20[%dma_wait3A_154] : memref<10240xf32, #tpu.memory_space<vmem>> -> memref<512xf32, #tpu.memory_space<vmem>>
      tpu.wait_dma2 semaphore(%run_scoped3A : memref<!tpu.dma_semaphore, #tpu.memory_space<semaphore_mem>>) src(%dma_wait3A_155 : memref<512xf32, #tpu.memory_space<vmem>>) dst(%dma_wait3A_153 : memref<512xf32, #tpu.memory_space<hbm>>)
      tpu.yield
    }) : () -> ()
    %add3A_116 = arith.constant 98304 : i32
    %add3A_117 = arith.addi %add3A_116, %mul3A_103 : i32
    "tpu.region"() ({
      %run_scoped3A = tpu.sem_alloc : memref<!tpu.dma_semaphore, #tpu.memory_space<semaphore_mem>>
      %dma_start3A_144 = arith.constant 3072 : i32
      %dma_start3A_145 = tpu.memref_slice %arg20[%dma_start3A_144] : memref<10240xf32, #tpu.memory_space<vmem>> -> memref<512xf32, #tpu.memory_space<vmem>>
      %dma_start3A_146 = tpu.memref_slice %arg6[%add3A_117] : memref<327680xf32, #tpu.memory_space<hbm>> -> memref<512xf32, #tpu.memory_space<hbm>>
      %dma_start3A_147 = tpu.memref_slice %arg6[%add3A_117] : memref<327680xf32, #tpu.memory_space<hbm>> -> memref<512xf32, #tpu.memory_space<hbm>>
      %dma_start3A_148 = arith.constant 3072 : i32
      %dma_start3A_149 = tpu.memref_slice %arg20[%dma_start3A_148] : memref<10240xf32, #tpu.memory_space<vmem>> -> memref<512xf32, #tpu.memory_space<vmem>>
      tpu.enqueue_dma source(%dma_start3A_149 : memref<512xf32, #tpu.memory_space<vmem>>) target(%dma_start3A_147 : memref<512xf32, #tpu.memory_space<hbm>>) target_semaphore(%run_scoped3A : memref<!tpu.dma_semaphore, #tpu.memory_space<semaphore_mem>>)
      %dma_wait3A_150 = arith.constant 3072 : i32
      %dma_wait3A_151 = tpu.memref_slice %arg20[%dma_wait3A_150] : memref<10240xf32, #tpu.memory_space<vmem>> -> memref<512xf32, #tpu.memory_space<vmem>>
      %dma_wait3A_152 = tpu.memref_slice %arg6[%add3A_117] : memref<327680xf32, #tpu.memory_space<hbm>> -> memref<512xf32, #tpu.memory_space<hbm>>
      %dma_wait3A_153 = tpu.memref_slice %arg6[%add3A_117] : memref<327680xf32, #tpu.memory_space<hbm>> -> memref<512xf32, #tpu.memory_space<hbm>>
      %dma_wait3A_154 = arith.constant 3072 : i32
      %dma_wait3A_155 = tpu.memref_slice %arg20[%dma_wait3A_154] : memref<10240xf32, #tpu.memory_space<vmem>> -> memref<512xf32, #tpu.memory_space<vmem>>
      tpu.wait_dma2 semaphore(%run_scoped3A : memref<!tpu.dma_semaphore, #tpu.memory_space<semaphore_mem>>) src(%dma_wait3A_155 : memref<512xf32, #tpu.memory_space<vmem>>) dst(%dma_wait3A_153 : memref<512xf32, #tpu.memory_space<hbm>>)
      tpu.yield
    }) : () -> ()
    %add3A_118 = arith.constant 114688 : i32
    %add3A_119 = arith.addi %add3A_118, %mul3A_103 : i32
    "tpu.region"() ({
      %run_scoped3A = tpu.sem_alloc : memref<!tpu.dma_semaphore, #tpu.memory_space<semaphore_mem>>
      %dma_start3A_144 = arith.constant 3584 : i32
      %dma_start3A_145 = tpu.memref_slice %arg20[%dma_start3A_144] : memref<10240xf32, #tpu.memory_space<vmem>> -> memref<512xf32, #tpu.memory_space<vmem>>
      %dma_start3A_146 = tpu.memref_slice %arg6[%add3A_119] : memref<327680xf32, #tpu.memory_space<hbm>> -> memref<512xf32, #tpu.memory_space<hbm>>
      %dma_start3A_147 = tpu.memref_slice %arg6[%add3A_119] : memref<327680xf32, #tpu.memory_space<hbm>> -> memref<512xf32, #tpu.memory_space<hbm>>
      %dma_start3A_148 = arith.constant 3584 : i32
      %dma_start3A_149 = tpu.memref_slice %arg20[%dma_start3A_148] : memref<10240xf32, #tpu.memory_space<vmem>> -> memref<512xf32, #tpu.memory_space<vmem>>
      tpu.enqueue_dma source(%dma_start3A_149 : memref<512xf32, #tpu.memory_space<vmem>>) target(%dma_start3A_147 : memref<512xf32, #tpu.memory_space<hbm>>) target_semaphore(%run_scoped3A : memref<!tpu.dma_semaphore, #tpu.memory_space<semaphore_mem>>)
      %dma_wait3A_150 = arith.constant 3584 : i32
      %dma_wait3A_151 = tpu.memref_slice %arg20[%dma_wait3A_150] : memref<10240xf32, #tpu.memory_space<vmem>> -> memref<512xf32, #tpu.memory_space<vmem>>
      %dma_wait3A_152 = tpu.memref_slice %arg6[%add3A_119] : memref<327680xf32, #tpu.memory_space<hbm>> -> memref<512xf32, #tpu.memory_space<hbm>>
      %dma_wait3A_153 = tpu.memref_slice %arg6[%add3A_119] : memref<327680xf32, #tpu.memory_space<hbm>> -> memref<512xf32, #tpu.memory_space<hbm>>
      %dma_wait3A_154 = arith.constant 3584 : i32
      %dma_wait3A_155 = tpu.memref_slice %arg20[%dma_wait3A_154] : memref<10240xf32, #tpu.memory_space<vmem>> -> memref<512xf32, #tpu.memory_space<vmem>>
      tpu.wait_dma2 semaphore(%run_scoped3A : memref<!tpu.dma_semaphore, #tpu.memory_space<semaphore_mem>>) src(%dma_wait3A_155 : memref<512xf32, #tpu.memory_space<vmem>>) dst(%dma_wait3A_153 : memref<512xf32, #tpu.memory_space<hbm>>)
      tpu.yield
    }) : () -> ()
    %add3A_120 = arith.constant 131072 : i32
    %add3A_121 = arith.addi %add3A_120, %mul3A_103 : i32
    "tpu.region"() ({
      %run_scoped3A = tpu.sem_alloc : memref<!tpu.dma_semaphore, #tpu.memory_space<semaphore_mem>>
      %dma_start3A_144 = arith.constant 4096 : i32
      %dma_start3A_145 = tpu.memref_slice %arg20[%dma_start3A_144] : memref<10240xf32, #tpu.memory_space<vmem>> -> memref<512xf32, #tpu.memory_space<vmem>>
      %dma_start3A_146 = tpu.memref_slice %arg6[%add3A_121] : memref<327680xf32, #tpu.memory_space<hbm>> -> memref<512xf32, #tpu.memory_space<hbm>>
      %dma_start3A_147 = tpu.memref_slice %arg6[%add3A_121] : memref<327680xf32, #tpu.memory_space<hbm>> -> memref<512xf32, #tpu.memory_space<hbm>>
      %dma_start3A_148 = arith.constant 4096 : i32
      %dma_start3A_149 = tpu.memref_slice %arg20[%dma_start3A_148] : memref<10240xf32, #tpu.memory_space<vmem>> -> memref<512xf32, #tpu.memory_space<vmem>>
      tpu.enqueue_dma source(%dma_start3A_149 : memref<512xf32, #tpu.memory_space<vmem>>) target(%dma_start3A_147 : memref<512xf32, #tpu.memory_space<hbm>>) target_semaphore(%run_scoped3A : memref<!tpu.dma_semaphore, #tpu.memory_space<semaphore_mem>>)
      %dma_wait3A_150 = arith.constant 4096 : i32
      %dma_wait3A_151 = tpu.memref_slice %arg20[%dma_wait3A_150] : memref<10240xf32, #tpu.memory_space<vmem>> -> memref<512xf32, #tpu.memory_space<vmem>>
      %dma_wait3A_152 = tpu.memref_slice %arg6[%add3A_121] : memref<327680xf32, #tpu.memory_space<hbm>> -> memref<512xf32, #tpu.memory_space<hbm>>
      %dma_wait3A_153 = tpu.memref_slice %arg6[%add3A_121] : memref<327680xf32, #tpu.memory_space<hbm>> -> memref<512xf32, #tpu.memory_space<hbm>>
      %dma_wait3A_154 = arith.constant 4096 : i32
      %dma_wait3A_155 = tpu.memref_slice %arg20[%dma_wait3A_154] : memref<10240xf32, #tpu.memory_space<vmem>> -> memref<512xf32, #tpu.memory_space<vmem>>
      tpu.wait_dma2 semaphore(%run_scoped3A : memref<!tpu.dma_semaphore, #tpu.memory_space<semaphore_mem>>) src(%dma_wait3A_155 : memref<512xf32, #tpu.memory_space<vmem>>) dst(%dma_wait3A_153 : memref<512xf32, #tpu.memory_space<hbm>>)
      tpu.yield
    }) : () -> ()
    %add3A_122 = arith.constant 147456 : i32
    %add3A_123 = arith.addi %add3A_122, %mul3A_103 : i32
    "tpu.region"() ({
      %run_scoped3A = tpu.sem_alloc : memref<!tpu.dma_semaphore, #tpu.memory_space<semaphore_mem>>
      %dma_start3A_144 = arith.constant 4608 : i32
      %dma_start3A_145 = tpu.memref_slice %arg20[%dma_start3A_144] : memref<10240xf32, #tpu.memory_space<vmem>> -> memref<512xf32, #tpu.memory_space<vmem>>
      %dma_start3A_146 = tpu.memref_slice %arg6[%add3A_123] : memref<327680xf32, #tpu.memory_space<hbm>> -> memref<512xf32, #tpu.memory_space<hbm>>
      %dma_start3A_147 = tpu.memref_slice %arg6[%add3A_123] : memref<327680xf32, #tpu.memory_space<hbm>> -> memref<512xf32, #tpu.memory_space<hbm>>
      %dma_start3A_148 = arith.constant 4608 : i32
      %dma_start3A_149 = tpu.memref_slice %arg20[%dma_start3A_148] : memref<10240xf32, #tpu.memory_space<vmem>> -> memref<512xf32, #tpu.memory_space<vmem>>
      tpu.enqueue_dma source(%dma_start3A_149 : memref<512xf32, #tpu.memory_space<vmem>>) target(%dma_start3A_147 : memref<512xf32, #tpu.memory_space<hbm>>) target_semaphore(%run_scoped3A : memref<!tpu.dma_semaphore, #tpu.memory_space<semaphore_mem>>)
      %dma_wait3A_150 = arith.constant 4608 : i32
      %dma_wait3A_151 = tpu.memref_slice %arg20[%dma_wait3A_150] : memref<10240xf32, #tpu.memory_space<vmem>> -> memref<512xf32, #tpu.memory_space<vmem>>
      %dma_wait3A_152 = tpu.memref_slice %arg6[%add3A_123] : memref<327680xf32, #tpu.memory_space<hbm>> -> memref<512xf32, #tpu.memory_space<hbm>>
      %dma_wait3A_153 = tpu.memref_slice %arg6[%add3A_123] : memref<327680xf32, #tpu.memory_space<hbm>> -> memref<512xf32, #tpu.memory_space<hbm>>
      %dma_wait3A_154 = arith.constant 4608 : i32
      %dma_wait3A_155 = tpu.memref_slice %arg20[%dma_wait3A_154] : memref<10240xf32, #tpu.memory_space<vmem>> -> memref<512xf32, #tpu.memory_space<vmem>>
      tpu.wait_dma2 semaphore(%run_scoped3A : memref<!tpu.dma_semaphore, #tpu.memory_space<semaphore_mem>>) src(%dma_wait3A_155 : memref<512xf32, #tpu.memory_space<vmem>>) dst(%dma_wait3A_153 : memref<512xf32, #tpu.memory_space<hbm>>)
      tpu.yield
    }) : () -> ()
    %add3A_124 = arith.constant 163840 : i32
    %add3A_125 = arith.addi %add3A_124, %mul3A_103 : i32
    "tpu.region"() ({
      %run_scoped3A = tpu.sem_alloc : memref<!tpu.dma_semaphore, #tpu.memory_space<semaphore_mem>>
      %dma_start3A_144 = arith.constant 5120 : i32
      %dma_start3A_145 = tpu.memref_slice %arg20[%dma_start3A_144] : memref<10240xf32, #tpu.memory_space<vmem>> -> memref<512xf32, #tpu.memory_space<vmem>>
      %dma_start3A_146 = tpu.memref_slice %arg6[%add3A_125] : memref<327680xf32, #tpu.memory_space<hbm>> -> memref<512xf32, #tpu.memory_space<hbm>>
      %dma_start3A_147 = tpu.memref_slice %arg6[%add3A_125] : memref<327680xf32, #tpu.memory_space<hbm>> -> memref<512xf32, #tpu.memory_space<hbm>>
      %dma_start3A_148 = arith.constant 5120 : i32
      %dma_start3A_149 = tpu.memref_slice %arg20[%dma_start3A_148] : memref<10240xf32, #tpu.memory_space<vmem>> -> memref<512xf32, #tpu.memory_space<vmem>>
      tpu.enqueue_dma source(%dma_start3A_149 : memref<512xf32, #tpu.memory_space<vmem>>) target(%dma_start3A_147 : memref<512xf32, #tpu.memory_space<hbm>>) target_semaphore(%run_scoped3A : memref<!tpu.dma_semaphore, #tpu.memory_space<semaphore_mem>>)
      %dma_wait3A_150 = arith.constant 5120 : i32
      %dma_wait3A_151 = tpu.memref_slice %arg20[%dma_wait3A_150] : memref<10240xf32, #tpu.memory_space<vmem>> -> memref<512xf32, #tpu.memory_space<vmem>>
      %dma_wait3A_152 = tpu.memref_slice %arg6[%add3A_125] : memref<327680xf32, #tpu.memory_space<hbm>> -> memref<512xf32, #tpu.memory_space<hbm>>
      %dma_wait3A_153 = tpu.memref_slice %arg6[%add3A_125] : memref<327680xf32, #tpu.memory_space<hbm>> -> memref<512xf32, #tpu.memory_space<hbm>>
      %dma_wait3A_154 = arith.constant 5120 : i32
      %dma_wait3A_155 = tpu.memref_slice %arg20[%dma_wait3A_154] : memref<10240xf32, #tpu.memory_space<vmem>> -> memref<512xf32, #tpu.memory_space<vmem>>
      tpu.wait_dma2 semaphore(%run_scoped3A : memref<!tpu.dma_semaphore, #tpu.memory_space<semaphore_mem>>) src(%dma_wait3A_155 : memref<512xf32, #tpu.memory_space<vmem>>) dst(%dma_wait3A_153 : memref<512xf32, #tpu.memory_space<hbm>>)
      tpu.yield
    }) : () -> ()
    %add3A_126 = arith.constant 180224 : i32
    %add3A_127 = arith.addi %add3A_126, %mul3A_103 : i32
    "tpu.region"() ({
      %run_scoped3A = tpu.sem_alloc : memref<!tpu.dma_semaphore, #tpu.memory_space<semaphore_mem>>
      %dma_start3A_144 = arith.constant 5632 : i32
      %dma_start3A_145 = tpu.memref_slice %arg20[%dma_start3A_144] : memref<10240xf32, #tpu.memory_space<vmem>> -> memref<512xf32, #tpu.memory_space<vmem>>
      %dma_start3A_146 = tpu.memref_slice %arg6[%add3A_127] : memref<327680xf32, #tpu.memory_space<hbm>> -> memref<512xf32, #tpu.memory_space<hbm>>
      %dma_start3A_147 = tpu.memref_slice %arg6[%add3A_127] : memref<327680xf32, #tpu.memory_space<hbm>> -> memref<512xf32, #tpu.memory_space<hbm>>
      %dma_start3A_148 = arith.constant 5632 : i32
      %dma_start3A_149 = tpu.memref_slice %arg20[%dma_start3A_148] : memref<10240xf32, #tpu.memory_space<vmem>> -> memref<512xf32, #tpu.memory_space<vmem>>
      tpu.enqueue_dma source(%dma_start3A_149 : memref<512xf32, #tpu.memory_space<vmem>>) target(%dma_start3A_147 : memref<512xf32, #tpu.memory_space<hbm>>) target_semaphore(%run_scoped3A : memref<!tpu.dma_semaphore, #tpu.memory_space<semaphore_mem>>)
      %dma_wait3A_150 = arith.constant 5632 : i32
      %dma_wait3A_151 = tpu.memref_slice %arg20[%dma_wait3A_150] : memref<10240xf32, #tpu.memory_space<vmem>> -> memref<512xf32, #tpu.memory_space<vmem>>
      %dma_wait3A_152 = tpu.memref_slice %arg6[%add3A_127] : memref<327680xf32, #tpu.memory_space<hbm>> -> memref<512xf32, #tpu.memory_space<hbm>>
      %dma_wait3A_153 = tpu.memref_slice %arg6[%add3A_127] : memref<327680xf32, #tpu.memory_space<hbm>> -> memref<512xf32, #tpu.memory_space<hbm>>
      %dma_wait3A_154 = arith.constant 5632 : i32
      %dma_wait3A_155 = tpu.memref_slice %arg20[%dma_wait3A_154] : memref<10240xf32, #tpu.memory_space<vmem>> -> memref<512xf32, #tpu.memory_space<vmem>>
      tpu.wait_dma2 semaphore(%run_scoped3A : memref<!tpu.dma_semaphore, #tpu.memory_space<semaphore_mem>>) src(%dma_wait3A_155 : memref<512xf32, #tpu.memory_space<vmem>>) dst(%dma_wait3A_153 : memref<512xf32, #tpu.memory_space<hbm>>)
      tpu.yield
    }) : () -> ()
    %add3A_128 = arith.constant 196608 : i32
    %add3A_129 = arith.addi %add3A_128, %mul3A_103 : i32
    "tpu.region"() ({
      %run_scoped3A = tpu.sem_alloc : memref<!tpu.dma_semaphore, #tpu.memory_space<semaphore_mem>>
      %dma_start3A_144 = arith.constant 6144 : i32
      %dma_start3A_145 = tpu.memref_slice %arg20[%dma_start3A_144] : memref<10240xf32, #tpu.memory_space<vmem>> -> memref<512xf32, #tpu.memory_space<vmem>>
      %dma_start3A_146 = tpu.memref_slice %arg6[%add3A_129] : memref<327680xf32, #tpu.memory_space<hbm>> -> memref<512xf32, #tpu.memory_space<hbm>>
      %dma_start3A_147 = tpu.memref_slice %arg6[%add3A_129] : memref<327680xf32, #tpu.memory_space<hbm>> -> memref<512xf32, #tpu.memory_space<hbm>>
      %dma_start3A_148 = arith.constant 6144 : i32
      %dma_start3A_149 = tpu.memref_slice %arg20[%dma_start3A_148] : memref<10240xf32, #tpu.memory_space<vmem>> -> memref<512xf32, #tpu.memory_space<vmem>>
      tpu.enqueue_dma source(%dma_start3A_149 : memref<512xf32, #tpu.memory_space<vmem>>) target(%dma_start3A_147 : memref<512xf32, #tpu.memory_space<hbm>>) target_semaphore(%run_scoped3A : memref<!tpu.dma_semaphore, #tpu.memory_space<semaphore_mem>>)
      %dma_wait3A_150 = arith.constant 6144 : i32
      %dma_wait3A_151 = tpu.memref_slice %arg20[%dma_wait3A_150] : memref<10240xf32, #tpu.memory_space<vmem>> -> memref<512xf32, #tpu.memory_space<vmem>>
      %dma_wait3A_152 = tpu.memref_slice %arg6[%add3A_129] : memref<327680xf32, #tpu.memory_space<hbm>> -> memref<512xf32, #tpu.memory_space<hbm>>
      %dma_wait3A_153 = tpu.memref_slice %arg6[%add3A_129] : memref<327680xf32, #tpu.memory_space<hbm>> -> memref<512xf32, #tpu.memory_space<hbm>>
      %dma_wait3A_154 = arith.constant 6144 : i32
      %dma_wait3A_155 = tpu.memref_slice %arg20[%dma_wait3A_154] : memref<10240xf32, #tpu.memory_space<vmem>> -> memref<512xf32, #tpu.memory_space<vmem>>
      tpu.wait_dma2 semaphore(%run_scoped3A : memref<!tpu.dma_semaphore, #tpu.memory_space<semaphore_mem>>) src(%dma_wait3A_155 : memref<512xf32, #tpu.memory_space<vmem>>) dst(%dma_wait3A_153 : memref<512xf32, #tpu.memory_space<hbm>>)
      tpu.yield
    }) : () -> ()
    %add3A_130 = arith.constant 212992 : i32
    %add3A_131 = arith.addi %add3A_130, %mul3A_103 : i32
    "tpu.region"() ({
      %run_scoped3A = tpu.sem_alloc : memref<!tpu.dma_semaphore, #tpu.memory_space<semaphore_mem>>
      %dma_start3A_144 = arith.constant 6656 : i32
      %dma_start3A_145 = tpu.memref_slice %arg20[%dma_start3A_144] : memref<10240xf32, #tpu.memory_space<vmem>> -> memref<512xf32, #tpu.memory_space<vmem>>
      %dma_start3A_146 = tpu.memref_slice %arg6[%add3A_131] : memref<327680xf32, #tpu.memory_space<hbm>> -> memref<512xf32, #tpu.memory_space<hbm>>
      %dma_start3A_147 = tpu.memref_slice %arg6[%add3A_131] : memref<327680xf32, #tpu.memory_space<hbm>> -> memref<512xf32, #tpu.memory_space<hbm>>
      %dma_start3A_148 = arith.constant 6656 : i32
      %dma_start3A_149 = tpu.memref_slice %arg20[%dma_start3A_148] : memref<10240xf32, #tpu.memory_space<vmem>> -> memref<512xf32, #tpu.memory_space<vmem>>
      tpu.enqueue_dma source(%dma_start3A_149 : memref<512xf32, #tpu.memory_space<vmem>>) target(%dma_start3A_147 : memref<512xf32, #tpu.memory_space<hbm>>) target_semaphore(%run_scoped3A : memref<!tpu.dma_semaphore, #tpu.memory_space<semaphore_mem>>)
      %dma_wait3A_150 = arith.constant 6656 : i32
      %dma_wait3A_151 = tpu.memref_slice %arg20[%dma_wait3A_150] : memref<10240xf32, #tpu.memory_space<vmem>> -> memref<512xf32, #tpu.memory_space<vmem>>
      %dma_wait3A_152 = tpu.memref_slice %arg6[%add3A_131] : memref<327680xf32, #tpu.memory_space<hbm>> -> memref<512xf32, #tpu.memory_space<hbm>>
      %dma_wait3A_153 = tpu.memref_slice %arg6[%add3A_131] : memref<327680xf32, #tpu.memory_space<hbm>> -> memref<512xf32, #tpu.memory_space<hbm>>
      %dma_wait3A_154 = arith.constant 6656 : i32
      %dma_wait3A_155 = tpu.memref_slice %arg20[%dma_wait3A_154] : memref<10240xf32, #tpu.memory_space<vmem>> -> memref<512xf32, #tpu.memory_space<vmem>>
      tpu.wait_dma2 semaphore(%run_scoped3A : memref<!tpu.dma_semaphore, #tpu.memory_space<semaphore_mem>>) src(%dma_wait3A_155 : memref<512xf32, #tpu.memory_space<vmem>>) dst(%dma_wait3A_153 : memref<512xf32, #tpu.memory_space<hbm>>)
      tpu.yield
    }) : () -> ()
    %add3A_132 = arith.constant 229376 : i32
    %add3A_133 = arith.addi %add3A_132, %mul3A_103 : i32
    "tpu.region"() ({
      %run_scoped3A = tpu.sem_alloc : memref<!tpu.dma_semaphore, #tpu.memory_space<semaphore_mem>>
      %dma_start3A_144 = arith.constant 7168 : i32
      %dma_start3A_145 = tpu.memref_slice %arg20[%dma_start3A_144] : memref<10240xf32, #tpu.memory_space<vmem>> -> memref<512xf32, #tpu.memory_space<vmem>>
      %dma_start3A_146 = tpu.memref_slice %arg6[%add3A_133] : memref<327680xf32, #tpu.memory_space<hbm>> -> memref<512xf32, #tpu.memory_space<hbm>>
      %dma_start3A_147 = tpu.memref_slice %arg6[%add3A_133] : memref<327680xf32, #tpu.memory_space<hbm>> -> memref<512xf32, #tpu.memory_space<hbm>>
      %dma_start3A_148 = arith.constant 7168 : i32
      %dma_start3A_149 = tpu.memref_slice %arg20[%dma_start3A_148] : memref<10240xf32, #tpu.memory_space<vmem>> -> memref<512xf32, #tpu.memory_space<vmem>>
      tpu.enqueue_dma source(%dma_start3A_149 : memref<512xf32, #tpu.memory_space<vmem>>) target(%dma_start3A_147 : memref<512xf32, #tpu.memory_space<hbm>>) target_semaphore(%run_scoped3A : memref<!tpu.dma_semaphore, #tpu.memory_space<semaphore_mem>>)
      %dma_wait3A_150 = arith.constant 7168 : i32
      %dma_wait3A_151 = tpu.memref_slice %arg20[%dma_wait3A_150] : memref<10240xf32, #tpu.memory_space<vmem>> -> memref<512xf32, #tpu.memory_space<vmem>>
      %dma_wait3A_152 = tpu.memref_slice %arg6[%add3A_133] : memref<327680xf32, #tpu.memory_space<hbm>> -> memref<512xf32, #tpu.memory_space<hbm>>
      %dma_wait3A_153 = tpu.memref_slice %arg6[%add3A_133] : memref<327680xf32, #tpu.memory_space<hbm>> -> memref<512xf32, #tpu.memory_space<hbm>>
      %dma_wait3A_154 = arith.constant 7168 : i32
      %dma_wait3A_155 = tpu.memref_slice %arg20[%dma_wait3A_154] : memref<10240xf32, #tpu.memory_space<vmem>> -> memref<512xf32, #tpu.memory_space<vmem>>
      tpu.wait_dma2 semaphore(%run_scoped3A : memref<!tpu.dma_semaphore, #tpu.memory_space<semaphore_mem>>) src(%dma_wait3A_155 : memref<512xf32, #tpu.memory_space<vmem>>) dst(%dma_wait3A_153 : memref<512xf32, #tpu.memory_space<hbm>>)
      tpu.yield
    }) : () -> ()
    %add3A_134 = arith.constant 245760 : i32
    %add3A_135 = arith.addi %add3A_134, %mul3A_103 : i32
    "tpu.region"() ({
      %run_scoped3A = tpu.sem_alloc : memref<!tpu.dma_semaphore, #tpu.memory_space<semaphore_mem>>
      %dma_start3A_144 = arith.constant 7680 : i32
      %dma_start3A_145 = tpu.memref_slice %arg20[%dma_start3A_144] : memref<10240xf32, #tpu.memory_space<vmem>> -> memref<512xf32, #tpu.memory_space<vmem>>
      %dma_start3A_146 = tpu.memref_slice %arg6[%add3A_135] : memref<327680xf32, #tpu.memory_space<hbm>> -> memref<512xf32, #tpu.memory_space<hbm>>
      %dma_start3A_147 = tpu.memref_slice %arg6[%add3A_135] : memref<327680xf32, #tpu.memory_space<hbm>> -> memref<512xf32, #tpu.memory_space<hbm>>
      %dma_start3A_148 = arith.constant 7680 : i32
      %dma_start3A_149 = tpu.memref_slice %arg20[%dma_start3A_148] : memref<10240xf32, #tpu.memory_space<vmem>> -> memref<512xf32, #tpu.memory_space<vmem>>
      tpu.enqueue_dma source(%dma_start3A_149 : memref<512xf32, #tpu.memory_space<vmem>>) target(%dma_start3A_147 : memref<512xf32, #tpu.memory_space<hbm>>) target_semaphore(%run_scoped3A : memref<!tpu.dma_semaphore, #tpu.memory_space<semaphore_mem>>)
      %dma_wait3A_150 = arith.constant 7680 : i32
      %dma_wait3A_151 = tpu.memref_slice %arg20[%dma_wait3A_150] : memref<10240xf32, #tpu.memory_space<vmem>> -> memref<512xf32, #tpu.memory_space<vmem>>
      %dma_wait3A_152 = tpu.memref_slice %arg6[%add3A_135] : memref<327680xf32, #tpu.memory_space<hbm>> -> memref<512xf32, #tpu.memory_space<hbm>>
      %dma_wait3A_153 = tpu.memref_slice %arg6[%add3A_135] : memref<327680xf32, #tpu.memory_space<hbm>> -> memref<512xf32, #tpu.memory_space<hbm>>
      %dma_wait3A_154 = arith.constant 7680 : i32
      %dma_wait3A_155 = tpu.memref_slice %arg20[%dma_wait3A_154] : memref<10240xf32, #tpu.memory_space<vmem>> -> memref<512xf32, #tpu.memory_space<vmem>>
      tpu.wait_dma2 semaphore(%run_scoped3A : memref<!tpu.dma_semaphore, #tpu.memory_space<semaphore_mem>>) src(%dma_wait3A_155 : memref<512xf32, #tpu.memory_space<vmem>>) dst(%dma_wait3A_153 : memref<512xf32, #tpu.memory_space<hbm>>)
      tpu.yield
    }) : () -> ()
    %add3A_136 = arith.constant 262144 : i32
    %add3A_137 = arith.addi %add3A_136, %mul3A_103 : i32
    "tpu.region"() ({
      %run_scoped3A = tpu.sem_alloc : memref<!tpu.dma_semaphore, #tpu.memory_space<semaphore_mem>>
      %dma_start3A_144 = arith.constant 8192 : i32
      %dma_start3A_145 = tpu.memref_slice %arg20[%dma_start3A_144] : memref<10240xf32, #tpu.memory_space<vmem>> -> memref<512xf32, #tpu.memory_space<vmem>>
      %dma_start3A_146 = tpu.memref_slice %arg6[%add3A_137] : memref<327680xf32, #tpu.memory_space<hbm>> -> memref<512xf32, #tpu.memory_space<hbm>>
      %dma_start3A_147 = tpu.memref_slice %arg6[%add3A_137] : memref<327680xf32, #tpu.memory_space<hbm>> -> memref<512xf32, #tpu.memory_space<hbm>>
      %dma_start3A_148 = arith.constant 8192 : i32
      %dma_start3A_149 = tpu.memref_slice %arg20[%dma_start3A_148] : memref<10240xf32, #tpu.memory_space<vmem>> -> memref<512xf32, #tpu.memory_space<vmem>>
      tpu.enqueue_dma source(%dma_start3A_149 : memref<512xf32, #tpu.memory_space<vmem>>) target(%dma_start3A_147 : memref<512xf32, #tpu.memory_space<hbm>>) target_semaphore(%run_scoped3A : memref<!tpu.dma_semaphore, #tpu.memory_space<semaphore_mem>>)
      %dma_wait3A_150 = arith.constant 8192 : i32
      %dma_wait3A_151 = tpu.memref_slice %arg20[%dma_wait3A_150] : memref<10240xf32, #tpu.memory_space<vmem>> -> memref<512xf32, #tpu.memory_space<vmem>>
      %dma_wait3A_152 = tpu.memref_slice %arg6[%add3A_137] : memref<327680xf32, #tpu.memory_space<hbm>> -> memref<512xf32, #tpu.memory_space<hbm>>
      %dma_wait3A_153 = tpu.memref_slice %arg6[%add3A_137] : memref<327680xf32, #tpu.memory_space<hbm>> -> memref<512xf32, #tpu.memory_space<hbm>>
      %dma_wait3A_154 = arith.constant 8192 : i32
      %dma_wait3A_155 = tpu.memref_slice %arg20[%dma_wait3A_154] : memref<10240xf32, #tpu.memory_space<vmem>> -> memref<512xf32, #tpu.memory_space<vmem>>
      tpu.wait_dma2 semaphore(%run_scoped3A : memref<!tpu.dma_semaphore, #tpu.memory_space<semaphore_mem>>) src(%dma_wait3A_155 : memref<512xf32, #tpu.memory_space<vmem>>) dst(%dma_wait3A_153 : memref<512xf32, #tpu.memory_space<hbm>>)
      tpu.yield
    }) : () -> ()
    %add3A_138 = arith.constant 278528 : i32
    %add3A_139 = arith.addi %add3A_138, %mul3A_103 : i32
    "tpu.region"() ({
      %run_scoped3A = tpu.sem_alloc : memref<!tpu.dma_semaphore, #tpu.memory_space<semaphore_mem>>
      %dma_start3A_144 = arith.constant 8704 : i32
      %dma_start3A_145 = tpu.memref_slice %arg20[%dma_start3A_144] : memref<10240xf32, #tpu.memory_space<vmem>> -> memref<512xf32, #tpu.memory_space<vmem>>
      %dma_start3A_146 = tpu.memref_slice %arg6[%add3A_139] : memref<327680xf32, #tpu.memory_space<hbm>> -> memref<512xf32, #tpu.memory_space<hbm>>
      %dma_start3A_147 = tpu.memref_slice %arg6[%add3A_139] : memref<327680xf32, #tpu.memory_space<hbm>> -> memref<512xf32, #tpu.memory_space<hbm>>
      %dma_start3A_148 = arith.constant 8704 : i32
      %dma_start3A_149 = tpu.memref_slice %arg20[%dma_start3A_148] : memref<10240xf32, #tpu.memory_space<vmem>> -> memref<512xf32, #tpu.memory_space<vmem>>
      tpu.enqueue_dma source(%dma_start3A_149 : memref<512xf32, #tpu.memory_space<vmem>>) target(%dma_start3A_147 : memref<512xf32, #tpu.memory_space<hbm>>) target_semaphore(%run_scoped3A : memref<!tpu.dma_semaphore, #tpu.memory_space<semaphore_mem>>)
      %dma_wait3A_150 = arith.constant 8704 : i32
      %dma_wait3A_151 = tpu.memref_slice %arg20[%dma_wait3A_150] : memref<10240xf32, #tpu.memory_space<vmem>> -> memref<512xf32, #tpu.memory_space<vmem>>
      %dma_wait3A_152 = tpu.memref_slice %arg6[%add3A_139] : memref<327680xf32, #tpu.memory_space<hbm>> -> memref<512xf32, #tpu.memory_space<hbm>>
      %dma_wait3A_153 = tpu.memref_slice %arg6[%add3A_139] : memref<327680xf32, #tpu.memory_space<hbm>> -> memref<512xf32, #tpu.memory_space<hbm>>
      %dma_wait3A_154 = arith.constant 8704 : i32
      %dma_wait3A_155 = tpu.memref_slice %arg20[%dma_wait3A_154] : memref<10240xf32, #tpu.memory_space<vmem>> -> memref<512xf32, #tpu.memory_space<vmem>>
      tpu.wait_dma2 semaphore(%run_scoped3A : memref<!tpu.dma_semaphore, #tpu.memory_space<semaphore_mem>>) src(%dma_wait3A_155 : memref<512xf32, #tpu.memory_space<vmem>>) dst(%dma_wait3A_153 : memref<512xf32, #tpu.memory_space<hbm>>)
      tpu.yield
    }) : () -> ()
    %add3A_140 = arith.constant 294912 : i32
    %add3A_141 = arith.addi %add3A_140, %mul3A_103 : i32
    "tpu.region"() ({
      %run_scoped3A = tpu.sem_alloc : memref<!tpu.dma_semaphore, #tpu.memory_space<semaphore_mem>>
      %dma_start3A_144 = arith.constant 9216 : i32
      %dma_start3A_145 = tpu.memref_slice %arg20[%dma_start3A_144] : memref<10240xf32, #tpu.memory_space<vmem>> -> memref<512xf32, #tpu.memory_space<vmem>>
      %dma_start3A_146 = tpu.memref_slice %arg6[%add3A_141] : memref<327680xf32, #tpu.memory_space<hbm>> -> memref<512xf32, #tpu.memory_space<hbm>>
      %dma_start3A_147 = tpu.memref_slice %arg6[%add3A_141] : memref<327680xf32, #tpu.memory_space<hbm>> -> memref<512xf32, #tpu.memory_space<hbm>>
      %dma_start3A_148 = arith.constant 9216 : i32
      %dma_start3A_149 = tpu.memref_slice %arg20[%dma_start3A_148] : memref<10240xf32, #tpu.memory_space<vmem>> -> memref<512xf32, #tpu.memory_space<vmem>>
      tpu.enqueue_dma source(%dma_start3A_149 : memref<512xf32, #tpu.memory_space<vmem>>) target(%dma_start3A_147 : memref<512xf32, #tpu.memory_space<hbm>>) target_semaphore(%run_scoped3A : memref<!tpu.dma_semaphore, #tpu.memory_space<semaphore_mem>>)
      %dma_wait3A_150 = arith.constant 9216 : i32
      %dma_wait3A_151 = tpu.memref_slice %arg20[%dma_wait3A_150] : memref<10240xf32, #tpu.memory_space<vmem>> -> memref<512xf32, #tpu.memory_space<vmem>>
      %dma_wait3A_152 = tpu.memref_slice %arg6[%add3A_141] : memref<327680xf32, #tpu.memory_space<hbm>> -> memref<512xf32, #tpu.memory_space<hbm>>
      %dma_wait3A_153 = tpu.memref_slice %arg6[%add3A_141] : memref<327680xf32, #tpu.memory_space<hbm>> -> memref<512xf32, #tpu.memory_space<hbm>>
      %dma_wait3A_154 = arith.constant 9216 : i32
      %dma_wait3A_155 = tpu.memref_slice %arg20[%dma_wait3A_154] : memref<10240xf32, #tpu.memory_space<vmem>> -> memref<512xf32, #tpu.memory_space<vmem>>
      tpu.wait_dma2 semaphore(%run_scoped3A : memref<!tpu.dma_semaphore, #tpu.memory_space<semaphore_mem>>) src(%dma_wait3A_155 : memref<512xf32, #tpu.memory_space<vmem>>) dst(%dma_wait3A_153 : memref<512xf32, #tpu.memory_space<hbm>>)
      tpu.yield
    }) : () -> ()
    %add3A_142 = arith.constant 311296 : i32
    %add3A_143 = arith.addi %add3A_142, %mul3A_103 : i32
    "tpu.region"() ({
      %run_scoped3A = tpu.sem_alloc : memref<!tpu.dma_semaphore, #tpu.memory_space<semaphore_mem>>
      %dma_start3A_144 = arith.constant 9728 : i32
      %dma_start3A_145 = tpu.memref_slice %arg20[%dma_start3A_144] : memref<10240xf32, #tpu.memory_space<vmem>> -> memref<512xf32, #tpu.memory_space<vmem>>
      %dma_start3A_146 = tpu.memref_slice %arg6[%add3A_143] : memref<327680xf32, #tpu.memory_space<hbm>> -> memref<512xf32, #tpu.memory_space<hbm>>
      %dma_start3A_147 = tpu.memref_slice %arg6[%add3A_143] : memref<327680xf32, #tpu.memory_space<hbm>> -> memref<512xf32, #tpu.memory_space<hbm>>
      %dma_start3A_148 = arith.constant 9728 : i32
      %dma_start3A_149 = tpu.memref_slice %arg20[%dma_start3A_148] : memref<10240xf32, #tpu.memory_space<vmem>> -> memref<512xf32, #tpu.memory_space<vmem>>
      tpu.enqueue_dma source(%dma_start3A_149 : memref<512xf32, #tpu.memory_space<vmem>>) target(%dma_start3A_147 : memref<512xf32, #tpu.memory_space<hbm>>) target_semaphore(%run_scoped3A : memref<!tpu.dma_semaphore, #tpu.memory_space<semaphore_mem>>)
      %dma_wait3A_150 = arith.constant 9728 : i32
      %dma_wait3A_151 = tpu.memref_slice %arg20[%dma_wait3A_150] : memref<10240xf32, #tpu.memory_space<vmem>> -> memref<512xf32, #tpu.memory_space<vmem>>
      %dma_wait3A_152 = tpu.memref_slice %arg6[%add3A_143] : memref<327680xf32, #tpu.memory_space<hbm>> -> memref<512xf32, #tpu.memory_space<hbm>>
      %dma_wait3A_153 = tpu.memref_slice %arg6[%add3A_143] : memref<327680xf32, #tpu.memory_space<hbm>> -> memref<512xf32, #tpu.memory_space<hbm>>
      %dma_wait3A_154 = arith.constant 9728 : i32
      %dma_wait3A_155 = tpu.memref_slice %arg20[%dma_wait3A_154] : memref<10240xf32, #tpu.memory_space<vmem>> -> memref<512xf32, #tpu.memory_space<vmem>>
      tpu.wait_dma2 semaphore(%run_scoped3A : memref<!tpu.dma_semaphore, #tpu.memory_space<semaphore_mem>>) src(%dma_wait3A_155 : memref<512xf32, #tpu.memory_space<vmem>>) dst(%dma_wait3A_153 : memref<512xf32, #tpu.memory_space<hbm>>)
      tpu.yield
    }) : () -> ()
    return
  }
}

module attributes {stable_mosaic.version = 14 : i64} {
  func.func @body(%arg0: memref<128x128xf32, #tpu.memory_space<vmem>>, %arg1: memref<2560x128xf32, #tpu.memory_space<vmem>>, %arg2: memref<1x1xf32, #tpu.memory_space<smem>>) attributes {dimension_semantics = [], scalar_prefetch = 0 : i64, scratch_operands = 0 : i64, tpu.core_type = #tpu.core_type<tc>} {
    %get3A = arith.constant 0 : index
    %get3A_0 = arith.constant 0 : index
    %get3A_1 = vector.load %arg0[%get3A, %get3A_0] : memref<128x128xf32, #tpu.memory_space<vmem>>, vector<128x128xf32>
    %get3A_2 = arith.constant 0 : index
    %get3A_3 = arith.constant 0 : index
    %get3A_4 = vector.load %arg1[%get3A_2, %get3A_3] : memref<2560x128xf32, #tpu.memory_space<vmem>>, vector<2560x128xf32>
    %neg3A = arith.constant 0.000000e+00 : f32
    %neg3A_5 = vector.broadcast %neg3A : f32 to vector<2560x128xf32>
    %neg3A_6 = arith.subf %neg3A_5, %get3A_4 : vector<2560x128xf32>
    %min3A = arith.constant 0.000000e+00 : f32
    %min3A_7 = vector.broadcast %min3A : f32 to vector<128x128xf32>
    %min3A_8 = arith.minimumf %get3A_1, %min3A_7 : vector<128x128xf32>
    %abs3A = math.absf %get3A_1 : vector<128x128xf32>
    %neg3A_9 = arith.constant 0.000000e+00 : f32
    %neg3A_10 = vector.broadcast %neg3A_9 : f32 to vector<128x128xf32>
    %neg3A_11 = arith.subf %neg3A_10, %abs3A : vector<128x128xf32>
    %exp3A = math.exp %neg3A_11 : vector<128x128xf32>
    %add3A = arith.constant 1.000000e+00 : f32
    %add3A_12 = vector.broadcast %add3A : f32 to vector<128x128xf32>
    %add3A_13 = arith.addf %add3A_12, %exp3A : vector<128x128xf32>
    %log3A = math.log %add3A_13 : vector<128x128xf32>
    %sub3A = arith.subf %min3A_8, %log3A : vector<128x128xf32>
    %min3A_14 = arith.constant 0.000000e+00 : f32
    %min3A_15 = vector.broadcast %min3A_14 : f32 to vector<2560x128xf32>
    %min3A_16 = arith.minimumf %neg3A_6, %min3A_15 : vector<2560x128xf32>
    %abs3A_17 = math.absf %neg3A_6 : vector<2560x128xf32>
    %neg3A_18 = arith.constant 0.000000e+00 : f32
    %neg3A_19 = vector.broadcast %neg3A_18 : f32 to vector<2560x128xf32>
    %neg3A_20 = arith.subf %neg3A_19, %abs3A_17 : vector<2560x128xf32>
    %exp3A_21 = math.exp %neg3A_20 : vector<2560x128xf32>
    %add3A_22 = arith.constant 1.000000e+00 : f32
    %add3A_23 = vector.broadcast %add3A_22 : f32 to vector<2560x128xf32>
    %add3A_24 = arith.addf %add3A_23, %exp3A_21 : vector<2560x128xf32>
    %log3A_25 = math.log %add3A_24 : vector<2560x128xf32>
    %sub3A_26 = arith.subf %min3A_16, %log3A_25 : vector<2560x128xf32>
    %reduce_sum3A = vector.shape_cast %sub3A : vector<128x128xf32> to vector<1x128x128xf32>
    %reduce_sum3A_27 = arith.constant dense<0.000000e+00> : vector<1xf32>
    %reduce_sum3A_28 = vector.multi_reduction <add>, %reduce_sum3A, %reduce_sum3A_27 [1, 2] : vector<1x128x128xf32> to vector<1xf32>
    %reduce_sum3A_29 = vector.shape_cast %reduce_sum3A_28 : vector<1xf32> to vector<1x1x1xf32>
    %reduce_sum3A_30 = vector.extract %reduce_sum3A_29[0, 0, 0] : f32 from vector<1x1x1xf32>
    %reduce_sum3A_31 = vector.shape_cast %sub3A_26 : vector<2560x128xf32> to vector<1x2560x128xf32>
    %reduce_sum3A_32 = arith.constant dense<0.000000e+00> : vector<1xf32>
    %reduce_sum3A_33 = vector.multi_reduction <add>, %reduce_sum3A_31, %reduce_sum3A_32 [1, 2] : vector<1x2560x128xf32> to vector<1xf32>
    %reduce_sum3A_34 = vector.shape_cast %reduce_sum3A_33 : vector<1xf32> to vector<1x1x1xf32>
    %reduce_sum3A_35 = vector.extract %reduce_sum3A_34[0, 0, 0] : f32 from vector<1x1x1xf32>
    %add3A_36 = arith.addf %reduce_sum3A_30, %reduce_sum3A_35 : f32
    %neg3A_37 = arith.constant 0.000000e+00 : f32
    %neg3A_38 = arith.subf %neg3A_37, %add3A_36 : f32
    %div3A = arith.constant 3.440640e+05 : f32
    %div3A_39 = arith.divf %neg3A_38, %div3A : f32
    %swap3A = arith.constant 0 : index
    %swap3A_40 = arith.constant 0 : index
    %swap3A_41 = memref.load %arg2[%swap3A, %swap3A_40] : memref<1x1xf32, #tpu.memory_space<smem>>
    memref.store %div3A_39, %arg2[%swap3A, %swap3A_40] : memref<1x1xf32, #tpu.memory_space<smem>>
    return
  }
}

</mosaic_0001>

<sc_bundles>
// kernel: kernel.4.cloned.1.call-start
scs
__scs_entry_jumppad:
0x0: {  	(pc) =	sbr.rel $0x88, $3  }
0x1: {  	(tag) =	ssettag $0x0;
	lr =	simm.s32 $0x1  }
0x2: {  	[smem:$0x3F9C] =	sst lr;
	_ =	strace $0xD0000000  }
0x3: {  	_ = 	snop  }
0x4: {  	_ = 	snop  }
0x5: {  	_ = 	snop  }
0x6: {  	_ = 	snop  }
0x7: {  	_ = 	snop  }
__scs_overlays_trampoline_lowered:
0x8: {  	[smem:$0x3FAB] =	sst s0  }
0x9: {  	[smem:$0x3FAC] =	sst s1  }
0xa: {  	[smem:$0x3FAD] =	sst s2  }
0xb: {  	[smem:$0x3FAE] =	sst s3  }
0xc: {  	[smem:$0x3FAF] =	sst s4  }
0xd: {  	[smem:$0x3FB0] =	sst s5  }
0xe: {  	[smem:$0x3FB1] =	sst s6  }
0xf: {  	[smem:$0x3FB2] =	sst s7  }
0x10: {  	[smem:$0x3FB3] =	sst s8  }
0x11: {  	[smem:$0x3FB4] =	sst s9;
	s0 =	simm.s32 @!p0 $0x0  }
0x12: {  	s1 =	sld [smem:$0x3F9A];
	s0 =	simm.s32 @p0 $0x1  }
0x13: {  	[smem:$0x3FB5] =	sst s0;
	s0 =	simm.s32 @!p1 $0x0  }
0x14: {  	s2 =	sld [smem:$0x3F99];
	s0 =	simm.s32 @p1 $0x1  }
0x15: {  	[smem:$0x3FB6] =	sst s0;
	s0 =	simm.s32 @!p2 $0x0  }
0x16: {  	s3 =	sld [smem:$0x3FDB];
	s0 =	simm.s32 @p2 $0x1  }
0x17: {  	s4 =	simm.s32 $0x1BF5;
	[smem:$0x3FB8] =	sst s0  }
0x18: {  	s0 =	sld [smem:$0x3F9B];
	_ =	swait.ge [sflag:s4], $0x0  }
0x19: {  	s7 =	sld [smem:$0x3F9C]  }
0x1a: {  	s8 =	sadd.s32 $0xFFFFE003, lr  }
0x1b: {  	s9 =	sadd.s32 $0xFFFFFEF7, lr;
	s5 =	simm.s32 $0xFFFFFFFF;
	p2 =	slt.u32 s8, $0xFFFFF086  }
0x1c: {  	p1 =	slt.u32 s9, $0xF7A;
	s5 =	simm.s32 @!p2 $0x0  }
0x1d: {  	s5 =	simm.s32 @p1 $0x1;
	p0 =	seq.s32 s7, s2  }
0x1e: {  	s7 =	smul.u32 @!p0 $0xF7A, s2;
	p2 =	seq.s32 @!p0 s5, $0x0  }
0x1f: {  	s9 =	smul.u32 $0xF7A, s1;
	s8 =	simm.s32 @!p0 $0x1BF5;
	p2 =	por !p2, p0  }
0x20: {  	[sflag:s8] =	ssyncset.s32 @!p0 $0xFFFFF086;
	s6 =	sadd.s32 @!p0 s3, s7;
	s7 =	simm.s32 @!p0 $0x108  }
0x21: {  	s3 =	sadd.s32 s3, s9;
	s6 =	sadd.s32 @!p0 $0x88, s6;
	s7 =	simm.s32 @p2 $0x1082  }
0x22: {  	[simem:s7], [sflag:s8] =	dma.local @!p0 [hbm:s6], $0xF7A  }
0x23: {  	s9 =	sor.u32 $0xD0000000, s2;
	s6 =	simm.s32 $0x108;
	_ =	swait.ge @!p0 [sflag:s8], $0x0  }
0x24: {  	s3 =	sadd.s32 $0x88, s3;
	s6 =	simm.s32 @!p1 $0x1082;
	[sflag:s4] =	ssyncset.s32 $0xFFFFF086  }
0x25: {  	[simem:s6], [sflag:s4] =	dma.local [hbm:s3], $0xF7A  }
0x26: {  	[smem:$0x3F9C] =	sst s1;
	(tag) =	ssettag s2;
	_ =	strace s9  }
0x27: {  	s1 =	sld [smem:$0x3FAC]  }
0x28: {  	s2 =	sld [smem:$0x3FAD]  }
0x29: {  	s4 =	sld [smem:$0x3FAF]  }
0x2a: {  	p0 =	seq.s32 s5, $0x0;
	s5 =	sld [smem:$0x3FB0]  }
0x2b: {  	s6 =	sld [smem:$0x3FB1]  }
0x2c: {  	s7 =	sld [smem:$0x3FB2]  }
0x2d: {  	s3 =	simm.s32 $0x108;
	s8 =	sld [smem:$0x3FB3]  }
0x2e: {  	s3 =	simm.s32 @!p0 $0x1082;
	s9 =	sld [smem:$0x3FB4]  }
0x2f: {  	lr =	sadd.s32 s0, s3;
	s0 =	sld [smem:$0x3FAB]  }
0x30: {  	s3 =	sld [smem:$0x3FAE]  }
0x31: {  	[smem:$0x3FB7] =	sst s10  }
0x32: {  	s10 =	sld [smem:$0x3FB5];
	_ =	sdelay $0x3  }
0x33: {  	p0 =	seq.s32 s10, $0x1;
	s10 =	sld [smem:$0x3FB7];
	_ =	sdelay $0x3  }
0x34: {  	[smem:$0x3FB7] =	sst s10  }
0x35: {  	s10 =	sld [smem:$0x3FB6];
	_ =	sdelay $0x3  }
0x36: {  	p1 =	seq.s32 s10, $0x1;
	s10 =	sld [smem:$0x3FB7];
	_ =	sdelay $0x3  }
0x37: {  	[smem:$0x3FB7] =	sst s10  }
0x38: {  	s10 =	sld [smem:$0x3FB8]  }
0x39: {  	_ = 	snop;
	(pc) =	sbr.ind lr, $3  }
0x3a: {  	_ = 	snop  }
0x3b: {  	_ = 	snop  }
0x3c: {  	p2 =	seq.s32 s10, $0x1;
	s10 =	sld [smem:$0x3FB7]  }
0x3d: {  	_ =	shalt  }
0x3e: {  	_ =	shalt  }
0x3f: {  	_ =	shalt  }
0x40: {  	_ =	shalt  }
0x41: {  	_ =	shalt  }
0x42: {  	_ =	shalt  }
0x43: {  	_ =	shalt  }
0x44: {  	_ =	shalt  }
0x45: {  	_ =	shalt  }
0x46: {  	_ =	shalt  }
0x47: {  	_ =	shalt  }
0x48: {  	_ =	shalt  }
0x49: {  	_ =	shalt  }
0x4a: {  	_ =	shalt  }
0x4b: {  	_ =	shalt  }
0x4c: {  	_ =	shalt  }
0x4d: {  	_ =	shalt  }
0x4e: {  	_ =	shalt  }
0x4f: {  	_ =	shalt  }
0x50: {  	_ =	shalt  }
0x51: {  	_ =	shalt  }
0x52: {  	_ =	shalt  }
0x53: {  	_ =	shalt  }
0x54: {  	_ =	shalt  }
0x55: {  	_ =	shalt  }
0x56: {  	_ =	shalt  }
0x57: {  	_ =	shalt  }
0x58: {  	_ =	shalt  }
0x59: {  	_ =	shalt  }
0x5a: {  	_ =	shalt  }
0x5b: {  	_ =	shalt  }
0x5c: {  	_ =	shalt  }
0x5d: {  	_ =	shalt  }
0x5e: {  	_ =	shalt  }
0x5f: {  	_ =	shalt  }
0x60: {  	_ =	shalt  }
0x61: {  	_ =	shalt  }
0x62: {  	_ =	shalt  }
0x63: {  	_ =	shalt  }
0x64: {  	_ =	shalt  }
0x65: {  	_ =	shalt  }
0x66: {  	_ =	shalt  }
0x67: {  	_ =	shalt  }
0x68: {  	_ =	shalt  }
0x69: {  	_ =	shalt  }
0x6a: {  	_ =	shalt  }
0x6b: {  	_ =	shalt  }
0x6c: {  	_ =	shalt  }
0x6d: {  	_ =	shalt  }
0x6e: {  	_ =	shalt  }
0x6f: {  	_ =	shalt  }
0x70: {  	_ =	shalt  }
0x71: {  	_ =	shalt  }
0x72: {  	_ =	shalt  }
0x73: {  	_ =	shalt  }
0x74: {  	_ =	shalt  }
0x75: {  	_ =	shalt  }
0x76: {  	_ =	shalt  }
0x77: {  	_ =	shalt  }
0x78: {  	_ =	shalt  }
0x79: {  	_ =	shalt  }
0x7a: {  	_ =	shalt  }
0x7b: {  	_ =	shalt  }
0x7c: {  	_ =	shalt  }
0x7d: {  	_ =	shalt  }
0x7e: {  	_ =	shalt  }
0x7f: {  	_ =	shalt  }
0x80: {  	_ =	shalt  }
0x81: {  	_ =	shalt  }
0x82: {  	_ =	shalt  }
0x83: {  	_ =	shalt  }
0x84: {  	_ =	shalt  }
0x85: {  	_ =	shalt  }
0x86: {  	_ =	shalt  }
0x87: {  	_ =	shalt  }
.Lfunc_end0:
.L_simem_size_0:
called_computation_lowered:
.L_overlay_start_0:
0x88: {  	s2 =	sld [smem:$0x3FD9]  }
0x89: {  	s3 =	sld [smem:$0x3FFE];
	_ =	sdelay $0x1  }
0x8a: {  	s1 =	srdreg.scid  }
0x8b: {  	s0 =	sand.u32 $0x1, s1  }
0x8c: {  	s16 =	sshll.u32 s0, $0xA;
	s2 =	sadd.s32 s3, s2  }
0x8d: {  	s2 =	sadd.s32 s2, s16  }
0x8e: {  	[smem:$0x3FC3] =	sst s2  }
0x8f: {  	_ = 	snop  }
0x90: {  	(tm) =	ssettm $0x1  }
0x91: {  	s17 =	sld [smem:$0x3FFB];
	_ =	sdelay $0x3  }
0x92: {  	_ =	strace s17  }
0x93: {  	s2 =	sld [smem:$0x3FFC];
	_ =	sdelay $0x3  }
0x94: {  	_ =	strace s2  }
0x95: {  	s2 =	sld [smem:$0x3FFD];
	_ =	sdelay $0x3  }
0x96: {  	_ =	strace s2  }
0x97: {  	_ =	strace $0x8FFFFFFF  }
0x98: {  	s18 =	sld [smem:$0x3FDB];
	_ =	sdelay $0x1  }
0x99: {  	s19 =	simm.s32 $_scs_section_size  }
0x9a: {  	s4 =	simm.s32 $_size__tile_overlayer_lowered;
	s5 =	simm.s32 $_tile_overlayer_lowered  }
0x9b: {  	s22 =	simm.s32 $0x1BFF;
	s21 =	sshll.u32 s5, $0x1;
	s2 =	sadd.s32 s19, s18  }
0x9c: {  	s6 =	simm.s32 $0x0;
	s20 =	sshll.u32 s4, $0x1;
	s4 =	sadd.s32 s21, s2  }
0x9d: {  	[timem:s6], [sflag:s22] =	dma.local [hbm:s4], s20  }
0x9e: {  	_ =	swait.ge [sflag:s22], s20  }
0x9f: {  	s3 =	ssub.s32 $0x0, s20;
	[sflag:s22] =	ssyncset.done $0x0  }
0xa0: {  	[sflag:s22] =	ssyncadd.s32 s3;
	_ =	sdelay $0x1  }
0xa1: {  	s23 =	simm.s32 $0x1B8B  }
0xa2: {  	_ =	swait.ge [sflag:s23], $0x1  }
0xa3: {  	[sflag:s23] =	ssyncset.done $0x0  }
0xa4: {  	s25 =	simm.s32 $0x1B8E;
	s24 =	sld [smem:$0x3FFE];
	[sflag:s23] =	ssyncadd.s32 $0xFFFFFFFF  }
0xa5: {  	s26 =	simm.s32 $execute0_lowered;
	[smem:$0x3FD2] =	sst s25  }
0xa6: {  	s4 =	sshll.u32 s26, $0x1;
	_ =	strace $0x80000046;
	[dreg:$0x1] =	wrdreg $0xFFFFFFFF  }
0xa7: {  	s28 =	simm.s32 $_size_execute0_lowered;
	s2 =	sadd.s32 s2, s4;
	[dreg:$0x0] =	wrdreg $0x0  }
0xa8: {  	s4 =	sshll.u32 s28, $0x1;
	[dreg:$0x2] =	wrdreg s2  }
0xa9: {  	[dreg:$0x3] =	wrdreg s4  }
0xaa: {  	[dreg:$0x4] =	wrdreg $0xC0  }
0xab: {  	_ =	task [dreg:s6], $0x5FFFF  }
0xac: {  	[dreg:$0x1] =	wrdreg $0xFFFFFFFF  }
0xad: {  	[dreg:$0x0] =	wrdreg $0x60  }
0xae: {  	[dreg:$0x2] =	wrdreg s24  }
0xaf: {  	[dreg:$0x3] =	wrdreg $0x9  }
0xb0: {  	_ =	task.clear_ibuf [dreg:s6], $0x4FFFF;
	_ =	strace $0x90000046  }
0xb1: {  	s29 =	simm.s32 $0x9;
	_ =	strace $0x80000048  }
0xb2: {  	_ =	swait.ge [sflag:s29], $0x1  }
0xb3: {  	[sflag:s29] =	ssyncadd.s32 $0xFFFFFFFF  }
0xb4: {  	_ =	strace $0x90000048  }
0xb5: {  	_ =	sfence  }
0xb6: {  	s30 =	sld [smem:$0x0];
	_ =	sdelay $0x2  }
0xb7: {  	s31 =	sshll.u32 s1, $0xD;
	s1 =	sshrl.u32 s1, $0x2  }
0xb8: {  	s3 =	sand.u32 $0x4000, s31;
	s1 =	sadd.s32 s1, s30  }
0xb9: {  	s0 =	sor.u32 s3, s0;
	s1 =	sshll.u32 s1, $0x11  }
0xba: {  	s0 =	sor.u32 s1, s0  }
0xbb: {  	s0 =	sadd.s32 $0x8F2B, s0  }
0xbc: {  	[sflag:s0] =	ssyncadd.remote.s32 $0x1  }
0xbd: {  	_ =	sfence.sel $0xFFFF  }
0xbe: {  	[dreg:$0x0] =	wrdreg $0xFFFFFFFF;
	(pc) =	sbr.abs _section_cstart, $3  }
0xbf: {  	[dreg:$0x1] =	wrdreg $0xFFFFFFFF  }
0xc0: {  	_ =	task.clear_ibuf [dreg:s6], $0x2FFFF;
	_ =	strace $0x9FFFFFFF  }
0xc1: {  	(tm) =	ssettm $0x7FFFFFFF  }
tec
execute0_lowered:
.L_overlay_start_1:
0x0: {  	(tag) =	ssettag $0x1  }
0x1: {  	v0 =	vlaneseq.u32  }
0x2: {  	s1 =	simm.s32 $0x0;
	v18 =	vmul.u32 $0x40, v0  }
0x3: {  	[smem:$0x7FF] =	sst s1;
	v19 =	vmul.u32 $0x500, v0  }
0x4: {  	s0 =	rddreg [dreg:$0x0];
	_ =	strace $0x80000047;
	[tilespmem:$0x1FDA0] =	vst v18  }
0x5: {  	v60 =	vadd.s32 $0x5000, v19;
	[tilespmem:$0x1FDF0] =	vst v19  }
0x6: {  	v61 =	vadd.s32 $0x5040, v19;
	[tilespmem:$0x1FD60] =	vst v60  }
0x7: {  	v62 =	vadd.s32 $0x5100, v19;
	[tilespmem:$0x1FD70] =	vst v61  }
0x8: {  	v13 =	vadd.s32 $0x54C0, v19;
	[tilespmem:$0x1FD80] =	vst v62  }
0x9: {  	v20 =	vor.u32 $0x40, v19;
	[tilespmem:$0x1FD90] =	vst v13  }
0xa: {  	v36 =	vor.u32 $0x80, v19;
	[tilespmem:$0x1FDB0] =	vst v20  }
0xb: {  	v23 =	vor.u32 $0xC0, v19;
	[tilespmem:$0x1FDC0] =	vst v36  }
0xc: {  	v35 =	vadd.s32 $0x100, v19;
	[tilespmem:$0x1FDD0] =	vst v23  }
0xd: {  	s21 =	srdreg.scid;
	s2 =	stileid.u32;
	v26 =	vadd.s32 $0x180, v19;
	[tilespmem:$0x1FDE0] =	vst v35  }
0xe: {  	s1 =	sand.u32 $0x1, s21;
	s2 =	sshll.u32 s2, $0x1;
	v25 =	vadd.s32 $0x140, v19;
	[tilespmem:$0x1FE00] =	vst v26  }
0xf: {  	s2 =	sor.u32 s1, s2;
	v27 =	vadd.s32 $0x1C0, v19;
	[tilespmem:$0x1FE10] =	vst v25  }
0x10: {  	s3 =	sadd.s32 $0x1200, s0;
	s6 =	sshll.u32 s2, $0x6;
	v32 =	vadd.s32 $0x200, v19;
	[tilespmem:$0x1FE20] =	vst v27  }
0x11: {  	s4 =	sadd.s32 $0x16E4800, s0;
	s5 =	sadd.s32 $0xF43600, s0;
	v29 =	vadd.s32 $0x240, v19;
	s0 =	sadd.s32 s6, s0;
	[tilespmem:$0x1FE30] =	vst v32  }
0x12: {  	v30 =	vadd.s32 $0x280, v19;
	[tilespmem:$0x1FE40] =	vst v29;
	s23 =	sadd.s32 $0x17200, s0  }
0x13: {  	v31 =	vadd.s32 $0x2C0, v19;
	[tilespmem:$0x1FE50] =	vst v30;
	s24 =	sadd.s32 $0xD200, s0;
	[dreg:$0x3] =	wrdreg s23  }
0x14: {  	v34 =	vadd.s32 $0x300, v19;
	[tilespmem:$0x1FE60] =	vst v31;
	s25 =	sadd.s32 $0xDA00, s0;
	[dreg:$0x4] =	wrdreg s24  }
0x15: {  	v17 =	vadd.s32 $0x340, v19;
	[tilespmem:$0x1FE70] =	vst v34;
	s26 =	sadd.s32 $0xE200, s0;
	[dreg:$0x5] =	wrdreg s25  }
0x16: {  	v37 =	vadd.s32 $0x380, v19;
	[tilespmem:$0x1FE80] =	vst v17;
	s9 =	sadd.s32 $0xEA00, s0;
	[dreg:$0x6] =	wrdreg s26  }
0x17: {  	v21 =	vadd.s32 $0x3C0, v19;
	[tilespmem:$0x1FE90] =	vst v37;
	s10 =	sadd.s32 $0xF200, s0;
	[dreg:$0x7] =	wrdreg s9  }
0x18: {  	v24 =	vadd.s32 $0x400, v19;
	[tilespmem:$0x1FEA0] =	vst v21;
	s11 =	sadd.s32 $0xFA00, s0;
	[dreg:$0x8] =	wrdreg s10  }
0x19: {  	s28 =	simm.s32 $0x12600;
	v28 =	vadd.s32 $0x440, v19;
	[tilespmem:$0x1FEB0] =	vst v24;
	s12 =	sadd.s32 $0x10200, s0;
	[dreg:$0x9] =	wrdreg s11  }
0x1a: {  	s29 =	simm.s32 $0xB580;
	v33 =	vadd.s32 $0x480, v19;
	[tilespmem:$0x1FEC0] =	vst v28;
	s13 =	sadd.s32 $0x10A00, s0;
	[dreg:$0xa] =	wrdreg s12  }
0x1b: {  	s30 =	simm.s32 $0x14600;
	v22 =	vadd.s32 $0x4C0, v19;
	[tilespmem:$0x1FED0] =	vst v33;
	s14 =	sadd.s32 $0x11200, s0;
	[dreg:$0xb] =	wrdreg s13  }
0x1c: {  	s31 =	simm.s32 $0x3;
	v14 =	vor.u32 $0x400, v18;
	[tilespmem:$0x1FEE0] =	vst v22;
	s15 =	sadd.s32 $0x11A00, s0;
	[dreg:$0xc] =	wrdreg s14  }
0x1d: {  	s1 =	ssub.s32 $0x2, s1;
	v1 =	vadd.s32 $0x5080, v19;
	[tilespmem:$0x1FEF0] =	vst v14;
	s16 =	sadd.s32 $0x12200, s0;
	[dreg:$0xd] =	wrdreg s15  }
0x1e: {  	s7 =	smul.u32 $0x600, s2;
	v2 =	vadd.s32 $0x50C0, v19;
	[tilespmem:$0x1FF00] =	vst v1;
	s17 =	sadd.s32 $0x12A00, s0;
	[dreg:$0xe] =	wrdreg s16  }
0x1f: {  	s22 =	sshrl.u32 s1, $0x1;
	v63 =	vadd.s32 $0x5140, v19;
	[tilespmem:$0x1FF10] =	vst v2;
	s18 =	sadd.s32 $0x13200, s0;
	[dreg:$0xf] =	wrdreg s17  }
0x20: {  	s2 =	sshll.u32 s2, $0x4;
	v3 =	vadd.s32 $0x5180, v19;
	[tilespmem:$0x1FF20] =	vst v63;
	s19 =	sadd.s32 $0x13A00, s0;
	[dreg:$0x10] =	wrdreg s18  }
0x21: {  	v4 =	vadd.s32 $0x51C0, v19;
	s1 =	ssub.s32 s1, s22;
	[tilespmem:$0x1FF30] =	vst v3;
	s20 =	sadd.s32 $0x14200, s0;
	[dreg:$0x11] =	wrdreg s19  }
0x22: {  	v5 =	vadd.s32 $0x5200, v19;
	s8 =	sor.u32 $0x3, s2;
	[tilespmem:$0x1FF40] =	vst v4;
	s21 =	sadd.s32 $0x14A00, s0;
	[dreg:$0x12] =	wrdreg s20  }
0x23: {  	v6 =	vadd.s32 $0x5240, v19;
	[tilespmem:$0x1FF50] =	vst v5;
	s6 =	sadd.s32 s3, s7;
	s22 =	sadd.s32 $0x15200, s0;
	[dreg:$0x13] =	wrdreg s21  }
0x24: {  	v7 =	vadd.s32 $0x5280, v19;
	[tilespmem:$0x1FF60] =	vst v6;
	s7 =	sor.u32 $0x2, s2;
	[dreg:$0x14] =	wrdreg s22;
	s23 =	sadd.s32 $0x15A00, s0  }
0x25: {  	v8 =	vadd.s32 $0x52C0, v19;
	[tilespmem:$0x1FF70] =	vst v7;
	s24 =	sadd.s32 $0x16200, s0;
	s0 =	sadd.s32 $0x16A00, s0;
	s25 =	smax.u32 s1, $0x1  }
0x26: {  	v9 =	vadd.s32 $0x5300, v19;
	[tilespmem:$0x1FF80] =	vst v8;
	s1 =	simm.s32 $0x0;
	[dreg:$0x2] =	wrdreg s6;
	s26 =	sadd.s32 $0x60, s6  }
0x27: {  	v10 =	vadd.s32 $0x5340, v19;
	[tilespmem:$0x1FF90] =	vst v9;
	s9 =	simm.s32 $0x20;
	s10 =	simm.s32 $0x300;
	s11 =	simm.s32 $0xB00  }
0x28: {  	v11 =	vadd.s32 $0x5380, v19;
	[tilespmem:$0x1FFA0] =	vst v10;
	s12 =	simm.s32 $0x80;
	s13 =	simm.s32 $0x1300;
	[dreg:$0x15] =	wrdreg s23  }
0x29: {  	v12 =	vadd.s32 $0x53C0, v19;
	[tilespmem:$0x1FFB0] =	vst v11;
	s14 =	simm.s32 $0xB300;
	s15 =	simm.s32 $0x1;
	[dreg:$0x16] =	wrdreg s24  }
0x2a: {  	v40 =	vadd.s32 $0x5400, v19;
	[tilespmem:$0x1FFC0] =	vst v12;
	s16 =	simm.s32 $0x4;
	s17 =	simm.s32 $0xB600;
	[dreg:$0x17] =	wrdreg s0  }
0x2b: {  	v39 =	vadd.s32 $0x5440, v19;
	[tilespmem:$0x1FFD0] =	vst v40;
	s19 =	simm.s32 $0xBE00;
	s21 =	simm.s32 $0xC600;
	[dreg:$0x18] =	wrdreg s25  }
0x2c: {  	v41 =	vadd.s32 $0x5480, v19;
	[tilespmem:$0x1FFE0] =	vst v39;
	s6 =	simm.s32 $0x0;
	[dreg:$0x19] =	wrdreg s26;
	s24 =	simm.s32 $0xB480  }
0x2d: {  	[tilespmem:$0x1FFF0] =	vst v41;
	s25 =	simm.s32 $0x10600;
	s26 =	simm.s32 $0xB500;
	s0 =	simm.s32 $0x5  }
.LBB2_1:
0x2e: {  	[dreg:$0x1a] =	wrdreg s6  }
0x2f: {  	s2 =	rddreg [dreg:$0x2];
	s6 =	simm.s32 $0x2  }
0x30: {  	[tilespmem:s1], [sflag:$0x2] =	stream.linear.gather [hbm4b:s2+s1], $0x300, $0x38;
	[tilespmem:$0x19000] =	vst v63  }
0x31: {  	_ =	swait.ge [sflag:s6], $0x300  }
0x32: {  	[sflag:s6] =	ssyncset.done $0x0  }
0x33: {  	[sflag:s6] =	ssyncadd.s32 $0xFFFFFD00  }
0x34: {  	[tilespmem:s10], [sflag:$0x1] =	stream.indirect.gather [hbm4b:s4+s9], $0x40, s1, s9, $0xb8;
	[tilespmem:$0x19000] =	vst v63  }
0x35: {  	_ = 	snop  }
0x36: {  	[tilespmem:s11], [sflag:$0x1] =	stream.indirect.gather [hbm4b:s5+s9], $0x40, s9, s9, $0xb8;
	[tilespmem:$0x19000] =	vst v63  }
0x37: {  	_ = 	snop  }
0x38: {  	[tilespmem:s13], [sflag:$0x1] =	stream.indirect.gather [hbm4b:s5+s12], $0x40, s12, s12, $0xb8;
	[tilespmem:$0x19000] =	vst v63  }
0x39: {  	s18 =	simm.s32 $0x100;
	s20 =	simm.s32 $0x3300  }
0x3a: {  	[tilespmem:s20], [sflag:$0x1] =	stream.indirect.gather [hbm4b:s5+s12], $0x40, s18, s12, $0xb8;
	[tilespmem:$0x19000] =	vst v63  }
0x3b: {  	s22 =	simm.s32 $0x180;
	s23 =	simm.s32 $0x5300  }
0x3c: {  	[tilespmem:s23], [sflag:$0x1] =	stream.indirect.gather [hbm4b:s5+s12], $0x40, s22, s12, $0xb8;
	[tilespmem:$0x19000] =	vst v63  }
0x3d: {  	s6 =	simm.s32 $0x200;
	s18 =	simm.s32 $0x7300  }
0x3e: {  	[tilespmem:s18], [sflag:$0x1] =	stream.indirect.gather [hbm4b:s5+s12], $0x40, s6, s12, $0xb8;
	[tilespmem:$0x19000] =	vst v63  }
0x3f: {  	s20 =	simm.s32 $0x280;
	s22 =	simm.s32 $0x9300  }
0x40: {  	[tilespmem:s22], [sflag:$0x1] =	stream.indirect.gather [hbm4b:s5+s12], $0x40, s20, s12, $0xb8;
	[tilespmem:$0x19000] =	vst v63  }
0x41: {  	s23 =	rddreg [dreg:$0x19]  }
0x42: {  	[tilespmem:s14], [sflag:$0x4] =	stream.linear.gather [hbm4b:s23+s1], $0x300, $0x38;
	[tilespmem:$0x19000] =	vst v63  }
0x43: {  	s1 =	simm.s32 $0x0  }
.LBB2_2:
0x44: {  	_ =	swait.ge [sflag:s15], $0x800  }
0x45: {  	[sflag:s15] =	ssyncset.done $0x0  }
0x46: {  	[sflag:s15] =	ssyncadd.s32 $0xFFFFF800  }
0x47: {  	_ =	swait.ge [sflag:s15], $0x800  }
0x48: {  	[sflag:s15] =	ssyncset.done $0x0  }
0x49: {  	[sflag:s15] =	ssyncadd.s32 $0xFFFFF800  }
0x4a: {  	_ =	swait.ge [sflag:s15], $0xA000  }
0x4b: {  	[sflag:s15] =	ssyncset.done $0x0  }
0x4c: {  	[sflag:s15] =	ssyncadd.s32 $0xFFFF6000  }
0x4d: {  	_ =	swait.ge [sflag:s16], $0x300  }
0x4e: {  	[sflag:s16] =	ssyncset.done $0x0  }
0x4f: {  	[sflag:s16] =	ssyncadd.s32 $0xFFFFFD00  }
0x50: {  	[tilespmem:s17], [sflag:$0x3] =	stream.indirect.gather [hbm4b:s4+s9], $0x40, s14, s9, $0xb8;
	[tilespmem:$0x19000] =	vst v63  }
0x51: {  	s2 =	simm.s32 $0xB320  }
0x52: {  	[tilespmem:s19], [sflag:$0x3] =	stream.indirect.gather [hbm4b:s5+s9], $0x40, s2, s9, $0xb8;
	[tilespmem:$0x19000] =	vst v63  }
0x53: {  	s6 =	simm.s32 $0xB380  }
0x54: {  	[tilespmem:s21], [sflag:$0x3] =	stream.indirect.gather [hbm4b:s5+s12], $0x40, s6, s12, $0xb8;
	[tilespmem:$0x19000] =	vst v63  }
0x55: {  	s18 =	simm.s32 $0xB400;
	s20 =	simm.s32 $0x0;
	s6 =	simm.s32 $0xE600  }
0x56: {  	v0 =	vmov s20;
	[tilespmem:s6], [sflag:$0x3] =	stream.indirect.gather [hbm4b:s5+s12], $0x40, s18, s12, $0xb8;
	[tilespmem:$0x19000] =	vst v63  }
0x57: {  	p0 =	seq.s32 s1, $0x7;
	v0 =	vand.u32 $0x3F, v0;
	s2 =	sshll.u32 s1, $0x1  }
0x58: {  	v0 =	vbroadcast v0, $0x0;
	[tilespmem:s25], [sflag:$0x3] =	stream.indirect.gather [hbm4b:s5+s12], $0x40, s24, s12, $0xb8;
	[tilespmem:$0x19000] =	vst v63  }
0x59: {  	s6 =	sadd.s32 @!p0 s2, s7  }
0x5a: {  	v1 =	vor.u32 v18, v0;
	[tilespmem:s28], [sflag:$0x3] =	stream.indirect.gather [hbm4b:s5+s12], $0x40, s26, s12, $0xb8;
	[tilespmem:$0x19000] =	vst v63  }
0x5b: {  	v2 =	vor.u32 v22, v0;
	s6 =	smul.u32 @!p0 $0x60, s6  }
0x5c: {  	[tilespmem:s30], [sflag:$0x3] =	stream.indirect.gather [hbm4b:s5+s12], $0x40, s29, s12, $0xb8;
	[tilespmem:$0x19000] =	vst v63  }
0x5d: {  	v3 =	vor.u32 v19, v0;
	s18 =	simm.s32 @!p0 $0x0;
	s6 =	sadd.s32 @!p0 s3, s6  }
0x5e: {  	v4 =	vor.u32 v20, v0;
	[tilespmem:s18], [sflag:$0x2] =	stream.linear.gather @!p0 [hbm4b:s6+s18], $0x300, $0x38;
	[tilespmem:$0x19000] =	vst v63  }
0x5f: {  	v5 =	vor.u32 v36, v0;
	v6 =	vld.idx.msk [tilespmem:v1+s10+$0x0], $0xffff  }
0x60: {  	v7 =	vor.u32 v23, v0;
	v2 =	vld.idx.msk [tilespmem:v2+s13+$0x0], $0xffff  }
0x61: {  	v8 =	vor.u32 v35, v0;
	v1 =	vld.idx.msk [tilespmem:v1+s11+$0x0], $0xffff  }
0x62: {  	v9 =	vor.u32 v25, v0;
	v3 =	vld.idx.msk [tilespmem:v3+s13+$0x0], $0xffff  }
0x63: {  	v10 =	vor.u32 v26, v0;
	v4 =	vld.idx.msk [tilespmem:v4+s13+$0x0], $0xffff  }
0x64: {  	v11 =	vor.u32 v27, v0;
	v5 =	vld.idx.msk [tilespmem:v5+s13+$0x0], $0xffff  }
0x65: {  	v12 =	vor.u32 v32, v0;
	v7 =	vld.idx.msk [tilespmem:v7+s13+$0x0], $0xffff  }
0x66: {  	v13 =	vor.u32 v29, v0;
	v8 =	vld.idx.msk [tilespmem:v8+s13+$0x0], $0xffff  }
0x67: {  	v14 =	vor.u32 v30, v0;
	v9 =	vld.idx.msk [tilespmem:v9+s13+$0x0], $0xffff  }
0x68: {  	v15 =	vor.u32 v31, v0;
	v10 =	vld.idx.msk [tilespmem:v10+s13+$0x0], $0xffff  }
0x69: {  	s22 =	simm.s32 $0x1;
	v16 =	vor.u32 v34, v0;
	v11 =	vld.idx.msk [tilespmem:v11+s13+$0x0], $0xffff  }
0x6a: {  	v48 =	vmov s22;
	v42 =	vor.u32 v17, v0;
	v12 =	vld.idx.msk [tilespmem:v12+s13+$0x0], $0xffff  }
0x6b: {  	v48 =	vand.u32 $0x3F, v48;
	v44 =	vor.u32 v37, v0;
	v13 =	vld.idx.msk [tilespmem:v13+s13+$0x0], $0xffff  }
0x6c: {  	v48 =	vbroadcast v48, $0x0;
	v45 =	vor.u32 v21, v0;
	v14 =	vld.idx.msk [tilespmem:v14+s13+$0x0], $0xffff  }
0x6d: {  	v46 =	vor.u32 v24, v0;
	v47 =	vor.u32 v28, v0;
	v0 =	vor.u32 v33, v0;
	v15 =	vld.idx.msk [tilespmem:v15+s13+$0x0], $0xffff  }
0x6e: {  	v50 =	vor.u32 v18, v48;
	v16 =	vld.idx.msk [tilespmem:v16+s13+$0x0], $0xffff  }
0x6f: {  	v53 =	vor.u32 v22, v48;
	v42 =	vld.idx.msk [tilespmem:v42+s13+$0x0], $0xffff;
	v4 =	vmul.f32 v4, v6  }
0x70: {  	v43 =	vimm.f32 $0.0e+00;
	v52 =	vld.idx.msk [tilespmem:v44+s13+$0x0], $0xffff  }
0x71: {  	v45 =	vld.idx.msk [tilespmem:v45+s13+$0x0], $0xffff;
	v55 =	vadd.f32 v4, v43;
	v4 =	vmul.f32 v9, v6  }
0x72: {  	v62 =	vor.u32 v25, v48;
	v0 =	vld.idx.msk [tilespmem:v0+s13+$0x0], $0xffff  }
0x73: {  	v44 =	vld.idx.msk [tilespmem:v50+s10+$0x0], $0xffff;
	v5 =	vmul.f32 v5, v6;
	v49 =	vadd.f32 v4, v43;
	v4 =	vor.u32 v19, v48  }
0x74: {  	v53 =	vld.idx.msk [tilespmem:v53+s13+$0x0], $0xffff;
	v7 =	vmul.f32 v7, v6;
	v58 =	vmul.f32 v10, v6;
	v10 =	vor.u32 v20, v48  }
0x75: {  	v56 =	vadd.f32 v5, v43;
	v5 =	vld.idx.msk [tilespmem:v46+s13+$0x0], $0xffff;
	v9 =	vmul.f32 v11, v6;
	v11 =	vor.u32 v36, v48  }
0x76: {  	v63 =	vor.u32 v26, v48;
	v40 =	vor.u32 v29, v48;
	v41 =	vor.u32 v30, v48;
	v50 =	vld.idx.msk [tilespmem:v50+s11+$0x0], $0xffff  }
0x77: {  	v1 =	vmul.f32 v1, v6;
	v8 =	vmul.f32 v8, v6;
	v38 =	vadd.f32 v7, v43;
	v7 =	vld.idx.msk [tilespmem:v47+s13+$0x0], $0xffff  }
0x78: {  	v39 =	vor.u32 v31, v48;
	v46 =	vor.u32 v23, v48;
	v57 =	vld.idx.msk [tilespmem:v4+s13+$0x0], $0xffff;
	v4 =	vmul.f32 v45, v6  }
0x79: {  	v54 =	vadd.f32 v1, v43;
	v51 =	vadd.f32 v8, v43;
	v1 =	vmul.f32 v14, v6;
	v10 =	vld.idx.msk [tilespmem:v10+s13+$0x0], $0xffff  }
0x7a: {  	v8 =	vor.u32 v27, v48;
	[tilespmem:$0x1FD40] =	vst v4;
	v4 =	vmul.f32 v5, v6;
	v5 =	vld.idx.msk [tilespmem:v11+s13+$0x0], $0xffff  }
0x7b: {  	v2 =	vmul.f32 v2, v6;
	v3 =	vmul.f32 v3, v6;
	[tilespmem:$0x1FD20] =	vst v8;
	v11 =	vld.idx.msk [tilespmem:v62+s13+$0x0], $0xffff  }
0x7c: {  	v12 =	vmul.f32 v12, v6;
	v13 =	vmul.f32 v13, v6;
	v62 =	vadd.f32 v1, v43;
	v1 =	vld [tilespmem:$0x1FD20]  }
0x7d: {  	v60 =	vmul.f32 v15, v6;
	v61 =	vadd.f32 v58, v43;
	v58 =	vadd.f32 v9, v43;
	v9 =	vld.idx.msk [tilespmem:v46+s13+$0x0], $0xffff  }
0x7e: {  	v16 =	vmul.f32 v16, v6;
	v15 =	vmul.f32 v42, v6;
	v47 =	vor.u32 v35, v48  }
0x7f: {  	v0 =	vmul.f32 v0, v6;
	v2 =	vadd.f32 v2, v43;
	v8 =	vor.u32 v32, v48  }
0x80: {  	v3 =	vadd.f32 v3, v43;
	[tilespmem:$0x1FD30] =	vst v8;
	v8 =	vmul.f32 v52, v6;
	v10 =	vmul.f32 v10, v44  }
0x81: {  	v59 =	vadd.f32 v13, v43;
	v30 =	vmul.f32 v7, v6;
	v6 =	vmul.f32 v50, v44  }
0x82: {  	v7 =	vmul.f32 v53, v44;
	v55 =	vadd.f32 v10, v55;
	v10 =	vmul.f32 v9, v44;
	v9 =	vld [tilespmem:$0x1FD40]  }
0x83: {  	v14 =	vld.idx.msk [tilespmem:v47+s13+$0x0], $0xffff;
	v47 =	vadd.f32 v8, v43;
	v53 =	vadd.f32 v6, v54;
	v6 =	vmul.f32 v57, v44  }
0x84: {  	v8 =	vor.u32 v33, v48;
	v42 =	vadd.f32 v7, v2;
	v7 =	vor.u32 v17, v48;
	v13 =	vld.idx.msk [tilespmem:v1+s13+$0x0], $0xffff  }
0x85: {  	v2 =	vor.u32 v37, v48;
	v54 =	vadd.f32 v6, v3;
	v3 =	vmul.f32 v5, v44;
	v1 =	vld [tilespmem:$0x1FD30]  }
0x86: {  	[tilespmem:$0x1FD50] =	vst v4;
	v4 =	vor.u32 v34, v48;
	v5 =	vor.u32 v21, v48;
	v6 =	vor.u32 v24, v48  }
0x87: {  	v56 =	vadd.f32 v3, v56;
	v3 =	vor.u32 v28, v48;
	v48 =	vadd.f32 v9, v43;
	v9 =	vld [tilespmem:$0x1FD50];
	_ =	sdelay $0x1  }
0x88: {  	s23 =	simm.s32 $0x2;
	v50 =	vadd.f32 v15, v43;
	v57 =	vadd.f32 v12, v43;
	v12 =	vld.idx.msk [tilespmem:v63+s13+$0x0], $0xffff  }
0x89: {  	v15 =	vmov s23;
	v63 =	vadd.f32 v60, v43;
	v60 =	vadd.f32 v10, v38;
	v10 =	vld.idx.msk [tilespmem:v41+s13+$0x0], $0xffff  }
0x8a: {  	v52 =	vadd.f32 v16, v43;
	v16 =	vand.u32 $0x3F, v15;
	v15 =	vmul.f32 v11, v44;
	v11 =	vld.idx.msk [tilespmem:v39+s13+$0x0], $0xffff  }
0x8b: {  	v46 =	vadd.f32 v9, v43;
	v9 =	vld.idx.msk [tilespmem:v40+s13+$0x0], $0xffff  }
0x8c: {  	s6 =	simm.s32 $0x3;
	v45 =	vadd.f32 v30, v43;
	v14 =	vmul.f32 v14, v44;
	v1 =	vld.idx.msk [tilespmem:v1+s13+$0x0], $0xffff  }
.LBB2_3:
0x8d: {  	v16 =	vbroadcast v16, $0x0;
	_ =	sdelay $0x1  }
0x8e: {  	v17 =	vor.u32 v19, v16;
	v19 =	vld.idx.msk [tilespmem:v2+s13+$0x0], $0xffff  }
0x8f: {  	v2 =	vld [tilespmem:$0x1FEE0];
	_ =	sdelay $0x4  }
0x90: {  	v22 =	vor.u32 v2, v16;
	v2 =	vld [tilespmem:$0x1FE10];
	_ =	sdelay $0x4  }
0x91: {  	v25 =	vor.u32 v2, v16;
	v2 =	vld [tilespmem:$0x1FE20];
	_ =	sdelay $0x4  }
0x92: {  	v28 =	vor.u32 v2, v16;
	v2 =	vld [tilespmem:$0x1FE40];
	_ =	sdelay $0x1  }
0x93: {  	v27 =	vld.idx.msk [tilespmem:v6+s13+$0x0], $0xffff  }
0x94: {  	v31 =	vld.idx.msk [tilespmem:v3+s13+$0x0], $0xffff  }
0x95: {  	v3 =	vld [tilespmem:$0x1FEA0]  }
0x96: {  	v30 =	vor.u32 v2, v16;
	v2 =	vld [tilespmem:$0x1FE50]  }
0x97: {  	v51 =	vadd.f32 v14, v51;
	v14 =	vld.idx.msk [tilespmem:v4+s13+$0x0], $0xffff  }
0x98: {  	v49 =	vadd.f32 v15, v49;
	v15 =	vld.idx.msk [tilespmem:v7+s13+$0x0], $0xffff  }
0x99: {  	v38 =	vmov v23;
	v21 =	vor.u32 v23, v16;
	v23 =	vld.idx.msk [tilespmem:v5+s13+$0x0], $0xffff  }
0x9a: {  	v41 =	vor.u32 v26, v16;
	v4 =	vor.u32 v34, v16;
	v34 =	vld.idx.msk [tilespmem:v8+s13+$0x0], $0xffff  }
0x9b: {  	v43 =	vadd.f32 v0, v43;
	v12 =	vmul.f32 v12, v44;
	v37 =	vor.u32 v2, v16;
	v2 =	vld [tilespmem:$0x1FE60]  }
0x9c: {  	v0 =	vor.u32 v18, v16;
	v18 =	vor.u32 v20, v16;
	v8 =	vld [tilespmem:$0x1FED0];
	v10 =	vmul.f32 v10, v44  }
0x9d: {  	v5 =	vor.u32 v3, v16;
	v3 =	vld [tilespmem:$0x1FEB0];
	v61 =	vadd.f32 v12, v61;
	v12 =	vmul.f32 v14, v44  }
0x9e: {  	v39 =	vmovc v20;
	v20 =	vor.u32 v36, v16;
	v62 =	vadd.f32 v10, v62;
	v10 =	vmul.f32 v27, v44;
	v27 =	vld [tilespmem:$0x1FE20]  }
0x9f: {  	v52 =	vadd.f32 v12, v52;
	v12 =	vld.idx.msk [tilespmem:v41+s13+$0x0], $0xffff  }
0xa0: {  	v13 =	vmul.f32 v13, v44;
	v33 =	vor.u32 v2, v16;
	v2 =	vld [tilespmem:$0x1FE80]  }
0xa1: {  	v40 =	vmov v35;
	v24 =	vor.u32 v35, v16;
	v35 =	vld.idx.msk [tilespmem:v0+s10+$0x0], $0xffff  }
0xa2: {  	v58 =	vadd.f32 v13, v58;
	v13 =	vld.idx.msk [tilespmem:v18+s13+$0x0], $0xffff  }
0xa3: {  	v14 =	vmul.f32 v15, v44;
	v15 =	vld.idx.msk [tilespmem:v20+s13+$0x0], $0xffff  }
0xa4: {  	v6 =	vor.u32 v3, v16;
	v3 =	vld [tilespmem:$0x1FEC0]  }
0xa5: {  	v7 =	vor.u32 v2, v16;
	v2 =	vld [tilespmem:$0x1FE90]  }
0xa6: {  	v18 =	vld.idx.msk [tilespmem:v21+s13+$0x0], $0xffff  }
0xa7: {  	v20 =	vld.idx.msk [tilespmem:v24+s13+$0x0], $0xffff  }
0xa8: {  	v21 =	vld.idx.msk [tilespmem:v25+s13+$0x0], $0xffff  }
0xa9: {  	v29 =	vor.u32 v32, v16;
	v25 =	vld [tilespmem:$0x1FE10]  }
0xaa: {  	v8 =	vor.u32 v8, v16;
	v3 =	vor.u32 v3, v16;
	v2 =	vor.u32 v2, v16;
	v16 =	vld.idx.msk [tilespmem:v22+s13+$0x0], $0xffff  }
0xab: {  	v22 =	vld.idx.msk [tilespmem:v0+s11+$0x0], $0xffff;
	v0 =	vmul.f32 v1, v44  }
0xac: {  	v46 =	vadd.f32 v10, v46;
	v10 =	vld.idx.msk [tilespmem:v37+s13+$0x0], $0xffff;
	v1 =	vmul.f32 v9, v44  }
0xad: {  	v9 =	vld.idx.msk [tilespmem:v17+s13+$0x0], $0xffff;
	v57 =	vadd.f32 v0, v57  }
0xae: {  	v59 =	vadd.f32 v1, v59;
	v1 =	vmul.f32 v19, v44;
	v0 =	vmul.f32 v34, v44;
	v34 =	vld [tilespmem:$0x1FE70]  }
0xaf: {  	v11 =	vmul.f32 v11, v44;
	v19 =	vmul.f32 v31, v44;
	v31 =	vld [tilespmem:$0x1FE60]  }
0xb0: {  	v47 =	vadd.f32 v1, v47;
	v1 =	vld.idx.msk [tilespmem:v29+s13+$0x0], $0xffff  }
0xb1: {  	v63 =	vadd.f32 v11, v63;
	v50 =	vadd.f32 v14, v50;
	v29 =	vld [tilespmem:$0x1FE40]  }
0xb2: {  	v14 =	vmul.f32 v15, v35;
	v45 =	vadd.f32 v19, v45;
	v19 =	vld [tilespmem:$0x1FDF0];
	v11 =	vmul.f32 v22, v35  }
0xb3: {  	p1 =	sne.s32 s6, $0x3F;
	v15 =	vmov s6;
	v22 =	vld [tilespmem:$0x1FEE0];
	v9 =	vmul.f32 v9, v35  }
.Ltmp0:
0xb4: {  	v56 =	vadd.f32 v14, v56;
	v53 =	vadd.f32 v11, v53;
	v11 =	vmul.f32 v13, v35;
	v13 =	vld.idx.msk [tilespmem:v28+s13+$0x0], $0xffff;
	(pc) =	sbr.rel @p1 .LBB2_3-.Ltmp0, $4  }
0xb5: {  	v17 =	vmul.f32 v23, v44;
	v16 =	vmul.f32 v16, v35;
	v54 =	vadd.f32 v9, v54;
	v9 =	vld.idx.msk [tilespmem:v30+s13+$0x0], $0xffff  }
0xb6: {  	v14 =	vmul.f32 v20, v35;
	v30 =	vld [tilespmem:$0x1FE50];
	v55 =	vadd.f32 v11, v55;
	v11 =	vmul.f32 v18, v35  }
0xb7: {  	v20 =	vmovc v39;
	v23 =	vmovc v38;
	v48 =	vadd.f32 v17, v48;
	v44 =	vmov v35;
	v42 =	vadd.f32 v16, v42;
	v18 =	vld [tilespmem:$0x1FDA0]  }
0xb8: {  	s6 =	sadd.s32 $0x1, s6;
	v16 =	vand.u32 $0x3F, v15;
	v15 =	vmul.f32 v21, v44;
	v35 =	vmovc v40;
	v60 =	vadd.f32 v11, v60;
	v11 =	vld.idx.msk [tilespmem:v33+s13+$0x0], $0xffff  }
0xb9: {  	_ =	sdelay $0x3  }
0xba: {  	v4 =	vld.idx.msk [tilespmem:v4+s13+$0x0], $0xffff  }
0xbb: {  	v7 =	vld.idx.msk [tilespmem:v7+s13+$0x0], $0xffff  }
0xbc: {  	v2 =	vld.idx.msk [tilespmem:v2+s13+$0x0], $0xffff  }
0xbd: {  	v5 =	vld.idx.msk [tilespmem:v5+s13+$0x0], $0xffff  }
0xbe: {  	v6 =	vld.idx.msk [tilespmem:v6+s13+$0x0], $0xffff  }
0xbf: {  	v3 =	vld.idx.msk [tilespmem:v3+s13+$0x0], $0xffff  }
0xc0: {  	v8 =	vld.idx.msk [tilespmem:v8+s13+$0x0], $0xffff  }
0xc1: {  	v16 =	vbroadcast v16, $0x0;
	v33 =	vld [tilespmem:$0x1FE80]  }
0xc2: {  	v39 =	vld [tilespmem:$0x1FE90]  }
0xc3: {  	v40 =	vld [tilespmem:$0x1FEA0];
	v19 =	vor.u32 v19, v16  }
0xc4: {  	v41 =	vld [tilespmem:$0x1FEB0];
	v20 =	vor.u32 v20, v16  }
0xc5: {  	v0 =	vadd.f32 v0, v43;
	v43 =	vld [tilespmem:$0x1FEC0];
	v21 =	vor.u32 v36, v16  }
0xc6: {  	v14 =	vadd.f32 v14, v51;
	v51 =	vld [tilespmem:$0x1FED0];
	v23 =	vor.u32 v23, v16  }
0xc7: {  	v38 =	vld [tilespmem:$0x1FF70];
	v24 =	vor.u32 v35, v16  }
0xc8: {  	v25 =	vor.u32 v25, v16;
	v19 =	vld.idx.msk [tilespmem:v19+s13+$0x0], $0xffff  }
0xc9: {  	v26 =	vor.u32 v26, v16;
	v20 =	vld.idx.msk [tilespmem:v20+s13+$0x0], $0xffff  }
0xca: {  	v27 =	vor.u32 v27, v16;
	v21 =	vld.idx.msk [tilespmem:v21+s13+$0x0], $0xffff  }
0xcb: {  	v28 =	vor.u32 v32, v16;
	v23 =	vld.idx.msk [tilespmem:v23+s13+$0x0], $0xffff  }
0xcc: {  	v29 =	vor.u32 v29, v16;
	v24 =	vld.idx.msk [tilespmem:v24+s13+$0x0], $0xffff  }
0xcd: {  	v30 =	vor.u32 v30, v16;
	v25 =	vld.idx.msk [tilespmem:v25+s13+$0x0], $0xffff  }
0xce: {  	v17 =	vor.u32 v18, v16;
	v26 =	vld.idx.msk [tilespmem:v26+s13+$0x0], $0xffff  }
0xcf: {  	v27 =	vld.idx.msk [tilespmem:v27+s13+$0x0], $0xffff  }
0xd0: {  	v31 =	vor.u32 v31, v16;
	v28 =	vld.idx.msk [tilespmem:v28+s13+$0x0], $0xffff  }
0xd1: {  	v32 =	vor.u32 v34, v16;
	v29 =	vld.idx.msk [tilespmem:v29+s13+$0x0], $0xffff  }
0xd2: {  	v18 =	vor.u32 v22, v16;
	v30 =	vld.idx.msk [tilespmem:v30+s13+$0x0], $0xffff  }
0xd3: {  	v33 =	vor.u32 v33, v16;
	v22 =	vld.idx.msk [tilespmem:v17+s10+$0x0], $0xffff  }
0xd4: {  	v12 =	vmul.f32 v12, v44;
	v13 =	vmul.f32 v13, v44;
	v34 =	vor.u32 v39, v16;
	v17 =	vld.idx.msk [tilespmem:v17+s11+$0x0], $0xffff  }
0xd5: {  	v1 =	vmul.f32 v1, v44;
	v10 =	vmul.f32 v10, v44;
	v35 =	vor.u32 v40, v16;
	v31 =	vld.idx.msk [tilespmem:v31+s13+$0x0], $0xffff  }
0xd6: {  	v15 =	vadd.f32 v15, v49;
	v9 =	vmul.f32 v9, v44;
	v49 =	vor.u32 v41, v16;
	v32 =	vld.idx.msk [tilespmem:v32+s13+$0x0], $0xffff  }
0xd7: {  	v12 =	vadd.f32 v12, v61;
	v13 =	vadd.f32 v13, v58;
	v43 =	vor.u32 v43, v16;
	v18 =	vld.idx.msk [tilespmem:v18+s13+$0x0], $0xffff  }
0xd8: {  	v1 =	vadd.f32 v1, v57;
	v11 =	vmul.f32 v11, v44;
	v16 =	vor.u32 v51, v16;
	v33 =	vld.idx.msk [tilespmem:v33+s13+$0x0], $0xffff  }
0xd9: {  	v10 =	vadd.f32 v10, v62;
	v4 =	vmul.f32 v4, v44;
	v34 =	vld.idx.msk [tilespmem:v34+s13+$0x0], $0xffff;
	v17 =	vmul.f32 v17, v22  }
0xda: {  	v9 =	vadd.f32 v9, v59;
	v7 =	vmul.f32 v7, v44;
	v35 =	vld.idx.msk [tilespmem:v35+s13+$0x0], $0xffff;
	v19 =	vmul.f32 v19, v22  }
0xdb: {  	v2 =	vmul.f32 v2, v44;
	v49 =	vld.idx.msk [tilespmem:v49+s13+$0x0], $0xffff;
	v20 =	vmul.f32 v20, v22;
	v17 =	vadd.f32 v17, v53  }
0xdc: {  	s6 =	sshll.u32 s1, $0x6;
	v5 =	vmul.f32 v5, v44;
	v43 =	vld.idx.msk [tilespmem:v43+s13+$0x0], $0xffff;
	v21 =	vmul.f32 v21, v22;
	v19 =	vadd.f32 v19, v54  }
0xdd: {  	v16 =	vld.idx.msk [tilespmem:v16+s13+$0x0], $0xffff;
	v20 =	vadd.f32 v20, v55;
	v53 =	vmul.f32 v25, v22;
	[tilespmem:s6+$0x16600] =	vst v17  }
0xde: {  	v36 =	vld [tilespmem:$0x1FD70];
	v21 =	vadd.f32 v21, v56;
	v17 =	vmul.f32 v23, v22;
	[tilespmem:s6+$0x16800] =	vst v19;
	v19 =	vmul.f32 v24, v22  }
0xdf: {  	v3 =	vmul.f32 v3, v44;
	v40 =	vld [tilespmem:$0x1FFB0];
	v2 =	vadd.f32 v2, v47;
	[tilespmem:s6+$0x16A00] =	vst v20;
	v15 =	vadd.f32 v53, v15  }
0xe0: {  	v47 =	vld [tilespmem:$0x1FFA0];
	[tilespmem:s6+$0x16C00] =	vst v21;
	v17 =	vadd.f32 v17, v60;
	v14 =	vadd.f32 v19, v14;
	v19 =	vmul.f32 v26, v22  }
0xe1: {  	v6 =	vmul.f32 v6, v44;
	v5 =	vadd.f32 v5, v48;
	v48 =	vld [tilespmem:$0x1FFC0];
	[tilespmem:s6+$0x17200] =	vst v15;
	v15 =	vmul.f32 v30, v22  }
0xe2: {  	v3 =	vadd.f32 v3, v45;
	v45 =	vld [tilespmem:$0x1FFE0];
	[tilespmem:s6+$0x16E00] =	vst v17;
	v17 =	vmul.f32 v27, v22;
	v12 =	vadd.f32 v19, v12  }
0xe3: {  	v11 =	vadd.f32 v11, v63;
	v54 =	vld [tilespmem:$0x1FEF0];
	v19 =	vmul.f32 v28, v22;
	[tilespmem:s6+$0x17000] =	vst v14;
	v10 =	vadd.f32 v15, v10  }
0xe4: {  	v4 =	vadd.f32 v4, v52;
	v55 =	vld [tilespmem:$0x1FD90];
	v14 =	vmul.f32 v29, v22;
	v13 =	vadd.f32 v17, v13;
	[tilespmem:s6+$0x17400] =	vst v12  }
0xe5: {  	v7 =	vadd.f32 v7, v50;
	v30 =	vld [tilespmem:$0x1FF20];
	v1 =	vadd.f32 v19, v1;
	v12 =	vmul.f32 v31, v22;
	[tilespmem:s6+$0x17C00] =	vst v10  }
0xe6: {  	v26 =	vld [tilespmem:$0x1FFF0];
	v9 =	vadd.f32 v14, v9;
	v10 =	vmul.f32 v35, v22;
	[tilespmem:s6+$0x17600] =	vst v13;
	v13 =	vmul.f32 v32, v22  }
0xe7: {  	v27 =	vld [tilespmem:$0x1FF00];
	[tilespmem:s6+$0x17800] =	vst v1;
	v1 =	vadd.f32 v6, v46;
	v6 =	vmul.f32 v33, v22;
	v11 =	vadd.f32 v12, v11  }
0xe8: {  	s18 =	simm.s32 $0x0;
	v28 =	vld [tilespmem:$0x1FF10];
	[tilespmem:s6+$0x17A00] =	vst v9;
	v9 =	vmul.f32 v34, v22;
	v4 =	vadd.f32 v13, v4  }
0xe9: {  	v29 =	vld [tilespmem:$0x1FD80];
	v5 =	vadd.f32 v10, v5;
	v6 =	vadd.f32 v6, v7;
	[tilespmem:s6+$0x17E00] =	vst v11;
	v7 =	vmov s18  }
0xea: {  	v8 =	vmul.f32 v8, v44;
	v35 =	vld [tilespmem:$0x1FD60];
	v11 =	vmul.f32 v49, v22;
	[tilespmem:s6+$0x18000] =	vst v4;
	v4 =	vand.u32 $0x3F, v7  }
0xeb: {  	v31 =	vld [tilespmem:$0x1FF30];
	v2 =	vadd.f32 v9, v2;
	[tilespmem:s6+$0x18600] =	vst v5;
	v7 =	vmul.f32 v43, v22;
	v4 =	vbroadcast v4, $0x0  }
0xec: {  	v0 =	vadd.f32 v8, v0;
	v32 =	vld [tilespmem:$0x1FF40];
	[tilespmem:s6+$0x18200] =	vst v6;
	v6 =	vmul.f32 v16, v22;
	v1 =	vadd.f32 v11, v1  }
0xed: {  	v33 =	vld [tilespmem:$0x1FF50];
	[tilespmem:s6+$0x18400] =	vst v2;
	v2 =	vmul.f32 v18, v22;
	v3 =	vadd.f32 v7, v3;
	v5 =	vor.u32 v54, v4  }
0xee: {  	v34 =	vld [tilespmem:$0x1FF60];
	v0 =	vadd.f32 v6, v0;
	[tilespmem:s6+$0x18800] =	vst v1;
	v1 =	vor.u32 v55, v4  }
0xef: {  	v46 =	vld [tilespmem:$0x1FF90];
	v2 =	vadd.f32 v2, v42;
	[tilespmem:s6+$0x18A00] =	vst v3  }
0xf0: {  	v49 =	vld [tilespmem:$0x1FFD0];
	v7 =	vor.u32 v28, v4;
	[tilespmem:s6+$0x18C00] =	vst v0  }
0xf1: {  	v42 =	vld [tilespmem:$0x1FF80];
	v8 =	vor.u32 v29, v4;
	[tilespmem:s6+$0x18E00] =	vst v2  }
0xf2: {  	v9 =	vor.u32 v30, v4;
	v6 =	vld.idx.msk [tilespmem:v5+s10+$0x0], $0xffff  }
0xf3: {  	v12 =	vor.u32 v33, v4;
	v1 =	vld.idx.msk [tilespmem:v1+s13+$0x0], $0xffff  }
0xf4: {  	v13 =	vor.u32 v34, v4;
	v5 =	vld.idx.msk [tilespmem:v5+s11+$0x0], $0xffff  }
0xf5: {  	v14 =	vor.u32 v38, v4;
	v7 =	vld.idx.msk [tilespmem:v7+s13+$0x0], $0xffff  }
0xf6: {  	v16 =	vor.u32 v46, v4;
	v8 =	vld.idx.msk [tilespmem:v8+s13+$0x0], $0xffff  }
0xf7: {  	v0 =	vor.u32 v35, v4;
	v9 =	vld.idx.msk [tilespmem:v9+s13+$0x0], $0xffff  }
0xf8: {  	v17 =	vor.u32 v47, v4;
	v12 =	vld.idx.msk [tilespmem:v12+s13+$0x0], $0xffff  }
0xf9: {  	s22 =	simm.s32 $0x1;
	v3 =	vor.u32 v27, v4;
	v13 =	vld.idx.msk [tilespmem:v13+s13+$0x0], $0xffff  }
0xfa: {  	v58 =	vmov s22;
	v18 =	vor.u32 v40, v4;
	v14 =	vld.idx.msk [tilespmem:v14+s13+$0x0], $0xffff  }
0xfb: {  	v43 =	vimm.f32 $0.0e+00;
	v22 =	vand.u32 $0x3F, v58;
	v2 =	vor.u32 v36, v4;
	v16 =	vld.idx.msk [tilespmem:v16+s13+$0x0], $0xffff  }
0xfc: {  	v22 =	vbroadcast v22, $0x0;
	v10 =	vor.u32 v31, v4;
	v11 =	vor.u32 v32, v4;
	v0 =	vld.idx.msk [tilespmem:v0+s13+$0x0], $0xffff  }
0xfd: {  	v19 =	vor.u32 v48, v4;
	v56 =	vor.u32 v49, v4;
	v57 =	vor.u32 v45, v4;
	v17 =	vld.idx.msk [tilespmem:v17+s13+$0x0], $0xffff  }
0xfe: {  	v59 =	vor.u32 v55, v22;
	v21 =	vor.u32 v28, v22;
	v3 =	vld.idx.msk [tilespmem:v3+s13+$0x0], $0xffff;
	v1 =	vmul.f32 v1, v6  }
0xff: {  	v28 =	vor.u32 v30, v22;
	v18 =	vld.idx.msk [tilespmem:v18+s13+$0x0], $0xffff;
	v5 =	vmul.f32 v5, v6;
	v7 =	vmul.f32 v7, v6  }
0x100: {  	v15 =	vor.u32 v42, v4;
	v2 =	vld.idx.msk [tilespmem:v2+s13+$0x0], $0xffff;
	v8 =	vmul.f32 v8, v6;
	v12 =	vmul.f32 v12, v6  }
0x101: {  	v30 =	vor.u32 v32, v22;
	v10 =	vld.idx.msk [tilespmem:v10+s13+$0x0], $0xffff;
	v13 =	vmul.f32 v13, v6;
	v0 =	vmul.f32 v0, v6  }
0x102: {  	v20 =	vor.u32 v38, v22;
	v11 =	vld.idx.msk [tilespmem:v11+s13+$0x0], $0xffff;
	v14 =	vmul.f32 v14, v6;
	v16 =	vmul.f32 v16, v6  }
0x103: {  	v19 =	vld.idx.msk [tilespmem:v19+s13+$0x0], $0xffff;
	v23 =	vadd.f32 v0, v43;
	v0 =	vmul.f32 v3, v6;
	v3 =	vor.u32 v54, v22  }
0x104: {  	v4 =	vor.u32 v26, v4;
	v24 =	vld.idx.msk [tilespmem:v59+s13+$0x0], $0xffff;
	v17 =	vmul.f32 v17, v6;
	v18 =	vmul.f32 v18, v6  }
0x105: {  	v15 =	vld.idx.msk [tilespmem:v15+s13+$0x0], $0xffff;
	v2 =	vmul.f32 v2, v6;
	v39 =	vadd.f32 v0, v43;
	v0 =	vmul.f32 v9, v6  }
0x106: {  	v1 =	vadd.f32 v1, v43;
	v52 =	vadd.f32 v8, v43;
	v8 =	vld.idx.msk [tilespmem:v57+s13+$0x0], $0xffff;
	v9 =	vor.u32 v36, v22  }
0x107: {  	v25 =	vadd.f32 v2, v43;
	v2 =	vld.idx.msk [tilespmem:v56+s13+$0x0], $0xffff;
	v51 =	vadd.f32 v0, v43;
	v0 =	vor.u32 v35, v22  }
0x108: {  	v19 =	vmul.f32 v19, v6;
	v5 =	vadd.f32 v5, v43;
	v63 =	vadd.f32 v7, v43;
	v44 =	vld.idx.msk [tilespmem:v3+s10+$0x0], $0xffff  }
0x109: {  	v7 =	vmul.f32 v10, v6;
	v10 =	vmul.f32 v11, v6;
	v11 =	vor.u32 v27, v22;
	v3 =	vld.idx.msk [tilespmem:v3+s11+$0x0], $0xffff  }
0x10a: {  	v4 =	vld.idx.msk [tilespmem:v4+s13+$0x0], $0xffff;
	v27 =	vor.u32 v29, v22;
	v29 =	vor.u32 v31, v22;
	v31 =	vor.u32 v33, v22  }
0x10b: {  	v33 =	vor.u32 v34, v22;
	v58 =	vadd.f32 v12, v43;
	v60 =	vadd.f32 v13, v43;
	v50 =	vld.idx.msk [tilespmem:v9+s13+$0x0], $0xffff  }
0x10c: {  	v61 =	vadd.f32 v14, v43;
	v15 =	vmul.f32 v15, v6;
	v59 =	vadd.f32 v10, v43;
	v62 =	vld.idx.msk [tilespmem:v0+s13+$0x0], $0xffff  }
0x10d: {  	v38 =	vmovc v45;
	v10 =	vor.u32 v26, v22;
	v8 =	vmul.f32 v8, v6;
	v35 =	vmul.f32 v2, v6  }
0x10e: {  	v36 =	vmovc v47;
	v53 =	vadd.f32 v15, v43;
	v2 =	vmul.f32 v24, v44;
	v3 =	vmul.f32 v3, v44  }
0x10f: {  	v11 =	vld.idx.msk [tilespmem:v11+s13+$0x0], $0xffff;
	v9 =	vor.u32 v47, v22;
	v47 =	vadd.f32 v18, v43;
	v0 =	vmul.f32 v4, v6  }
0x110: {  	v34 =	vld.idx.msk [tilespmem:v28+s13+$0x0], $0xffff;
	v24 =	vor.u32 v42, v22;
	v42 =	vadd.f32 v2, v1;
	v54 =	vadd.f32 v3, v5  }
0x111: {  	v3 =	vmul.f32 v50, v44;
	v1 =	vmul.f32 v62, v44;
	v62 =	vadd.f32 v7, v43;
	v7 =	vld.idx.msk [tilespmem:v21+s13+$0x0], $0xffff  }
0x112: {  	v32 =	vld.idx.msk [tilespmem:v27+s13+$0x0], $0xffff;
	v4 =	vor.u32 v46, v22;
	v6 =	vor.u32 v49, v22;
	v2 =	vor.u32 v40, v22  }
0x113: {  	s23 =	simm.s32 $0x2;
	v13 =	vld.idx.msk [tilespmem:v30+s13+$0x0], $0xffff;
	v56 =	vadd.f32 v3, v25;
	v3 =	vor.u32 v45, v22;
	v45 =	vadd.f32 v8, v43  }
0x114: {  	v37 =	vmovc v46;
	v12 =	vld.idx.msk [tilespmem:v29+s13+$0x0], $0xffff;
	v8 =	vmov s23;
	v55 =	vadd.f32 v1, v23;
	v1 =	vmul.f32 v11, v44  }
0x115: {  	v41 =	vmovc v49;
	v49 =	vadd.f32 v17, v43;
	v50 =	vadd.f32 v16, v43;
	v16 =	vand.u32 $0x3F, v8;
	v8 =	vld.idx.msk [tilespmem:v24+s13+$0x0], $0xffff  }
0x116: {  	v46 =	vadd.f32 v35, v43;
	v57 =	vadd.f32 v1, v39;
	v1 =	vld.idx.msk [tilespmem:v31+s13+$0x0], $0xffff;
	v11 =	vmul.f32 v7, v44  }
0x117: {  	v14 =	vmul.f32 v32, v44;
	v15 =	vmul.f32 v34, v44;
	v5 =	vor.u32 v48, v22;
	v7 =	vld.idx.msk [tilespmem:v33+s13+$0x0], $0xffff  }
0x118: {  	s18 =	simm.s32 $0x3;
	v40 =	vmovc v48;
	v48 =	vadd.f32 v19, v43;
	v39 =	vmov v26;
	v63 =	vadd.f32 v11, v63;
	v11 =	vld.idx.msk [tilespmem:v20+s13+$0x0], $0xffff  }
.LBB2_5:
0x119: {  	v19 =	vld.idx.msk [tilespmem:v2+s13+$0x0], $0xffff  }
0x11a: {  	v2 =	vld [tilespmem:$0x1FF00];
	_ =	sdelay $0x2  }
0x11b: {  	v16 =	vbroadcast v16, $0x0;
	_ =	sdelay $0x1  }
0x11c: {  	v20 =	vor.u32 v2, v16;
	v2 =	vld [tilespmem:$0x1FF10];
	_ =	sdelay $0x4  }
0x11d: {  	v21 =	vor.u32 v2, v16;
	v2 =	vld [tilespmem:$0x1FD90];
	_ =	sdelay $0x4  }
0x11e: {  	v22 =	vor.u32 v2, v16;
	v2 =	vld [tilespmem:$0x1FD80];
	_ =	sdelay $0x4  }
0x11f: {  	v24 =	vor.u32 v2, v16;
	v2 =	vld [tilespmem:$0x1FF20];
	_ =	sdelay $0x4  }
0x120: {  	v25 =	vor.u32 v2, v16;
	v2 =	vld [tilespmem:$0x1FF30];
	_ =	sdelay $0x4  }
0x121: {  	v26 =	vor.u32 v2, v16;
	v2 =	vld [tilespmem:$0x1FF40];
	_ =	sdelay $0x4  }
0x122: {  	v28 =	vor.u32 v2, v16;
	v2 =	vld [tilespmem:$0x1FF50];
	_ =	sdelay $0x4  }
0x123: {  	v29 =	vor.u32 v2, v16;
	v2 =	vld [tilespmem:$0x1FF60];
	_ =	sdelay $0x2  }
0x124: {  	v52 =	vadd.f32 v14, v52;
	v14 =	vld.idx.msk [tilespmem:v4+s13+$0x0], $0xffff  }
0x125: {  	v4 =	vld [tilespmem:$0x1FD60]  }
0x126: {  	v30 =	vor.u32 v2, v16;
	v2 =	vld [tilespmem:$0x1FF70];
	_ =	sdelay $0x1  }
0x127: {  	v43 =	vadd.f32 v0, v43;
	v0 =	vld [tilespmem:$0x1FEF0];
	_ =	sdelay $0x1  }
0x128: {  	v17 =	vor.u32 v4, v16;
	v4 =	vld [tilespmem:$0x1FD70]  }
0x129: {  	v32 =	vor.u32 v2, v16;
	v2 =	vld [tilespmem:$0x1FF80]  }
0x12a: {  	v23 =	vld.idx.msk [tilespmem:v5+s13+$0x0], $0xffff  }
0x12b: {  	v27 =	vld.idx.msk [tilespmem:v6+s13+$0x0], $0xffff;
	v0 =	vor.u32 v0, v16  }
0x12c: {  	v51 =	vadd.f32 v15, v51;
	v15 =	vld.idx.msk [tilespmem:v9+s13+$0x0], $0xffff  }
0x12d: {  	v31 =	vld.idx.msk [tilespmem:v3+s13+$0x0], $0xffff;
	v18 =	vor.u32 v4, v16  }
0x12e: {  	v33 =	vor.u32 v2, v16;
	v2 =	vld [tilespmem:$0x1FFB0]  }
0x12f: {  	v34 =	vld.idx.msk [tilespmem:v10+s13+$0x0], $0xffff;
	v9 =	vor.u32 v36, v16;
	v5 =	vor.u32 v40, v16;
	v12 =	vmul.f32 v12, v44  }
0x130: {  	v6 =	vor.u32 v41, v16;
	v3 =	vor.u32 v38, v16;
	v13 =	vmul.f32 v13, v44;
	v35 =	vld.idx.msk [tilespmem:v0+s10+$0x0], $0xffff  }
0x131: {  	v62 =	vadd.f32 v12, v62;
	v12 =	vmul.f32 v14, v44;
	v14 =	vmul.f32 v15, v44;
	v15 =	vld.idx.msk [tilespmem:v20+s13+$0x0], $0xffff  }
0x132: {  	v10 =	vor.u32 v39, v16;
	v11 =	vmul.f32 v11, v44;
	v59 =	vadd.f32 v13, v59;
	v13 =	vld.idx.msk [tilespmem:v18+s13+$0x0], $0xffff  }
0x133: {  	v8 =	vmul.f32 v8, v44;
	v4 =	vor.u32 v37, v16;
	v2 =	vor.u32 v2, v16;
	v16 =	vld.idx.msk [tilespmem:v22+s13+$0x0], $0xffff  }
0x134: {  	v22 =	vld.idx.msk [tilespmem:v0+s11+$0x0], $0xffff  }
0x135: {  	v61 =	vadd.f32 v11, v61;
	v11 =	vmul.f32 v27, v44;
	v53 =	vadd.f32 v8, v53;
	v18 =	vld.idx.msk [tilespmem:v21+s13+$0x0], $0xffff  }
0x136: {  	v50 =	vadd.f32 v12, v50;
	v12 =	vld.idx.msk [tilespmem:v26+s13+$0x0], $0xffff;
	v0 =	vmul.f32 v1, v44;
	v1 =	vmul.f32 v7, v44  }
0x137: {  	v49 =	vadd.f32 v14, v49;
	v46 =	vadd.f32 v11, v46;
	v14 =	vmul.f32 v15, v35;
	v7 =	vld.idx.msk [tilespmem:v17+s13+$0x0], $0xffff  }
0x138: {  	v11 =	vld.idx.msk [tilespmem:v32+s13+$0x0], $0xffff;
	v17 =	vmul.f32 v23, v44;
	v60 =	vadd.f32 v1, v60;
	v1 =	vmul.f32 v19, v44  }
0x139: {  	v15 =	vmov s18;
	v19 =	vmul.f32 v31, v44;
	v31 =	vld.idx.msk [tilespmem:v24+s13+$0x0], $0xffff;
	v8 =	vmul.f32 v22, v35  }
0x13a: {  	p1 =	sne.s32 s18, $0x3F;
	v57 =	vadd.f32 v14, v57;
	v58 =	vadd.f32 v0, v58;
	v0 =	vmul.f32 v34, v44;
	v34 =	vld.idx.msk [tilespmem:v25+s13+$0x0], $0xffff  }
.Ltmp1:
0x13b: {  	v48 =	vadd.f32 v17, v48;
	v44 =	vmovc v35;
	v54 =	vadd.f32 v8, v54;
	v8 =	vmul.f32 v13, v35;
	(pc) =	sbr.rel @p1 .LBB2_5-.Ltmp1, $4  }
0x13c: {  	v47 =	vadd.f32 v1, v47;
	v1 =	vld.idx.msk [tilespmem:v29+s13+$0x0], $0xffff;
	v16 =	vmul.f32 v16, v35;
	v7 =	vmul.f32 v7, v35  }
0x13d: {  	v45 =	vadd.f32 v19, v45;
	v13 =	vld.idx.msk [tilespmem:v28+s13+$0x0], $0xffff;
	v56 =	vadd.f32 v8, v56;
	v8 =	vmul.f32 v18, v35  }
0x13e: {  	v42 =	vadd.f32 v16, v42;
	v55 =	vadd.f32 v7, v55;
	v7 =	vld.idx.msk [tilespmem:v30+s13+$0x0], $0xffff;
	v14 =	vmul.f32 v31, v35  }
0x13f: {  	s18 =	sadd.s32 $0x1, s18;
	v16 =	vand.u32 $0x3F, v15;
	v15 =	vmul.f32 v34, v44;
	v63 =	vadd.f32 v8, v63;
	v8 =	vld.idx.msk [tilespmem:v33+s13+$0x0], $0xffff  }
0x140: {  	_ =	sdelay $0x3  }
0x141: {  	v2 =	vld.idx.msk [tilespmem:v2+s13+$0x0], $0xffff;
	_ =	sdelay $0x4  }
0x142: {  	[tilespmem:$0x1FD10] =	vst v2;
	v2 =	vld [tilespmem:$0x1FD90];
	_ =	sdelay $0x2  }
0x143: {  	v16 =	vbroadcast v16, $0x0;
	_ =	sdelay $0x1  }
0x144: {  	v18 =	vor.u32 v2, v16;
	v2 =	vld [tilespmem:$0x1FD60];
	_ =	sdelay $0x4  }
0x145: {  	v19 =	vor.u32 v2, v16;
	v2 =	vld [tilespmem:$0x1FD70];
	_ =	sdelay $0x4  }
0x146: {  	v20 =	vor.u32 v2, v16;
	v2 =	vld [tilespmem:$0x1FF00];
	_ =	sdelay $0x4  }
0x147: {  	v21 =	vor.u32 v2, v16;
	v2 =	vld [tilespmem:$0x1FF10];
	_ =	sdelay $0x4  }
0x148: {  	v23 =	vor.u32 v2, v16;
	v2 =	vld [tilespmem:$0x1FD80];
	_ =	sdelay $0x4  }
0x149: {  	v24 =	vor.u32 v2, v16;
	v2 =	vld [tilespmem:$0x1FF20];
	_ =	sdelay $0x4  }
0x14a: {  	v25 =	vor.u32 v2, v16;
	v2 =	vld [tilespmem:$0x1FF30];
	_ =	sdelay $0x4  }
0x14b: {  	v26 =	vor.u32 v2, v16;
	v2 =	vld [tilespmem:$0x1FF40];
	_ =	sdelay $0x3  }
0x14c: {  	v4 =	vld.idx.msk [tilespmem:v4+s13+$0x0], $0xffff  }
0x14d: {  	v27 =	vor.u32 v2, v16;
	v2 =	vld [tilespmem:$0x1FF50]  }
0x14e: {  	v9 =	vld.idx.msk [tilespmem:v9+s13+$0x0], $0xffff  }
0x14f: {  	v17 =	vld [tilespmem:$0x1FEF0]  }
0x150: {  	v5 =	vld.idx.msk [tilespmem:v5+s13+$0x0], $0xffff;
	v32 =	vor.u32 v37, v16  }
0x151: {  	v6 =	vld.idx.msk [tilespmem:v6+s13+$0x0], $0xffff;
	v33 =	vor.u32 v36, v16  }
0x152: {  	v28 =	vor.u32 v2, v16;
	v2 =	vld [tilespmem:$0x1FF60]  }
0x153: {  	v3 =	vld.idx.msk [tilespmem:v3+s13+$0x0], $0xffff;
	v35 =	vor.u32 v40, v16  }
0x154: {  	v10 =	vld.idx.msk [tilespmem:v10+s13+$0x0], $0xffff;
	v17 =	vor.u32 v17, v16  }
0x155: {  	v32 =	vld.idx.msk [tilespmem:v32+s13+$0x0], $0xffff  }
0x156: {  	v33 =	vld.idx.msk [tilespmem:v33+s13+$0x0], $0xffff  }
0x157: {  	v29 =	vor.u32 v2, v16;
	v2 =	vld [tilespmem:$0x1FF70]  }
0x158: {  	v35 =	vld.idx.msk [tilespmem:v35+s13+$0x0], $0xffff  }
0x159: {  	v22 =	vld.idx.msk [tilespmem:v17+s10+$0x0], $0xffff  }
0x15a: {  	v17 =	vld.idx.msk [tilespmem:v17+s11+$0x0], $0xffff  }
0x15b: {  	v18 =	vld.idx.msk [tilespmem:v18+s13+$0x0], $0xffff  }
0x15c: {  	v30 =	vor.u32 v2, v16;
	v2 =	vld [tilespmem:$0x1FF80]  }
0x15d: {  	v19 =	vld.idx.msk [tilespmem:v19+s13+$0x0], $0xffff  }
0x15e: {  	v20 =	vld.idx.msk [tilespmem:v20+s13+$0x0], $0xffff  }
0x15f: {  	v21 =	vld.idx.msk [tilespmem:v21+s13+$0x0], $0xffff  }
0x160: {  	v23 =	vld.idx.msk [tilespmem:v23+s13+$0x0], $0xffff  }
0x161: {  	v31 =	vor.u32 v2, v16;
	v2 =	vld [tilespmem:$0x1FFB0]  }
0x162: {  	v24 =	vld.idx.msk [tilespmem:v24+s13+$0x0], $0xffff  }
0x163: {  	v25 =	vld.idx.msk [tilespmem:v25+s13+$0x0], $0xffff  }
0x164: {  	v26 =	vld.idx.msk [tilespmem:v26+s13+$0x0], $0xffff  }
0x165: {  	v14 =	vadd.f32 v14, v52;
	v38 =	vor.u32 v38, v16;
	v27 =	vld.idx.msk [tilespmem:v27+s13+$0x0], $0xffff  }
0x166: {  	v12 =	vmul.f32 v12, v44;
	v0 =	vadd.f32 v0, v43;
	v28 =	vld.idx.msk [tilespmem:v28+s13+$0x0], $0xffff;
	v34 =	vor.u32 v2, v16  }
0x167: {  	v11 =	vmul.f32 v11, v44;
	v15 =	vadd.f32 v15, v51;
	v29 =	vld.idx.msk [tilespmem:v29+s13+$0x0], $0xffff;
	v2 =	vor.u32 v41, v16  }
0x168: {  	v1 =	vmul.f32 v1, v44;
	v13 =	vmul.f32 v13, v44;
	v30 =	vld.idx.msk [tilespmem:v30+s13+$0x0], $0xffff;
	v16 =	vor.u32 v39, v16  }
0x169: {  	v12 =	vadd.f32 v12, v62;
	v11 =	vadd.f32 v11, v61;
	v17 =	vmul.f32 v17, v22;
	v31 =	vld.idx.msk [tilespmem:v31+s13+$0x0], $0xffff  }
0x16a: {  	v7 =	vmul.f32 v7, v44;
	v1 =	vadd.f32 v1, v58;
	v19 =	vmul.f32 v19, v22;
	v39 =	vld.idx.msk [tilespmem:v38+s13+$0x0], $0xffff  }
0x16b: {  	v13 =	vadd.f32 v13, v59;
	v17 =	vadd.f32 v17, v54;
	v20 =	vmul.f32 v20, v22;
	v34 =	vld.idx.msk [tilespmem:v34+s13+$0x0], $0xffff  }
0x16c: {  	v8 =	vmul.f32 v8, v44;
	v19 =	vadd.f32 v19, v55;
	v21 =	vmul.f32 v21, v22;
	v2 =	vld.idx.msk [tilespmem:v2+s13+$0x0], $0xffff  }
0x16d: {  	v20 =	vadd.f32 v20, v56;
	v40 =	vmul.f32 v25, v22;
	v16 =	vld.idx.msk [tilespmem:v16+s13+$0x0], $0xffff;
	[tilespmem:s6+$0x16610] =	vst v17  }
0x16e: {  	v7 =	vadd.f32 v7, v60;
	v21 =	vadd.f32 v21, v57;
	v41 =	vmul.f32 v26, v22;
	[tilespmem:s6+$0x16810] =	vst v19  }
0x16f: {  	v4 =	vmul.f32 v4, v44;
	v15 =	vadd.f32 v40, v15;
	v51 =	vmul.f32 v28, v22;
	[tilespmem:s6+$0x16A10] =	vst v20  }
0x170: {  	v9 =	vmul.f32 v9, v44;
	v12 =	vadd.f32 v41, v12;
	v17 =	vmul.f32 v23, v22;
	[tilespmem:s6+$0x16C10] =	vst v21  }
0x171: {  	v5 =	vmul.f32 v5, v44;
	v1 =	vadd.f32 v51, v1;
	v19 =	vmul.f32 v24, v22;
	[tilespmem:s6+$0x17210] =	vst v15  }
0x172: {  	v6 =	vmul.f32 v6, v44;
	v15 =	vmul.f32 v30, v22;
	[tilespmem:s6+$0x17410] =	vst v12;
	v17 =	vadd.f32 v17, v63  }
0x173: {  	v8 =	vadd.f32 v8, v53;
	v12 =	vmul.f32 v31, v22;
	[tilespmem:s6+$0x17810] =	vst v1;
	v14 =	vadd.f32 v19, v14  }
0x174: {  	v1 =	vadd.f32 v9, v49;
	v9 =	vmul.f32 v33, v22;
	v11 =	vadd.f32 v15, v11;
	[tilespmem:s6+$0x16E10] =	vst v17  }
0x175: {  	v10 =	vmul.f32 v10, v44;
	v19 =	vld [tilespmem:$0x1FD10];
	v8 =	vadd.f32 v12, v8;
	v17 =	vmul.f32 v27, v22;
	[tilespmem:s6+$0x17010] =	vst v14  }
0x176: {  	v4 =	vadd.f32 v4, v50;
	v1 =	vadd.f32 v9, v1;
	v14 =	vmul.f32 v29, v22;
	[tilespmem:s6+$0x17C10] =	vst v11  }
0x177: {  	v5 =	vadd.f32 v5, v48;
	v11 =	vmul.f32 v35, v22;
	[tilespmem:s6+$0x17E10] =	vst v8;
	v13 =	vadd.f32 v17, v13  }
0x178: {  	v6 =	vadd.f32 v6, v46;
	[tilespmem:s6+$0x18210] =	vst v1;
	v2 =	vmul.f32 v2, v22;
	v7 =	vadd.f32 v14, v7  }
0x179: {  	v0 =	vadd.f32 v10, v0;
	v5 =	vadd.f32 v11, v5;
	[tilespmem:s6+$0x17610] =	vst v13;
	v13 =	vmul.f32 v32, v22  }
0x17a: {  	v1 =	vmul.f32 v16, v22;
	v19 =	vmul.f32 v19, v44;
	v2 =	vadd.f32 v2, v6;
	[tilespmem:s6+$0x17A10] =	vst v7  }
0x17b: {  	v3 =	vmul.f32 v3, v44;
	v6 =	vmul.f32 v18, v22;
	[tilespmem:s6+$0x18610] =	vst v5;
	v4 =	vadd.f32 v13, v4  }
0x17c: {  	v12 =	vmul.f32 v34, v22;
	v0 =	vadd.f32 v1, v0;
	v7 =	vadd.f32 v19, v47;
	[tilespmem:s6+$0x18810] =	vst v2  }
0x17d: {  	v3 =	vadd.f32 v3, v45;
	v1 =	vadd.f32 v6, v42;
	[tilespmem:s6+$0x18010] =	vst v4;
	v4 =	vmul.f32 v39, v22  }
0x17e: {  	[tilespmem:s6+$0x18C10] =	vst v0;
	v7 =	vadd.f32 v12, v7  }
0x17f: {  	[tilespmem:s6+$0x18E10] =	vst v1;
	v3 =	vadd.f32 v4, v3  }
0x180: {  	[tilespmem:s6+$0x18410] =	vst v7  }
0x181: {  	[tilespmem:s6+$0x18A10] =	vst v3  }
0x182: {  	_ =	swait.ge [sflag:s31], $0x800  }
0x183: {  	[sflag:s31] =	ssyncset.done $0x0  }
0x184: {  	[sflag:s31] =	ssyncadd.s32 $0xFFFFF800  }
0x185: {  	_ =	swait.ge [sflag:s31], $0x800  }
0x186: {  	[sflag:s31] =	ssyncset.done $0x0  }
0x187: {  	[sflag:s31] =	ssyncadd.s32 $0xFFFFF800  }
0x188: {  	_ =	swait.ge [sflag:s31], $0xA000  }
0x189: {  	[sflag:s31] =	ssyncset.done $0x0  }
0x18a: {  	s18 =	simm.s32 @!p0 $0x2;
	[sflag:s31] =	ssyncadd.s32 $0xFFFF6000  }
0x18b: {  	_ =	swait.ge @!p0 [sflag:s18], $0x300  }
0x18c: {  	v23 =	vld [tilespmem:$0x1FDA0]  }
0x18d: {  	v24 =	vld [tilespmem:$0x1FEE0]  }
0x18e: {  	s20 =	simm.s32 @!p0 $0x0;
	[sflag:s18] =	ssyncset.done @!p0 $0x0;
	v40 =	vld [tilespmem:$0x1FDF0]  }
0x18f: {  	s22 =	simm.s32 @!p0 $0x300;
	v27 =	vld [tilespmem:$0x1FDB0];
	[sflag:s18] =	ssyncadd.s32 @!p0 $0xFFFFFD00;
	s18 =	simm.s32 @!p0 $0x20  }
0x190: {  	v30 =	vld [tilespmem:$0x1FDC0];
	[tilespmem:s22], [sflag:$0x1] =	stream.indirect.gather @!p0 [hbm4b:s4+s18], $0x40, s20, s18, $0xb8  }
0x191: {  	v28 =	vld [tilespmem:$0x1FDD0];
	s22 =	simm.s32 @!p0 $0xB00  }
0x192: {  	v32 =	vld [tilespmem:$0x1FDE0];
	[tilespmem:s22], [sflag:$0x1] =	stream.indirect.gather @!p0 [hbm4b:s5+s18], $0x40, s18, s18, $0xb8  }
0x193: {  	v33 =	vld [tilespmem:$0x1FE10];
	s18 =	simm.s32 @!p0 $0x80;
	s22 =	simm.s32 @!p0 $0x1300  }
0x194: {  	v29 =	vld [tilespmem:$0x1FE00];
	[tilespmem:s22], [sflag:$0x1] =	stream.indirect.gather @!p0 [hbm4b:s5+s18], $0x40, s18, s18, $0xb8  }
0x195: {  	s23 =	simm.s32 @!p0 $0x3300;
	v34 =	vld [tilespmem:$0x1FE20];
	s22 =	simm.s32 @!p0 $0x100  }
0x196: {  	v31 =	vld [tilespmem:$0x1FE30];
	[tilespmem:s23], [sflag:$0x1] =	stream.indirect.gather @!p0 [hbm4b:s5+s18], $0x40, s22, s18, $0xb8  }
0x197: {  	v52 =	vld [tilespmem:$0x1FE40];
	s22 =	simm.s32 $0x0  }
0x198: {  	v53 =	vld [tilespmem:$0x1FE50];
	v0 =	vmov s22  }
0x199: {  	v54 =	vld [tilespmem:$0x1FE60];
	s23 =	simm.s32 @!p0 $0x180;
	s22 =	simm.s32 @!p0 $0x5300;
	v0 =	vand.u32 $0x3F, v0  }
0x19a: {  	v55 =	vld [tilespmem:$0x1FE70];
	[tilespmem:s22], [sflag:$0x1] =	stream.indirect.gather @!p0 [hbm4b:s5+s18], $0x40, s23, s18, $0xb8;
	v0 =	vbroadcast v0, $0x0  }
0x19b: {  	s2 =	sadd.s32 @!p0 s2, s8;
	v56 =	vld [tilespmem:$0x1FE80];
	s22 =	simm.s32 @!p0 $0x200;
	s23 =	simm.s32 @!p0 $0x7300  }
0x19c: {  	v57 =	vld [tilespmem:$0x1FE90];
	[tilespmem:s23], [sflag:$0x1] =	stream.indirect.gather @!p0 [hbm4b:s5+s18], $0x40, s22, s18, $0xb8;
	v1 =	vor.u32 v23, v0  }
0x19d: {  	s2 =	smul.u32 @!p0 $0x60, s2;
	v46 =	vld [tilespmem:$0x1FEA0];
	s22 =	simm.s32 @!p0 $0x280;
	s23 =	simm.s32 @!p0 $0x9300;
	v2 =	vor.u32 v24, v0  }
0x19e: {  	v47 =	vld [tilespmem:$0x1FEB0];
	[tilespmem:s23], [sflag:$0x1] =	stream.indirect.gather @!p0 [hbm4b:s5+s18], $0x40, s22, s18, $0xb8  }
0x19f: {  	s2 =	sadd.s32 @!p0 s3, s2;
	v48 =	vld [tilespmem:$0x1FEC0];
	v3 =	vor.u32 v40, v0;
	s18 =	simm.s32 @!p0 $0xB300  }
0x1a0: {  	v60 =	vld [tilespmem:$0x1FED0];
	v4 =	vor.u32 v27, v0;
	[tilespmem:s18], [sflag:$0x4] =	stream.linear.gather @!p0 [hbm4b:s2+s20], $0x300, $0x38  }
0x1a1: {  	v5 =	vor.u32 v30, v0;
	v6 =	vld.idx.msk [tilespmem:v1+s17+$0x0], $0xffff  }
0x1a2: {  	v7 =	vor.u32 v28, v0;
	v2 =	vld.idx.msk [tilespmem:v2+s21+$0x0], $0xffff  }
0x1a3: {  	v8 =	vor.u32 v32, v0;
	v1 =	vld.idx.msk [tilespmem:v1+s19+$0x0], $0xffff  }
0x1a4: {  	v9 =	vor.u32 v33, v0;
	v3 =	vld.idx.msk [tilespmem:v3+s21+$0x0], $0xffff  }
0x1a5: {  	v12 =	vor.u32 v31, v0;
	v4 =	vld.idx.msk [tilespmem:v4+s21+$0x0], $0xffff  }
0x1a6: {  	v13 =	vor.u32 v52, v0;
	v5 =	vld.idx.msk [tilespmem:v5+s21+$0x0], $0xffff  }
0x1a7: {  	v14 =	vor.u32 v53, v0;
	v7 =	vld.idx.msk [tilespmem:v7+s21+$0x0], $0xffff  }
0x1a8: {  	v15 =	vor.u32 v54, v0;
	v8 =	vld.idx.msk [tilespmem:v8+s21+$0x0], $0xffff  }
0x1a9: {  	v16 =	vor.u32 v55, v0;
	s22 =	simm.s32 $0x1;
	v9 =	vld.idx.msk [tilespmem:v9+s21+$0x0], $0xffff  }
0x1aa: {  	v43 =	vimm.f32 $0.0e+00;
	v17 =	vor.u32 v56, v0;
	v62 =	vmov s22;
	v12 =	vld.idx.msk [tilespmem:v12+s21+$0x0], $0xffff  }
0x1ab: {  	v10 =	vor.u32 v29, v0;
	v18 =	vor.u32 v57, v0;
	v22 =	vand.u32 $0x3F, v62;
	v13 =	vld.idx.msk [tilespmem:v13+s21+$0x0], $0xffff  }
0x1ac: {  	v41 =	vmovc v55;
	v11 =	vor.u32 v34, v0;
	v19 =	vor.u32 v46, v0;
	v22 =	vbroadcast v22, $0x0;
	v14 =	vld.idx.msk [tilespmem:v14+s21+$0x0], $0xffff  }
0x1ad: {  	v58 =	vor.u32 v47, v0;
	v59 =	vor.u32 v48, v0;
	v0 =	vor.u32 v60, v0;
	v15 =	vld.idx.msk [tilespmem:v15+s21+$0x0], $0xffff  }
0x1ae: {  	v16 =	vld.idx.msk [tilespmem:v16+s21+$0x0], $0xffff;
	v23 =	vor.u32 v23, v22;
	v24 =	vor.u32 v24, v22;
	v2 =	vmul.f32 v2, v6  }
0x1af: {  	v17 =	vld.idx.msk [tilespmem:v17+s21+$0x0], $0xffff;
	v21 =	vor.u32 v28, v22;
	v1 =	vmul.f32 v1, v6;
	v3 =	vmul.f32 v3, v6  }
0x1b0: {  	v18 =	vld.idx.msk [tilespmem:v18+s21+$0x0], $0xffff;
	v28 =	vor.u32 v33, v22;
	v4 =	vmul.f32 v4, v6;
	v5 =	vmul.f32 v5, v6  }
0x1b1: {  	v10 =	vld.idx.msk [tilespmem:v10+s21+$0x0], $0xffff;
	v29 =	vor.u32 v29, v22;
	v7 =	vmul.f32 v7, v6;
	v8 =	vmul.f32 v8, v6  }
0x1b2: {  	v11 =	vld.idx.msk [tilespmem:v11+s21+$0x0], $0xffff;
	v31 =	vor.u32 v31, v22;
	v12 =	vmul.f32 v12, v6;
	v13 =	vmul.f32 v13, v6  }
0x1b3: {  	v19 =	vld.idx.msk [tilespmem:v19+s21+$0x0], $0xffff;
	v33 =	vor.u32 v52, v22;
	v14 =	vmul.f32 v14, v6;
	v15 =	vmul.f32 v15, v6  }
0x1b4: {  	v0 =	vld.idx.msk [tilespmem:v0+s21+$0x0], $0xffff;
	v35 =	vor.u32 v53, v22;
	v16 =	vmul.f32 v16, v6;
	v17 =	vmul.f32 v17, v6  }
0x1b5: {  	v18 =	vmul.f32 v18, v6;
	v44 =	vld.idx.msk [tilespmem:v23+s17+$0x0], $0xffff;
	v25 =	vadd.f32 v4, v43;
	v26 =	vadd.f32 v5, v43  }
0x1b6: {  	v24 =	vld.idx.msk [tilespmem:v24+s21+$0x0], $0xffff;
	v50 =	vadd.f32 v8, v43;
	v8 =	vmul.f32 v10, v6;
	v10 =	vor.u32 v27, v22  }
0x1b7: {  	v4 =	vmul.f32 v9, v6;
	v5 =	vld.idx.msk [tilespmem:v58+s21+$0x0], $0xffff;
	v9 =	vmul.f32 v11, v6;
	v11 =	vor.u32 v30, v22  }
0x1b8: {  	v19 =	vmul.f32 v19, v6;
	v20 =	vadd.f32 v7, v43;
	v7 =	vld.idx.msk [tilespmem:v59+s21+$0x0], $0xffff;
	v27 =	vor.u32 v32, v22  }
0x1b9: {  	v23 =	vld.idx.msk [tilespmem:v23+s19+$0x0], $0xffff;
	v2 =	vadd.f32 v2, v43;
	v49 =	vadd.f32 v4, v43;
	v4 =	vor.u32 v40, v22  }
0x1ba: {  	v0 =	vmul.f32 v0, v6;
	v1 =	vadd.f32 v1, v43;
	v61 =	vadd.f32 v8, v43;
	v8 =	vld.idx.msk [tilespmem:v21+s21+$0x0], $0xffff  }
0x1bb: {  	v3 =	vadd.f32 v3, v43;
	v30 =	vor.u32 v34, v22;
	v59 =	vadd.f32 v13, v43;
	v10 =	vld.idx.msk [tilespmem:v10+s21+$0x0], $0xffff  }
0x1bc: {  	v62 =	vadd.f32 v14, v43;
	v52 =	vadd.f32 v16, v43;
	v34 =	vmul.f32 v5, v6;
	v5 =	vld.idx.msk [tilespmem:v11+s21+$0x0], $0xffff  }
0x1bd: {  	v51 =	vadd.f32 v17, v43;
	v11 =	vmul.f32 v7, v6;
	v7 =	vmul.f32 v24, v44;
	v27 =	vld.idx.msk [tilespmem:v27+s21+$0x0], $0xffff  }
0x1be: {  	v58 =	vadd.f32 v9, v43;
	v24 =	vor.u32 v54, v22;
	v6 =	vmul.f32 v23, v44;
	v63 =	vld.idx.msk [tilespmem:v4+s21+$0x0], $0xffff  }
0x1bf: {  	v37 =	vmovc v57;
	v4 =	vor.u32 v55, v22;
	v42 =	vadd.f32 v7, v2;
	v7 =	vor.u32 v56, v22  }
0x1c0: {  	v36 =	vmovc v46;
	s23 =	simm.s32 $0x2;
	v53 =	vadd.f32 v6, v1;
	v2 =	vor.u32 v57, v22;
	v57 =	vadd.f32 v12, v43  }
0x1c1: {  	v39 =	vmovc v47;
	v38 =	vmovc v60;
	v32 =	vld.idx.msk [tilespmem:v28+s21+$0x0], $0xffff;
	v45 =	vadd.f32 v11, v43;
	v11 =	vmov s23;
	v6 =	vmul.f32 v10, v44  }
0x1c2: {  	v40 =	vmovc v48;
	v9 =	vld.idx.msk [tilespmem:v33+s21+$0x0], $0xffff;
	v16 =	vand.u32 $0x3F, v11;
	v10 =	vmul.f32 v8, v44;
	v8 =	vor.u32 v60, v22  }
0x1c3: {  	v13 =	vld.idx.msk [tilespmem:v30+s21+$0x0], $0xffff;
	v14 =	vmul.f32 v27, v44;
	v1 =	vmul.f32 v63, v44;
	v55 =	vadd.f32 v6, v25  }
0x1c4: {  	v12 =	vld.idx.msk [tilespmem:v29+s21+$0x0], $0xffff;
	v6 =	vor.u32 v47, v22;
	v63 =	vadd.f32 v15, v43;
	v47 =	vadd.f32 v18, v43  }
0x1c5: {  	v11 =	vld.idx.msk [tilespmem:v24+s21+$0x0], $0xffff;
	v60 =	vadd.f32 v10, v20;
	v54 =	vadd.f32 v1, v3;
	v1 =	vmul.f32 v5, v44  }
0x1c6: {  	v10 =	vld.idx.msk [tilespmem:v35+s21+$0x0], $0xffff;
	v15 =	vmul.f32 v32, v44;
	v3 =	vor.u32 v48, v22;
	v48 =	vadd.f32 v19, v43  }
0x1c7: {  	s2 =	simm.s32 $0x3;
	v5 =	vor.u32 v46, v22;
	v46 =	vadd.f32 v34, v43;
	v56 =	vadd.f32 v1, v26;
	v1 =	vld.idx.msk [tilespmem:v31+s21+$0x0], $0xffff  }
.LBB2_7:
0x1c8: {  	v19 =	vld.idx.msk [tilespmem:v2+s21+$0x0], $0xffff  }
0x1c9: {  	v2 =	vld [tilespmem:$0x1FDC0];
	_ =	sdelay $0x2  }
0x1ca: {  	v16 =	vbroadcast v16, $0x0;
	_ =	sdelay $0x1  }
0x1cb: {  	v20 =	vor.u32 v2, v16;
	v2 =	vld [tilespmem:$0x1FDD0];
	_ =	sdelay $0x4  }
0x1cc: {  	v21 =	vor.u32 v2, v16;
	v2 =	vld [tilespmem:$0x1FEE0];
	_ =	sdelay $0x4  }
0x1cd: {  	v22 =	vor.u32 v2, v16;
	v2 =	vld [tilespmem:$0x1FDE0];
	_ =	sdelay $0x4  }
0x1ce: {  	v24 =	vor.u32 v2, v16;
	v2 =	vld [tilespmem:$0x1FE10];
	_ =	sdelay $0x4  }
0x1cf: {  	v25 =	vor.u32 v2, v16;
	v2 =	vld [tilespmem:$0x1FE00];
	_ =	sdelay $0x4  }
0x1d0: {  	v26 =	vor.u32 v2, v16;
	v2 =	vld [tilespmem:$0x1FE20];
	_ =	sdelay $0x4  }
0x1d1: {  	v28 =	vor.u32 v2, v16;
	v2 =	vld [tilespmem:$0x1FE30];
	_ =	sdelay $0x4  }
0x1d2: {  	v29 =	vor.u32 v2, v16;
	v2 =	vld [tilespmem:$0x1FE40];
	_ =	sdelay $0x2  }
0x1d3: {  	v50 =	vadd.f32 v14, v50;
	v14 =	vld.idx.msk [tilespmem:v4+s21+$0x0], $0xffff  }
0x1d4: {  	v4 =	vld [tilespmem:$0x1FDF0]  }
0x1d5: {  	v30 =	vor.u32 v2, v16;
	v2 =	vld [tilespmem:$0x1FE50];
	_ =	sdelay $0x1  }
0x1d6: {  	v43 =	vadd.f32 v0, v43;
	v0 =	vld [tilespmem:$0x1FDA0];
	_ =	sdelay $0x1  }
0x1d7: {  	v17 =	vor.u32 v4, v16;
	v4 =	vld [tilespmem:$0x1FDB0]  }
0x1d8: {  	v32 =	vor.u32 v2, v16;
	v2 =	vld [tilespmem:$0x1FE60]  }
0x1d9: {  	v23 =	vld.idx.msk [tilespmem:v5+s21+$0x0], $0xffff  }
0x1da: {  	v27 =	vld.idx.msk [tilespmem:v6+s21+$0x0], $0xffff;
	v0 =	vor.u32 v0, v16  }
0x1db: {  	v49 =	vadd.f32 v15, v49;
	v15 =	vld.idx.msk [tilespmem:v7+s21+$0x0], $0xffff  }
0x1dc: {  	v31 =	vld.idx.msk [tilespmem:v3+s21+$0x0], $0xffff;
	v18 =	vor.u32 v4, v16  }
0x1dd: {  	v33 =	vor.u32 v2, v16;
	v2 =	vld [tilespmem:$0x1FE80]  }
0x1de: {  	v34 =	vld.idx.msk [tilespmem:v8+s21+$0x0], $0xffff;
	v5 =	vor.u32 v36, v16;
	v6 =	vor.u32 v39, v16;
	v12 =	vmul.f32 v12, v44  }
0x1df: {  	v3 =	vor.u32 v40, v16;
	v8 =	vor.u32 v38, v16;
	v13 =	vmul.f32 v13, v44;
	v35 =	vld.idx.msk [tilespmem:v0+s17+$0x0], $0xffff  }
0x1e0: {  	v61 =	vadd.f32 v12, v61;
	v12 =	vmul.f32 v14, v44;
	v14 =	vmul.f32 v15, v44;
	v15 =	vld.idx.msk [tilespmem:v20+s21+$0x0], $0xffff  }
0x1e1: {  	v10 =	vmul.f32 v10, v44;
	v11 =	vmul.f32 v11, v44;
	v58 =	vadd.f32 v13, v58;
	v13 =	vld.idx.msk [tilespmem:v18+s21+$0x0], $0xffff  }
0x1e2: {  	v4 =	vor.u32 v41, v16;
	v7 =	vor.u32 v2, v16;
	v2 =	vor.u32 v37, v16;
	v16 =	vld.idx.msk [tilespmem:v22+s21+$0x0], $0xffff  }
0x1e3: {  	v22 =	vld.idx.msk [tilespmem:v0+s19+$0x0], $0xffff  }
0x1e4: {  	v62 =	vadd.f32 v10, v62;
	v10 =	vmul.f32 v27, v44;
	v63 =	vadd.f32 v11, v63;
	v18 =	vld.idx.msk [tilespmem:v21+s21+$0x0], $0xffff  }
0x1e5: {  	v52 =	vadd.f32 v12, v52;
	v12 =	vld.idx.msk [tilespmem:v26+s21+$0x0], $0xffff;
	v0 =	vmul.f32 v1, v44;
	v1 =	vmul.f32 v9, v44  }
0x1e6: {  	v51 =	vadd.f32 v14, v51;
	v46 =	vadd.f32 v10, v46;
	v14 =	vmul.f32 v15, v35;
	v9 =	vld.idx.msk [tilespmem:v17+s21+$0x0], $0xffff  }
0x1e7: {  	v10 =	vld.idx.msk [tilespmem:v32+s21+$0x0], $0xffff;
	v17 =	vmul.f32 v23, v44;
	v59 =	vadd.f32 v1, v59;
	v1 =	vmul.f32 v19, v44  }
0x1e8: {  	v15 =	vmov s2;
	v19 =	vmul.f32 v31, v44;
	v31 =	vld.idx.msk [tilespmem:v24+s21+$0x0], $0xffff;
	v11 =	vmul.f32 v22, v35  }
0x1e9: {  	p0 =	sne.s32 s2, $0x3F;
	v56 =	vadd.f32 v14, v56;
	v57 =	vadd.f32 v0, v57;
	v0 =	vmul.f32 v34, v44;
	v34 =	vld.idx.msk [tilespmem:v25+s21+$0x0], $0xffff  }
.Ltmp2:
0x1ea: {  	v48 =	vadd.f32 v17, v48;
	v44 =	vmovc v35;
	v53 =	vadd.f32 v11, v53;
	v11 =	vmul.f32 v13, v35;
	(pc) =	sbr.rel @p0 .LBB2_7-.Ltmp2, $4  }
0x1eb: {  	v47 =	vadd.f32 v1, v47;
	v1 =	vld.idx.msk [tilespmem:v29+s21+$0x0], $0xffff;
	v16 =	vmul.f32 v16, v35;
	v9 =	vmul.f32 v9, v35  }
0x1ec: {  	v45 =	vadd.f32 v19, v45;
	v13 =	vld.idx.msk [tilespmem:v28+s21+$0x0], $0xffff;
	v55 =	vadd.f32 v11, v55;
	v11 =	vmul.f32 v18, v35  }
0x1ed: {  	v42 =	vadd.f32 v16, v42;
	v54 =	vadd.f32 v9, v54;
	v9 =	vld.idx.msk [tilespmem:v30+s21+$0x0], $0xffff;
	v14 =	vmul.f32 v31, v35  }
0x1ee: {  	s2 =	sadd.s32 $0x1, s2;
	v16 =	vand.u32 $0x3F, v15;
	v15 =	vmul.f32 v34, v44;
	v60 =	vadd.f32 v11, v60;
	v11 =	vld.idx.msk [tilespmem:v33+s21+$0x0], $0xffff  }
0x1ef: {  	_ =	sdelay $0x3  }
0x1f0: {  	v4 =	vld.idx.msk [tilespmem:v4+s21+$0x0], $0xffff  }
0x1f1: {  	v7 =	vld.idx.msk [tilespmem:v7+s21+$0x0], $0xffff  }
0x1f2: {  	v17 =	vld [tilespmem:$0x1FDA0]  }
0x1f3: {  	v2 =	vld.idx.msk [tilespmem:v2+s21+$0x0], $0xffff  }
0x1f4: {  	v18 =	vld [tilespmem:$0x1FEE0]  }
0x1f5: {  	v5 =	vld.idx.msk [tilespmem:v5+s21+$0x0], $0xffff  }
0x1f6: {  	v6 =	vld.idx.msk [tilespmem:v6+s21+$0x0], $0xffff  }
0x1f7: {  	v19 =	vld [tilespmem:$0x1FDF0]  }
0x1f8: {  	v3 =	vld.idx.msk [tilespmem:v3+s21+$0x0], $0xffff  }
0x1f9: {  	v20 =	vld [tilespmem:$0x1FDB0]  }
0x1fa: {  	v8 =	vld.idx.msk [tilespmem:v8+s21+$0x0], $0xffff  }
0x1fb: {  	v21 =	vld [tilespmem:$0x1FDC0]  }
0x1fc: {  	v23 =	vld [tilespmem:$0x1FDD0]  }
0x1fd: {  	v24 =	vld [tilespmem:$0x1FDE0]  }
0x1fe: {  	v25 =	vld [tilespmem:$0x1FE10]  }
0x1ff: {  	v26 =	vld [tilespmem:$0x1FE00]  }
0x200: {  	v16 =	vbroadcast v16, $0x0;
	v27 =	vld [tilespmem:$0x1FE20]  }
0x201: {  	v28 =	vld [tilespmem:$0x1FE30]  }
0x202: {  	v29 =	vld [tilespmem:$0x1FE40];
	v32 =	vor.u32 v41, v16  }
0x203: {  	v30 =	vld [tilespmem:$0x1FE50];
	v34 =	vor.u32 v37, v16  }
0x204: {  	v31 =	vld [tilespmem:$0x1FE60];
	v35 =	vor.u32 v36, v16  }
0x205: {  	v33 =	vld [tilespmem:$0x1FE80];
	v37 =	vor.u32 v39, v16  }
0x206: {  	v14 =	vadd.f32 v14, v50;
	v50 =	vld [tilespmem:$0x1FFC0];
	v39 =	vor.u32 v40, v16  }
0x207: {  	v17 =	vor.u32 v17, v16;
	v32 =	vld.idx.msk [tilespmem:v32+s21+$0x0], $0xffff  }
0x208: {  	v18 =	vor.u32 v18, v16;
	v34 =	vld.idx.msk [tilespmem:v34+s21+$0x0], $0xffff  }
0x209: {  	v35 =	vld.idx.msk [tilespmem:v35+s21+$0x0], $0xffff  }
0x20a: {  	v15 =	vadd.f32 v15, v49;
	v19 =	vor.u32 v19, v16;
	v49 =	vld.idx.msk [tilespmem:v37+s21+$0x0], $0xffff  }
0x20b: {  	v0 =	vadd.f32 v0, v43;
	v20 =	vor.u32 v20, v16;
	v43 =	vld.idx.msk [tilespmem:v39+s21+$0x0], $0xffff  }
0x20c: {  	v21 =	vor.u32 v21, v16;
	v22 =	vld.idx.msk [tilespmem:v17+s17+$0x0], $0xffff  }
0x20d: {  	v23 =	vor.u32 v23, v16;
	v18 =	vld.idx.msk [tilespmem:v18+s21+$0x0], $0xffff  }
0x20e: {  	v24 =	vor.u32 v24, v16;
	v17 =	vld.idx.msk [tilespmem:v17+s19+$0x0], $0xffff  }
0x20f: {  	v25 =	vor.u32 v25, v16;
	v19 =	vld.idx.msk [tilespmem:v19+s21+$0x0], $0xffff  }
0x210: {  	v26 =	vor.u32 v26, v16;
	v20 =	vld.idx.msk [tilespmem:v20+s21+$0x0], $0xffff  }
0x211: {  	v27 =	vor.u32 v27, v16;
	v21 =	vld.idx.msk [tilespmem:v21+s21+$0x0], $0xffff  }
0x212: {  	v28 =	vor.u32 v28, v16;
	v23 =	vld.idx.msk [tilespmem:v23+s21+$0x0], $0xffff  }
0x213: {  	v29 =	vor.u32 v29, v16;
	v24 =	vld.idx.msk [tilespmem:v24+s21+$0x0], $0xffff  }
0x214: {  	v12 =	vmul.f32 v12, v44;
	v10 =	vmul.f32 v10, v44;
	v30 =	vor.u32 v30, v16;
	v25 =	vld.idx.msk [tilespmem:v25+s21+$0x0], $0xffff  }
0x215: {  	v1 =	vmul.f32 v1, v44;
	v13 =	vmul.f32 v13, v44;
	v31 =	vor.u32 v31, v16;
	v26 =	vld.idx.msk [tilespmem:v26+s21+$0x0], $0xffff  }
0x216: {  	v12 =	vadd.f32 v12, v61;
	v10 =	vadd.f32 v10, v62;
	v33 =	vor.u32 v33, v16;
	v27 =	vld.idx.msk [tilespmem:v27+s21+$0x0], $0xffff  }
0x217: {  	v9 =	vmul.f32 v9, v44;
	v1 =	vadd.f32 v1, v57;
	v16 =	vor.u32 v38, v16;
	v28 =	vld.idx.msk [tilespmem:v28+s21+$0x0], $0xffff  }
0x218: {  	v13 =	vadd.f32 v13, v58;
	v11 =	vmul.f32 v11, v44;
	v29 =	vld.idx.msk [tilespmem:v29+s21+$0x0], $0xffff;
	v17 =	vmul.f32 v17, v22  }
0x219: {  	v9 =	vadd.f32 v9, v59;
	v4 =	vmul.f32 v4, v44;
	v30 =	vld.idx.msk [tilespmem:v30+s21+$0x0], $0xffff;
	v19 =	vmul.f32 v19, v22  }
0x21a: {  	v7 =	vmul.f32 v7, v44;
	v31 =	vld.idx.msk [tilespmem:v31+s21+$0x0], $0xffff;
	v20 =	vmul.f32 v20, v22;
	v17 =	vadd.f32 v17, v53  }
0x21b: {  	v2 =	vmul.f32 v2, v44;
	v33 =	vld.idx.msk [tilespmem:v33+s21+$0x0], $0xffff;
	v62 =	vmul.f32 v25, v22;
	v19 =	vadd.f32 v19, v54  }
0x21c: {  	v16 =	vld.idx.msk [tilespmem:v16+s21+$0x0], $0xffff;
	v21 =	vmul.f32 v21, v22;
	v20 =	vadd.f32 v20, v55;
	[tilespmem:s6+$0x16620] =	vst v17  }
0x21d: {  	v58 =	vld [tilespmem:$0x1FFE0];
	v5 =	vmul.f32 v5, v44;
	v15 =	vadd.f32 v62, v15;
	v17 =	vmul.f32 v23, v22;
	[tilespmem:s6+$0x16820] =	vst v19  }
0x21e: {  	v11 =	vadd.f32 v11, v63;
	v63 =	vld [tilespmem:$0x1FEF0];
	v21 =	vadd.f32 v21, v56;
	v19 =	vmul.f32 v24, v22;
	[tilespmem:s6+$0x16A20] =	vst v20  }
0x21f: {  	v4 =	vadd.f32 v4, v52;
	v52 =	vld [tilespmem:$0x1FD90];
	[tilespmem:s6+$0x17220] =	vst v15;
	v15 =	vmul.f32 v30, v22;
	v17 =	vadd.f32 v17, v60  }
0x220: {  	v6 =	vmul.f32 v6, v44;
	v37 =	vld [tilespmem:$0x1FD70];
	[tilespmem:s6+$0x16C20] =	vst v21;
	v14 =	vadd.f32 v19, v14;
	v19 =	vmul.f32 v26, v22  }
0x221: {  	v2 =	vadd.f32 v2, v47;
	v47 =	vld [tilespmem:$0x1FF90];
	v10 =	vadd.f32 v15, v10;
	[tilespmem:s6+$0x16E20] =	vst v17;
	v17 =	vmul.f32 v27, v22  }
0x222: {  	v5 =	vadd.f32 v5, v48;
	v48 =	vld [tilespmem:$0x1FFA0];
	v12 =	vadd.f32 v19, v12;
	v19 =	vmul.f32 v28, v22;
	[tilespmem:s6+$0x17020] =	vst v14  }
0x223: {  	v3 =	vmul.f32 v3, v44;
	v56 =	vld [tilespmem:$0x1FFD0];
	v14 =	vmul.f32 v29, v22;
	[tilespmem:s6+$0x17C20] =	vst v10;
	v13 =	vadd.f32 v17, v13  }
0x224: {  	v7 =	vadd.f32 v7, v51;
	v30 =	vld [tilespmem:$0x1FF30];
	v1 =	vadd.f32 v19, v1;
	[tilespmem:s6+$0x17420] =	vst v12;
	v12 =	vmul.f32 v31, v22  }
0x225: {  	v26 =	vld [tilespmem:$0x1FFF0];
	v10 =	vmul.f32 v35, v22;
	v9 =	vadd.f32 v14, v9;
	[tilespmem:s6+$0x17620] =	vst v13;
	v13 =	vmul.f32 v32, v22  }
0x226: {  	v35 =	vld [tilespmem:$0x1FD60];
	[tilespmem:s6+$0x17820] =	vst v1;
	v1 =	vadd.f32 v6, v46;
	v6 =	vmul.f32 v33, v22;
	v11 =	vadd.f32 v12, v11  }
0x227: {  	s2 =	simm.s32 $0x0;
	v8 =	vmul.f32 v8, v44;
	v27 =	vld [tilespmem:$0x1FF00];
	v5 =	vadd.f32 v10, v5;
	[tilespmem:s6+$0x17A20] =	vst v9;
	v4 =	vadd.f32 v13, v4  }
0x228: {  	v28 =	vld [tilespmem:$0x1FF10];
	v9 =	vmul.f32 v34, v22;
	v6 =	vadd.f32 v6, v7;
	[tilespmem:s6+$0x17E20] =	vst v11;
	v7 =	vmov s2  }
0x229: {  	v3 =	vadd.f32 v3, v45;
	v29 =	vld [tilespmem:$0x1FF20];
	v11 =	vmul.f32 v49, v22;
	[tilespmem:s6+$0x18020] =	vst v4;
	v4 =	vand.u32 $0x3F, v7  }
0x22a: {  	v31 =	vld [tilespmem:$0x1FF40];
	[tilespmem:s6+$0x18620] =	vst v5;
	v2 =	vadd.f32 v9, v2;
	v7 =	vmul.f32 v43, v22;
	v4 =	vbroadcast v4, $0x0  }
0x22b: {  	v0 =	vadd.f32 v8, v0;
	v33 =	vld [tilespmem:$0x1FD80];
	[tilespmem:s6+$0x18220] =	vst v6;
	v6 =	vmul.f32 v16, v22;
	v1 =	vadd.f32 v11, v1  }
0x22c: {  	v32 =	vld [tilespmem:$0x1FF50];
	[tilespmem:s6+$0x18420] =	vst v2;
	v2 =	vmul.f32 v18, v22;
	v3 =	vadd.f32 v7, v3;
	v5 =	vor.u32 v63, v4  }
0x22d: {  	v34 =	vld [tilespmem:$0x1FF60];
	v0 =	vadd.f32 v6, v0;
	[tilespmem:s6+$0x18820] =	vst v1;
	v1 =	vor.u32 v52, v4  }
0x22e: {  	v46 =	vld [tilespmem:$0x1FF80];
	v2 =	vadd.f32 v2, v42;
	[tilespmem:s6+$0x18A20] =	vst v3  }
0x22f: {  	v49 =	vld [tilespmem:$0x1FFB0];
	v7 =	vor.u32 v28, v4;
	[tilespmem:s6+$0x18C20] =	vst v0  }
0x230: {  	v42 =	vld [tilespmem:$0x1FF70];
	v8 =	vor.u32 v33, v4;
	[tilespmem:s6+$0x18E20] =	vst v2  }
0x231: {  	v9 =	vor.u32 v29, v4;
	v6 =	vld.idx.msk [tilespmem:v5+s17+$0x0], $0xffff  }
0x232: {  	v10 =	vor.u32 v30, v4;
	v1 =	vld.idx.msk [tilespmem:v1+s21+$0x0], $0xffff  }
0x233: {  	v12 =	vor.u32 v32, v4;
	v5 =	vld.idx.msk [tilespmem:v5+s19+$0x0], $0xffff  }
0x234: {  	v13 =	vor.u32 v34, v4;
	v7 =	vld.idx.msk [tilespmem:v7+s21+$0x0], $0xffff  }
0x235: {  	v0 =	vor.u32 v35, v4;
	v8 =	vld.idx.msk [tilespmem:v8+s21+$0x0], $0xffff  }
0x236: {  	s22 =	simm.s32 $0x1;
	v15 =	vor.u32 v46, v4;
	v9 =	vld.idx.msk [tilespmem:v9+s21+$0x0], $0xffff  }
0x237: {  	v55 =	vmov s22;
	v3 =	vor.u32 v27, v4;
	v10 =	vld.idx.msk [tilespmem:v10+s21+$0x0], $0xffff  }
0x238: {  	v22 =	vand.u32 $0x3F, v55;
	v16 =	vor.u32 v47, v4;
	v12 =	vld.idx.msk [tilespmem:v12+s21+$0x0], $0xffff  }
0x239: {  	v43 =	vimm.f32 $0.0e+00;
	v22 =	vbroadcast v22, $0x0;
	v18 =	vor.u32 v49, v4;
	v13 =	vld.idx.msk [tilespmem:v13+s21+$0x0], $0xffff  }
0x23a: {  	v11 =	vor.u32 v31, v4;
	v17 =	vor.u32 v48, v4;
	v2 =	vor.u32 v37, v4;
	v0 =	vld.idx.msk [tilespmem:v0+s21+$0x0], $0xffff  }
0x23b: {  	v19 =	vor.u32 v50, v4;
	v53 =	vor.u32 v56, v4;
	v54 =	vor.u32 v58, v4;
	v15 =	vld.idx.msk [tilespmem:v15+s21+$0x0], $0xffff  }
0x23c: {  	v59 =	vor.u32 v52, v22;
	v21 =	vor.u32 v28, v22;
	v28 =	vor.u32 v29, v22;
	v3 =	vld.idx.msk [tilespmem:v3+s21+$0x0], $0xffff  }
0x23d: {  	v29 =	vor.u32 v30, v22;
	v30 =	vor.u32 v31, v22;
	v16 =	vld.idx.msk [tilespmem:v16+s21+$0x0], $0xffff;
	v1 =	vmul.f32 v1, v6  }
0x23e: {  	v31 =	vor.u32 v32, v22;
	v18 =	vld.idx.msk [tilespmem:v18+s21+$0x0], $0xffff;
	v5 =	vmul.f32 v5, v6;
	v7 =	vmul.f32 v7, v6  }
0x23f: {  	v14 =	vor.u32 v42, v4;
	v2 =	vld.idx.msk [tilespmem:v2+s21+$0x0], $0xffff;
	v8 =	vmul.f32 v8, v6;
	v0 =	vmul.f32 v0, v6  }
0x240: {  	v4 =	vor.u32 v26, v4;
	v11 =	vld.idx.msk [tilespmem:v11+s21+$0x0], $0xffff;
	v12 =	vmul.f32 v12, v6;
	v13 =	vmul.f32 v13, v6  }
0x241: {  	v57 =	vadd.f32 v5, v43;
	v5 =	vld.idx.msk [tilespmem:v17+s21+$0x0], $0xffff;
	v17 =	vadd.f32 v0, v43;
	v0 =	vmul.f32 v3, v6  }
0x242: {  	v34 =	vor.u32 v34, v22;
	v19 =	vld.idx.msk [tilespmem:v19+s21+$0x0], $0xffff;
	v15 =	vmul.f32 v15, v6;
	v16 =	vmul.f32 v16, v6  }
0x243: {  	v24 =	vld.idx.msk [tilespmem:v59+s21+$0x0], $0xffff;
	v3 =	vor.u32 v63, v22;
	v36 =	vadd.f32 v0, v43;
	v0 =	vmul.f32 v9, v6  }
0x244: {  	v20 =	vor.u32 v42, v22;
	v14 =	vld.idx.msk [tilespmem:v14+s21+$0x0], $0xffff;
	v18 =	vmul.f32 v18, v6;
	v2 =	vmul.f32 v2, v6  }
0x245: {  	v4 =	vld.idx.msk [tilespmem:v4+s21+$0x0], $0xffff;
	v51 =	vadd.f32 v8, v43;
	v52 =	vadd.f32 v0, v43;
	v0 =	vor.u32 v35, v22  }
0x246: {  	v8 =	vld.idx.msk [tilespmem:v54+s21+$0x0], $0xffff;
	v63 =	vadd.f32 v7, v43;
	v7 =	vmul.f32 v10, v6;
	v10 =	vor.u32 v37, v22  }
0x247: {  	v25 =	vadd.f32 v2, v43;
	v2 =	vld.idx.msk [tilespmem:v53+s21+$0x0], $0xffff;
	v9 =	vmul.f32 v11, v6;
	v11 =	vor.u32 v27, v22  }
0x248: {  	v19 =	vmul.f32 v19, v6;
	v1 =	vadd.f32 v1, v43;
	v61 =	vadd.f32 v12, v43;
	v44 =	vld.idx.msk [tilespmem:v3+s17+$0x0], $0xffff  }
0x249: {  	v41 =	vmovc v50;
	v37 =	vmov v47;
	v14 =	vmul.f32 v14, v6;
	v27 =	vor.u32 v33, v22;
	v3 =	vld.idx.msk [tilespmem:v3+s19+$0x0], $0xffff  }
0x24a: {  	v59 =	vadd.f32 v7, v43;
	v7 =	vor.u32 v56, v22;
	v33 =	vmul.f32 v5, v6;
	v62 =	vld.idx.msk [tilespmem:v0+s21+$0x0], $0xffff  }
0x24b: {  	v45 =	vmul.f32 v8, v6;
	v5 =	vor.u32 v47, v22;
	v8 =	vor.u32 v48, v22;
	v10 =	vld.idx.msk [tilespmem:v10+s21+$0x0], $0xffff  }
0x24c: {  	v60 =	vadd.f32 v9, v43;
	v47 =	vadd.f32 v18, v43;
	v35 =	vmul.f32 v2, v6;
	v11 =	vld.idx.msk [tilespmem:v11+s21+$0x0], $0xffff  }
0x24d: {  	v48 =	vadd.f32 v19, v43;
	v0 =	vmul.f32 v4, v6;
	v4 =	vld.idx.msk [tilespmem:v21+s21+$0x0], $0xffff;
	v2 =	vmul.f32 v24, v44  }
0x24e: {  	v38 =	vmovc v49;
	v45 =	vadd.f32 v45, v43;
	v6 =	vor.u32 v50, v22;
	v3 =	vmul.f32 v3, v44  }
0x24f: {  	v12 =	vld.idx.msk [tilespmem:v29+s21+$0x0], $0xffff;
	v50 =	vadd.f32 v16, v43;
	v42 =	vadd.f32 v2, v1;
	v1 =	vmul.f32 v62, v44  }
0x250: {  	v32 =	vld.idx.msk [tilespmem:v27+s21+$0x0], $0xffff;
	v24 =	vor.u32 v46, v22;
	v46 =	vadd.f32 v35, v43;
	v53 =	vadd.f32 v3, v57  }
0x251: {  	v2 =	vor.u32 v49, v22;
	v54 =	vadd.f32 v1, v17;
	v1 =	vmul.f32 v11, v44;
	v11 =	vld.idx.msk [tilespmem:v28+s21+$0x0], $0xffff  }
0x252: {  	v3 =	vmul.f32 v10, v44;
	v57 =	vadd.f32 v14, v43;
	v10 =	vld.idx.msk [tilespmem:v34+s21+$0x0], $0xffff;
	v4 =	vmul.f32 v4, v44  }
0x253: {  	v9 =	vor.u32 v26, v22;
	v49 =	vadd.f32 v33, v43;
	v62 =	vadd.f32 v13, v43;
	v13 =	vld.idx.msk [tilespmem:v30+s21+$0x0], $0xffff  }
0x254: {  	s23 =	simm.s32 $0x2;
	v55 =	vadd.f32 v3, v25;
	v3 =	vor.u32 v58, v22;
	v63 =	vadd.f32 v4, v63;
	v4 =	vld.idx.msk [tilespmem:v20+s21+$0x0], $0xffff  }
0x255: {  	v39 =	vmovc v58;
	v40 =	vmovc v56;
	v58 =	vadd.f32 v15, v43;
	v15 =	vmov s23;
	v56 =	vadd.f32 v1, v36;
	v1 =	vld.idx.msk [tilespmem:v31+s21+$0x0], $0xffff  }
0x256: {  	s2 =	simm.s32 $0x3;
	v14 =	vmul.f32 v32, v44;
	v16 =	vand.u32 $0x3F, v15;
	v36 =	vmovc v26;
	v15 =	vmul.f32 v11, v44;
	v11 =	vld.idx.msk [tilespmem:v24+s21+$0x0], $0xffff  }
.LBB2_9:
0x257: {  	v19 =	vld.idx.msk [tilespmem:v2+s21+$0x0], $0xffff  }
0x258: {  	v2 =	vld [tilespmem:$0x1FF00];
	_ =	sdelay $0x2  }
0x259: {  	v16 =	vbroadcast v16, $0x0;
	_ =	sdelay $0x1  }
0x25a: {  	v20 =	vor.u32 v2, v16;
	v2 =	vld [tilespmem:$0x1FF10];
	_ =	sdelay $0x4  }
0x25b: {  	v21 =	vor.u32 v2, v16;
	v2 =	vld [tilespmem:$0x1FD90];
	_ =	sdelay $0x4  }
0x25c: {  	v22 =	vor.u32 v2, v16;
	v2 =	vld [tilespmem:$0x1FD80];
	_ =	sdelay $0x4  }
0x25d: {  	v24 =	vor.u32 v2, v16;
	v2 =	vld [tilespmem:$0x1FF20];
	_ =	sdelay $0x4  }
0x25e: {  	v25 =	vor.u32 v2, v16;
	v2 =	vld [tilespmem:$0x1FF30];
	_ =	sdelay $0x4  }
0x25f: {  	v26 =	vor.u32 v2, v16;
	v2 =	vld [tilespmem:$0x1FF40];
	_ =	sdelay $0x4  }
0x260: {  	v28 =	vor.u32 v2, v16;
	v2 =	vld [tilespmem:$0x1FF50];
	_ =	sdelay $0x4  }
0x261: {  	v29 =	vor.u32 v2, v16;
	v2 =	vld [tilespmem:$0x1FF60];
	_ =	sdelay $0x2  }
0x262: {  	v51 =	vadd.f32 v14, v51;
	v14 =	vld.idx.msk [tilespmem:v5+s21+$0x0], $0xffff  }
0x263: {  	v5 =	vld [tilespmem:$0x1FD60]  }
0x264: {  	v30 =	vor.u32 v2, v16;
	v2 =	vld [tilespmem:$0x1FF70];
	_ =	sdelay $0x1  }
0x265: {  	v43 =	vadd.f32 v0, v43;
	v0 =	vld [tilespmem:$0x1FEF0];
	_ =	sdelay $0x1  }
0x266: {  	v17 =	vor.u32 v5, v16;
	v5 =	vld [tilespmem:$0x1FD70]  }
0x267: {  	v32 =	vor.u32 v2, v16;
	v2 =	vld [tilespmem:$0x1FF80]  }
0x268: {  	v23 =	vld.idx.msk [tilespmem:v6+s21+$0x0], $0xffff  }
0x269: {  	v27 =	vld.idx.msk [tilespmem:v7+s21+$0x0], $0xffff;
	v0 =	vor.u32 v0, v16  }
0x26a: {  	v52 =	vadd.f32 v15, v52;
	v15 =	vld.idx.msk [tilespmem:v8+s21+$0x0], $0xffff  }
0x26b: {  	v31 =	vld.idx.msk [tilespmem:v3+s21+$0x0], $0xffff;
	v18 =	vor.u32 v5, v16  }
0x26c: {  	v33 =	vor.u32 v2, v16;
	v2 =	vld [tilespmem:$0x1FFA0]  }
0x26d: {  	v34 =	vld.idx.msk [tilespmem:v9+s21+$0x0], $0xffff;
	v6 =	vor.u32 v41, v16;
	v7 =	vor.u32 v40, v16;
	v12 =	vmul.f32 v12, v44  }
0x26e: {  	v3 =	vor.u32 v39, v16;
	v9 =	vor.u32 v36, v16;
	v13 =	vmul.f32 v13, v44;
	v35 =	vld.idx.msk [tilespmem:v0+s17+$0x0], $0xffff  }
0x26f: {  	v59 =	vadd.f32 v12, v59;
	v12 =	vmul.f32 v14, v44;
	v14 =	vmul.f32 v15, v44;
	v15 =	vld.idx.msk [tilespmem:v20+s21+$0x0], $0xffff  }
0x270: {  	v4 =	vmul.f32 v4, v44;
	v11 =	vmul.f32 v11, v44;
	v60 =	vadd.f32 v13, v60;
	v13 =	vld.idx.msk [tilespmem:v18+s21+$0x0], $0xffff  }
0x271: {  	v5 =	vor.u32 v37, v16;
	v8 =	vor.u32 v2, v16;
	v2 =	vor.u32 v38, v16;
	v16 =	vld.idx.msk [tilespmem:v22+s21+$0x0], $0xffff  }
0x272: {  	v22 =	vld.idx.msk [tilespmem:v0+s19+$0x0], $0xffff  }
0x273: {  	v57 =	vadd.f32 v4, v57;
	v4 =	vmul.f32 v27, v44;
	v58 =	vadd.f32 v11, v58;
	v18 =	vld.idx.msk [tilespmem:v21+s21+$0x0], $0xffff  }
0x274: {  	v50 =	vadd.f32 v12, v50;
	v12 =	vld.idx.msk [tilespmem:v26+s21+$0x0], $0xffff;
	v0 =	vmul.f32 v1, v44;
	v1 =	vmul.f32 v10, v44  }
0x275: {  	v49 =	vadd.f32 v14, v49;
	v46 =	vadd.f32 v4, v46;
	v14 =	vmul.f32 v15, v35;
	v10 =	vld.idx.msk [tilespmem:v17+s21+$0x0], $0xffff  }
0x276: {  	v4 =	vld.idx.msk [tilespmem:v32+s21+$0x0], $0xffff;
	v17 =	vmul.f32 v23, v44;
	v62 =	vadd.f32 v1, v62;
	v1 =	vmul.f32 v19, v44  }
0x277: {  	v15 =	vmov s2;
	v19 =	vmul.f32 v31, v44;
	v31 =	vld.idx.msk [tilespmem:v24+s21+$0x0], $0xffff;
	v11 =	vmul.f32 v22, v35  }
0x278: {  	p0 =	sne.s32 s2, $0x3F;
	v56 =	vadd.f32 v14, v56;
	v61 =	vadd.f32 v0, v61;
	v0 =	vmul.f32 v34, v44;
	v34 =	vld.idx.msk [tilespmem:v25+s21+$0x0], $0xffff  }
.Ltmp3:
0x279: {  	v48 =	vadd.f32 v17, v48;
	v44 =	vmovc v35;
	v53 =	vadd.f32 v11, v53;
	v11 =	vmul.f32 v13, v35;
	(pc) =	sbr.rel @p0 .LBB2_9-.Ltmp3, $4  }
0x27a: {  	v47 =	vadd.f32 v1, v47;
	v1 =	vld.idx.msk [tilespmem:v29+s21+$0x0], $0xffff;
	v16 =	vmul.f32 v16, v35;
	v10 =	vmul.f32 v10, v35  }
0x27b: {  	v45 =	vadd.f32 v19, v45;
	v13 =	vld.idx.msk [tilespmem:v28+s21+$0x0], $0xffff;
	v55 =	vadd.f32 v11, v55;
	v11 =	vmul.f32 v18, v35  }
0x27c: {  	v42 =	vadd.f32 v16, v42;
	v54 =	vadd.f32 v10, v54;
	v10 =	vld.idx.msk [tilespmem:v30+s21+$0x0], $0xffff;
	v14 =	vmul.f32 v31, v35  }
0x27d: {  	s2 =	sadd.s32 $0x1, s2;
	v16 =	vand.u32 $0x3F, v15;
	v15 =	vmul.f32 v34, v44;
	v63 =	vadd.f32 v11, v63;
	v11 =	vld.idx.msk [tilespmem:v33+s21+$0x0], $0xffff  }
0x27e: {  	_ =	sdelay $0x3  }
0x27f: {  	v5 =	vld.idx.msk [tilespmem:v5+s21+$0x0], $0xffff  }
0x280: {  	v8 =	vld.idx.msk [tilespmem:v8+s21+$0x0], $0xffff  }
0x281: {  	v17 =	vld [tilespmem:$0x1FEF0]  }
0x282: {  	v2 =	vld.idx.msk [tilespmem:v2+s21+$0x0], $0xffff  }
0x283: {  	v34 =	vld [tilespmem:$0x1FD90]  }
0x284: {  	v6 =	vld.idx.msk [tilespmem:v6+s21+$0x0], $0xffff  }
0x285: {  	v7 =	vld.idx.msk [tilespmem:v7+s21+$0x0], $0xffff  }
0x286: {  	v35 =	vld [tilespmem:$0x1FD60]  }
0x287: {  	v3 =	vld.idx.msk [tilespmem:v3+s21+$0x0], $0xffff  }
0x288: {  	v16 =	vbroadcast v16, $0x0;
	v32 =	vld [tilespmem:$0x1FD70]  }
0x289: {  	v33 =	vld [tilespmem:$0x1FF00]  }
0x28a: {  	v9 =	vld.idx.msk [tilespmem:v9+s21+$0x0], $0xffff;
	v17 =	vor.u32 v17, v16  }
0x28b: {  	v18 =	vor.u32 v34, v16;
	v34 =	vld [tilespmem:$0x1FF10]  }
0x28c: {  	v19 =	vor.u32 v35, v16;
	v35 =	vld [tilespmem:$0x1FD80]  }
0x28d: {  	v20 =	vor.u32 v32, v16;
	v32 =	vld [tilespmem:$0x1FF20]  }
0x28e: {  	v21 =	vor.u32 v33, v16;
	v33 =	vld [tilespmem:$0x1FF30]  }
0x28f: {  	v22 =	vld.idx.msk [tilespmem:v17+s17+$0x0], $0xffff  }
0x290: {  	v18 =	vld.idx.msk [tilespmem:v18+s21+$0x0], $0xffff  }
0x291: {  	v17 =	vld.idx.msk [tilespmem:v17+s19+$0x0], $0xffff  }
0x292: {  	v19 =	vld.idx.msk [tilespmem:v19+s21+$0x0], $0xffff  }
0x293: {  	v20 =	vld.idx.msk [tilespmem:v20+s21+$0x0], $0xffff  }
0x294: {  	v23 =	vor.u32 v34, v16;
	v34 =	vld [tilespmem:$0x1FF40]  }
0x295: {  	v24 =	vor.u32 v35, v16;
	v21 =	vld.idx.msk [tilespmem:v21+s21+$0x0], $0xffff  }
0x296: {  	v25 =	vor.u32 v32, v16;
	v35 =	vld [tilespmem:$0x1FF50]  }
0x297: {  	v32 =	vld [tilespmem:$0x1FF60]  }
0x298: {  	v26 =	vor.u32 v33, v16;
	v33 =	vld [tilespmem:$0x1FF70]  }
0x299: {  	v23 =	vld.idx.msk [tilespmem:v23+s21+$0x0], $0xffff  }
0x29a: {  	v24 =	vld.idx.msk [tilespmem:v24+s21+$0x0], $0xffff  }
0x29b: {  	v27 =	vor.u32 v34, v16;
	v25 =	vld.idx.msk [tilespmem:v25+s21+$0x0], $0xffff  }
0x29c: {  	v28 =	vor.u32 v35, v16;
	v34 =	vld [tilespmem:$0x1FF80]  }
0x29d: {  	v10 =	vmul.f32 v10, v44;
	v29 =	vor.u32 v32, v16;
	v26 =	vld.idx.msk [tilespmem:v26+s21+$0x0], $0xffff  }
0x29e: {  	v30 =	vor.u32 v33, v16;
	v35 =	vld [tilespmem:$0x1FFA0]  }
0x29f: {  	v10 =	vadd.f32 v10, v62;
	v32 =	vor.u32 v37, v16;
	v62 =	vmul.f32 v18, v22;
	v18 =	vld [tilespmem:$0x1FDA0]  }
0x2a0: {  	v37 =	vor.u32 v40, v16;
	v27 =	vld.idx.msk [tilespmem:v27+s21+$0x0], $0xffff  }
0x2a1: {  	v28 =	vld.idx.msk [tilespmem:v28+s21+$0x0], $0xffff  }
0x2a2: {  	v31 =	vor.u32 v34, v16;
	v29 =	vld.idx.msk [tilespmem:v29+s21+$0x0], $0xffff  }
0x2a3: {  	v33 =	vor.u32 v35, v16;
	v30 =	vld.idx.msk [tilespmem:v30+s21+$0x0], $0xffff  }
0x2a4: {  	v34 =	vor.u32 v38, v16;
	v32 =	vld.idx.msk [tilespmem:v32+s21+$0x0], $0xffff  }
0x2a5: {  	v14 =	vadd.f32 v14, v51;
	[tilespmem:$0x1FD00] =	vst v2;
	v35 =	vor.u32 v41, v16;
	v2 =	vld.idx.msk [tilespmem:v37+s21+$0x0], $0xffff  }
0x2a6: {  	v12 =	vmul.f32 v12, v44;
	v38 =	vor.u32 v39, v16;
	v16 =	vor.u32 v36, v16;
	v36 =	vld [tilespmem:$0x1FDC0]  }
0x2a7: {  	v0 =	vadd.f32 v0, v43;
	v4 =	vmul.f32 v4, v44;
	v1 =	vmul.f32 v1, v44;
	v31 =	vld.idx.msk [tilespmem:v31+s21+$0x0], $0xffff  }
0x2a8: {  	v15 =	vadd.f32 v15, v52;
	v13 =	vmul.f32 v13, v44;
	v17 =	vmul.f32 v17, v22;
	v33 =	vld.idx.msk [tilespmem:v33+s21+$0x0], $0xffff  }
0x2a9: {  	v12 =	vadd.f32 v12, v59;
	v4 =	vadd.f32 v4, v57;
	v19 =	vmul.f32 v19, v22;
	v34 =	vld.idx.msk [tilespmem:v34+s21+$0x0], $0xffff  }
0x2aa: {  	v1 =	vadd.f32 v1, v61;
	v20 =	vmul.f32 v20, v22;
	v17 =	vadd.f32 v17, v53;
	v35 =	vld.idx.msk [tilespmem:v35+s21+$0x0], $0xffff  }
0x2ab: {  	v13 =	vadd.f32 v13, v60;
	v21 =	vmul.f32 v21, v22;
	v19 =	vadd.f32 v19, v54;
	v39 =	vld.idx.msk [tilespmem:v38+s21+$0x0], $0xffff  }
0x2ac: {  	v20 =	vadd.f32 v20, v55;
	v16 =	vld.idx.msk [tilespmem:v16+s21+$0x0], $0xffff;
	[tilespmem:s6+$0x16630] =	vst v17;
	v17 =	vmul.f32 v23, v22  }
0x2ad: {  	v11 =	vmul.f32 v11, v44;
	v21 =	vadd.f32 v21, v56;
	v37 =	vld [tilespmem:$0x1FE90];
	[tilespmem:s6+$0x16830] =	vst v19;
	v19 =	vmul.f32 v24, v22  }
0x2ae: {  	v5 =	vmul.f32 v5, v44;
	[tilespmem:s6+$0x16A30] =	vst v20;
	v20 =	vmul.f32 v25, v22;
	v25 =	vld [tilespmem:$0x1FE10];
	v17 =	vadd.f32 v17, v63  }
0x2af: {  	[tilespmem:s6+$0x16C30] =	vst v21;
	v40 =	vmul.f32 v28, v22;
	v41 =	vmul.f32 v30, v22;
	v30 =	vld [tilespmem:$0x1FE50];
	v14 =	vadd.f32 v19, v14  }
0x2b0: {  	v8 =	vmul.f32 v8, v44;
	v6 =	vmul.f32 v6, v44;
	v23 =	vld [tilespmem:$0x1FDD0];
	v15 =	vadd.f32 v20, v15;
	[tilespmem:s6+$0x16E30] =	vst v17  }
0x2b1: {  	v5 =	vadd.f32 v5, v50;
	v50 =	vmul.f32 v32, v22;
	v32 =	vld [tilespmem:$0x1FE30];
	v1 =	vadd.f32 v40, v1;
	[tilespmem:s6+$0x17030] =	vst v14  }
0x2b2: {  	v7 =	vmul.f32 v7, v44;
	v21 =	vld [tilespmem:$0x1FEA0];
	v19 =	vmul.f32 v26, v22;
	v4 =	vadd.f32 v41, v4;
	[tilespmem:s6+$0x17230] =	vst v15  }
0x2b3: {  	v3 =	vmul.f32 v3, v44;
	v24 =	vld [tilespmem:$0x1FEB0];
	v20 =	vmul.f32 v27, v22;
	v63 =	vadd.f32 v62, v42;
	[tilespmem:s6+$0x17830] =	vst v1  }
0x2b4: {  	v9 =	vmul.f32 v9, v44;
	v11 =	vadd.f32 v11, v58;
	v28 =	vld [tilespmem:$0x1FEC0];
	v12 =	vadd.f32 v19, v12;
	[tilespmem:s6+$0x17C30] =	vst v4  }
0x2b5: {  	v8 =	vadd.f32 v8, v49;
	v17 =	vld [tilespmem:$0x1FD00];
	v13 =	vadd.f32 v20, v13;
	v15 =	vmul.f32 v29, v22;
	[tilespmem:s6+$0x18E30] =	vst v63  }
0x2b6: {  	v7 =	vadd.f32 v7, v46;
	v57 =	vmul.f32 v2, v22;
	v27 =	vld [tilespmem:$0x1FE20];
	v1 =	vadd.f32 v50, v5;
	[tilespmem:s6+$0x17430] =	vst v12  }
0x2b7: {  	v58 =	vadd.f32 v3, v45;
	v26 =	vld [tilespmem:$0x1FE00];
	v51 =	vmul.f32 v33, v22;
	v10 =	vadd.f32 v15, v10;
	[tilespmem:s6+$0x17630] =	vst v13  }
0x2b8: {  	v54 =	vadd.f32 v6, v48;
	v19 =	vld [tilespmem:$0x1FDF0];
	v56 =	vmul.f32 v35, v22;
	[tilespmem:s6+$0x18030] =	vst v1;
	v1 =	vadd.f32 v57, v7  }
0x2b9: {  	v0 =	vadd.f32 v9, v0;
	v29 =	vld [tilespmem:$0x1FE40];
	v60 =	vmul.f32 v39, v22;
	v55 =	vadd.f32 v51, v8;
	[tilespmem:s6+$0x17A30] =	vst v10  }
0x2ba: {  	s1 =	sadd.s32 $0x1, s1;
	v20 =	vld [tilespmem:$0x1FDB0];
	v61 =	vmul.f32 v16, v22;
	v59 =	vadd.f32 v56, v54;
	[tilespmem:s6+$0x18830] =	vst v1;
	v17 =	vmul.f32 v17, v44  }
0x2bb: {  	p0 =	sne.s32 s1, $0x8;
	v35 =	vld [tilespmem:$0x1FDE0];
	v2 =	vadd.f32 v60, v58;
	v44 =	vmul.f32 v31, v22;
	[tilespmem:s6+$0x18230] =	vst v55  }
.Ltmp4:
0x2bc: {  	v53 =	vmul.f32 v34, v22;
	v34 =	vld [tilespmem:$0x1FE70];
	v0 =	vadd.f32 v61, v0;
	[tilespmem:s6+$0x18630] =	vst v59;
	v52 =	vadd.f32 v17, v47;
	(pc) =	sbr.rel @p0 .LBB2_2-.Ltmp4, $4  }
0x2bd: {  	v33 =	vld [tilespmem:$0x1FED0];
	[tilespmem:s6+$0x18A30] =	vst v2;
	v11 =	vadd.f32 v44, v11  }
0x2be: {  	[tilespmem:s6+$0x18C30] =	vst v0;
	v31 =	vld [tilespmem:$0x1FE60];
	v4 =	vadd.f32 v53, v52  }
0x2bf: {  	v22 =	vld [tilespmem:$0x1FEE0];
	[tilespmem:s6+$0x17E30] =	vst v11  }
0x2c0: {  	v17 =	vld [tilespmem:$0x1FE80];
	[tilespmem:s6+$0x18430] =	vst v4  }
0x2c1: {  	s1 =	simm.s32 $0x0;
	s2 =	rddreg [dreg:$0x3];
	s6 =	simm.s32 $0x16600  }
0x2c2: {  	[hbm4b:s2+s1] =	stream.linear.scatter [tilespmem:s6], [sflag:$0x5], $0x200, $0x38;
	[tilespmem:$0x19000] =	vst v63  }
0x2c3: {  	_ =	swait.ge [sflag:s0], $0x200  }
0x2c4: {  	[sflag:s0] =	ssyncset.done $0x0  }
0x2c5: {  	s23 =	simm.s32 $0x16800;
	s22 =	rddreg [dreg:$0x4];
	[sflag:s0] =	ssyncadd.s32 $0xFFFFFE00  }
0x2c6: {  	[hbm4b:s22+s1] =	stream.linear.scatter [tilespmem:s23], [sflag:$0x5], $0x200, $0x38;
	[tilespmem:$0x19000] =	vst v63  }
0x2c7: {  	_ =	swait.ge [sflag:s0], $0x200  }
0x2c8: {  	[sflag:s0] =	ssyncset.done $0x0  }
0x2c9: {  	s20 =	simm.s32 $0x16A00;
	s18 =	rddreg [dreg:$0x5];
	[sflag:s0] =	ssyncadd.s32 $0xFFFFFE00  }
0x2ca: {  	[hbm4b:s18+s1] =	stream.linear.scatter [tilespmem:s20], [sflag:$0x5], $0x200, $0x38;
	[tilespmem:$0x19000] =	vst v63  }
0x2cb: {  	_ =	swait.ge [sflag:s0], $0x200  }
0x2cc: {  	[sflag:s0] =	ssyncset.done $0x0  }
0x2cd: {  	s23 =	simm.s32 $0x16C00;
	s22 =	rddreg [dreg:$0x6];
	[sflag:s0] =	ssyncadd.s32 $0xFFFFFE00  }
0x2ce: {  	[hbm4b:s22+s1] =	stream.linear.scatter [tilespmem:s23], [sflag:$0x5], $0x200, $0x38;
	[tilespmem:$0x19000] =	vst v63  }
0x2cf: {  	_ =	swait.ge [sflag:s0], $0x200  }
0x2d0: {  	[sflag:s0] =	ssyncset.done $0x0  }
0x2d1: {  	s20 =	simm.s32 $0x16E00;
	s18 =	rddreg [dreg:$0x7];
	[sflag:s0] =	ssyncadd.s32 $0xFFFFFE00  }
0x2d2: {  	[hbm4b:s18+s1] =	stream.linear.scatter [tilespmem:s20], [sflag:$0x5], $0x200, $0x38;
	[tilespmem:$0x19000] =	vst v63  }
0x2d3: {  	_ =	swait.ge [sflag:s0], $0x200  }
0x2d4: {  	[sflag:s0] =	ssyncset.done $0x0  }
0x2d5: {  	s23 =	simm.s32 $0x17000;
	s22 =	rddreg [dreg:$0x8];
	[sflag:s0] =	ssyncadd.s32 $0xFFFFFE00  }
0x2d6: {  	[hbm4b:s22+s1] =	stream.linear.scatter [tilespmem:s23], [sflag:$0x5], $0x200, $0x38;
	[tilespmem:$0x19000] =	vst v63  }
0x2d7: {  	_ =	swait.ge [sflag:s0], $0x200  }
0x2d8: {  	[sflag:s0] =	ssyncset.done $0x0  }
0x2d9: {  	s20 =	simm.s32 $0x17200;
	s18 =	rddreg [dreg:$0x9];
	[sflag:s0] =	ssyncadd.s32 $0xFFFFFE00  }
0x2da: {  	[hbm4b:s18+s1] =	stream.linear.scatter [tilespmem:s20], [sflag:$0x5], $0x200, $0x38;
	[tilespmem:$0x19000] =	vst v63  }
0x2db: {  	_ =	swait.ge [sflag:s0], $0x200  }
0x2dc: {  	[sflag:s0] =	ssyncset.done $0x0  }
0x2dd: {  	s23 =	simm.s32 $0x17400;
	s22 =	rddreg [dreg:$0xa];
	[sflag:s0] =	ssyncadd.s32 $0xFFFFFE00  }
0x2de: {  	[hbm4b:s22+s1] =	stream.linear.scatter [tilespmem:s23], [sflag:$0x5], $0x200, $0x38;
	[tilespmem:$0x19000] =	vst v63  }
0x2df: {  	_ =	swait.ge [sflag:s0], $0x200  }
0x2e0: {  	[sflag:s0] =	ssyncset.done $0x0  }
0x2e1: {  	s20 =	simm.s32 $0x17600;
	s18 =	rddreg [dreg:$0xb];
	[sflag:s0] =	ssyncadd.s32 $0xFFFFFE00  }
0x2e2: {  	[hbm4b:s18+s1] =	stream.linear.scatter [tilespmem:s20], [sflag:$0x5], $0x200, $0x38;
	[tilespmem:$0x19000] =	vst v63  }
0x2e3: {  	_ =	swait.ge [sflag:s0], $0x200  }
0x2e4: {  	[sflag:s0] =	ssyncset.done $0x0  }
0x2e5: {  	s23 =	simm.s32 $0x17800;
	s22 =	rddreg [dreg:$0xc];
	[sflag:s0] =	ssyncadd.s32 $0xFFFFFE00  }
0x2e6: {  	[hbm4b:s22+s1] =	stream.linear.scatter [tilespmem:s23], [sflag:$0x5], $0x200, $0x38;
	[tilespmem:$0x19000] =	vst v63  }
0x2e7: {  	_ =	swait.ge [sflag:s0], $0x200  }
0x2e8: {  	[sflag:s0] =	ssyncset.done $0x0  }
0x2e9: {  	s20 =	simm.s32 $0x17A00;
	s18 =	rddreg [dreg:$0xd];
	[sflag:s0] =	ssyncadd.s32 $0xFFFFFE00  }
0x2ea: {  	[hbm4b:s18+s1] =	stream.linear.scatter [tilespmem:s20], [sflag:$0x5], $0x200, $0x38;
	[tilespmem:$0x19000] =	vst v63  }
0x2eb: {  	_ =	swait.ge [sflag:s0], $0x200  }
0x2ec: {  	[sflag:s0] =	ssyncset.done $0x0  }
0x2ed: {  	s23 =	simm.s32 $0x17C00;
	s22 =	rddreg [dreg:$0xe];
	[sflag:s0] =	ssyncadd.s32 $0xFFFFFE00  }
0x2ee: {  	[hbm4b:s22+s1] =	stream.linear.scatter [tilespmem:s23], [sflag:$0x5], $0x200, $0x38;
	[tilespmem:$0x19000] =	vst v63  }
0x2ef: {  	_ =	swait.ge [sflag:s0], $0x200  }
0x2f0: {  	[sflag:s0] =	ssyncset.done $0x0  }
0x2f1: {  	s20 =	simm.s32 $0x17E00;
	s18 =	rddreg [dreg:$0xf];
	[sflag:s0] =	ssyncadd.s32 $0xFFFFFE00  }
0x2f2: {  	[hbm4b:s18+s1] =	stream.linear.scatter [tilespmem:s20], [sflag:$0x5], $0x200, $0x38;
	[tilespmem:$0x19000] =	vst v63  }
0x2f3: {  	_ =	swait.ge [sflag:s0], $0x200  }
0x2f4: {  	[sflag:s0] =	ssyncset.done $0x0  }
0x2f5: {  	s23 =	simm.s32 $0x18000;
	s22 =	rddreg [dreg:$0x10];
	[sflag:s0] =	ssyncadd.s32 $0xFFFFFE00  }
0x2f6: {  	[hbm4b:s22+s1] =	stream.linear.scatter [tilespmem:s23], [sflag:$0x5], $0x200, $0x38;
	[tilespmem:$0x19000] =	vst v63  }
0x2f7: {  	_ =	swait.ge [sflag:s0], $0x200  }
0x2f8: {  	[sflag:s0] =	ssyncset.done $0x0  }
0x2f9: {  	s20 =	simm.s32 $0x18200;
	s18 =	rddreg [dreg:$0x11];
	[sflag:s0] =	ssyncadd.s32 $0xFFFFFE00  }
0x2fa: {  	[hbm4b:s18+s1] =	stream.linear.scatter [tilespmem:s20], [sflag:$0x5], $0x200, $0x38;
	[tilespmem:$0x19000] =	vst v63  }
0x2fb: {  	_ =	swait.ge [sflag:s0], $0x200  }
0x2fc: {  	[sflag:s0] =	ssyncset.done $0x0  }
0x2fd: {  	s23 =	simm.s32 $0x18400;
	s22 =	rddreg [dreg:$0x12];
	[sflag:s0] =	ssyncadd.s32 $0xFFFFFE00  }
0x2fe: {  	[hbm4b:s22+s1] =	stream.linear.scatter [tilespmem:s23], [sflag:$0x5], $0x200, $0x38;
	[tilespmem:$0x19000] =	vst v63  }
0x2ff: {  	_ =	swait.ge [sflag:s0], $0x200  }
0x300: {  	[sflag:s0] =	ssyncset.done $0x0  }
0x301: {  	s20 =	simm.s32 $0x18600;
	s18 =	rddreg [dreg:$0x13];
	[sflag:s0] =	ssyncadd.s32 $0xFFFFFE00  }
0x302: {  	[hbm4b:s18+s1] =	stream.linear.scatter [tilespmem:s20], [sflag:$0x5], $0x200, $0x38;
	[tilespmem:$0x19000] =	vst v63  }
0x303: {  	_ =	swait.ge [sflag:s0], $0x200  }
0x304: {  	[sflag:s0] =	ssyncset.done $0x0  }
0x305: {  	s23 =	simm.s32 $0x18800;
	s22 =	rddreg [dreg:$0x14];
	[sflag:s0] =	ssyncadd.s32 $0xFFFFFE00  }
0x306: {  	[hbm4b:s22+s1] =	stream.linear.scatter [tilespmem:s23], [sflag:$0x5], $0x200, $0x38;
	[tilespmem:$0x19000] =	vst v63  }
0x307: {  	_ =	swait.ge [sflag:s0], $0x200  }
0x308: {  	[sflag:s0] =	ssyncset.done $0x0  }
0x309: {  	s20 =	simm.s32 $0x18A00;
	s18 =	rddreg [dreg:$0x15];
	[sflag:s0] =	ssyncadd.s32 $0xFFFFFE00  }
0x30a: {  	[hbm4b:s18+s1] =	stream.linear.scatter [tilespmem:s20], [sflag:$0x5], $0x200, $0x38;
	[tilespmem:$0x19000] =	vst v63  }
0x30b: {  	_ =	swait.ge [sflag:s0], $0x200  }
0x30c: {  	[sflag:s0] =	ssyncset.done $0x0  }
0x30d: {  	s23 =	simm.s32 $0x18C00;
	s22 =	rddreg [dreg:$0x16];
	[sflag:s0] =	ssyncadd.s32 $0xFFFFFE00  }
0x30e: {  	[hbm4b:s22+s1] =	stream.linear.scatter [tilespmem:s23], [sflag:$0x5], $0x200, $0x38;
	[tilespmem:$0x19000] =	vst v63  }
0x30f: {  	_ =	swait.ge [sflag:s0], $0x200  }
0x310: {  	[sflag:s0] =	ssyncset.done $0x0  }
0x311: {  	s20 =	simm.s32 $0x18E00;
	s18 =	rddreg [dreg:$0x17];
	[sflag:s0] =	ssyncadd.s32 $0xFFFFFE00  }
0x312: {  	[hbm4b:s18+s1] =	stream.linear.scatter [tilespmem:s20], [sflag:$0x5], $0x200, $0x38;
	[tilespmem:$0x19000] =	vst v63  }
0x313: {  	_ =	swait.ge [sflag:s0], $0x200  }
0x314: {  	s22 =	rddreg [dreg:$0x1a]  }
0x315: {  	s23 =	rddreg [dreg:$0x18];
	s6 =	sadd.s32 $0x1, s22  }
0x316: {  	p0 =	sne.s32 s6, s23  }
.Ltmp5:
0x317: {  	_ = 	snop;
	(pc) =	sbr.rel @p0 .LBB2_1-.Ltmp5, $3  }
0x318: {  	_ =	sdelay $0x1  }
0x319: {  	[sflag:s0] =	ssyncset.done $0x0  }
0x31a: {  	[sflag:s0] =	ssyncadd.s32 $0xFFFFFE00  }
0x31b: {  	_ =	sfence.sel $0x180000  }
0x31c: {  	[bflag:$0x0] =	sbarrier.arrive $0xFFFF  }
0x31d: {  	_ =	strace $0x90000047  }
0x31e: {  	s0 =	stileid.u32;
	[bflag:$0x2] =	sbarrier.arrive $0xFFFF  }
0x31f: {  	p0 =	sne.s32 s0, $0x0;
	s0 =	rddreg [dreg:$0x1]  }
0x320: {  	s0 =	sadd.s32 @!p0 $0x100000, s0  }
0x321: {  	[sflag:s0] =	ssyncadd.tile.s32 @!p0 $0x1;
	_ =	shalt  }
.Lfunc_end2:
_tile_overlayer_lowered:
.L_overlay_start_2:
0x322: {  	(tag) =	ssettag $0x2  }
0x323: {  	s0 =	rddreg [dreg:$0x0];
	s2 =	stileid.u32  }
0x324: {  	s1 =	rddreg [dreg:$0x1];
	p0 =	sne.s32 s2, $0x0  }
0x325: {  	s3 =	rddreg [dreg:$0x2];
	[bflag:$0x3] =	sbarrier.arrive $0xFFFF;
	s2 =	simm.s32 @!p0 $0x1C05  }
0x326: {  	[timem:s3], [sflag:s2] =	dma.local @!p0 [hbm:s0], s1  }
0x327: {  	s0 =	simm.s32 @!p0 $0x5  }
0x328: {  	_ =	swait.ge @!p0 [sflag:s0], s1  }
0x329: {  	s1 =	ssub.s32 @!p0 $0x0, s1;
	[sflag:s0] =	ssyncset.done @!p0 $0x0  }
0x32a: {  	[sflag:s0] =	ssyncadd.s32 @!p0 s1  }
0x32b: {  	[bflag:$0x3] =	sbarrier.arrive $0xFFFF  }
0x32c: {  	_ =	shalt  }

</sc_bundles>
